<compile_context>
chip_gen: v7x
topology: tpu7x:2x2x1
jax: 0.10.2.dev20260603
libtpu: 0.0.44.dev20260713+nightly
codegen_flags: <defaults>
</compile_context>

<pallas_src>
import functools
import math

import jax
import jax.numpy as jnp
from jax import lax
from jax.experimental import pallas as pl
from jax.experimental.pallas import tpu as pltpu
from jax.experimental.pallas import tpu_sc as plsc

N = 10000
F = 128
H = 64
HH = H // 2
C = 2
E = 320000

NT = 16
CHUNK = 128
NBUF = 8
NCH = 160
EPT = NCH * CHUNK
EPAD = EPT * NT
NPAD = 10240
TROWS = NPAD // NT
INV_BN = float(1.0 / math.sqrt(1.0 + 1e-5))

RB = 5000



def _sc_agg(h0, h1, src, dst, zeros_tab):
    mesh = plsc.VectorSubcoreMesh(core_axis_name="c", subcore_axis_name="s")

    @functools.partial(
        pl.kernel,
        mesh=mesh,
        out_type=jax.ShapeDtypeStruct((2, NPAD, HH), jnp.float32),
        scratch_types=[
            pltpu.VMEM((NCH, CHUNK), jnp.int32),
            pltpu.VMEM((NCH, CHUNK), jnp.int32),
            [pltpu.VMEM((CHUNK, HH), jnp.float32) for _ in range(NBUF)],
            pltpu.VMEM_SHARED((NPAD, HH), jnp.float32),
            [pltpu.SemaphoreType.DMA for _ in range(NBUF)],
        ],
        compiler_params=pltpu.CompilerParams(use_tc_tiling_on_sc=False),
    )
    def agg_kernel(h0_hbm, h1_hbm, src_hbm, dst_hbm, z_hbm, out_hbm,
                   src_v, dst_v, bufs, table_s, sems):
        cid = lax.axis_index("c")
        sid = lax.axis_index("s")
        r0 = sid * TROWS
        cp_s = pltpu.async_copy(src_hbm.at[sid], src_v, sems[0])
        cp_d = pltpu.async_copy(dst_hbm.at[sid], dst_v, sems[1])
        pltpu.sync_copy(z_hbm.at[pl.ds(r0, TROWS)], table_s.at[pl.ds(r0, TROWS)])
        cp_s.wait()
        cp_d.wait()
        plsc.subcore_barrier()

        def start_g(j, b):
            @pl.when(cid == 0)
            def _():
                pltpu.async_copy(h0_hbm.at[src_v.at[j]], bufs[b], sems[b])

            @pl.when(cid == 1)
            def _():
                pltpu.async_copy(h1_hbm.at[src_v.at[j]], bufs[b], sems[b])

        def wait_g(b):
            pltpu.make_async_copy(h0_hbm.at[pl.ds(0, CHUNK)],
                                  bufs[b], sems[b]).wait()

        def scat(j, b):
            pltpu.sync_copy(bufs[b], table_s.at[dst_v.at[j]], add=True)

        for b in range(NBUF):
            start_g(b, b)

        def body(g, carry):
            j0 = g * NBUF
            for b in range(NBUF):
                wait_g(b)
                scat(j0 + b, b)
                start_g(j0 + b + NBUF, b)
            return carry

        lax.fori_loop(0, NCH // NBUF - 1, body, 0)
        j0 = NCH - NBUF
        for b in range(NBUF):
            wait_g(b)
            scat(j0 + b, b)

        plsc.subcore_barrier()
        pltpu.sync_copy(table_s.at[pl.ds(r0, TROWS)],
                        out_hbm.at[cid, pl.ds(r0, TROWS)])

    return agg_kernel(h0, h1, src, dst, zeros_tab)



def _embed(x, W_in, b_in):
    def body(x_ref, w_ref, b_ref, o0_ref, o1_ref):
        v = jnp.dot(x_ref[...], w_ref[...],
                    preferred_element_type=jnp.float32) + b_ref[...]
        v = jnp.maximum(v * INV_BN, 0.0)
        o0_ref[...] = v[:, :HH]
        o1_ref[...] = v[:, HH:]

    return pl.pallas_call(
        body,
        grid=(N // RB,),
        in_specs=[
            pl.BlockSpec((RB, F), lambda i: (i, 0)),
            pl.BlockSpec((F, H), lambda i: (0, 0)),
            pl.BlockSpec((1, H), lambda i: (0, 0)),
        ],
        out_specs=[pl.BlockSpec((RB, HH), lambda i: (i, 0)),
                   pl.BlockSpec((RB, HH), lambda i: (i, 0))],
        out_shape=[jax.ShapeDtypeStruct((N, HH), jnp.float32),
                   jax.ShapeDtypeStruct((N, HH), jnp.float32)],
    )(x, W_in, b_in.reshape(1, H))


def _gin_mlp(h0, h1, p, eps, Wa, ba, Wb, bb):
    def body(h0_ref, h1_ref, p_ref, e_ref, wa_ref, ba_ref, wb_ref, bb_ref,
             o0_ref, o1_ref):
        hb0 = h0_ref[...]
        hb1 = h1_ref[...]
        a = p_ref[...]
        scale = 1.0 + e_ref[0, 0]
        t = jnp.concatenate([hb0 * scale + a[0], hb1 * scale + a[1]],
                            axis=1)
        u = jnp.dot(t, wa_ref[...],
                    preferred_element_type=jnp.float32) + ba_ref[...]
        u = jnp.maximum(u * INV_BN, 0.0)
        v = jnp.dot(u, wb_ref[...],
                    preferred_element_type=jnp.float32) + bb_ref[...]
        v = v * INV_BN
        o0_ref[...] = v[:, :HH] + hb0
        o1_ref[...] = v[:, HH:] + hb1

    return pl.pallas_call(
        body,
        grid=(N // RB,),
        in_specs=[
            pl.BlockSpec((RB, HH), lambda i: (i, 0)),
            pl.BlockSpec((RB, HH), lambda i: (i, 0)),
            pl.BlockSpec((2, RB, HH), lambda i: (0, i, 0)),
            pl.BlockSpec((1, 1), lambda i: (0, 0)),
            pl.BlockSpec((H, H), lambda i: (0, 0)),
            pl.BlockSpec((1, H), lambda i: (0, 0)),
            pl.BlockSpec((H, H), lambda i: (0, 0)),
            pl.BlockSpec((1, H), lambda i: (0, 0)),
        ],
        out_specs=[pl.BlockSpec((RB, HH), lambda i: (i, 0)),
                   pl.BlockSpec((RB, HH), lambda i: (i, 0))],
        out_shape=[jax.ShapeDtypeStruct((N, HH), jnp.float32),
                   jax.ShapeDtypeStruct((N, HH), jnp.float32)],
    )(h0, h1, p, eps.reshape(1, 1), Wa, ba.reshape(1, H), Wb,
      bb.reshape(1, H))


def _gin_final(h0, h1, p, eps, Wa, ba, Wb, bb, Wc1, bc1, Wc2, bc2):
    G = N // RB

    def body(h0_ref, h1_ref, p_ref, e_ref, wa_ref, ba_ref, wb_ref, bb_ref,
             wc1_ref, bc1_ref, wc2_ref, bc2_ref, o_ref, acc_ref):
        i = pl.program_id(0)
        hb0 = h0_ref[...]
        hb1 = h1_ref[...]
        a = p_ref[...]
        scale = 1.0 + e_ref[0, 0]
        t = jnp.concatenate([hb0 * scale + a[0], hb1 * scale + a[1]],
                            axis=1)
        u = jnp.dot(t, wa_ref[...],
                    preferred_element_type=jnp.float32) + ba_ref[...]
        u = jnp.maximum(u * INV_BN, 0.0)
        v = jnp.dot(u, wb_ref[...],
                    preferred_element_type=jnp.float32) + bb_ref[...]
        v = v * INV_BN + jnp.concatenate([hb0, hb1], axis=1)
        s = jnp.sum(v, axis=0, keepdims=True)

        @pl.when(i == 0)
        def _():
            acc_ref[...] = s

        @pl.when(i > 0)
        def _():
            acc_ref[...] = acc_ref[...] + s

        @pl.when(i == G - 1)
        def _():
            pooled = acc_ref[...] * (1.0 / N)
            c1 = jnp.dot(pooled, wc1_ref[...],
                         preferred_element_type=jnp.float32) + bc1_ref[...]
            c1 = jnp.maximum(c1 * INV_BN, 0.0)
            o_ref[...] = jnp.dot(c1, wc2_ref[...],
                                 preferred_element_type=jnp.float32) + bc2_ref[...]

    return pl.pallas_call(
        body,
        grid=(G,),
        in_specs=[
            pl.BlockSpec((RB, HH), lambda i: (i, 0)),
            pl.BlockSpec((RB, HH), lambda i: (i, 0)),
            pl.BlockSpec((2, RB, HH), lambda i: (0, i, 0)),
            pl.BlockSpec((1, 1), lambda i: (0, 0)),
            pl.BlockSpec((H, H), lambda i: (0, 0)),
            pl.BlockSpec((1, H), lambda i: (0, 0)),
            pl.BlockSpec((H, H), lambda i: (0, 0)),
            pl.BlockSpec((1, H), lambda i: (0, 0)),
            pl.BlockSpec((H, HH), lambda i: (0, 0)),
            pl.BlockSpec((1, HH), lambda i: (0, 0)),
            pl.BlockSpec((HH, C), lambda i: (0, 0)),
            pl.BlockSpec((1, C), lambda i: (0, 0)),
        ],
        out_specs=pl.BlockSpec((1, C), lambda i: (0, 0)),
        out_shape=jax.ShapeDtypeStruct((1, C), jnp.float32),
        scratch_shapes=[pltpu.VMEM((1, H), jnp.float32)],
    )(h0, h1, p, eps.reshape(1, 1), Wa, ba.reshape(1, H), Wb,
      bb.reshape(1, H), Wc1, bc1.reshape(1, HH), Wc2, bc2.reshape(1, C))


def kernel(x, edge_index, W_in, b_in,
           eps1, W1a, b1a, W1b, b1b,
           eps2, W2a, b2a, W2b, b2b,
           eps3, W3a, b3a, W3b, b3b,
           Wc1, bc1, Wc2, bc2):
    ei = edge_index.astype(jnp.int32)
    pad = EPAD - E
    src = jnp.concatenate([ei[0], jnp.zeros((pad,), jnp.int32)])
    dst_pad = N + jnp.arange(pad, dtype=jnp.int32) % (NPAD - N)
    dst = jnp.concatenate([ei[1], dst_pad])
    src = src.reshape(NT, NCH, CHUNK)
    dst = dst.reshape(NT, NCH, CHUNK)
    zeros_tab = jnp.zeros((NPAD, HH), jnp.float32)

    h0, h1 = _embed(x, W_in, b_in)
    p = _sc_agg(h0, h1, src, dst, zeros_tab)
    h0, h1 = _gin_mlp(h0, h1, p, eps1, W1a, b1a, W1b, b1b)
    p = _sc_agg(h0, h1, src, dst, zeros_tab)
    h0, h1 = _gin_mlp(h0, h1, p, eps2, W2a, b2a, W2b, b2b)
    p = _sc_agg(h0, h1, src, dst, zeros_tab)
    return _gin_final(h0, h1, p, eps3, W3a, b3a, W3b, b3b, Wc1, bc1, Wc2, bc2)

# --- scband reference (transcript-rebuilt; emitter-appended) ---
"""Pipeline reference for scband-improved-gnnmodel-6648609374954 (READ-ONLY COPY).

The authoritative reference and input builder live on the scoring server;
editing this copy changes nothing except your own understanding.
"""

import jax, jax.numpy as jnp
import numpy as np

N = 10000
E = 320000
F = 128
H = 64
C = 2

def setup_inputs(seed: int = 0) -> dict:
    key = jax.random.key(seed)
    ks = jax.random.split(key, 32)
    s = 0.05
    d = {}
    d["x"] = jax.random.normal(ks[0], (N, F), dtype=jnp.float32)
    d["edge_index"] = jax.random.randint(ks[1], (2, E), 0, N)
    d["W_in"] = jax.random.normal(ks[2], (F, H), dtype=jnp.float32) * s
    d["b_in"] = jnp.zeros((H,), dtype=jnp.float32)
    ki = 3
    for i in range(1, 4):
        d[f"eps{i}"] = jnp.array(0.0, dtype=jnp.float32)
        d[f"W{i}a"] = jax.random.normal(ks[ki], (H, H), dtype=jnp.float32) * s; ki += 1
        d[f"b{i}a"] = jnp.zeros((H,), dtype=jnp.float32)
        d[f"W{i}b"] = jax.random.normal(ks[ki], (H, H), dtype=jnp.float32) * s; ki += 1
        d[f"b{i}b"] = jnp.zeros((H,), dtype=jnp.float32)
    d["Wc1"] = jax.random.normal(ks[ki], (H, H // 2), dtype=jnp.float32) * s; ki += 1
    d["bc1"] = jnp.zeros((H // 2,), dtype=jnp.float32)
    d["Wc2"] = jax.random.normal(ks[ki], (H // 2, C), dtype=jnp.float32) * s; ki += 1
    d["bc2"] = jnp.zeros((C,), dtype=jnp.float32)
    return d

def _bn(h):
    # torch_geometric BatchNorm in eval mode with default running stats (mean=0, var=1)
    return h / jnp.sqrt(1.0 + 1e-5)

def _gin_layer(x, edge_index, eps, Wa, ba, Wb, bb):
    src = edge_index[0]
    dst = edge_index[1]
    # sum aggregation of neighbor messages (GINConv default aggr='add')
    agg = jax.ops.segment_sum(jnp.take(x, src, axis=0), dst, num_segments=N)
    h = (1.0 + eps) * x + agg
    h = _bn(h @ Wa + ba)
    h = jax.nn.relu(h)
    h = _bn(h @ Wb + bb)
    # dropout inactive (p=0 / eval); residual since in_channels == out_channels
    return h + x

def reference(x, edge_index, W_in, b_in,
              eps1, W1a, b1a, W1b, b1b,
              eps2, W2a, b2a, W2b, b2b,
              eps3, W3a, b3a, W3b, b3b,
              Wc1, bc1, Wc2, bc2):
    # input_embedding: Linear -> BN -> ReLU -> Dropout(inactive)
    h = jax.nn.relu(_bn(x @ W_in + b_in))
    h = _gin_layer(h, edge_index, eps1, W1a, b1a, W1b, b1b)
    h = _gin_layer(h, edge_index, eps2, W2a, b2a, W2b, b2b)
    h = _gin_layer(h, edge_index, eps3, W3a, b3a, W3b, b3b)
    # batch is None, use_attention_pooling False -> mean over nodes, keepdim
    pooled = jnp.mean(h, axis=0, keepdims=True)
    # classifier: Linear -> BN -> ReLU -> Dropout(inactive) -> Linear
    c = jax.nn.relu(_bn(pooled @ Wc1 + bc1))
    out = c @ Wc2 + bc2
    return out

if __name__ == "__main__":
    import jax
    _d = setup_inputs()
    print(jax.jit(kernel)(*tuple(_d.values())))

</pallas_src>

<mosaic_0001>
#map = affine_map<(d0, d1) -> (0, 0)>
#map1 = affine_map<(d0, d1) -> (0, 0, 0)>
module attributes {stable_mosaic.version = 14 : i64} {
  func.func @agg_kernel(%arg0: i32, %arg1: i32, %arg2: memref<10000x32xf32, #tpu.memory_space<hbm>>, %arg3: memref<10000x32xf32, #tpu.memory_space<hbm>>, %arg4: memref<16x160x128xi32, #tpu.memory_space<hbm>>, %arg5: memref<16x160x128xi32, #tpu.memory_space<hbm>>, %arg6: memref<10240x32xf32, #tpu.memory_space<hbm>>, %arg7: memref<2x10240x32xf32, #tpu.memory_space<hbm>>, %arg8: memref<160x128xi32, #tpu.memory_space<vmem>>, %arg9: memref<160x128xi32, #tpu.memory_space<vmem>>, %arg10: memref<128x32xf32, #tpu.memory_space<vmem>>, %arg11: memref<128x32xf32, #tpu.memory_space<vmem>>, %arg12: memref<128x32xf32, #tpu.memory_space<vmem>>, %arg13: memref<128x32xf32, #tpu.memory_space<vmem>>, %arg14: memref<128x32xf32, #tpu.memory_space<vmem>>, %arg15: memref<128x32xf32, #tpu.memory_space<vmem>>, %arg16: memref<128x32xf32, #tpu.memory_space<vmem>>, %arg17: memref<128x32xf32, #tpu.memory_space<vmem>>, %arg18: memref<10240x32xf32, #tpu.memory_space<vmem_shared>>, %arg19: memref<!tpu.dma_semaphore, #tpu.memory_space<semaphore_mem>>, %arg20: memref<!tpu.dma_semaphore, #tpu.memory_space<semaphore_mem>>, %arg21: memref<!tpu.dma_semaphore, #tpu.memory_space<semaphore_mem>>, %arg22: memref<!tpu.dma_semaphore, #tpu.memory_space<semaphore_mem>>, %arg23: memref<!tpu.dma_semaphore, #tpu.memory_space<semaphore_mem>>, %arg24: memref<!tpu.dma_semaphore, #tpu.memory_space<semaphore_mem>>, %arg25: memref<!tpu.dma_semaphore, #tpu.memory_space<semaphore_mem>>, %arg26: memref<!tpu.dma_semaphore, #tpu.memory_space<semaphore_mem>>) attributes {dimension_semantics = [#tpu.dimension_semantics<core_parallel>, #tpu.dimension_semantics<subcore_parallel>], iteration_bounds = array<i64: 2, 16>, scalar_prefetch = 0 : i64, scratch_operands = 19 : i64, tpu.core_type = #tpu.core_type<sc_vector_subcore>, window_params = [{transform_indices = #map}, {transform_indices = #map}, {transform_indices = #map1}, {transform_indices = #map1}, {transform_indices = #map}, {transform_indices = #map1}]} {
    %mul3A = arith.constant 640 : i32
    %mul3A_0 = arith.muli %arg1, %mul3A : i32
    %dma_start3A = arith.constant 0 : i32
    %dma_start3A_1 = arith.constant 0 : i32
    %dma_start3A_2 = tpu.memref_slice %arg4[%arg1, %dma_start3A, %dma_start3A_1] : memref<16x160x128xi32, #tpu.memory_space<hbm>> -> memref<1x160x128xi32, #tpu.memory_space<hbm>>
    %dma_start3A_3 = tpu.memref_squeeze %dma_start3A_2 : memref<1x160x128xi32, #tpu.memory_space<hbm>> -> memref<160x128xi32, #tpu.memory_space<hbm>>
    %dma_start3A_4 = arith.constant 0 : i32
    %dma_start3A_5 = arith.constant 0 : i32
    %dma_start3A_6 = tpu.memref_slice %arg4[%arg1, %dma_start3A_4, %dma_start3A_5] : memref<16x160x128xi32, #tpu.memory_space<hbm>> -> memref<1x160x128xi32, #tpu.memory_space<hbm>>
    %dma_start3A_7 = tpu.memref_squeeze %dma_start3A_6 : memref<1x160x128xi32, #tpu.memory_space<hbm>> -> memref<160x128xi32, #tpu.memory_space<hbm>>
    tpu.enqueue_dma source(%dma_start3A_7 : memref<160x128xi32, #tpu.memory_space<hbm>>) target(%arg8 : memref<160x128xi32, #tpu.memory_space<vmem>>) target_semaphore(%arg19 : memref<!tpu.dma_semaphore, #tpu.memory_space<semaphore_mem>>)
    %dma_start3A_8 = arith.constant 0 : i32
    %dma_start3A_9 = arith.constant 0 : i32
    %dma_start3A_10 = tpu.memref_slice %arg5[%arg1, %dma_start3A_8, %dma_start3A_9] : memref<16x160x128xi32, #tpu.memory_space<hbm>> -> memref<1x160x128xi32, #tpu.memory_space<hbm>>
    %dma_start3A_11 = tpu.memref_squeeze %dma_start3A_10 : memref<1x160x128xi32, #tpu.memory_space<hbm>> -> memref<160x128xi32, #tpu.memory_space<hbm>>
    %dma_start3A_12 = arith.constant 0 : i32
    %dma_start3A_13 = arith.constant 0 : i32
    %dma_start3A_14 = tpu.memref_slice %arg5[%arg1, %dma_start3A_12, %dma_start3A_13] : memref<16x160x128xi32, #tpu.memory_space<hbm>> -> memref<1x160x128xi32, #tpu.memory_space<hbm>>
    %dma_start3A_15 = tpu.memref_squeeze %dma_start3A_14 : memref<1x160x128xi32, #tpu.memory_space<hbm>> -> memref<160x128xi32, #tpu.memory_space<hbm>>
    tpu.enqueue_dma source(%dma_start3A_15 : memref<160x128xi32, #tpu.memory_space<hbm>>) target(%arg9 : memref<160x128xi32, #tpu.memory_space<vmem>>) target_semaphore(%arg20 : memref<!tpu.dma_semaphore, #tpu.memory_space<semaphore_mem>>)
    "tpu.region"() ({
      %run_scoped3A_169 = tpu.sem_alloc : memref<!tpu.dma_semaphore, #tpu.memory_space<semaphore_mem>>
      %dma_start3A_170 = arith.constant 0 : i32
      %dma_start3A_171 = tpu.memref_slice %arg18[%mul3A_0, %dma_start3A_170] : memref<10240x32xf32, #tpu.memory_space<vmem_shared>> -> memref<640x32xf32, #tpu.memory_space<vmem_shared>>
      %dma_start3A_172 = arith.constant 0 : i32
      %dma_start3A_173 = tpu.memref_slice %arg6[%mul3A_0, %dma_start3A_172] : memref<10240x32xf32, #tpu.memory_space<hbm>> -> memref<640x32xf32, #tpu.memory_space<hbm>>
      tpu.enqueue_dma source(%dma_start3A_173 : memref<640x32xf32, #tpu.memory_space<hbm>>) target(%dma_start3A_171 : memref<640x32xf32, #tpu.memory_space<vmem_shared>>) target_semaphore(%run_scoped3A_169 : memref<!tpu.dma_semaphore, #tpu.memory_space<semaphore_mem>>)
      %dma_wait3A_174 = arith.constant 0 : i32
      %dma_wait3A_175 = tpu.memref_slice %arg18[%mul3A_0, %dma_wait3A_174] : memref<10240x32xf32, #tpu.memory_space<vmem_shared>> -> memref<640x32xf32, #tpu.memory_space<vmem_shared>>
      %dma_wait3A_176 = arith.constant 0 : i32
      %dma_wait3A_177 = tpu.memref_slice %arg6[%mul3A_0, %dma_wait3A_176] : memref<10240x32xf32, #tpu.memory_space<hbm>> -> memref<640x32xf32, #tpu.memory_space<hbm>>
      tpu.wait_dma2 semaphore(%run_scoped3A_169 : memref<!tpu.dma_semaphore, #tpu.memory_space<semaphore_mem>>) src(%dma_wait3A_177 : memref<640x32xf32, #tpu.memory_space<hbm>>) dst(%dma_wait3A_175 : memref<640x32xf32, #tpu.memory_space<vmem_shared>>)
      tpu.yield
    }) : () -> ()
    %dma_wait3A = arith.constant 0 : i32
    %dma_wait3A_16 = arith.constant 0 : i32
    %dma_wait3A_17 = tpu.memref_slice %arg4[%arg1, %dma_wait3A, %dma_wait3A_16] : memref<16x160x128xi32, #tpu.memory_space<hbm>> -> memref<1x160x128xi32, #tpu.memory_space<hbm>>
    %dma_wait3A_18 = tpu.memref_squeeze %dma_wait3A_17 : memref<1x160x128xi32, #tpu.memory_space<hbm>> -> memref<160x128xi32, #tpu.memory_space<hbm>>
    %dma_wait3A_19 = arith.constant 0 : i32
    %dma_wait3A_20 = arith.constant 0 : i32
    %dma_wait3A_21 = tpu.memref_slice %arg4[%arg1, %dma_wait3A_19, %dma_wait3A_20] : memref<16x160x128xi32, #tpu.memory_space<hbm>> -> memref<1x160x128xi32, #tpu.memory_space<hbm>>
    %dma_wait3A_22 = tpu.memref_squeeze %dma_wait3A_21 : memref<1x160x128xi32, #tpu.memory_space<hbm>> -> memref<160x128xi32, #tpu.memory_space<hbm>>
    tpu.wait_dma2 semaphore(%arg19 : memref<!tpu.dma_semaphore, #tpu.memory_space<semaphore_mem>>) src(%dma_wait3A_22 : memref<160x128xi32, #tpu.memory_space<hbm>>) dst(%arg8 : memref<160x128xi32, #tpu.memory_space<vmem>>)
    %dma_wait3A_23 = arith.constant 0 : i32
    %dma_wait3A_24 = arith.constant 0 : i32
    %dma_wait3A_25 = tpu.memref_slice %arg5[%arg1, %dma_wait3A_23, %dma_wait3A_24] : memref<16x160x128xi32, #tpu.memory_space<hbm>> -> memref<1x160x128xi32, #tpu.memory_space<hbm>>
    %dma_wait3A_26 = tpu.memref_squeeze %dma_wait3A_25 : memref<1x160x128xi32, #tpu.memory_space<hbm>> -> memref<160x128xi32, #tpu.memory_space<hbm>>
    %dma_wait3A_27 = arith.constant 0 : i32
    %dma_wait3A_28 = arith.constant 0 : i32
    %dma_wait3A_29 = tpu.memref_slice %arg5[%arg1, %dma_wait3A_27, %dma_wait3A_28] : memref<16x160x128xi32, #tpu.memory_space<hbm>> -> memref<1x160x128xi32, #tpu.memory_space<hbm>>
    %dma_wait3A_30 = tpu.memref_squeeze %dma_wait3A_29 : memref<1x160x128xi32, #tpu.memory_space<hbm>> -> memref<160x128xi32, #tpu.memory_space<hbm>>
    tpu.wait_dma2 semaphore(%arg20 : memref<!tpu.dma_semaphore, #tpu.memory_space<semaphore_mem>>) src(%dma_wait3A_30 : memref<160x128xi32, #tpu.memory_space<hbm>>) dst(%arg9 : memref<160x128xi32, #tpu.memory_space<vmem>>)
    %barrier3A = arith.constant 0 : index
    tpu.barrier barrier_id(%barrier3A)
    %eq3A = arith.constant 0 : i32
    %eq3A_31 = arith.cmpi eq, %arg0, %eq3A : i32
    %convert_element_type3A = arith.extui %eq3A_31 : i1 to i32
    %cond3A = arith.constant 0 : i32
    %cond3A_32 = arith.cmpi ne, %convert_element_type3A, %cond3A : i32
    scf.if %cond3A_32 {
      %dma_start3A_169 = arith.constant 0 : i32
      %dma_start3A_170 = arith.constant 0 : i32
      %dma_start3A_171 = tpu.memref_slice %arg8[%dma_start3A_169, %dma_start3A_170] : memref<160x128xi32, #tpu.memory_space<vmem>> -> memref<1x128xi32, #tpu.memory_space<vmem>>
      %dma_start3A_172 = tpu.memref_squeeze %dma_start3A_171 : memref<1x128xi32, #tpu.memory_space<vmem>> -> memref<128xi32, #tpu.memory_space<vmem>>
      %dma_start3A_173 = arith.constant 0 : i32
      %dma_start3A_174 = arith.constant 0 : i32
      %dma_start3A_175 = tpu.memref_slice %arg2[%dma_start3A_173, %dma_start3A_174] : memref<10000x32xf32, #tpu.memory_space<hbm>> -> memref<10000x32xf32, #tpu.memory_space<hbm>>
      tpu.enqueue_indirect_dma source(%dma_start3A_175 : memref<10000x32xf32, #tpu.memory_space<hbm>>) target(%arg10 : memref<128x32xf32, #tpu.memory_space<vmem>>) offsets(%dma_start3A_172 : memref<128xi32, #tpu.memory_space<vmem>>) semaphore(%arg19 : memref<!tpu.dma_semaphore, #tpu.memory_space<semaphore_mem>>)
    } else {
    }
    %eq3A_33 = arith.constant 1 : i32
    %eq3A_34 = arith.cmpi eq, %arg0, %eq3A_33 : i32
    %convert_element_type3A_35 = arith.extui %eq3A_34 : i1 to i32
    %cond3A_36 = arith.constant 0 : i32
    %cond3A_37 = arith.cmpi ne, %convert_element_type3A_35, %cond3A_36 : i32
    scf.if %cond3A_37 {
      %dma_start3A_169 = arith.constant 0 : i32
      %dma_start3A_170 = arith.constant 0 : i32
      %dma_start3A_171 = tpu.memref_slice %arg8[%dma_start3A_169, %dma_start3A_170] : memref<160x128xi32, #tpu.memory_space<vmem>> -> memref<1x128xi32, #tpu.memory_space<vmem>>
      %dma_start3A_172 = tpu.memref_squeeze %dma_start3A_171 : memref<1x128xi32, #tpu.memory_space<vmem>> -> memref<128xi32, #tpu.memory_space<vmem>>
      %dma_start3A_173 = arith.constant 0 : i32
      %dma_start3A_174 = arith.constant 0 : i32
      %dma_start3A_175 = tpu.memref_slice %arg3[%dma_start3A_173, %dma_start3A_174] : memref<10000x32xf32, #tpu.memory_space<hbm>> -> memref<10000x32xf32, #tpu.memory_space<hbm>>
      tpu.enqueue_indirect_dma source(%dma_start3A_175 : memref<10000x32xf32, #tpu.memory_space<hbm>>) target(%arg10 : memref<128x32xf32, #tpu.memory_space<vmem>>) offsets(%dma_start3A_172 : memref<128xi32, #tpu.memory_space<vmem>>) semaphore(%arg19 : memref<!tpu.dma_semaphore, #tpu.memory_space<semaphore_mem>>)
    } else {
    }
    %eq3A_38 = arith.constant 0 : i32
    %eq3A_39 = arith.cmpi eq, %arg0, %eq3A_38 : i32
    %convert_element_type3A_40 = arith.extui %eq3A_39 : i1 to i32
    %cond3A_41 = arith.constant 0 : i32
    %cond3A_42 = arith.cmpi ne, %convert_element_type3A_40, %cond3A_41 : i32
    scf.if %cond3A_42 {
      %dma_start3A_169 = arith.constant 1 : i32
      %dma_start3A_170 = arith.constant 0 : i32
      %dma_start3A_171 = tpu.memref_slice %arg8[%dma_start3A_169, %dma_start3A_170] : memref<160x128xi32, #tpu.memory_space<vmem>> -> memref<1x128xi32, #tpu.memory_space<vmem>>
      %dma_start3A_172 = tpu.memref_squeeze %dma_start3A_171 : memref<1x128xi32, #tpu.memory_space<vmem>> -> memref<128xi32, #tpu.memory_space<vmem>>
      %dma_start3A_173 = arith.constant 0 : i32
      %dma_start3A_174 = arith.constant 0 : i32
      %dma_start3A_175 = tpu.memref_slice %arg2[%dma_start3A_173, %dma_start3A_174] : memref<10000x32xf32, #tpu.memory_space<hbm>> -> memref<10000x32xf32, #tpu.memory_space<hbm>>
      tpu.enqueue_indirect_dma source(%dma_start3A_175 : memref<10000x32xf32, #tpu.memory_space<hbm>>) target(%arg11 : memref<128x32xf32, #tpu.memory_space<vmem>>) offsets(%dma_start3A_172 : memref<128xi32, #tpu.memory_space<vmem>>) semaphore(%arg20 : memref<!tpu.dma_semaphore, #tpu.memory_space<semaphore_mem>>)
    } else {
    }
    %eq3A_43 = arith.constant 1 : i32
    %eq3A_44 = arith.cmpi eq, %arg0, %eq3A_43 : i32
    %convert_element_type3A_45 = arith.extui %eq3A_44 : i1 to i32
    %cond3A_46 = arith.constant 0 : i32
    %cond3A_47 = arith.cmpi ne, %convert_element_type3A_45, %cond3A_46 : i32
    scf.if %cond3A_47 {
      %dma_start3A_169 = arith.constant 1 : i32
      %dma_start3A_170 = arith.constant 0 : i32
      %dma_start3A_171 = tpu.memref_slice %arg8[%dma_start3A_169, %dma_start3A_170] : memref<160x128xi32, #tpu.memory_space<vmem>> -> memref<1x128xi32, #tpu.memory_space<vmem>>
      %dma_start3A_172 = tpu.memref_squeeze %dma_start3A_171 : memref<1x128xi32, #tpu.memory_space<vmem>> -> memref<128xi32, #tpu.memory_space<vmem>>
      %dma_start3A_173 = arith.constant 0 : i32
      %dma_start3A_174 = arith.constant 0 : i32
      %dma_start3A_175 = tpu.memref_slice %arg3[%dma_start3A_173, %dma_start3A_174] : memref<10000x32xf32, #tpu.memory_space<hbm>> -> memref<10000x32xf32, #tpu.memory_space<hbm>>
      tpu.enqueue_indirect_dma source(%dma_start3A_175 : memref<10000x32xf32, #tpu.memory_space<hbm>>) target(%arg11 : memref<128x32xf32, #tpu.memory_space<vmem>>) offsets(%dma_start3A_172 : memref<128xi32, #tpu.memory_space<vmem>>) semaphore(%arg20 : memref<!tpu.dma_semaphore, #tpu.memory_space<semaphore_mem>>)
    } else {
    }
    %eq3A_48 = arith.constant 0 : i32
    %eq3A_49 = arith.cmpi eq, %arg0, %eq3A_48 : i32
    %convert_element_type3A_50 = arith.extui %eq3A_49 : i1 to i32
    %cond3A_51 = arith.constant 0 : i32
    %cond3A_52 = arith.cmpi ne, %convert_element_type3A_50, %cond3A_51 : i32
    scf.if %cond3A_52 {
      %dma_start3A_169 = arith.constant 2 : i32
      %dma_start3A_170 = arith.constant 0 : i32
      %dma_start3A_171 = tpu.memref_slice %arg8[%dma_start3A_169, %dma_start3A_170] : memref<160x128xi32, #tpu.memory_space<vmem>> -> memref<1x128xi32, #tpu.memory_space<vmem>>
      %dma_start3A_172 = tpu.memref_squeeze %dma_start3A_171 : memref<1x128xi32, #tpu.memory_space<vmem>> -> memref<128xi32, #tpu.memory_space<vmem>>
      %dma_start3A_173 = arith.constant 0 : i32
      %dma_start3A_174 = arith.constant 0 : i32
      %dma_start3A_175 = tpu.memref_slice %arg2[%dma_start3A_173, %dma_start3A_174] : memref<10000x32xf32, #tpu.memory_space<hbm>> -> memref<10000x32xf32, #tpu.memory_space<hbm>>
      tpu.enqueue_indirect_dma source(%dma_start3A_175 : memref<10000x32xf32, #tpu.memory_space<hbm>>) target(%arg12 : memref<128x32xf32, #tpu.memory_space<vmem>>) offsets(%dma_start3A_172 : memref<128xi32, #tpu.memory_space<vmem>>) semaphore(%arg21 : memref<!tpu.dma_semaphore, #tpu.memory_space<semaphore_mem>>)
    } else {
    }
    %eq3A_53 = arith.constant 1 : i32
    %eq3A_54 = arith.cmpi eq, %arg0, %eq3A_53 : i32
    %convert_element_type3A_55 = arith.extui %eq3A_54 : i1 to i32
    %cond3A_56 = arith.constant 0 : i32
    %cond3A_57 = arith.cmpi ne, %convert_element_type3A_55, %cond3A_56 : i32
    scf.if %cond3A_57 {
      %dma_start3A_169 = arith.constant 2 : i32
      %dma_start3A_170 = arith.constant 0 : i32
      %dma_start3A_171 = tpu.memref_slice %arg8[%dma_start3A_169, %dma_start3A_170] : memref<160x128xi32, #tpu.memory_space<vmem>> -> memref<1x128xi32, #tpu.memory_space<vmem>>
      %dma_start3A_172 = tpu.memref_squeeze %dma_start3A_171 : memref<1x128xi32, #tpu.memory_space<vmem>> -> memref<128xi32, #tpu.memory_space<vmem>>
      %dma_start3A_173 = arith.constant 0 : i32
      %dma_start3A_174 = arith.constant 0 : i32
      %dma_start3A_175 = tpu.memref_slice %arg3[%dma_start3A_173, %dma_start3A_174] : memref<10000x32xf32, #tpu.memory_space<hbm>> -> memref<10000x32xf32, #tpu.memory_space<hbm>>
      tpu.enqueue_indirect_dma source(%dma_start3A_175 : memref<10000x32xf32, #tpu.memory_space<hbm>>) target(%arg12 : memref<128x32xf32, #tpu.memory_space<vmem>>) offsets(%dma_start3A_172 : memref<128xi32, #tpu.memory_space<vmem>>) semaphore(%arg21 : memref<!tpu.dma_semaphore, #tpu.memory_space<semaphore_mem>>)
    } else {
    }
    %eq3A_58 = arith.constant 0 : i32
    %eq3A_59 = arith.cmpi eq, %arg0, %eq3A_58 : i32
    %convert_element_type3A_60 = arith.extui %eq3A_59 : i1 to i32
    %cond3A_61 = arith.constant 0 : i32
    %cond3A_62 = arith.cmpi ne, %convert_element_type3A_60, %cond3A_61 : i32
    scf.if %cond3A_62 {
      %dma_start3A_169 = arith.constant 3 : i32
      %dma_start3A_170 = arith.constant 0 : i32
      %dma_start3A_171 = tpu.memref_slice %arg8[%dma_start3A_169, %dma_start3A_170] : memref<160x128xi32, #tpu.memory_space<vmem>> -> memref<1x128xi32, #tpu.memory_space<vmem>>
      %dma_start3A_172 = tpu.memref_squeeze %dma_start3A_171 : memref<1x128xi32, #tpu.memory_space<vmem>> -> memref<128xi32, #tpu.memory_space<vmem>>
      %dma_start3A_173 = arith.constant 0 : i32
      %dma_start3A_174 = arith.constant 0 : i32
      %dma_start3A_175 = tpu.memref_slice %arg2[%dma_start3A_173, %dma_start3A_174] : memref<10000x32xf32, #tpu.memory_space<hbm>> -> memref<10000x32xf32, #tpu.memory_space<hbm>>
      tpu.enqueue_indirect_dma source(%dma_start3A_175 : memref<10000x32xf32, #tpu.memory_space<hbm>>) target(%arg13 : memref<128x32xf32, #tpu.memory_space<vmem>>) offsets(%dma_start3A_172 : memref<128xi32, #tpu.memory_space<vmem>>) semaphore(%arg22 : memref<!tpu.dma_semaphore, #tpu.memory_space<semaphore_mem>>)
    } else {
    }
    %eq3A_63 = arith.constant 1 : i32
    %eq3A_64 = arith.cmpi eq, %arg0, %eq3A_63 : i32
    %convert_element_type3A_65 = arith.extui %eq3A_64 : i1 to i32
    %cond3A_66 = arith.constant 0 : i32
    %cond3A_67 = arith.cmpi ne, %convert_element_type3A_65, %cond3A_66 : i32
    scf.if %cond3A_67 {
      %dma_start3A_169 = arith.constant 3 : i32
      %dma_start3A_170 = arith.constant 0 : i32
      %dma_start3A_171 = tpu.memref_slice %arg8[%dma_start3A_169, %dma_start3A_170] : memref<160x128xi32, #tpu.memory_space<vmem>> -> memref<1x128xi32, #tpu.memory_space<vmem>>
      %dma_start3A_172 = tpu.memref_squeeze %dma_start3A_171 : memref<1x128xi32, #tpu.memory_space<vmem>> -> memref<128xi32, #tpu.memory_space<vmem>>
      %dma_start3A_173 = arith.constant 0 : i32
      %dma_start3A_174 = arith.constant 0 : i32
      %dma_start3A_175 = tpu.memref_slice %arg3[%dma_start3A_173, %dma_start3A_174] : memref<10000x32xf32, #tpu.memory_space<hbm>> -> memref<10000x32xf32, #tpu.memory_space<hbm>>
      tpu.enqueue_indirect_dma source(%dma_start3A_175 : memref<10000x32xf32, #tpu.memory_space<hbm>>) target(%arg13 : memref<128x32xf32, #tpu.memory_space<vmem>>) offsets(%dma_start3A_172 : memref<128xi32, #tpu.memory_space<vmem>>) semaphore(%arg22 : memref<!tpu.dma_semaphore, #tpu.memory_space<semaphore_mem>>)
    } else {
    }
    %eq3A_68 = arith.constant 0 : i32
    %eq3A_69 = arith.cmpi eq, %arg0, %eq3A_68 : i32
    %convert_element_type3A_70 = arith.extui %eq3A_69 : i1 to i32
    %cond3A_71 = arith.constant 0 : i32
    %cond3A_72 = arith.cmpi ne, %convert_element_type3A_70, %cond3A_71 : i32
    scf.if %cond3A_72 {
      %dma_start3A_169 = arith.constant 4 : i32
      %dma_start3A_170 = arith.constant 0 : i32
      %dma_start3A_171 = tpu.memref_slice %arg8[%dma_start3A_169, %dma_start3A_170] : memref<160x128xi32, #tpu.memory_space<vmem>> -> memref<1x128xi32, #tpu.memory_space<vmem>>
      %dma_start3A_172 = tpu.memref_squeeze %dma_start3A_171 : memref<1x128xi32, #tpu.memory_space<vmem>> -> memref<128xi32, #tpu.memory_space<vmem>>
      %dma_start3A_173 = arith.constant 0 : i32
      %dma_start3A_174 = arith.constant 0 : i32
      %dma_start3A_175 = tpu.memref_slice %arg2[%dma_start3A_173, %dma_start3A_174] : memref<10000x32xf32, #tpu.memory_space<hbm>> -> memref<10000x32xf32, #tpu.memory_space<hbm>>
      tpu.enqueue_indirect_dma source(%dma_start3A_175 : memref<10000x32xf32, #tpu.memory_space<hbm>>) target(%arg14 : memref<128x32xf32, #tpu.memory_space<vmem>>) offsets(%dma_start3A_172 : memref<128xi32, #tpu.memory_space<vmem>>) semaphore(%arg23 : memref<!tpu.dma_semaphore, #tpu.memory_space<semaphore_mem>>)
    } else {
    }
    %eq3A_73 = arith.constant 1 : i32
    %eq3A_74 = arith.cmpi eq, %arg0, %eq3A_73 : i32
    %convert_element_type3A_75 = arith.extui %eq3A_74 : i1 to i32
    %cond3A_76 = arith.constant 0 : i32
    %cond3A_77 = arith.cmpi ne, %convert_element_type3A_75, %cond3A_76 : i32
    scf.if %cond3A_77 {
      %dma_start3A_169 = arith.constant 4 : i32
      %dma_start3A_170 = arith.constant 0 : i32
      %dma_start3A_171 = tpu.memref_slice %arg8[%dma_start3A_169, %dma_start3A_170] : memref<160x128xi32, #tpu.memory_space<vmem>> -> memref<1x128xi32, #tpu.memory_space<vmem>>
      %dma_start3A_172 = tpu.memref_squeeze %dma_start3A_171 : memref<1x128xi32, #tpu.memory_space<vmem>> -> memref<128xi32, #tpu.memory_space<vmem>>
      %dma_start3A_173 = arith.constant 0 : i32
      %dma_start3A_174 = arith.constant 0 : i32
      %dma_start3A_175 = tpu.memref_slice %arg3[%dma_start3A_173, %dma_start3A_174] : memref<10000x32xf32, #tpu.memory_space<hbm>> -> memref<10000x32xf32, #tpu.memory_space<hbm>>
      tpu.enqueue_indirect_dma source(%dma_start3A_175 : memref<10000x32xf32, #tpu.memory_space<hbm>>) target(%arg14 : memref<128x32xf32, #tpu.memory_space<vmem>>) offsets(%dma_start3A_172 : memref<128xi32, #tpu.memory_space<vmem>>) semaphore(%arg23 : memref<!tpu.dma_semaphore, #tpu.memory_space<semaphore_mem>>)
    } else {
    }
    %eq3A_78 = arith.constant 0 : i32
    %eq3A_79 = arith.cmpi eq, %arg0, %eq3A_78 : i32
    %convert_element_type3A_80 = arith.extui %eq3A_79 : i1 to i32
    %cond3A_81 = arith.constant 0 : i32
    %cond3A_82 = arith.cmpi ne, %convert_element_type3A_80, %cond3A_81 : i32
    scf.if %cond3A_82 {
      %dma_start3A_169 = arith.constant 5 : i32
      %dma_start3A_170 = arith.constant 0 : i32
      %dma_start3A_171 = tpu.memref_slice %arg8[%dma_start3A_169, %dma_start3A_170] : memref<160x128xi32, #tpu.memory_space<vmem>> -> memref<1x128xi32, #tpu.memory_space<vmem>>
      %dma_start3A_172 = tpu.memref_squeeze %dma_start3A_171 : memref<1x128xi32, #tpu.memory_space<vmem>> -> memref<128xi32, #tpu.memory_space<vmem>>
      %dma_start3A_173 = arith.constant 0 : i32
      %dma_start3A_174 = arith.constant 0 : i32
      %dma_start3A_175 = tpu.memref_slice %arg2[%dma_start3A_173, %dma_start3A_174] : memref<10000x32xf32, #tpu.memory_space<hbm>> -> memref<10000x32xf32, #tpu.memory_space<hbm>>
      tpu.enqueue_indirect_dma source(%dma_start3A_175 : memref<10000x32xf32, #tpu.memory_space<hbm>>) target(%arg15 : memref<128x32xf32, #tpu.memory_space<vmem>>) offsets(%dma_start3A_172 : memref<128xi32, #tpu.memory_space<vmem>>) semaphore(%arg24 : memref<!tpu.dma_semaphore, #tpu.memory_space<semaphore_mem>>)
    } else {
    }
    %eq3A_83 = arith.constant 1 : i32
    %eq3A_84 = arith.cmpi eq, %arg0, %eq3A_83 : i32
    %convert_element_type3A_85 = arith.extui %eq3A_84 : i1 to i32
    %cond3A_86 = arith.constant 0 : i32
    %cond3A_87 = arith.cmpi ne, %convert_element_type3A_85, %cond3A_86 : i32
    scf.if %cond3A_87 {
      %dma_start3A_169 = arith.constant 5 : i32
      %dma_start3A_170 = arith.constant 0 : i32
      %dma_start3A_171 = tpu.memref_slice %arg8[%dma_start3A_169, %dma_start3A_170] : memref<160x128xi32, #tpu.memory_space<vmem>> -> memref<1x128xi32, #tpu.memory_space<vmem>>
      %dma_start3A_172 = tpu.memref_squeeze %dma_start3A_171 : memref<1x128xi32, #tpu.memory_space<vmem>> -> memref<128xi32, #tpu.memory_space<vmem>>
      %dma_start3A_173 = arith.constant 0 : i32
      %dma_start3A_174 = arith.constant 0 : i32
      %dma_start3A_175 = tpu.memref_slice %arg3[%dma_start3A_173, %dma_start3A_174] : memref<10000x32xf32, #tpu.memory_space<hbm>> -> memref<10000x32xf32, #tpu.memory_space<hbm>>
      tpu.enqueue_indirect_dma source(%dma_start3A_175 : memref<10000x32xf32, #tpu.memory_space<hbm>>) target(%arg15 : memref<128x32xf32, #tpu.memory_space<vmem>>) offsets(%dma_start3A_172 : memref<128xi32, #tpu.memory_space<vmem>>) semaphore(%arg24 : memref<!tpu.dma_semaphore, #tpu.memory_space<semaphore_mem>>)
    } else {
    }
    %eq3A_88 = arith.constant 0 : i32
    %eq3A_89 = arith.cmpi eq, %arg0, %eq3A_88 : i32
    %convert_element_type3A_90 = arith.extui %eq3A_89 : i1 to i32
    %cond3A_91 = arith.constant 0 : i32
    %cond3A_92 = arith.cmpi ne, %convert_element_type3A_90, %cond3A_91 : i32
    scf.if %cond3A_92 {
      %dma_start3A_169 = arith.constant 6 : i32
      %dma_start3A_170 = arith.constant 0 : i32
      %dma_start3A_171 = tpu.memref_slice %arg8[%dma_start3A_169, %dma_start3A_170] : memref<160x128xi32, #tpu.memory_space<vmem>> -> memref<1x128xi32, #tpu.memory_space<vmem>>
      %dma_start3A_172 = tpu.memref_squeeze %dma_start3A_171 : memref<1x128xi32, #tpu.memory_space<vmem>> -> memref<128xi32, #tpu.memory_space<vmem>>
      %dma_start3A_173 = arith.constant 0 : i32
      %dma_start3A_174 = arith.constant 0 : i32
      %dma_start3A_175 = tpu.memref_slice %arg2[%dma_start3A_173, %dma_start3A_174] : memref<10000x32xf32, #tpu.memory_space<hbm>> -> memref<10000x32xf32, #tpu.memory_space<hbm>>
      tpu.enqueue_indirect_dma source(%dma_start3A_175 : memref<10000x32xf32, #tpu.memory_space<hbm>>) target(%arg16 : memref<128x32xf32, #tpu.memory_space<vmem>>) offsets(%dma_start3A_172 : memref<128xi32, #tpu.memory_space<vmem>>) semaphore(%arg25 : memref<!tpu.dma_semaphore, #tpu.memory_space<semaphore_mem>>)
    } else {
    }
    %eq3A_93 = arith.constant 1 : i32
    %eq3A_94 = arith.cmpi eq, %arg0, %eq3A_93 : i32
    %convert_element_type3A_95 = arith.extui %eq3A_94 : i1 to i32
    %cond3A_96 = arith.constant 0 : i32
    %cond3A_97 = arith.cmpi ne, %convert_element_type3A_95, %cond3A_96 : i32
    scf.if %cond3A_97 {
      %dma_start3A_169 = arith.constant 6 : i32
      %dma_start3A_170 = arith.constant 0 : i32
      %dma_start3A_171 = tpu.memref_slice %arg8[%dma_start3A_169, %dma_start3A_170] : memref<160x128xi32, #tpu.memory_space<vmem>> -> memref<1x128xi32, #tpu.memory_space<vmem>>
      %dma_start3A_172 = tpu.memref_squeeze %dma_start3A_171 : memref<1x128xi32, #tpu.memory_space<vmem>> -> memref<128xi32, #tpu.memory_space<vmem>>
      %dma_start3A_173 = arith.constant 0 : i32
      %dma_start3A_174 = arith.constant 0 : i32
      %dma_start3A_175 = tpu.memref_slice %arg3[%dma_start3A_173, %dma_start3A_174] : memref<10000x32xf32, #tpu.memory_space<hbm>> -> memref<10000x32xf32, #tpu.memory_space<hbm>>
      tpu.enqueue_indirect_dma source(%dma_start3A_175 : memref<10000x32xf32, #tpu.memory_space<hbm>>) target(%arg16 : memref<128x32xf32, #tpu.memory_space<vmem>>) offsets(%dma_start3A_172 : memref<128xi32, #tpu.memory_space<vmem>>) semaphore(%arg25 : memref<!tpu.dma_semaphore, #tpu.memory_space<semaphore_mem>>)
    } else {
    }
    %eq3A_98 = arith.constant 0 : i32
    %eq3A_99 = arith.cmpi eq, %arg0, %eq3A_98 : i32
    %convert_element_type3A_100 = arith.extui %eq3A_99 : i1 to i32
    %cond3A_101 = arith.constant 0 : i32
    %cond3A_102 = arith.cmpi ne, %convert_element_type3A_100, %cond3A_101 : i32
    scf.if %cond3A_102 {
      %dma_start3A_169 = arith.constant 7 : i32
      %dma_start3A_170 = arith.constant 0 : i32
      %dma_start3A_171 = tpu.memref_slice %arg8[%dma_start3A_169, %dma_start3A_170] : memref<160x128xi32, #tpu.memory_space<vmem>> -> memref<1x128xi32, #tpu.memory_space<vmem>>
      %dma_start3A_172 = tpu.memref_squeeze %dma_start3A_171 : memref<1x128xi32, #tpu.memory_space<vmem>> -> memref<128xi32, #tpu.memory_space<vmem>>
      %dma_start3A_173 = arith.constant 0 : i32
      %dma_start3A_174 = arith.constant 0 : i32
      %dma_start3A_175 = tpu.memref_slice %arg2[%dma_start3A_173, %dma_start3A_174] : memref<10000x32xf32, #tpu.memory_space<hbm>> -> memref<10000x32xf32, #tpu.memory_space<hbm>>
      tpu.enqueue_indirect_dma source(%dma_start3A_175 : memref<10000x32xf32, #tpu.memory_space<hbm>>) target(%arg17 : memref<128x32xf32, #tpu.memory_space<vmem>>) offsets(%dma_start3A_172 : memref<128xi32, #tpu.memory_space<vmem>>) semaphore(%arg26 : memref<!tpu.dma_semaphore, #tpu.memory_space<semaphore_mem>>)
    } else {
    }
    %eq3A_103 = arith.constant 1 : i32
    %eq3A_104 = arith.cmpi eq, %arg0, %eq3A_103 : i32
    %convert_element_type3A_105 = arith.extui %eq3A_104 : i1 to i32
    %cond3A_106 = arith.constant 0 : i32
    %cond3A_107 = arith.cmpi ne, %convert_element_type3A_105, %cond3A_106 : i32
    scf.if %cond3A_107 {
      %dma_start3A_169 = arith.constant 7 : i32
      %dma_start3A_170 = arith.constant 0 : i32
      %dma_start3A_171 = tpu.memref_slice %arg8[%dma_start3A_169, %dma_start3A_170] : memref<160x128xi32, #tpu.memory_space<vmem>> -> memref<1x128xi32, #tpu.memory_space<vmem>>
      %dma_start3A_172 = tpu.memref_squeeze %dma_start3A_171 : memref<1x128xi32, #tpu.memory_space<vmem>> -> memref<128xi32, #tpu.memory_space<vmem>>
      %dma_start3A_173 = arith.constant 0 : i32
      %dma_start3A_174 = arith.constant 0 : i32
      %dma_start3A_175 = tpu.memref_slice %arg3[%dma_start3A_173, %dma_start3A_174] : memref<10000x32xf32, #tpu.memory_space<hbm>> -> memref<10000x32xf32, #tpu.memory_space<hbm>>
      tpu.enqueue_indirect_dma source(%dma_start3A_175 : memref<10000x32xf32, #tpu.memory_space<hbm>>) target(%arg17 : memref<128x32xf32, #tpu.memory_space<vmem>>) offsets(%dma_start3A_172 : memref<128xi32, #tpu.memory_space<vmem>>) semaphore(%arg26 : memref<!tpu.dma_semaphore, #tpu.memory_space<semaphore_mem>>)
    } else {
    }
    %scan3A = arith.constant 0 : i32
    %scan3A_108 = arith.constant 0 : i32
    %scan3A_109 = arith.constant 19 : i32
    %scan3A_110 = arith.addi %scan3A_108, %scan3A_109 : i32
    %scan3A_111 = arith.constant 1 : i32
    scf.for %scan3A_169 = %scan3A_108 to %scan3A_110 step %scan3A_111  : i32 {
      %mul3A_170 = arith.constant 8 : i32
      %mul3A_171 = arith.muli %scan3A_169, %mul3A_170 : i32
      %dma_wait3A_172 = arith.constant 0 : i32
      %dma_wait3A_173 = arith.constant 0 : i32
      %dma_wait3A_174 = tpu.memref_slice %arg2[%dma_wait3A_172, %dma_wait3A_173] : memref<10000x32xf32, #tpu.memory_space<hbm>> -> memref<128x32xf32, #tpu.memory_space<hbm>>
      %dma_wait3A_175 = arith.constant 0 : i32
      %dma_wait3A_176 = arith.constant 0 : i32
      %dma_wait3A_177 = tpu.memref_slice %arg2[%dma_wait3A_175, %dma_wait3A_176] : memref<10000x32xf32, #tpu.memory_space<hbm>> -> memref<128x32xf32, #tpu.memory_space<hbm>>
      tpu.wait_dma2 semaphore(%arg19 : memref<!tpu.dma_semaphore, #tpu.memory_space<semaphore_mem>>) src(%dma_wait3A_177 : memref<128x32xf32, #tpu.memory_space<hbm>>) dst(%arg10 : memref<128x32xf32, #tpu.memory_space<vmem>>)
      %add3A = arith.constant 0 : i32
      %add3A_178 = arith.addi %mul3A_171, %add3A : i32
      "tpu.region"() ({
        %run_scoped3A_347 = tpu.sem_alloc : memref<!tpu.dma_semaphore, #tpu.memory_space<semaphore_mem>>
        %dma_start3A_348 = arith.constant 0 : i32
        %dma_start3A_349 = tpu.memref_slice %arg9[%add3A_178, %dma_start3A_348] : memref<160x128xi32, #tpu.memory_space<vmem>> -> memref<1x128xi32, #tpu.memory_space<vmem>>
        %dma_start3A_350 = tpu.memref_squeeze %dma_start3A_349 : memref<1x128xi32, #tpu.memory_space<vmem>> -> memref<128xi32, #tpu.memory_space<vmem>>
        %dma_start3A_351 = arith.constant 0 : i32
        %dma_start3A_352 = arith.constant 0 : i32
        %dma_start3A_353 = tpu.memref_slice %arg18[%dma_start3A_351, %dma_start3A_352] : memref<10240x32xf32, #tpu.memory_space<vmem_shared>> -> memref<10240x32xf32, #tpu.memory_space<vmem_shared>>
        tpu.enqueue_indirect_dma source(%arg10 : memref<128x32xf32, #tpu.memory_space<vmem>>) target(%dma_start3A_353 : memref<10240x32xf32, #tpu.memory_space<vmem_shared>>) offsets(%dma_start3A_350 : memref<128xi32, #tpu.memory_space<vmem>>) semaphore(%run_scoped3A_347 : memref<!tpu.dma_semaphore, #tpu.memory_space<semaphore_mem>>) {add = true}
        %dma_wait3A_354 = arith.constant 0 : i32
        %dma_wait3A_355 = tpu.memref_slice %arg9[%add3A_178, %dma_wait3A_354] : memref<160x128xi32, #tpu.memory_space<vmem>> -> memref<1x128xi32, #tpu.memory_space<vmem>>
        %dma_wait3A_356 = tpu.memref_squeeze %dma_wait3A_355 : memref<1x128xi32, #tpu.memory_space<vmem>> -> memref<128xi32, #tpu.memory_space<vmem>>
        %dma_wait3A_357 = arith.constant 0 : i32
        %dma_wait3A_358 = arith.constant 0 : i32
        %dma_wait3A_359 = tpu.memref_slice %arg18[%dma_wait3A_357, %dma_wait3A_358] : memref<10240x32xf32, #tpu.memory_space<vmem_shared>> -> memref<10240x32xf32, #tpu.memory_space<vmem_shared>>
        tpu.wait_indirect_dma semaphore(%run_scoped3A_347 : memref<!tpu.dma_semaphore, #tpu.memory_space<semaphore_mem>>) src(%arg10 : memref<128x32xf32, #tpu.memory_space<vmem>>) dst(%dma_wait3A_359 : memref<10240x32xf32, #tpu.memory_space<vmem_shared>>)
        tpu.yield
      }) : () -> ()
      %add3A_179 = arith.constant 0 : i32
      %add3A_180 = arith.addi %mul3A_171, %add3A_179 : i32
      %add3A_181 = arith.constant 8 : i32
      %add3A_182 = arith.addi %add3A_180, %add3A_181 : i32
      %eq3A_183 = arith.constant 0 : i32
      %eq3A_184 = arith.cmpi eq, %arg0, %eq3A_183 : i32
      %convert_element_type3A_185 = arith.extui %eq3A_184 : i1 to i32
      %cond3A_186 = arith.constant 0 : i32
      %cond3A_187 = arith.cmpi ne, %convert_element_type3A_185, %cond3A_186 : i32
      scf.if %cond3A_187 {
        %dma_start3A_347 = arith.constant 0 : i32
        %dma_start3A_348 = tpu.memref_slice %arg8[%add3A_182, %dma_start3A_347] : memref<160x128xi32, #tpu.memory_space<vmem>> -> memref<1x128xi32, #tpu.memory_space<vmem>>
        %dma_start3A_349 = tpu.memref_squeeze %dma_start3A_348 : memref<1x128xi32, #tpu.memory_space<vmem>> -> memref<128xi32, #tpu.memory_space<vmem>>
        %dma_start3A_350 = arith.constant 0 : i32
        %dma_start3A_351 = arith.constant 0 : i32
        %dma_start3A_352 = tpu.memref_slice %arg2[%dma_start3A_350, %dma_start3A_351] : memref<10000x32xf32, #tpu.memory_space<hbm>> -> memref<10000x32xf32, #tpu.memory_space<hbm>>
        tpu.enqueue_indirect_dma source(%dma_start3A_352 : memref<10000x32xf32, #tpu.memory_space<hbm>>) target(%arg10 : memref<128x32xf32, #tpu.memory_space<vmem>>) offsets(%dma_start3A_349 : memref<128xi32, #tpu.memory_space<vmem>>) semaphore(%arg19 : memref<!tpu.dma_semaphore, #tpu.memory_space<semaphore_mem>>)
      } else {
      }
      %eq3A_188 = arith.constant 1 : i32
      %eq3A_189 = arith.cmpi eq, %arg0, %eq3A_188 : i32
      %convert_element_type3A_190 = arith.extui %eq3A_189 : i1 to i32
      %cond3A_191 = arith.constant 0 : i32
      %cond3A_192 = arith.cmpi ne, %convert_element_type3A_190, %cond3A_191 : i32
      scf.if %cond3A_192 {
        %dma_start3A_347 = arith.constant 0 : i32
        %dma_start3A_348 = tpu.memref_slice %arg8[%add3A_182, %dma_start3A_347] : memref<160x128xi32, #tpu.memory_space<vmem>> -> memref<1x128xi32, #tpu.memory_space<vmem>>
        %dma_start3A_349 = tpu.memref_squeeze %dma_start3A_348 : memref<1x128xi32, #tpu.memory_space<vmem>> -> memref<128xi32, #tpu.memory_space<vmem>>
        %dma_start3A_350 = arith.constant 0 : i32
        %dma_start3A_351 = arith.constant 0 : i32
        %dma_start3A_352 = tpu.memref_slice %arg3[%dma_start3A_350, %dma_start3A_351] : memref<10000x32xf32, #tpu.memory_space<hbm>> -> memref<10000x32xf32, #tpu.memory_space<hbm>>
        tpu.enqueue_indirect_dma source(%dma_start3A_352 : memref<10000x32xf32, #tpu.memory_space<hbm>>) target(%arg10 : memref<128x32xf32, #tpu.memory_space<vmem>>) offsets(%dma_start3A_349 : memref<128xi32, #tpu.memory_space<vmem>>) semaphore(%arg19 : memref<!tpu.dma_semaphore, #tpu.memory_space<semaphore_mem>>)
      } else {
      }
      %dma_wait3A_193 = arith.constant 0 : i32
      %dma_wait3A_194 = arith.constant 0 : i32
      %dma_wait3A_195 = tpu.memref_slice %arg2[%dma_wait3A_193, %dma_wait3A_194] : memref<10000x32xf32, #tpu.memory_space<hbm>> -> memref<128x32xf32, #tpu.memory_space<hbm>>
      %dma_wait3A_196 = arith.constant 0 : i32
      %dma_wait3A_197 = arith.constant 0 : i32
      %dma_wait3A_198 = tpu.memref_slice %arg2[%dma_wait3A_196, %dma_wait3A_197] : memref<10000x32xf32, #tpu.memory_space<hbm>> -> memref<128x32xf32, #tpu.memory_space<hbm>>
      tpu.wait_dma2 semaphore(%arg20 : memref<!tpu.dma_semaphore, #tpu.memory_space<semaphore_mem>>) src(%dma_wait3A_198 : memref<128x32xf32, #tpu.memory_space<hbm>>) dst(%arg11 : memref<128x32xf32, #tpu.memory_space<vmem>>)
      %add3A_199 = arith.constant 1 : i32
      %add3A_200 = arith.addi %mul3A_171, %add3A_199 : i32
      "tpu.region"() ({
        %run_scoped3A_347 = tpu.sem_alloc : memref<!tpu.dma_semaphore, #tpu.memory_space<semaphore_mem>>
        %dma_start3A_348 = arith.constant 0 : i32
        %dma_start3A_349 = tpu.memref_slice %arg9[%add3A_200, %dma_start3A_348] : memref<160x128xi32, #tpu.memory_space<vmem>> -> memref<1x128xi32, #tpu.memory_space<vmem>>
        %dma_start3A_350 = tpu.memref_squeeze %dma_start3A_349 : memref<1x128xi32, #tpu.memory_space<vmem>> -> memref<128xi32, #tpu.memory_space<vmem>>
        %dma_start3A_351 = arith.constant 0 : i32
        %dma_start3A_352 = arith.constant 0 : i32
        %dma_start3A_353 = tpu.memref_slice %arg18[%dma_start3A_351, %dma_start3A_352] : memref<10240x32xf32, #tpu.memory_space<vmem_shared>> -> memref<10240x32xf32, #tpu.memory_space<vmem_shared>>
        tpu.enqueue_indirect_dma source(%arg11 : memref<128x32xf32, #tpu.memory_space<vmem>>) target(%dma_start3A_353 : memref<10240x32xf32, #tpu.memory_space<vmem_shared>>) offsets(%dma_start3A_350 : memref<128xi32, #tpu.memory_space<vmem>>) semaphore(%run_scoped3A_347 : memref<!tpu.dma_semaphore, #tpu.memory_space<semaphore_mem>>) {add = true}
        %dma_wait3A_354 = arith.constant 0 : i32
        %dma_wait3A_355 = tpu.memref_slice %arg9[%add3A_200, %dma_wait3A_354] : memref<160x128xi32, #tpu.memory_space<vmem>> -> memref<1x128xi32, #tpu.memory_space<vmem>>
        %dma_wait3A_356 = tpu.memref_squeeze %dma_wait3A_355 : memref<1x128xi32, #tpu.memory_space<vmem>> -> memref<128xi32, #tpu.memory_space<vmem>>
        %dma_wait3A_357 = arith.constant 0 : i32
        %dma_wait3A_358 = arith.constant 0 : i32
        %dma_wait3A_359 = tpu.memref_slice %arg18[%dma_wait3A_357, %dma_wait3A_358] : memref<10240x32xf32, #tpu.memory_space<vmem_shared>> -> memref<10240x32xf32, #tpu.memory_space<vmem_shared>>
        tpu.wait_indirect_dma semaphore(%run_scoped3A_347 : memref<!tpu.dma_semaphore, #tpu.memory_space<semaphore_mem>>) src(%arg11 : memref<128x32xf32, #tpu.memory_space<vmem>>) dst(%dma_wait3A_359 : memref<10240x32xf32, #tpu.memory_space<vmem_shared>>)
        tpu.yield
      }) : () -> ()
      %add3A_201 = arith.constant 1 : i32
      %add3A_202 = arith.addi %mul3A_171, %add3A_201 : i32
      %add3A_203 = arith.constant 8 : i32
      %add3A_204 = arith.addi %add3A_202, %add3A_203 : i32
      %eq3A_205 = arith.constant 0 : i32
      %eq3A_206 = arith.cmpi eq, %arg0, %eq3A_205 : i32
      %convert_element_type3A_207 = arith.extui %eq3A_206 : i1 to i32
      %cond3A_208 = arith.constant 0 : i32
      %cond3A_209 = arith.cmpi ne, %convert_element_type3A_207, %cond3A_208 : i32
      scf.if %cond3A_209 {
        %dma_start3A_347 = arith.constant 0 : i32
        %dma_start3A_348 = tpu.memref_slice %arg8[%add3A_204, %dma_start3A_347] : memref<160x128xi32, #tpu.memory_space<vmem>> -> memref<1x128xi32, #tpu.memory_space<vmem>>
        %dma_start3A_349 = tpu.memref_squeeze %dma_start3A_348 : memref<1x128xi32, #tpu.memory_space<vmem>> -> memref<128xi32, #tpu.memory_space<vmem>>
        %dma_start3A_350 = arith.constant 0 : i32
        %dma_start3A_351 = arith.constant 0 : i32
        %dma_start3A_352 = tpu.memref_slice %arg2[%dma_start3A_350, %dma_start3A_351] : memref<10000x32xf32, #tpu.memory_space<hbm>> -> memref<10000x32xf32, #tpu.memory_space<hbm>>
        tpu.enqueue_indirect_dma source(%dma_start3A_352 : memref<10000x32xf32, #tpu.memory_space<hbm>>) target(%arg11 : memref<128x32xf32, #tpu.memory_space<vmem>>) offsets(%dma_start3A_349 : memref<128xi32, #tpu.memory_space<vmem>>) semaphore(%arg20 : memref<!tpu.dma_semaphore, #tpu.memory_space<semaphore_mem>>)
      } else {
      }
      %eq3A_210 = arith.constant 1 : i32
      %eq3A_211 = arith.cmpi eq, %arg0, %eq3A_210 : i32
      %convert_element_type3A_212 = arith.extui %eq3A_211 : i1 to i32
      %cond3A_213 = arith.constant 0 : i32
      %cond3A_214 = arith.cmpi ne, %convert_element_type3A_212, %cond3A_213 : i32
      scf.if %cond3A_214 {
        %dma_start3A_347 = arith.constant 0 : i32
        %dma_start3A_348 = tpu.memref_slice %arg8[%add3A_204, %dma_start3A_347] : memref<160x128xi32, #tpu.memory_space<vmem>> -> memref<1x128xi32, #tpu.memory_space<vmem>>
        %dma_start3A_349 = tpu.memref_squeeze %dma_start3A_348 : memref<1x128xi32, #tpu.memory_space<vmem>> -> memref<128xi32, #tpu.memory_space<vmem>>
        %dma_start3A_350 = arith.constant 0 : i32
        %dma_start3A_351 = arith.constant 0 : i32
        %dma_start3A_352 = tpu.memref_slice %arg3[%dma_start3A_350, %dma_start3A_351] : memref<10000x32xf32, #tpu.memory_space<hbm>> -> memref<10000x32xf32, #tpu.memory_space<hbm>>
        tpu.enqueue_indirect_dma source(%dma_start3A_352 : memref<10000x32xf32, #tpu.memory_space<hbm>>) target(%arg11 : memref<128x32xf32, #tpu.memory_space<vmem>>) offsets(%dma_start3A_349 : memref<128xi32, #tpu.memory_space<vmem>>) semaphore(%arg20 : memref<!tpu.dma_semaphore, #tpu.memory_space<semaphore_mem>>)
      } else {
      }
      %dma_wait3A_215 = arith.constant 0 : i32
      %dma_wait3A_216 = arith.constant 0 : i32
      %dma_wait3A_217 = tpu.memref_slice %arg2[%dma_wait3A_215, %dma_wait3A_216] : memref<10000x32xf32, #tpu.memory_space<hbm>> -> memref<128x32xf32, #tpu.memory_space<hbm>>
      %dma_wait3A_218 = arith.constant 0 : i32
      %dma_wait3A_219 = arith.constant 0 : i32
      %dma_wait3A_220 = tpu.memref_slice %arg2[%dma_wait3A_218, %dma_wait3A_219] : memref<10000x32xf32, #tpu.memory_space<hbm>> -> memref<128x32xf32, #tpu.memory_space<hbm>>
      tpu.wait_dma2 semaphore(%arg21 : memref<!tpu.dma_semaphore, #tpu.memory_space<semaphore_mem>>) src(%dma_wait3A_220 : memref<128x32xf32, #tpu.memory_space<hbm>>) dst(%arg12 : memref<128x32xf32, #tpu.memory_space<vmem>>)
      %add3A_221 = arith.constant 2 : i32
      %add3A_222 = arith.addi %mul3A_171, %add3A_221 : i32
      "tpu.region"() ({
        %run_scoped3A_347 = tpu.sem_alloc : memref<!tpu.dma_semaphore, #tpu.memory_space<semaphore_mem>>
        %dma_start3A_348 = arith.constant 0 : i32
        %dma_start3A_349 = tpu.memref_slice %arg9[%add3A_222, %dma_start3A_348] : memref<160x128xi32, #tpu.memory_space<vmem>> -> memref<1x128xi32, #tpu.memory_space<vmem>>
        %dma_start3A_350 = tpu.memref_squeeze %dma_start3A_349 : memref<1x128xi32, #tpu.memory_space<vmem>> -> memref<128xi32, #tpu.memory_space<vmem>>
        %dma_start3A_351 = arith.constant 0 : i32
        %dma_start3A_352 = arith.constant 0 : i32
        %dma_start3A_353 = tpu.memref_slice %arg18[%dma_start3A_351, %dma_start3A_352] : memref<10240x32xf32, #tpu.memory_space<vmem_shared>> -> memref<10240x32xf32, #tpu.memory_space<vmem_shared>>
        tpu.enqueue_indirect_dma source(%arg12 : memref<128x32xf32, #tpu.memory_space<vmem>>) target(%dma_start3A_353 : memref<10240x32xf32, #tpu.memory_space<vmem_shared>>) offsets(%dma_start3A_350 : memref<128xi32, #tpu.memory_space<vmem>>) semaphore(%run_scoped3A_347 : memref<!tpu.dma_semaphore, #tpu.memory_space<semaphore_mem>>) {add = true}
        %dma_wait3A_354 = arith.constant 0 : i32
        %dma_wait3A_355 = tpu.memref_slice %arg9[%add3A_222, %dma_wait3A_354] : memref<160x128xi32, #tpu.memory_space<vmem>> -> memref<1x128xi32, #tpu.memory_space<vmem>>
        %dma_wait3A_356 = tpu.memref_squeeze %dma_wait3A_355 : memref<1x128xi32, #tpu.memory_space<vmem>> -> memref<128xi32, #tpu.memory_space<vmem>>
        %dma_wait3A_357 = arith.constant 0 : i32
        %dma_wait3A_358 = arith.constant 0 : i32
        %dma_wait3A_359 = tpu.memref_slice %arg18[%dma_wait3A_357, %dma_wait3A_358] : memref<10240x32xf32, #tpu.memory_space<vmem_shared>> -> memref<10240x32xf32, #tpu.memory_space<vmem_shared>>
        tpu.wait_indirect_dma semaphore(%run_scoped3A_347 : memref<!tpu.dma_semaphore, #tpu.memory_space<semaphore_mem>>) src(%arg12 : memref<128x32xf32, #tpu.memory_space<vmem>>) dst(%dma_wait3A_359 : memref<10240x32xf32, #tpu.memory_space<vmem_shared>>)
        tpu.yield
      }) : () -> ()
      %add3A_223 = arith.constant 2 : i32
      %add3A_224 = arith.addi %mul3A_171, %add3A_223 : i32
      %add3A_225 = arith.constant 8 : i32
      %add3A_226 = arith.addi %add3A_224, %add3A_225 : i32
      %eq3A_227 = arith.constant 0 : i32
      %eq3A_228 = arith.cmpi eq, %arg0, %eq3A_227 : i32
      %convert_element_type3A_229 = arith.extui %eq3A_228 : i1 to i32
      %cond3A_230 = arith.constant 0 : i32
      %cond3A_231 = arith.cmpi ne, %convert_element_type3A_229, %cond3A_230 : i32
      scf.if %cond3A_231 {
        %dma_start3A_347 = arith.constant 0 : i32
        %dma_start3A_348 = tpu.memref_slice %arg8[%add3A_226, %dma_start3A_347] : memref<160x128xi32, #tpu.memory_space<vmem>> -> memref<1x128xi32, #tpu.memory_space<vmem>>
        %dma_start3A_349 = tpu.memref_squeeze %dma_start3A_348 : memref<1x128xi32, #tpu.memory_space<vmem>> -> memref<128xi32, #tpu.memory_space<vmem>>
        %dma_start3A_350 = arith.constant 0 : i32
        %dma_start3A_351 = arith.constant 0 : i32
        %dma_start3A_352 = tpu.memref_slice %arg2[%dma_start3A_350, %dma_start3A_351] : memref<10000x32xf32, #tpu.memory_space<hbm>> -> memref<10000x32xf32, #tpu.memory_space<hbm>>
        tpu.enqueue_indirect_dma source(%dma_start3A_352 : memref<10000x32xf32, #tpu.memory_space<hbm>>) target(%arg12 : memref<128x32xf32, #tpu.memory_space<vmem>>) offsets(%dma_start3A_349 : memref<128xi32, #tpu.memory_space<vmem>>) semaphore(%arg21 : memref<!tpu.dma_semaphore, #tpu.memory_space<semaphore_mem>>)
      } else {
      }
      %eq3A_232 = arith.constant 1 : i32
      %eq3A_233 = arith.cmpi eq, %arg0, %eq3A_232 : i32
      %convert_element_type3A_234 = arith.extui %eq3A_233 : i1 to i32
      %cond3A_235 = arith.constant 0 : i32
      %cond3A_236 = arith.cmpi ne, %convert_element_type3A_234, %cond3A_235 : i32
      scf.if %cond3A_236 {
        %dma_start3A_347 = arith.constant 0 : i32
        %dma_start3A_348 = tpu.memref_slice %arg8[%add3A_226, %dma_start3A_347] : memref<160x128xi32, #tpu.memory_space<vmem>> -> memref<1x128xi32, #tpu.memory_space<vmem>>
        %dma_start3A_349 = tpu.memref_squeeze %dma_start3A_348 : memref<1x128xi32, #tpu.memory_space<vmem>> -> memref<128xi32, #tpu.memory_space<vmem>>
        %dma_start3A_350 = arith.constant 0 : i32
        %dma_start3A_351 = arith.constant 0 : i32
        %dma_start3A_352 = tpu.memref_slice %arg3[%dma_start3A_350, %dma_start3A_351] : memref<10000x32xf32, #tpu.memory_space<hbm>> -> memref<10000x32xf32, #tpu.memory_space<hbm>>
        tpu.enqueue_indirect_dma source(%dma_start3A_352 : memref<10000x32xf32, #tpu.memory_space<hbm>>) target(%arg12 : memref<128x32xf32, #tpu.memory_space<vmem>>) offsets(%dma_start3A_349 : memref<128xi32, #tpu.memory_space<vmem>>) semaphore(%arg21 : memref<!tpu.dma_semaphore, #tpu.memory_space<semaphore_mem>>)
      } else {
      }
      %dma_wait3A_237 = arith.constant 0 : i32
      %dma_wait3A_238 = arith.constant 0 : i32
      %dma_wait3A_239 = tpu.memref_slice %arg2[%dma_wait3A_237, %dma_wait3A_238] : memref<10000x32xf32, #tpu.memory_space<hbm>> -> memref<128x32xf32, #tpu.memory_space<hbm>>
      %dma_wait3A_240 = arith.constant 0 : i32
      %dma_wait3A_241 = arith.constant 0 : i32
      %dma_wait3A_242 = tpu.memref_slice %arg2[%dma_wait3A_240, %dma_wait3A_241] : memref<10000x32xf32, #tpu.memory_space<hbm>> -> memref<128x32xf32, #tpu.memory_space<hbm>>
      tpu.wait_dma2 semaphore(%arg22 : memref<!tpu.dma_semaphore, #tpu.memory_space<semaphore_mem>>) src(%dma_wait3A_242 : memref<128x32xf32, #tpu.memory_space<hbm>>) dst(%arg13 : memref<128x32xf32, #tpu.memory_space<vmem>>)
      %add3A_243 = arith.constant 3 : i32
      %add3A_244 = arith.addi %mul3A_171, %add3A_243 : i32
      "tpu.region"() ({
        %run_scoped3A_347 = tpu.sem_alloc : memref<!tpu.dma_semaphore, #tpu.memory_space<semaphore_mem>>
        %dma_start3A_348 = arith.constant 0 : i32
        %dma_start3A_349 = tpu.memref_slice %arg9[%add3A_244, %dma_start3A_348] : memref<160x128xi32, #tpu.memory_space<vmem>> -> memref<1x128xi32, #tpu.memory_space<vmem>>
        %dma_start3A_350 = tpu.memref_squeeze %dma_start3A_349 : memref<1x128xi32, #tpu.memory_space<vmem>> -> memref<128xi32, #tpu.memory_space<vmem>>
        %dma_start3A_351 = arith.constant 0 : i32
        %dma_start3A_352 = arith.constant 0 : i32
        %dma_start3A_353 = tpu.memref_slice %arg18[%dma_start3A_351, %dma_start3A_352] : memref<10240x32xf32, #tpu.memory_space<vmem_shared>> -> memref<10240x32xf32, #tpu.memory_space<vmem_shared>>
        tpu.enqueue_indirect_dma source(%arg13 : memref<128x32xf32, #tpu.memory_space<vmem>>) target(%dma_start3A_353 : memref<10240x32xf32, #tpu.memory_space<vmem_shared>>) offsets(%dma_start3A_350 : memref<128xi32, #tpu.memory_space<vmem>>) semaphore(%run_scoped3A_347 : memref<!tpu.dma_semaphore, #tpu.memory_space<semaphore_mem>>) {add = true}
        %dma_wait3A_354 = arith.constant 0 : i32
        %dma_wait3A_355 = tpu.memref_slice %arg9[%add3A_244, %dma_wait3A_354] : memref<160x128xi32, #tpu.memory_space<vmem>> -> memref<1x128xi32, #tpu.memory_space<vmem>>
        %dma_wait3A_356 = tpu.memref_squeeze %dma_wait3A_355 : memref<1x128xi32, #tpu.memory_space<vmem>> -> memref<128xi32, #tpu.memory_space<vmem>>
        %dma_wait3A_357 = arith.constant 0 : i32
        %dma_wait3A_358 = arith.constant 0 : i32
        %dma_wait3A_359 = tpu.memref_slice %arg18[%dma_wait3A_357, %dma_wait3A_358] : memref<10240x32xf32, #tpu.memory_space<vmem_shared>> -> memref<10240x32xf32, #tpu.memory_space<vmem_shared>>
        tpu.wait_indirect_dma semaphore(%run_scoped3A_347 : memref<!tpu.dma_semaphore, #tpu.memory_space<semaphore_mem>>) src(%arg13 : memref<128x32xf32, #tpu.memory_space<vmem>>) dst(%dma_wait3A_359 : memref<10240x32xf32, #tpu.memory_space<vmem_shared>>)
        tpu.yield
      }) : () -> ()
      %add3A_245 = arith.constant 3 : i32
      %add3A_246 = arith.addi %mul3A_171, %add3A_245 : i32
      %add3A_247 = arith.constant 8 : i32
      %add3A_248 = arith.addi %add3A_246, %add3A_247 : i32
      %eq3A_249 = arith.constant 0 : i32
      %eq3A_250 = arith.cmpi eq, %arg0, %eq3A_249 : i32
      %convert_element_type3A_251 = arith.extui %eq3A_250 : i1 to i32
      %cond3A_252 = arith.constant 0 : i32
      %cond3A_253 = arith.cmpi ne, %convert_element_type3A_251, %cond3A_252 : i32
      scf.if %cond3A_253 {
        %dma_start3A_347 = arith.constant 0 : i32
        %dma_start3A_348 = tpu.memref_slice %arg8[%add3A_248, %dma_start3A_347] : memref<160x128xi32, #tpu.memory_space<vmem>> -> memref<1x128xi32, #tpu.memory_space<vmem>>
        %dma_start3A_349 = tpu.memref_squeeze %dma_start3A_348 : memref<1x128xi32, #tpu.memory_space<vmem>> -> memref<128xi32, #tpu.memory_space<vmem>>
        %dma_start3A_350 = arith.constant 0 : i32
        %dma_start3A_351 = arith.constant 0 : i32
        %dma_start3A_352 = tpu.memref_slice %arg2[%dma_start3A_350, %dma_start3A_351] : memref<10000x32xf32, #tpu.memory_space<hbm>> -> memref<10000x32xf32, #tpu.memory_space<hbm>>
        tpu.enqueue_indirect_dma source(%dma_start3A_352 : memref<10000x32xf32, #tpu.memory_space<hbm>>) target(%arg13 : memref<128x32xf32, #tpu.memory_space<vmem>>) offsets(%dma_start3A_349 : memref<128xi32, #tpu.memory_space<vmem>>) semaphore(%arg22 : memref<!tpu.dma_semaphore, #tpu.memory_space<semaphore_mem>>)
      } else {
      }
      %eq3A_254 = arith.constant 1 : i32
      %eq3A_255 = arith.cmpi eq, %arg0, %eq3A_254 : i32
      %convert_element_type3A_256 = arith.extui %eq3A_255 : i1 to i32
      %cond3A_257 = arith.constant 0 : i32
      %cond3A_258 = arith.cmpi ne, %convert_element_type3A_256, %cond3A_257 : i32
      scf.if %cond3A_258 {
        %dma_start3A_347 = arith.constant 0 : i32
        %dma_start3A_348 = tpu.memref_slice %arg8[%add3A_248, %dma_start3A_347] : memref<160x128xi32, #tpu.memory_space<vmem>> -> memref<1x128xi32, #tpu.memory_space<vmem>>
        %dma_start3A_349 = tpu.memref_squeeze %dma_start3A_348 : memref<1x128xi32, #tpu.memory_space<vmem>> -> memref<128xi32, #tpu.memory_space<vmem>>
        %dma_start3A_350 = arith.constant 0 : i32
        %dma_start3A_351 = arith.constant 0 : i32
        %dma_start3A_352 = tpu.memref_slice %arg3[%dma_start3A_350, %dma_start3A_351] : memref<10000x32xf32, #tpu.memory_space<hbm>> -> memref<10000x32xf32, #tpu.memory_space<hbm>>
        tpu.enqueue_indirect_dma source(%dma_start3A_352 : memref<10000x32xf32, #tpu.memory_space<hbm>>) target(%arg13 : memref<128x32xf32, #tpu.memory_space<vmem>>) offsets(%dma_start3A_349 : memref<128xi32, #tpu.memory_space<vmem>>) semaphore(%arg22 : memref<!tpu.dma_semaphore, #tpu.memory_space<semaphore_mem>>)
      } else {
      }
      %dma_wait3A_259 = arith.constant 0 : i32
      %dma_wait3A_260 = arith.constant 0 : i32
      %dma_wait3A_261 = tpu.memref_slice %arg2[%dma_wait3A_259, %dma_wait3A_260] : memref<10000x32xf32, #tpu.memory_space<hbm>> -> memref<128x32xf32, #tpu.memory_space<hbm>>
      %dma_wait3A_262 = arith.constant 0 : i32
      %dma_wait3A_263 = arith.constant 0 : i32
      %dma_wait3A_264 = tpu.memref_slice %arg2[%dma_wait3A_262, %dma_wait3A_263] : memref<10000x32xf32, #tpu.memory_space<hbm>> -> memref<128x32xf32, #tpu.memory_space<hbm>>
      tpu.wait_dma2 semaphore(%arg23 : memref<!tpu.dma_semaphore, #tpu.memory_space<semaphore_mem>>) src(%dma_wait3A_264 : memref<128x32xf32, #tpu.memory_space<hbm>>) dst(%arg14 : memref<128x32xf32, #tpu.memory_space<vmem>>)
      %add3A_265 = arith.constant 4 : i32
      %add3A_266 = arith.addi %mul3A_171, %add3A_265 : i32
      "tpu.region"() ({
        %run_scoped3A_347 = tpu.sem_alloc : memref<!tpu.dma_semaphore, #tpu.memory_space<semaphore_mem>>
        %dma_start3A_348 = arith.constant 0 : i32
        %dma_start3A_349 = tpu.memref_slice %arg9[%add3A_266, %dma_start3A_348] : memref<160x128xi32, #tpu.memory_space<vmem>> -> memref<1x128xi32, #tpu.memory_space<vmem>>
        %dma_start3A_350 = tpu.memref_squeeze %dma_start3A_349 : memref<1x128xi32, #tpu.memory_space<vmem>> -> memref<128xi32, #tpu.memory_space<vmem>>
        %dma_start3A_351 = arith.constant 0 : i32
        %dma_start3A_352 = arith.constant 0 : i32
        %dma_start3A_353 = tpu.memref_slice %arg18[%dma_start3A_351, %dma_start3A_352] : memref<10240x32xf32, #tpu.memory_space<vmem_shared>> -> memref<10240x32xf32, #tpu.memory_space<vmem_shared>>
        tpu.enqueue_indirect_dma source(%arg14 : memref<128x32xf32, #tpu.memory_space<vmem>>) target(%dma_start3A_353 : memref<10240x32xf32, #tpu.memory_space<vmem_shared>>) offsets(%dma_start3A_350 : memref<128xi32, #tpu.memory_space<vmem>>) semaphore(%run_scoped3A_347 : memref<!tpu.dma_semaphore, #tpu.memory_space<semaphore_mem>>) {add = true}
        %dma_wait3A_354 = arith.constant 0 : i32
        %dma_wait3A_355 = tpu.memref_slice %arg9[%add3A_266, %dma_wait3A_354] : memref<160x128xi32, #tpu.memory_space<vmem>> -> memref<1x128xi32, #tpu.memory_space<vmem>>
        %dma_wait3A_356 = tpu.memref_squeeze %dma_wait3A_355 : memref<1x128xi32, #tpu.memory_space<vmem>> -> memref<128xi32, #tpu.memory_space<vmem>>
        %dma_wait3A_357 = arith.constant 0 : i32
        %dma_wait3A_358 = arith.constant 0 : i32
        %dma_wait3A_359 = tpu.memref_slice %arg18[%dma_wait3A_357, %dma_wait3A_358] : memref<10240x32xf32, #tpu.memory_space<vmem_shared>> -> memref<10240x32xf32, #tpu.memory_space<vmem_shared>>
        tpu.wait_indirect_dma semaphore(%run_scoped3A_347 : memref<!tpu.dma_semaphore, #tpu.memory_space<semaphore_mem>>) src(%arg14 : memref<128x32xf32, #tpu.memory_space<vmem>>) dst(%dma_wait3A_359 : memref<10240x32xf32, #tpu.memory_space<vmem_shared>>)
        tpu.yield
      }) : () -> ()
      %add3A_267 = arith.constant 4 : i32
      %add3A_268 = arith.addi %mul3A_171, %add3A_267 : i32
      %add3A_269 = arith.constant 8 : i32
      %add3A_270 = arith.addi %add3A_268, %add3A_269 : i32
      %eq3A_271 = arith.constant 0 : i32
      %eq3A_272 = arith.cmpi eq, %arg0, %eq3A_271 : i32
      %convert_element_type3A_273 = arith.extui %eq3A_272 : i1 to i32
      %cond3A_274 = arith.constant 0 : i32
      %cond3A_275 = arith.cmpi ne, %convert_element_type3A_273, %cond3A_274 : i32
      scf.if %cond3A_275 {
        %dma_start3A_347 = arith.constant 0 : i32
        %dma_start3A_348 = tpu.memref_slice %arg8[%add3A_270, %dma_start3A_347] : memref<160x128xi32, #tpu.memory_space<vmem>> -> memref<1x128xi32, #tpu.memory_space<vmem>>
        %dma_start3A_349 = tpu.memref_squeeze %dma_start3A_348 : memref<1x128xi32, #tpu.memory_space<vmem>> -> memref<128xi32, #tpu.memory_space<vmem>>
        %dma_start3A_350 = arith.constant 0 : i32
        %dma_start3A_351 = arith.constant 0 : i32
        %dma_start3A_352 = tpu.memref_slice %arg2[%dma_start3A_350, %dma_start3A_351] : memref<10000x32xf32, #tpu.memory_space<hbm>> -> memref<10000x32xf32, #tpu.memory_space<hbm>>
        tpu.enqueue_indirect_dma source(%dma_start3A_352 : memref<10000x32xf32, #tpu.memory_space<hbm>>) target(%arg14 : memref<128x32xf32, #tpu.memory_space<vmem>>) offsets(%dma_start3A_349 : memref<128xi32, #tpu.memory_space<vmem>>) semaphore(%arg23 : memref<!tpu.dma_semaphore, #tpu.memory_space<semaphore_mem>>)
      } else {
      }
      %eq3A_276 = arith.constant 1 : i32
      %eq3A_277 = arith.cmpi eq, %arg0, %eq3A_276 : i32
      %convert_element_type3A_278 = arith.extui %eq3A_277 : i1 to i32
      %cond3A_279 = arith.constant 0 : i32
      %cond3A_280 = arith.cmpi ne, %convert_element_type3A_278, %cond3A_279 : i32
      scf.if %cond3A_280 {
        %dma_start3A_347 = arith.constant 0 : i32
        %dma_start3A_348 = tpu.memref_slice %arg8[%add3A_270, %dma_start3A_347] : memref<160x128xi32, #tpu.memory_space<vmem>> -> memref<1x128xi32, #tpu.memory_space<vmem>>
        %dma_start3A_349 = tpu.memref_squeeze %dma_start3A_348 : memref<1x128xi32, #tpu.memory_space<vmem>> -> memref<128xi32, #tpu.memory_space<vmem>>
        %dma_start3A_350 = arith.constant 0 : i32
        %dma_start3A_351 = arith.constant 0 : i32
        %dma_start3A_352 = tpu.memref_slice %arg3[%dma_start3A_350, %dma_start3A_351] : memref<10000x32xf32, #tpu.memory_space<hbm>> -> memref<10000x32xf32, #tpu.memory_space<hbm>>
        tpu.enqueue_indirect_dma source(%dma_start3A_352 : memref<10000x32xf32, #tpu.memory_space<hbm>>) target(%arg14 : memref<128x32xf32, #tpu.memory_space<vmem>>) offsets(%dma_start3A_349 : memref<128xi32, #tpu.memory_space<vmem>>) semaphore(%arg23 : memref<!tpu.dma_semaphore, #tpu.memory_space<semaphore_mem>>)
      } else {
      }
      %dma_wait3A_281 = arith.constant 0 : i32
      %dma_wait3A_282 = arith.constant 0 : i32
      %dma_wait3A_283 = tpu.memref_slice %arg2[%dma_wait3A_281, %dma_wait3A_282] : memref<10000x32xf32, #tpu.memory_space<hbm>> -> memref<128x32xf32, #tpu.memory_space<hbm>>
      %dma_wait3A_284 = arith.constant 0 : i32
      %dma_wait3A_285 = arith.constant 0 : i32
      %dma_wait3A_286 = tpu.memref_slice %arg2[%dma_wait3A_284, %dma_wait3A_285] : memref<10000x32xf32, #tpu.memory_space<hbm>> -> memref<128x32xf32, #tpu.memory_space<hbm>>
      tpu.wait_dma2 semaphore(%arg24 : memref<!tpu.dma_semaphore, #tpu.memory_space<semaphore_mem>>) src(%dma_wait3A_286 : memref<128x32xf32, #tpu.memory_space<hbm>>) dst(%arg15 : memref<128x32xf32, #tpu.memory_space<vmem>>)
      %add3A_287 = arith.constant 5 : i32
      %add3A_288 = arith.addi %mul3A_171, %add3A_287 : i32
      "tpu.region"() ({
        %run_scoped3A_347 = tpu.sem_alloc : memref<!tpu.dma_semaphore, #tpu.memory_space<semaphore_mem>>
        %dma_start3A_348 = arith.constant 0 : i32
        %dma_start3A_349 = tpu.memref_slice %arg9[%add3A_288, %dma_start3A_348] : memref<160x128xi32, #tpu.memory_space<vmem>> -> memref<1x128xi32, #tpu.memory_space<vmem>>
        %dma_start3A_350 = tpu.memref_squeeze %dma_start3A_349 : memref<1x128xi32, #tpu.memory_space<vmem>> -> memref<128xi32, #tpu.memory_space<vmem>>
        %dma_start3A_351 = arith.constant 0 : i32
        %dma_start3A_352 = arith.constant 0 : i32
        %dma_start3A_353 = tpu.memref_slice %arg18[%dma_start3A_351, %dma_start3A_352] : memref<10240x32xf32, #tpu.memory_space<vmem_shared>> -> memref<10240x32xf32, #tpu.memory_space<vmem_shared>>
        tpu.enqueue_indirect_dma source(%arg15 : memref<128x32xf32, #tpu.memory_space<vmem>>) target(%dma_start3A_353 : memref<10240x32xf32, #tpu.memory_space<vmem_shared>>) offsets(%dma_start3A_350 : memref<128xi32, #tpu.memory_space<vmem>>) semaphore(%run_scoped3A_347 : memref<!tpu.dma_semaphore, #tpu.memory_space<semaphore_mem>>) {add = true}
        %dma_wait3A_354 = arith.constant 0 : i32
        %dma_wait3A_355 = tpu.memref_slice %arg9[%add3A_288, %dma_wait3A_354] : memref<160x128xi32, #tpu.memory_space<vmem>> -> memref<1x128xi32, #tpu.memory_space<vmem>>
        %dma_wait3A_356 = tpu.memref_squeeze %dma_wait3A_355 : memref<1x128xi32, #tpu.memory_space<vmem>> -> memref<128xi32, #tpu.memory_space<vmem>>
        %dma_wait3A_357 = arith.constant 0 : i32
        %dma_wait3A_358 = arith.constant 0 : i32
        %dma_wait3A_359 = tpu.memref_slice %arg18[%dma_wait3A_357, %dma_wait3A_358] : memref<10240x32xf32, #tpu.memory_space<vmem_shared>> -> memref<10240x32xf32, #tpu.memory_space<vmem_shared>>
        tpu.wait_indirect_dma semaphore(%run_scoped3A_347 : memref<!tpu.dma_semaphore, #tpu.memory_space<semaphore_mem>>) src(%arg15 : memref<128x32xf32, #tpu.memory_space<vmem>>) dst(%dma_wait3A_359 : memref<10240x32xf32, #tpu.memory_space<vmem_shared>>)
        tpu.yield
      }) : () -> ()
      %add3A_289 = arith.constant 5 : i32
      %add3A_290 = arith.addi %mul3A_171, %add3A_289 : i32
      %add3A_291 = arith.constant 8 : i32
      %add3A_292 = arith.addi %add3A_290, %add3A_291 : i32
      %eq3A_293 = arith.constant 0 : i32
      %eq3A_294 = arith.cmpi eq, %arg0, %eq3A_293 : i32
      %convert_element_type3A_295 = arith.extui %eq3A_294 : i1 to i32
      %cond3A_296 = arith.constant 0 : i32
      %cond3A_297 = arith.cmpi ne, %convert_element_type3A_295, %cond3A_296 : i32
      scf.if %cond3A_297 {
        %dma_start3A_347 = arith.constant 0 : i32
        %dma_start3A_348 = tpu.memref_slice %arg8[%add3A_292, %dma_start3A_347] : memref<160x128xi32, #tpu.memory_space<vmem>> -> memref<1x128xi32, #tpu.memory_space<vmem>>
        %dma_start3A_349 = tpu.memref_squeeze %dma_start3A_348 : memref<1x128xi32, #tpu.memory_space<vmem>> -> memref<128xi32, #tpu.memory_space<vmem>>
        %dma_start3A_350 = arith.constant 0 : i32
        %dma_start3A_351 = arith.constant 0 : i32
        %dma_start3A_352 = tpu.memref_slice %arg2[%dma_start3A_350, %dma_start3A_351] : memref<10000x32xf32, #tpu.memory_space<hbm>> -> memref<10000x32xf32, #tpu.memory_space<hbm>>
        tpu.enqueue_indirect_dma source(%dma_start3A_352 : memref<10000x32xf32, #tpu.memory_space<hbm>>) target(%arg15 : memref<128x32xf32, #tpu.memory_space<vmem>>) offsets(%dma_start3A_349 : memref<128xi32, #tpu.memory_space<vmem>>) semaphore(%arg24 : memref<!tpu.dma_semaphore, #tpu.memory_space<semaphore_mem>>)
      } else {
      }
      %eq3A_298 = arith.constant 1 : i32
      %eq3A_299 = arith.cmpi eq, %arg0, %eq3A_298 : i32
      %convert_element_type3A_300 = arith.extui %eq3A_299 : i1 to i32
      %cond3A_301 = arith.constant 0 : i32
      %cond3A_302 = arith.cmpi ne, %convert_element_type3A_300, %cond3A_301 : i32
      scf.if %cond3A_302 {
        %dma_start3A_347 = arith.constant 0 : i32
        %dma_start3A_348 = tpu.memref_slice %arg8[%add3A_292, %dma_start3A_347] : memref<160x128xi32, #tpu.memory_space<vmem>> -> memref<1x128xi32, #tpu.memory_space<vmem>>
        %dma_start3A_349 = tpu.memref_squeeze %dma_start3A_348 : memref<1x128xi32, #tpu.memory_space<vmem>> -> memref<128xi32, #tpu.memory_space<vmem>>
        %dma_start3A_350 = arith.constant 0 : i32
        %dma_start3A_351 = arith.constant 0 : i32
        %dma_start3A_352 = tpu.memref_slice %arg3[%dma_start3A_350, %dma_start3A_351] : memref<10000x32xf32, #tpu.memory_space<hbm>> -> memref<10000x32xf32, #tpu.memory_space<hbm>>
        tpu.enqueue_indirect_dma source(%dma_start3A_352 : memref<10000x32xf32, #tpu.memory_space<hbm>>) target(%arg15 : memref<128x32xf32, #tpu.memory_space<vmem>>) offsets(%dma_start3A_349 : memref<128xi32, #tpu.memory_space<vmem>>) semaphore(%arg24 : memref<!tpu.dma_semaphore, #tpu.memory_space<semaphore_mem>>)
      } else {
      }
      %dma_wait3A_303 = arith.constant 0 : i32
      %dma_wait3A_304 = arith.constant 0 : i32
      %dma_wait3A_305 = tpu.memref_slice %arg2[%dma_wait3A_303, %dma_wait3A_304] : memref<10000x32xf32, #tpu.memory_space<hbm>> -> memref<128x32xf32, #tpu.memory_space<hbm>>
      %dma_wait3A_306 = arith.constant 0 : i32
      %dma_wait3A_307 = arith.constant 0 : i32
      %dma_wait3A_308 = tpu.memref_slice %arg2[%dma_wait3A_306, %dma_wait3A_307] : memref<10000x32xf32, #tpu.memory_space<hbm>> -> memref<128x32xf32, #tpu.memory_space<hbm>>
      tpu.wait_dma2 semaphore(%arg25 : memref<!tpu.dma_semaphore, #tpu.memory_space<semaphore_mem>>) src(%dma_wait3A_308 : memref<128x32xf32, #tpu.memory_space<hbm>>) dst(%arg16 : memref<128x32xf32, #tpu.memory_space<vmem>>)
      %add3A_309 = arith.constant 6 : i32
      %add3A_310 = arith.addi %mul3A_171, %add3A_309 : i32
      "tpu.region"() ({
        %run_scoped3A_347 = tpu.sem_alloc : memref<!tpu.dma_semaphore, #tpu.memory_space<semaphore_mem>>
        %dma_start3A_348 = arith.constant 0 : i32
        %dma_start3A_349 = tpu.memref_slice %arg9[%add3A_310, %dma_start3A_348] : memref<160x128xi32, #tpu.memory_space<vmem>> -> memref<1x128xi32, #tpu.memory_space<vmem>>
        %dma_start3A_350 = tpu.memref_squeeze %dma_start3A_349 : memref<1x128xi32, #tpu.memory_space<vmem>> -> memref<128xi32, #tpu.memory_space<vmem>>
        %dma_start3A_351 = arith.constant 0 : i32
        %dma_start3A_352 = arith.constant 0 : i32
        %dma_start3A_353 = tpu.memref_slice %arg18[%dma_start3A_351, %dma_start3A_352] : memref<10240x32xf32, #tpu.memory_space<vmem_shared>> -> memref<10240x32xf32, #tpu.memory_space<vmem_shared>>
        tpu.enqueue_indirect_dma source(%arg16 : memref<128x32xf32, #tpu.memory_space<vmem>>) target(%dma_start3A_353 : memref<10240x32xf32, #tpu.memory_space<vmem_shared>>) offsets(%dma_start3A_350 : memref<128xi32, #tpu.memory_space<vmem>>) semaphore(%run_scoped3A_347 : memref<!tpu.dma_semaphore, #tpu.memory_space<semaphore_mem>>) {add = true}
        %dma_wait3A_354 = arith.constant 0 : i32
        %dma_wait3A_355 = tpu.memref_slice %arg9[%add3A_310, %dma_wait3A_354] : memref<160x128xi32, #tpu.memory_space<vmem>> -> memref<1x128xi32, #tpu.memory_space<vmem>>
        %dma_wait3A_356 = tpu.memref_squeeze %dma_wait3A_355 : memref<1x128xi32, #tpu.memory_space<vmem>> -> memref<128xi32, #tpu.memory_space<vmem>>
        %dma_wait3A_357 = arith.constant 0 : i32
        %dma_wait3A_358 = arith.constant 0 : i32
        %dma_wait3A_359 = tpu.memref_slice %arg18[%dma_wait3A_357, %dma_wait3A_358] : memref<10240x32xf32, #tpu.memory_space<vmem_shared>> -> memref<10240x32xf32, #tpu.memory_space<vmem_shared>>
        tpu.wait_indirect_dma semaphore(%run_scoped3A_347 : memref<!tpu.dma_semaphore, #tpu.memory_space<semaphore_mem>>) src(%arg16 : memref<128x32xf32, #tpu.memory_space<vmem>>) dst(%dma_wait3A_359 : memref<10240x32xf32, #tpu.memory_space<vmem_shared>>)
        tpu.yield
      }) : () -> ()
      %add3A_311 = arith.constant 6 : i32
      %add3A_312 = arith.addi %mul3A_171, %add3A_311 : i32
      %add3A_313 = arith.constant 8 : i32
      %add3A_314 = arith.addi %add3A_312, %add3A_313 : i32
      %eq3A_315 = arith.constant 0 : i32
      %eq3A_316 = arith.cmpi eq, %arg0, %eq3A_315 : i32
      %convert_element_type3A_317 = arith.extui %eq3A_316 : i1 to i32
      %cond3A_318 = arith.constant 0 : i32
      %cond3A_319 = arith.cmpi ne, %convert_element_type3A_317, %cond3A_318 : i32
      scf.if %cond3A_319 {
        %dma_start3A_347 = arith.constant 0 : i32
        %dma_start3A_348 = tpu.memref_slice %arg8[%add3A_314, %dma_start3A_347] : memref<160x128xi32, #tpu.memory_space<vmem>> -> memref<1x128xi32, #tpu.memory_space<vmem>>
        %dma_start3A_349 = tpu.memref_squeeze %dma_start3A_348 : memref<1x128xi32, #tpu.memory_space<vmem>> -> memref<128xi32, #tpu.memory_space<vmem>>
        %dma_start3A_350 = arith.constant 0 : i32
        %dma_start3A_351 = arith.constant 0 : i32
        %dma_start3A_352 = tpu.memref_slice %arg2[%dma_start3A_350, %dma_start3A_351] : memref<10000x32xf32, #tpu.memory_space<hbm>> -> memref<10000x32xf32, #tpu.memory_space<hbm>>
        tpu.enqueue_indirect_dma source(%dma_start3A_352 : memref<10000x32xf32, #tpu.memory_space<hbm>>) target(%arg16 : memref<128x32xf32, #tpu.memory_space<vmem>>) offsets(%dma_start3A_349 : memref<128xi32, #tpu.memory_space<vmem>>) semaphore(%arg25 : memref<!tpu.dma_semaphore, #tpu.memory_space<semaphore_mem>>)
      } else {
      }
      %eq3A_320 = arith.constant 1 : i32
      %eq3A_321 = arith.cmpi eq, %arg0, %eq3A_320 : i32
      %convert_element_type3A_322 = arith.extui %eq3A_321 : i1 to i32
      %cond3A_323 = arith.constant 0 : i32
      %cond3A_324 = arith.cmpi ne, %convert_element_type3A_322, %cond3A_323 : i32
      scf.if %cond3A_324 {
        %dma_start3A_347 = arith.constant 0 : i32
        %dma_start3A_348 = tpu.memref_slice %arg8[%add3A_314, %dma_start3A_347] : memref<160x128xi32, #tpu.memory_space<vmem>> -> memref<1x128xi32, #tpu.memory_space<vmem>>
        %dma_start3A_349 = tpu.memref_squeeze %dma_start3A_348 : memref<1x128xi32, #tpu.memory_space<vmem>> -> memref<128xi32, #tpu.memory_space<vmem>>
        %dma_start3A_350 = arith.constant 0 : i32
        %dma_start3A_351 = arith.constant 0 : i32
        %dma_start3A_352 = tpu.memref_slice %arg3[%dma_start3A_350, %dma_start3A_351] : memref<10000x32xf32, #tpu.memory_space<hbm>> -> memref<10000x32xf32, #tpu.memory_space<hbm>>
        tpu.enqueue_indirect_dma source(%dma_start3A_352 : memref<10000x32xf32, #tpu.memory_space<hbm>>) target(%arg16 : memref<128x32xf32, #tpu.memory_space<vmem>>) offsets(%dma_start3A_349 : memref<128xi32, #tpu.memory_space<vmem>>) semaphore(%arg25 : memref<!tpu.dma_semaphore, #tpu.memory_space<semaphore_mem>>)
      } else {
      }
      %dma_wait3A_325 = arith.constant 0 : i32
      %dma_wait3A_326 = arith.constant 0 : i32
      %dma_wait3A_327 = tpu.memref_slice %arg2[%dma_wait3A_325, %dma_wait3A_326] : memref<10000x32xf32, #tpu.memory_space<hbm>> -> memref<128x32xf32, #tpu.memory_space<hbm>>
      %dma_wait3A_328 = arith.constant 0 : i32
      %dma_wait3A_329 = arith.constant 0 : i32
      %dma_wait3A_330 = tpu.memref_slice %arg2[%dma_wait3A_328, %dma_wait3A_329] : memref<10000x32xf32, #tpu.memory_space<hbm>> -> memref<128x32xf32, #tpu.memory_space<hbm>>
      tpu.wait_dma2 semaphore(%arg26 : memref<!tpu.dma_semaphore, #tpu.memory_space<semaphore_mem>>) src(%dma_wait3A_330 : memref<128x32xf32, #tpu.memory_space<hbm>>) dst(%arg17 : memref<128x32xf32, #tpu.memory_space<vmem>>)
      %add3A_331 = arith.constant 7 : i32
      %add3A_332 = arith.addi %mul3A_171, %add3A_331 : i32
      "tpu.region"() ({
        %run_scoped3A_347 = tpu.sem_alloc : memref<!tpu.dma_semaphore, #tpu.memory_space<semaphore_mem>>
        %dma_start3A_348 = arith.constant 0 : i32
        %dma_start3A_349 = tpu.memref_slice %arg9[%add3A_332, %dma_start3A_348] : memref<160x128xi32, #tpu.memory_space<vmem>> -> memref<1x128xi32, #tpu.memory_space<vmem>>
        %dma_start3A_350 = tpu.memref_squeeze %dma_start3A_349 : memref<1x128xi32, #tpu.memory_space<vmem>> -> memref<128xi32, #tpu.memory_space<vmem>>
        %dma_start3A_351 = arith.constant 0 : i32
        %dma_start3A_352 = arith.constant 0 : i32
        %dma_start3A_353 = tpu.memref_slice %arg18[%dma_start3A_351, %dma_start3A_352] : memref<10240x32xf32, #tpu.memory_space<vmem_shared>> -> memref<10240x32xf32, #tpu.memory_space<vmem_shared>>
        tpu.enqueue_indirect_dma source(%arg17 : memref<128x32xf32, #tpu.memory_space<vmem>>) target(%dma_start3A_353 : memref<10240x32xf32, #tpu.memory_space<vmem_shared>>) offsets(%dma_start3A_350 : memref<128xi32, #tpu.memory_space<vmem>>) semaphore(%run_scoped3A_347 : memref<!tpu.dma_semaphore, #tpu.memory_space<semaphore_mem>>) {add = true}
        %dma_wait3A_354 = arith.constant 0 : i32
        %dma_wait3A_355 = tpu.memref_slice %arg9[%add3A_332, %dma_wait3A_354] : memref<160x128xi32, #tpu.memory_space<vmem>> -> memref<1x128xi32, #tpu.memory_space<vmem>>
        %dma_wait3A_356 = tpu.memref_squeeze %dma_wait3A_355 : memref<1x128xi32, #tpu.memory_space<vmem>> -> memref<128xi32, #tpu.memory_space<vmem>>
        %dma_wait3A_357 = arith.constant 0 : i32
        %dma_wait3A_358 = arith.constant 0 : i32
        %dma_wait3A_359 = tpu.memref_slice %arg18[%dma_wait3A_357, %dma_wait3A_358] : memref<10240x32xf32, #tpu.memory_space<vmem_shared>> -> memref<10240x32xf32, #tpu.memory_space<vmem_shared>>
        tpu.wait_indirect_dma semaphore(%run_scoped3A_347 : memref<!tpu.dma_semaphore, #tpu.memory_space<semaphore_mem>>) src(%arg17 : memref<128x32xf32, #tpu.memory_space<vmem>>) dst(%dma_wait3A_359 : memref<10240x32xf32, #tpu.memory_space<vmem_shared>>)
        tpu.yield
      }) : () -> ()
      %add3A_333 = arith.constant 7 : i32
      %add3A_334 = arith.addi %mul3A_171, %add3A_333 : i32
      %add3A_335 = arith.constant 8 : i32
      %add3A_336 = arith.addi %add3A_334, %add3A_335 : i32
      %eq3A_337 = arith.constant 0 : i32
      %eq3A_338 = arith.cmpi eq, %arg0, %eq3A_337 : i32
      %convert_element_type3A_339 = arith.extui %eq3A_338 : i1 to i32
      %cond3A_340 = arith.constant 0 : i32
      %cond3A_341 = arith.cmpi ne, %convert_element_type3A_339, %cond3A_340 : i32
      scf.if %cond3A_341 {
        %dma_start3A_347 = arith.constant 0 : i32
        %dma_start3A_348 = tpu.memref_slice %arg8[%add3A_336, %dma_start3A_347] : memref<160x128xi32, #tpu.memory_space<vmem>> -> memref<1x128xi32, #tpu.memory_space<vmem>>
        %dma_start3A_349 = tpu.memref_squeeze %dma_start3A_348 : memref<1x128xi32, #tpu.memory_space<vmem>> -> memref<128xi32, #tpu.memory_space<vmem>>
        %dma_start3A_350 = arith.constant 0 : i32
        %dma_start3A_351 = arith.constant 0 : i32
        %dma_start3A_352 = tpu.memref_slice %arg2[%dma_start3A_350, %dma_start3A_351] : memref<10000x32xf32, #tpu.memory_space<hbm>> -> memref<10000x32xf32, #tpu.memory_space<hbm>>
        tpu.enqueue_indirect_dma source(%dma_start3A_352 : memref<10000x32xf32, #tpu.memory_space<hbm>>) target(%arg17 : memref<128x32xf32, #tpu.memory_space<vmem>>) offsets(%dma_start3A_349 : memref<128xi32, #tpu.memory_space<vmem>>) semaphore(%arg26 : memref<!tpu.dma_semaphore, #tpu.memory_space<semaphore_mem>>)
      } else {
      }
      %eq3A_342 = arith.constant 1 : i32
      %eq3A_343 = arith.cmpi eq, %arg0, %eq3A_342 : i32
      %convert_element_type3A_344 = arith.extui %eq3A_343 : i1 to i32
      %cond3A_345 = arith.constant 0 : i32
      %cond3A_346 = arith.cmpi ne, %convert_element_type3A_344, %cond3A_345 : i32
      scf.if %cond3A_346 {
        %dma_start3A_347 = arith.constant 0 : i32
        %dma_start3A_348 = tpu.memref_slice %arg8[%add3A_336, %dma_start3A_347] : memref<160x128xi32, #tpu.memory_space<vmem>> -> memref<1x128xi32, #tpu.memory_space<vmem>>
        %dma_start3A_349 = tpu.memref_squeeze %dma_start3A_348 : memref<1x128xi32, #tpu.memory_space<vmem>> -> memref<128xi32, #tpu.memory_space<vmem>>
        %dma_start3A_350 = arith.constant 0 : i32
        %dma_start3A_351 = arith.constant 0 : i32
        %dma_start3A_352 = tpu.memref_slice %arg3[%dma_start3A_350, %dma_start3A_351] : memref<10000x32xf32, #tpu.memory_space<hbm>> -> memref<10000x32xf32, #tpu.memory_space<hbm>>
        tpu.enqueue_indirect_dma source(%dma_start3A_352 : memref<10000x32xf32, #tpu.memory_space<hbm>>) target(%arg17 : memref<128x32xf32, #tpu.memory_space<vmem>>) offsets(%dma_start3A_349 : memref<128xi32, #tpu.memory_space<vmem>>) semaphore(%arg26 : memref<!tpu.dma_semaphore, #tpu.memory_space<semaphore_mem>>)
      } else {
      }
    }
    %scan3A_112 = arith.constant 19 : i32
    %dma_wait3A_113 = arith.constant 0 : i32
    %dma_wait3A_114 = arith.constant 0 : i32
    %dma_wait3A_115 = tpu.memref_slice %arg2[%dma_wait3A_113, %dma_wait3A_114] : memref<10000x32xf32, #tpu.memory_space<hbm>> -> memref<128x32xf32, #tpu.memory_space<hbm>>
    %dma_wait3A_116 = arith.constant 0 : i32
    %dma_wait3A_117 = arith.constant 0 : i32
    %dma_wait3A_118 = tpu.memref_slice %arg2[%dma_wait3A_116, %dma_wait3A_117] : memref<10000x32xf32, #tpu.memory_space<hbm>> -> memref<128x32xf32, #tpu.memory_space<hbm>>
    tpu.wait_dma2 semaphore(%arg19 : memref<!tpu.dma_semaphore, #tpu.memory_space<semaphore_mem>>) src(%dma_wait3A_118 : memref<128x32xf32, #tpu.memory_space<hbm>>) dst(%arg10 : memref<128x32xf32, #tpu.memory_space<vmem>>)
    %run_scoped3A = arith.constant 152 : i32
    "tpu.region"() ({
      %run_scoped3A_169 = tpu.sem_alloc : memref<!tpu.dma_semaphore, #tpu.memory_space<semaphore_mem>>
      %dma_start3A_170 = arith.constant 0 : i32
      %dma_start3A_171 = tpu.memref_slice %arg9[%run_scoped3A, %dma_start3A_170] : memref<160x128xi32, #tpu.memory_space<vmem>> -> memref<1x128xi32, #tpu.memory_space<vmem>>
      %dma_start3A_172 = tpu.memref_squeeze %dma_start3A_171 : memref<1x128xi32, #tpu.memory_space<vmem>> -> memref<128xi32, #tpu.memory_space<vmem>>
      %dma_start3A_173 = arith.constant 0 : i32
      %dma_start3A_174 = arith.constant 0 : i32
      %dma_start3A_175 = tpu.memref_slice %arg18[%dma_start3A_173, %dma_start3A_174] : memref<10240x32xf32, #tpu.memory_space<vmem_shared>> -> memref<10240x32xf32, #tpu.memory_space<vmem_shared>>
      tpu.enqueue_indirect_dma source(%arg10 : memref<128x32xf32, #tpu.memory_space<vmem>>) target(%dma_start3A_175 : memref<10240x32xf32, #tpu.memory_space<vmem_shared>>) offsets(%dma_start3A_172 : memref<128xi32, #tpu.memory_space<vmem>>) semaphore(%run_scoped3A_169 : memref<!tpu.dma_semaphore, #tpu.memory_space<semaphore_mem>>) {add = true}
      %dma_wait3A_176 = arith.constant 0 : i32
      %dma_wait3A_177 = tpu.memref_slice %arg9[%run_scoped3A, %dma_wait3A_176] : memref<160x128xi32, #tpu.memory_space<vmem>> -> memref<1x128xi32, #tpu.memory_space<vmem>>
      %dma_wait3A_178 = tpu.memref_squeeze %dma_wait3A_177 : memref<1x128xi32, #tpu.memory_space<vmem>> -> memref<128xi32, #tpu.memory_space<vmem>>
      %dma_wait3A_179 = arith.constant 0 : i32
      %dma_wait3A_180 = arith.constant 0 : i32
      %dma_wait3A_181 = tpu.memref_slice %arg18[%dma_wait3A_179, %dma_wait3A_180] : memref<10240x32xf32, #tpu.memory_space<vmem_shared>> -> memref<10240x32xf32, #tpu.memory_space<vmem_shared>>
      tpu.wait_indirect_dma semaphore(%run_scoped3A_169 : memref<!tpu.dma_semaphore, #tpu.memory_space<semaphore_mem>>) src(%arg10 : memref<128x32xf32, #tpu.memory_space<vmem>>) dst(%dma_wait3A_181 : memref<10240x32xf32, #tpu.memory_space<vmem_shared>>)
      tpu.yield
    }) : () -> ()
    %dma_wait3A_119 = arith.constant 0 : i32
    %dma_wait3A_120 = arith.constant 0 : i32
    %dma_wait3A_121 = tpu.memref_slice %arg2[%dma_wait3A_119, %dma_wait3A_120] : memref<10000x32xf32, #tpu.memory_space<hbm>> -> memref<128x32xf32, #tpu.memory_space<hbm>>
    %dma_wait3A_122 = arith.constant 0 : i32
    %dma_wait3A_123 = arith.constant 0 : i32
    %dma_wait3A_124 = tpu.memref_slice %arg2[%dma_wait3A_122, %dma_wait3A_123] : memref<10000x32xf32, #tpu.memory_space<hbm>> -> memref<128x32xf32, #tpu.memory_space<hbm>>
    tpu.wait_dma2 semaphore(%arg20 : memref<!tpu.dma_semaphore, #tpu.memory_space<semaphore_mem>>) src(%dma_wait3A_124 : memref<128x32xf32, #tpu.memory_space<hbm>>) dst(%arg11 : memref<128x32xf32, #tpu.memory_space<vmem>>)
    %run_scoped3A_125 = arith.constant 153 : i32
    "tpu.region"() ({
      %run_scoped3A_169 = tpu.sem_alloc : memref<!tpu.dma_semaphore, #tpu.memory_space<semaphore_mem>>
      %dma_start3A_170 = arith.constant 0 : i32
      %dma_start3A_171 = tpu.memref_slice %arg9[%run_scoped3A_125, %dma_start3A_170] : memref<160x128xi32, #tpu.memory_space<vmem>> -> memref<1x128xi32, #tpu.memory_space<vmem>>
      %dma_start3A_172 = tpu.memref_squeeze %dma_start3A_171 : memref<1x128xi32, #tpu.memory_space<vmem>> -> memref<128xi32, #tpu.memory_space<vmem>>
      %dma_start3A_173 = arith.constant 0 : i32
      %dma_start3A_174 = arith.constant 0 : i32
      %dma_start3A_175 = tpu.memref_slice %arg18[%dma_start3A_173, %dma_start3A_174] : memref<10240x32xf32, #tpu.memory_space<vmem_shared>> -> memref<10240x32xf32, #tpu.memory_space<vmem_shared>>
      tpu.enqueue_indirect_dma source(%arg11 : memref<128x32xf32, #tpu.memory_space<vmem>>) target(%dma_start3A_175 : memref<10240x32xf32, #tpu.memory_space<vmem_shared>>) offsets(%dma_start3A_172 : memref<128xi32, #tpu.memory_space<vmem>>) semaphore(%run_scoped3A_169 : memref<!tpu.dma_semaphore, #tpu.memory_space<semaphore_mem>>) {add = true}
      %dma_wait3A_176 = arith.constant 0 : i32
      %dma_wait3A_177 = tpu.memref_slice %arg9[%run_scoped3A_125, %dma_wait3A_176] : memref<160x128xi32, #tpu.memory_space<vmem>> -> memref<1x128xi32, #tpu.memory_space<vmem>>
      %dma_wait3A_178 = tpu.memref_squeeze %dma_wait3A_177 : memref<1x128xi32, #tpu.memory_space<vmem>> -> memref<128xi32, #tpu.memory_space<vmem>>
      %dma_wait3A_179 = arith.constant 0 : i32
      %dma_wait3A_180 = arith.constant 0 : i32
      %dma_wait3A_181 = tpu.memref_slice %arg18[%dma_wait3A_179, %dma_wait3A_180] : memref<10240x32xf32, #tpu.memory_space<vmem_shared>> -> memref<10240x32xf32, #tpu.memory_space<vmem_shared>>
      tpu.wait_indirect_dma semaphore(%run_scoped3A_169 : memref<!tpu.dma_semaphore, #tpu.memory_space<semaphore_mem>>) src(%arg11 : memref<128x32xf32, #tpu.memory_space<vmem>>) dst(%dma_wait3A_181 : memref<10240x32xf32, #tpu.memory_space<vmem_shared>>)
      tpu.yield
    }) : () -> ()
    %dma_wait3A_126 = arith.constant 0 : i32
    %dma_wait3A_127 = arith.constant 0 : i32
    %dma_wait3A_128 = tpu.memref_slice %arg2[%dma_wait3A_126, %dma_wait3A_127] : memref<10000x32xf32, #tpu.memory_space<hbm>> -> memref<128x32xf32, #tpu.memory_space<hbm>>
    %dma_wait3A_129 = arith.constant 0 : i32
    %dma_wait3A_130 = arith.constant 0 : i32
    %dma_wait3A_131 = tpu.memref_slice %arg2[%dma_wait3A_129, %dma_wait3A_130] : memref<10000x32xf32, #tpu.memory_space<hbm>> -> memref<128x32xf32, #tpu.memory_space<hbm>>
    tpu.wait_dma2 semaphore(%arg21 : memref<!tpu.dma_semaphore, #tpu.memory_space<semaphore_mem>>) src(%dma_wait3A_131 : memref<128x32xf32, #tpu.memory_space<hbm>>) dst(%arg12 : memref<128x32xf32, #tpu.memory_space<vmem>>)
    %run_scoped3A_132 = arith.constant 154 : i32
    "tpu.region"() ({
      %run_scoped3A_169 = tpu.sem_alloc : memref<!tpu.dma_semaphore, #tpu.memory_space<semaphore_mem>>
      %dma_start3A_170 = arith.constant 0 : i32
      %dma_start3A_171 = tpu.memref_slice %arg9[%run_scoped3A_132, %dma_start3A_170] : memref<160x128xi32, #tpu.memory_space<vmem>> -> memref<1x128xi32, #tpu.memory_space<vmem>>
      %dma_start3A_172 = tpu.memref_squeeze %dma_start3A_171 : memref<1x128xi32, #tpu.memory_space<vmem>> -> memref<128xi32, #tpu.memory_space<vmem>>
      %dma_start3A_173 = arith.constant 0 : i32
      %dma_start3A_174 = arith.constant 0 : i32
      %dma_start3A_175 = tpu.memref_slice %arg18[%dma_start3A_173, %dma_start3A_174] : memref<10240x32xf32, #tpu.memory_space<vmem_shared>> -> memref<10240x32xf32, #tpu.memory_space<vmem_shared>>
      tpu.enqueue_indirect_dma source(%arg12 : memref<128x32xf32, #tpu.memory_space<vmem>>) target(%dma_start3A_175 : memref<10240x32xf32, #tpu.memory_space<vmem_shared>>) offsets(%dma_start3A_172 : memref<128xi32, #tpu.memory_space<vmem>>) semaphore(%run_scoped3A_169 : memref<!tpu.dma_semaphore, #tpu.memory_space<semaphore_mem>>) {add = true}
      %dma_wait3A_176 = arith.constant 0 : i32
      %dma_wait3A_177 = tpu.memref_slice %arg9[%run_scoped3A_132, %dma_wait3A_176] : memref<160x128xi32, #tpu.memory_space<vmem>> -> memref<1x128xi32, #tpu.memory_space<vmem>>
      %dma_wait3A_178 = tpu.memref_squeeze %dma_wait3A_177 : memref<1x128xi32, #tpu.memory_space<vmem>> -> memref<128xi32, #tpu.memory_space<vmem>>
      %dma_wait3A_179 = arith.constant 0 : i32
      %dma_wait3A_180 = arith.constant 0 : i32
      %dma_wait3A_181 = tpu.memref_slice %arg18[%dma_wait3A_179, %dma_wait3A_180] : memref<10240x32xf32, #tpu.memory_space<vmem_shared>> -> memref<10240x32xf32, #tpu.memory_space<vmem_shared>>
      tpu.wait_indirect_dma semaphore(%run_scoped3A_169 : memref<!tpu.dma_semaphore, #tpu.memory_space<semaphore_mem>>) src(%arg12 : memref<128x32xf32, #tpu.memory_space<vmem>>) dst(%dma_wait3A_181 : memref<10240x32xf32, #tpu.memory_space<vmem_shared>>)
      tpu.yield
    }) : () -> ()
    %dma_wait3A_133 = arith.constant 0 : i32
    %dma_wait3A_134 = arith.constant 0 : i32
    %dma_wait3A_135 = tpu.memref_slice %arg2[%dma_wait3A_133, %dma_wait3A_134] : memref<10000x32xf32, #tpu.memory_space<hbm>> -> memref<128x32xf32, #tpu.memory_space<hbm>>
    %dma_wait3A_136 = arith.constant 0 : i32
    %dma_wait3A_137 = arith.constant 0 : i32
    %dma_wait3A_138 = tpu.memref_slice %arg2[%dma_wait3A_136, %dma_wait3A_137] : memref<10000x32xf32, #tpu.memory_space<hbm>> -> memref<128x32xf32, #tpu.memory_space<hbm>>
    tpu.wait_dma2 semaphore(%arg22 : memref<!tpu.dma_semaphore, #tpu.memory_space<semaphore_mem>>) src(%dma_wait3A_138 : memref<128x32xf32, #tpu.memory_space<hbm>>) dst(%arg13 : memref<128x32xf32, #tpu.memory_space<vmem>>)
    %run_scoped3A_139 = arith.constant 155 : i32
    "tpu.region"() ({
      %run_scoped3A_169 = tpu.sem_alloc : memref<!tpu.dma_semaphore, #tpu.memory_space<semaphore_mem>>
      %dma_start3A_170 = arith.constant 0 : i32
      %dma_start3A_171 = tpu.memref_slice %arg9[%run_scoped3A_139, %dma_start3A_170] : memref<160x128xi32, #tpu.memory_space<vmem>> -> memref<1x128xi32, #tpu.memory_space<vmem>>
      %dma_start3A_172 = tpu.memref_squeeze %dma_start3A_171 : memref<1x128xi32, #tpu.memory_space<vmem>> -> memref<128xi32, #tpu.memory_space<vmem>>
      %dma_start3A_173 = arith.constant 0 : i32
      %dma_start3A_174 = arith.constant 0 : i32
      %dma_start3A_175 = tpu.memref_slice %arg18[%dma_start3A_173, %dma_start3A_174] : memref<10240x32xf32, #tpu.memory_space<vmem_shared>> -> memref<10240x32xf32, #tpu.memory_space<vmem_shared>>
      tpu.enqueue_indirect_dma source(%arg13 : memref<128x32xf32, #tpu.memory_space<vmem>>) target(%dma_start3A_175 : memref<10240x32xf32, #tpu.memory_space<vmem_shared>>) offsets(%dma_start3A_172 : memref<128xi32, #tpu.memory_space<vmem>>) semaphore(%run_scoped3A_169 : memref<!tpu.dma_semaphore, #tpu.memory_space<semaphore_mem>>) {add = true}
      %dma_wait3A_176 = arith.constant 0 : i32
      %dma_wait3A_177 = tpu.memref_slice %arg9[%run_scoped3A_139, %dma_wait3A_176] : memref<160x128xi32, #tpu.memory_space<vmem>> -> memref<1x128xi32, #tpu.memory_space<vmem>>
      %dma_wait3A_178 = tpu.memref_squeeze %dma_wait3A_177 : memref<1x128xi32, #tpu.memory_space<vmem>> -> memref<128xi32, #tpu.memory_space<vmem>>
      %dma_wait3A_179 = arith.constant 0 : i32
      %dma_wait3A_180 = arith.constant 0 : i32
      %dma_wait3A_181 = tpu.memref_slice %arg18[%dma_wait3A_179, %dma_wait3A_180] : memref<10240x32xf32, #tpu.memory_space<vmem_shared>> -> memref<10240x32xf32, #tpu.memory_space<vmem_shared>>
      tpu.wait_indirect_dma semaphore(%run_scoped3A_169 : memref<!tpu.dma_semaphore, #tpu.memory_space<semaphore_mem>>) src(%arg13 : memref<128x32xf32, #tpu.memory_space<vmem>>) dst(%dma_wait3A_181 : memref<10240x32xf32, #tpu.memory_space<vmem_shared>>)
      tpu.yield
    }) : () -> ()
    %dma_wait3A_140 = arith.constant 0 : i32
    %dma_wait3A_141 = arith.constant 0 : i32
    %dma_wait3A_142 = tpu.memref_slice %arg2[%dma_wait3A_140, %dma_wait3A_141] : memref<10000x32xf32, #tpu.memory_space<hbm>> -> memref<128x32xf32, #tpu.memory_space<hbm>>
    %dma_wait3A_143 = arith.constant 0 : i32
    %dma_wait3A_144 = arith.constant 0 : i32
    %dma_wait3A_145 = tpu.memref_slice %arg2[%dma_wait3A_143, %dma_wait3A_144] : memref<10000x32xf32, #tpu.memory_space<hbm>> -> memref<128x32xf32, #tpu.memory_space<hbm>>
    tpu.wait_dma2 semaphore(%arg23 : memref<!tpu.dma_semaphore, #tpu.memory_space<semaphore_mem>>) src(%dma_wait3A_145 : memref<128x32xf32, #tpu.memory_space<hbm>>) dst(%arg14 : memref<128x32xf32, #tpu.memory_space<vmem>>)
    %run_scoped3A_146 = arith.constant 156 : i32
    "tpu.region"() ({
      %run_scoped3A_169 = tpu.sem_alloc : memref<!tpu.dma_semaphore, #tpu.memory_space<semaphore_mem>>
      %dma_start3A_170 = arith.constant 0 : i32
      %dma_start3A_171 = tpu.memref_slice %arg9[%run_scoped3A_146, %dma_start3A_170] : memref<160x128xi32, #tpu.memory_space<vmem>> -> memref<1x128xi32, #tpu.memory_space<vmem>>
      %dma_start3A_172 = tpu.memref_squeeze %dma_start3A_171 : memref<1x128xi32, #tpu.memory_space<vmem>> -> memref<128xi32, #tpu.memory_space<vmem>>
      %dma_start3A_173 = arith.constant 0 : i32
      %dma_start3A_174 = arith.constant 0 : i32
      %dma_start3A_175 = tpu.memref_slice %arg18[%dma_start3A_173, %dma_start3A_174] : memref<10240x32xf32, #tpu.memory_space<vmem_shared>> -> memref<10240x32xf32, #tpu.memory_space<vmem_shared>>
      tpu.enqueue_indirect_dma source(%arg14 : memref<128x32xf32, #tpu.memory_space<vmem>>) target(%dma_start3A_175 : memref<10240x32xf32, #tpu.memory_space<vmem_shared>>) offsets(%dma_start3A_172 : memref<128xi32, #tpu.memory_space<vmem>>) semaphore(%run_scoped3A_169 : memref<!tpu.dma_semaphore, #tpu.memory_space<semaphore_mem>>) {add = true}
      %dma_wait3A_176 = arith.constant 0 : i32
      %dma_wait3A_177 = tpu.memref_slice %arg9[%run_scoped3A_146, %dma_wait3A_176] : memref<160x128xi32, #tpu.memory_space<vmem>> -> memref<1x128xi32, #tpu.memory_space<vmem>>
      %dma_wait3A_178 = tpu.memref_squeeze %dma_wait3A_177 : memref<1x128xi32, #tpu.memory_space<vmem>> -> memref<128xi32, #tpu.memory_space<vmem>>
      %dma_wait3A_179 = arith.constant 0 : i32
      %dma_wait3A_180 = arith.constant 0 : i32
      %dma_wait3A_181 = tpu.memref_slice %arg18[%dma_wait3A_179, %dma_wait3A_180] : memref<10240x32xf32, #tpu.memory_space<vmem_shared>> -> memref<10240x32xf32, #tpu.memory_space<vmem_shared>>
      tpu.wait_indirect_dma semaphore(%run_scoped3A_169 : memref<!tpu.dma_semaphore, #tpu.memory_space<semaphore_mem>>) src(%arg14 : memref<128x32xf32, #tpu.memory_space<vmem>>) dst(%dma_wait3A_181 : memref<10240x32xf32, #tpu.memory_space<vmem_shared>>)
      tpu.yield
    }) : () -> ()
    %dma_wait3A_147 = arith.constant 0 : i32
    %dma_wait3A_148 = arith.constant 0 : i32
    %dma_wait3A_149 = tpu.memref_slice %arg2[%dma_wait3A_147, %dma_wait3A_148] : memref<10000x32xf32, #tpu.memory_space<hbm>> -> memref<128x32xf32, #tpu.memory_space<hbm>>
    %dma_wait3A_150 = arith.constant 0 : i32
    %dma_wait3A_151 = arith.constant 0 : i32
    %dma_wait3A_152 = tpu.memref_slice %arg2[%dma_wait3A_150, %dma_wait3A_151] : memref<10000x32xf32, #tpu.memory_space<hbm>> -> memref<128x32xf32, #tpu.memory_space<hbm>>
    tpu.wait_dma2 semaphore(%arg24 : memref<!tpu.dma_semaphore, #tpu.memory_space<semaphore_mem>>) src(%dma_wait3A_152 : memref<128x32xf32, #tpu.memory_space<hbm>>) dst(%arg15 : memref<128x32xf32, #tpu.memory_space<vmem>>)
    %run_scoped3A_153 = arith.constant 157 : i32
    "tpu.region"() ({
      %run_scoped3A_169 = tpu.sem_alloc : memref<!tpu.dma_semaphore, #tpu.memory_space<semaphore_mem>>
      %dma_start3A_170 = arith.constant 0 : i32
      %dma_start3A_171 = tpu.memref_slice %arg9[%run_scoped3A_153, %dma_start3A_170] : memref<160x128xi32, #tpu.memory_space<vmem>> -> memref<1x128xi32, #tpu.memory_space<vmem>>
      %dma_start3A_172 = tpu.memref_squeeze %dma_start3A_171 : memref<1x128xi32, #tpu.memory_space<vmem>> -> memref<128xi32, #tpu.memory_space<vmem>>
      %dma_start3A_173 = arith.constant 0 : i32
      %dma_start3A_174 = arith.constant 0 : i32
      %dma_start3A_175 = tpu.memref_slice %arg18[%dma_start3A_173, %dma_start3A_174] : memref<10240x32xf32, #tpu.memory_space<vmem_shared>> -> memref<10240x32xf32, #tpu.memory_space<vmem_shared>>
      tpu.enqueue_indirect_dma source(%arg15 : memref<128x32xf32, #tpu.memory_space<vmem>>) target(%dma_start3A_175 : memref<10240x32xf32, #tpu.memory_space<vmem_shared>>) offsets(%dma_start3A_172 : memref<128xi32, #tpu.memory_space<vmem>>) semaphore(%run_scoped3A_169 : memref<!tpu.dma_semaphore, #tpu.memory_space<semaphore_mem>>) {add = true}
      %dma_wait3A_176 = arith.constant 0 : i32
      %dma_wait3A_177 = tpu.memref_slice %arg9[%run_scoped3A_153, %dma_wait3A_176] : memref<160x128xi32, #tpu.memory_space<vmem>> -> memref<1x128xi32, #tpu.memory_space<vmem>>
      %dma_wait3A_178 = tpu.memref_squeeze %dma_wait3A_177 : memref<1x128xi32, #tpu.memory_space<vmem>> -> memref<128xi32, #tpu.memory_space<vmem>>
      %dma_wait3A_179 = arith.constant 0 : i32
      %dma_wait3A_180 = arith.constant 0 : i32
      %dma_wait3A_181 = tpu.memref_slice %arg18[%dma_wait3A_179, %dma_wait3A_180] : memref<10240x32xf32, #tpu.memory_space<vmem_shared>> -> memref<10240x32xf32, #tpu.memory_space<vmem_shared>>
      tpu.wait_indirect_dma semaphore(%run_scoped3A_169 : memref<!tpu.dma_semaphore, #tpu.memory_space<semaphore_mem>>) src(%arg15 : memref<128x32xf32, #tpu.memory_space<vmem>>) dst(%dma_wait3A_181 : memref<10240x32xf32, #tpu.memory_space<vmem_shared>>)
      tpu.yield
    }) : () -> ()
    %dma_wait3A_154 = arith.constant 0 : i32
    %dma_wait3A_155 = arith.constant 0 : i32
    %dma_wait3A_156 = tpu.memref_slice %arg2[%dma_wait3A_154, %dma_wait3A_155] : memref<10000x32xf32, #tpu.memory_space<hbm>> -> memref<128x32xf32, #tpu.memory_space<hbm>>
    %dma_wait3A_157 = arith.constant 0 : i32
    %dma_wait3A_158 = arith.constant 0 : i32
    %dma_wait3A_159 = tpu.memref_slice %arg2[%dma_wait3A_157, %dma_wait3A_158] : memref<10000x32xf32, #tpu.memory_space<hbm>> -> memref<128x32xf32, #tpu.memory_space<hbm>>
    tpu.wait_dma2 semaphore(%arg25 : memref<!tpu.dma_semaphore, #tpu.memory_space<semaphore_mem>>) src(%dma_wait3A_159 : memref<128x32xf32, #tpu.memory_space<hbm>>) dst(%arg16 : memref<128x32xf32, #tpu.memory_space<vmem>>)
    %run_scoped3A_160 = arith.constant 158 : i32
    "tpu.region"() ({
      %run_scoped3A_169 = tpu.sem_alloc : memref<!tpu.dma_semaphore, #tpu.memory_space<semaphore_mem>>
      %dma_start3A_170 = arith.constant 0 : i32
      %dma_start3A_171 = tpu.memref_slice %arg9[%run_scoped3A_160, %dma_start3A_170] : memref<160x128xi32, #tpu.memory_space<vmem>> -> memref<1x128xi32, #tpu.memory_space<vmem>>
      %dma_start3A_172 = tpu.memref_squeeze %dma_start3A_171 : memref<1x128xi32, #tpu.memory_space<vmem>> -> memref<128xi32, #tpu.memory_space<vmem>>
      %dma_start3A_173 = arith.constant 0 : i32
      %dma_start3A_174 = arith.constant 0 : i32
      %dma_start3A_175 = tpu.memref_slice %arg18[%dma_start3A_173, %dma_start3A_174] : memref<10240x32xf32, #tpu.memory_space<vmem_shared>> -> memref<10240x32xf32, #tpu.memory_space<vmem_shared>>
      tpu.enqueue_indirect_dma source(%arg16 : memref<128x32xf32, #tpu.memory_space<vmem>>) target(%dma_start3A_175 : memref<10240x32xf32, #tpu.memory_space<vmem_shared>>) offsets(%dma_start3A_172 : memref<128xi32, #tpu.memory_space<vmem>>) semaphore(%run_scoped3A_169 : memref<!tpu.dma_semaphore, #tpu.memory_space<semaphore_mem>>) {add = true}
      %dma_wait3A_176 = arith.constant 0 : i32
      %dma_wait3A_177 = tpu.memref_slice %arg9[%run_scoped3A_160, %dma_wait3A_176] : memref<160x128xi32, #tpu.memory_space<vmem>> -> memref<1x128xi32, #tpu.memory_space<vmem>>
      %dma_wait3A_178 = tpu.memref_squeeze %dma_wait3A_177 : memref<1x128xi32, #tpu.memory_space<vmem>> -> memref<128xi32, #tpu.memory_space<vmem>>
      %dma_wait3A_179 = arith.constant 0 : i32
      %dma_wait3A_180 = arith.constant 0 : i32
      %dma_wait3A_181 = tpu.memref_slice %arg18[%dma_wait3A_179, %dma_wait3A_180] : memref<10240x32xf32, #tpu.memory_space<vmem_shared>> -> memref<10240x32xf32, #tpu.memory_space<vmem_shared>>
      tpu.wait_indirect_dma semaphore(%run_scoped3A_169 : memref<!tpu.dma_semaphore, #tpu.memory_space<semaphore_mem>>) src(%arg16 : memref<128x32xf32, #tpu.memory_space<vmem>>) dst(%dma_wait3A_181 : memref<10240x32xf32, #tpu.memory_space<vmem_shared>>)
      tpu.yield
    }) : () -> ()
    %dma_wait3A_161 = arith.constant 0 : i32
    %dma_wait3A_162 = arith.constant 0 : i32
    %dma_wait3A_163 = tpu.memref_slice %arg2[%dma_wait3A_161, %dma_wait3A_162] : memref<10000x32xf32, #tpu.memory_space<hbm>> -> memref<128x32xf32, #tpu.memory_space<hbm>>
    %dma_wait3A_164 = arith.constant 0 : i32
    %dma_wait3A_165 = arith.constant 0 : i32
    %dma_wait3A_166 = tpu.memref_slice %arg2[%dma_wait3A_164, %dma_wait3A_165] : memref<10000x32xf32, #tpu.memory_space<hbm>> -> memref<128x32xf32, #tpu.memory_space<hbm>>
    tpu.wait_dma2 semaphore(%arg26 : memref<!tpu.dma_semaphore, #tpu.memory_space<semaphore_mem>>) src(%dma_wait3A_166 : memref<128x32xf32, #tpu.memory_space<hbm>>) dst(%arg17 : memref<128x32xf32, #tpu.memory_space<vmem>>)
    %run_scoped3A_167 = arith.constant 159 : i32
    "tpu.region"() ({
      %run_scoped3A_169 = tpu.sem_alloc : memref<!tpu.dma_semaphore, #tpu.memory_space<semaphore_mem>>
      %dma_start3A_170 = arith.constant 0 : i32
      %dma_start3A_171 = tpu.memref_slice %arg9[%run_scoped3A_167, %dma_start3A_170] : memref<160x128xi32, #tpu.memory_space<vmem>> -> memref<1x128xi32, #tpu.memory_space<vmem>>
      %dma_start3A_172 = tpu.memref_squeeze %dma_start3A_171 : memref<1x128xi32, #tpu.memory_space<vmem>> -> memref<128xi32, #tpu.memory_space<vmem>>
      %dma_start3A_173 = arith.constant 0 : i32
      %dma_start3A_174 = arith.constant 0 : i32
      %dma_start3A_175 = tpu.memref_slice %arg18[%dma_start3A_173, %dma_start3A_174] : memref<10240x32xf32, #tpu.memory_space<vmem_shared>> -> memref<10240x32xf32, #tpu.memory_space<vmem_shared>>
      tpu.enqueue_indirect_dma source(%arg17 : memref<128x32xf32, #tpu.memory_space<vmem>>) target(%dma_start3A_175 : memref<10240x32xf32, #tpu.memory_space<vmem_shared>>) offsets(%dma_start3A_172 : memref<128xi32, #tpu.memory_space<vmem>>) semaphore(%run_scoped3A_169 : memref<!tpu.dma_semaphore, #tpu.memory_space<semaphore_mem>>) {add = true}
      %dma_wait3A_176 = arith.constant 0 : i32
      %dma_wait3A_177 = tpu.memref_slice %arg9[%run_scoped3A_167, %dma_wait3A_176] : memref<160x128xi32, #tpu.memory_space<vmem>> -> memref<1x128xi32, #tpu.memory_space<vmem>>
      %dma_wait3A_178 = tpu.memref_squeeze %dma_wait3A_177 : memref<1x128xi32, #tpu.memory_space<vmem>> -> memref<128xi32, #tpu.memory_space<vmem>>
      %dma_wait3A_179 = arith.constant 0 : i32
      %dma_wait3A_180 = arith.constant 0 : i32
      %dma_wait3A_181 = tpu.memref_slice %arg18[%dma_wait3A_179, %dma_wait3A_180] : memref<10240x32xf32, #tpu.memory_space<vmem_shared>> -> memref<10240x32xf32, #tpu.memory_space<vmem_shared>>
      tpu.wait_indirect_dma semaphore(%run_scoped3A_169 : memref<!tpu.dma_semaphore, #tpu.memory_space<semaphore_mem>>) src(%arg17 : memref<128x32xf32, #tpu.memory_space<vmem>>) dst(%dma_wait3A_181 : memref<10240x32xf32, #tpu.memory_space<vmem_shared>>)
      tpu.yield
    }) : () -> ()
    %barrier3A_168 = arith.constant 0 : index
    tpu.barrier barrier_id(%barrier3A_168)
    "tpu.region"() ({
      %run_scoped3A_169 = tpu.sem_alloc : memref<!tpu.dma_semaphore, #tpu.memory_space<semaphore_mem>>
      %dma_start3A_170 = arith.constant 0 : i32
      %dma_start3A_171 = tpu.memref_slice %arg7[%arg0, %mul3A_0, %dma_start3A_170] : memref<2x10240x32xf32, #tpu.memory_space<hbm>> -> memref<1x640x32xf32, #tpu.memory_space<hbm>>
      %dma_start3A_172 = tpu.memref_squeeze %dma_start3A_171 : memref<1x640x32xf32, #tpu.memory_space<hbm>> -> memref<640x32xf32, #tpu.memory_space<hbm>>
      %dma_start3A_173 = arith.constant 0 : i32
      %dma_start3A_174 = tpu.memref_slice %arg18[%mul3A_0, %dma_start3A_173] : memref<10240x32xf32, #tpu.memory_space<vmem_shared>> -> memref<640x32xf32, #tpu.memory_space<vmem_shared>>
      tpu.enqueue_dma source(%dma_start3A_174 : memref<640x32xf32, #tpu.memory_space<vmem_shared>>) target(%dma_start3A_172 : memref<640x32xf32, #tpu.memory_space<hbm>>) target_semaphore(%run_scoped3A_169 : memref<!tpu.dma_semaphore, #tpu.memory_space<semaphore_mem>>)
      %dma_wait3A_175 = arith.constant 0 : i32
      %dma_wait3A_176 = tpu.memref_slice %arg7[%arg0, %mul3A_0, %dma_wait3A_175] : memref<2x10240x32xf32, #tpu.memory_space<hbm>> -> memref<1x640x32xf32, #tpu.memory_space<hbm>>
      %dma_wait3A_177 = tpu.memref_squeeze %dma_wait3A_176 : memref<1x640x32xf32, #tpu.memory_space<hbm>> -> memref<640x32xf32, #tpu.memory_space<hbm>>
      %dma_wait3A_178 = arith.constant 0 : i32
      %dma_wait3A_179 = tpu.memref_slice %arg18[%mul3A_0, %dma_wait3A_178] : memref<10240x32xf32, #tpu.memory_space<vmem_shared>> -> memref<640x32xf32, #tpu.memory_space<vmem_shared>>
      tpu.wait_dma2 semaphore(%run_scoped3A_169 : memref<!tpu.dma_semaphore, #tpu.memory_space<semaphore_mem>>) src(%dma_wait3A_179 : memref<640x32xf32, #tpu.memory_space<vmem_shared>>) dst(%dma_wait3A_177 : memref<640x32xf32, #tpu.memory_space<hbm>>)
      tpu.yield
    }) : () -> ()
    return
  }
}

#map = affine_map<(d0, d1) -> (0, 0)>
#map1 = affine_map<(d0, d1) -> (0, 0, 0)>
module attributes {stable_mosaic.version = 14 : i64} {
  func.func @agg_kernel(%arg0: i32, %arg1: i32, %arg2: memref<10000x32xf32, #tpu.memory_space<hbm>>, %arg3: memref<10000x32xf32, #tpu.memory_space<hbm>>, %arg4: memref<16x160x128xi32, #tpu.memory_space<hbm>>, %arg5: memref<16x160x128xi32, #tpu.memory_space<hbm>>, %arg6: memref<10240x32xf32, #tpu.memory_space<hbm>>, %arg7: memref<2x10240x32xf32, #tpu.memory_space<hbm>>, %arg8: memref<160x128xi32, #tpu.memory_space<vmem>>, %arg9: memref<160x128xi32, #tpu.memory_space<vmem>>, %arg10: memref<128x32xf32, #tpu.memory_space<vmem>>, %arg11: memref<128x32xf32, #tpu.memory_space<vmem>>, %arg12: memref<128x32xf32, #tpu.memory_space<vmem>>, %arg13: memref<128x32xf32, #tpu.memory_space<vmem>>, %arg14: memref<128x32xf32, #tpu.memory_space<vmem>>, %arg15: memref<128x32xf32, #tpu.memory_space<vmem>>, %arg16: memref<128x32xf32, #tpu.memory_space<vmem>>, %arg17: memref<128x32xf32, #tpu.memory_space<vmem>>, %arg18: memref<10240x32xf32, #tpu.memory_space<vmem_shared>>, %arg19: memref<!tpu.dma_semaphore, #tpu.memory_space<semaphore_mem>>, %arg20: memref<!tpu.dma_semaphore, #tpu.memory_space<semaphore_mem>>, %arg21: memref<!tpu.dma_semaphore, #tpu.memory_space<semaphore_mem>>, %arg22: memref<!tpu.dma_semaphore, #tpu.memory_space<semaphore_mem>>, %arg23: memref<!tpu.dma_semaphore, #tpu.memory_space<semaphore_mem>>, %arg24: memref<!tpu.dma_semaphore, #tpu.memory_space<semaphore_mem>>, %arg25: memref<!tpu.dma_semaphore, #tpu.memory_space<semaphore_mem>>, %arg26: memref<!tpu.dma_semaphore, #tpu.memory_space<semaphore_mem>>) attributes {dimension_semantics = [#tpu.dimension_semantics<core_parallel>, #tpu.dimension_semantics<subcore_parallel>], iteration_bounds = array<i64: 2, 16>, scalar_prefetch = 0 : i64, scratch_operands = 19 : i64, tpu.core_type = #tpu.core_type<sc_vector_subcore>, window_params = [{transform_indices = #map}, {transform_indices = #map}, {transform_indices = #map1}, {transform_indices = #map1}, {transform_indices = #map}, {transform_indices = #map1}]} {
    %mul3A = arith.constant 640 : i32
    %mul3A_0 = arith.muli %arg1, %mul3A : i32
    %dma_start3A = arith.constant 0 : i32
    %dma_start3A_1 = arith.constant 0 : i32
    %dma_start3A_2 = tpu.memref_slice %arg4[%arg1, %dma_start3A, %dma_start3A_1] : memref<16x160x128xi32, #tpu.memory_space<hbm>> -> memref<1x160x128xi32, #tpu.memory_space<hbm>>
    %dma_start3A_3 = tpu.memref_squeeze %dma_start3A_2 : memref<1x160x128xi32, #tpu.memory_space<hbm>> -> memref<160x128xi32, #tpu.memory_space<hbm>>
    %dma_start3A_4 = arith.constant 0 : i32
    %dma_start3A_5 = arith.constant 0 : i32
    %dma_start3A_6 = tpu.memref_slice %arg4[%arg1, %dma_start3A_4, %dma_start3A_5] : memref<16x160x128xi32, #tpu.memory_space<hbm>> -> memref<1x160x128xi32, #tpu.memory_space<hbm>>
    %dma_start3A_7 = tpu.memref_squeeze %dma_start3A_6 : memref<1x160x128xi32, #tpu.memory_space<hbm>> -> memref<160x128xi32, #tpu.memory_space<hbm>>
    tpu.enqueue_dma source(%dma_start3A_7 : memref<160x128xi32, #tpu.memory_space<hbm>>) target(%arg8 : memref<160x128xi32, #tpu.memory_space<vmem>>) target_semaphore(%arg19 : memref<!tpu.dma_semaphore, #tpu.memory_space<semaphore_mem>>)
    %dma_start3A_8 = arith.constant 0 : i32
    %dma_start3A_9 = arith.constant 0 : i32
    %dma_start3A_10 = tpu.memref_slice %arg5[%arg1, %dma_start3A_8, %dma_start3A_9] : memref<16x160x128xi32, #tpu.memory_space<hbm>> -> memref<1x160x128xi32, #tpu.memory_space<hbm>>
    %dma_start3A_11 = tpu.memref_squeeze %dma_start3A_10 : memref<1x160x128xi32, #tpu.memory_space<hbm>> -> memref<160x128xi32, #tpu.memory_space<hbm>>
    %dma_start3A_12 = arith.constant 0 : i32
    %dma_start3A_13 = arith.constant 0 : i32
    %dma_start3A_14 = tpu.memref_slice %arg5[%arg1, %dma_start3A_12, %dma_start3A_13] : memref<16x160x128xi32, #tpu.memory_space<hbm>> -> memref<1x160x128xi32, #tpu.memory_space<hbm>>
    %dma_start3A_15 = tpu.memref_squeeze %dma_start3A_14 : memref<1x160x128xi32, #tpu.memory_space<hbm>> -> memref<160x128xi32, #tpu.memory_space<hbm>>
    tpu.enqueue_dma source(%dma_start3A_15 : memref<160x128xi32, #tpu.memory_space<hbm>>) target(%arg9 : memref<160x128xi32, #tpu.memory_space<vmem>>) target_semaphore(%arg20 : memref<!tpu.dma_semaphore, #tpu.memory_space<semaphore_mem>>)
    "tpu.region"() ({
      %run_scoped3A_169 = tpu.sem_alloc : memref<!tpu.dma_semaphore, #tpu.memory_space<semaphore_mem>>
      %dma_start3A_170 = arith.constant 0 : i32
      %dma_start3A_171 = tpu.memref_slice %arg18[%mul3A_0, %dma_start3A_170] : memref<10240x32xf32, #tpu.memory_space<vmem_shared>> -> memref<640x32xf32, #tpu.memory_space<vmem_shared>>
      %dma_start3A_172 = arith.constant 0 : i32
      %dma_start3A_173 = tpu.memref_slice %arg6[%mul3A_0, %dma_start3A_172] : memref<10240x32xf32, #tpu.memory_space<hbm>> -> memref<640x32xf32, #tpu.memory_space<hbm>>
      tpu.enqueue_dma source(%dma_start3A_173 : memref<640x32xf32, #tpu.memory_space<hbm>>) target(%dma_start3A_171 : memref<640x32xf32, #tpu.memory_space<vmem_shared>>) target_semaphore(%run_scoped3A_169 : memref<!tpu.dma_semaphore, #tpu.memory_space<semaphore_mem>>)
      %dma_wait3A_174 = arith.constant 0 : i32
      %dma_wait3A_175 = tpu.memref_slice %arg18[%mul3A_0, %dma_wait3A_174] : memref<10240x32xf32, #tpu.memory_space<vmem_shared>> -> memref<640x32xf32, #tpu.memory_space<vmem_shared>>
      %dma_wait3A_176 = arith.constant 0 : i32
      %dma_wait3A_177 = tpu.memref_slice %arg6[%mul3A_0, %dma_wait3A_176] : memref<10240x32xf32, #tpu.memory_space<hbm>> -> memref<640x32xf32, #tpu.memory_space<hbm>>
      tpu.wait_dma2 semaphore(%run_scoped3A_169 : memref<!tpu.dma_semaphore, #tpu.memory_space<semaphore_mem>>) src(%dma_wait3A_177 : memref<640x32xf32, #tpu.memory_space<hbm>>) dst(%dma_wait3A_175 : memref<640x32xf32, #tpu.memory_space<vmem_shared>>)
      tpu.yield
    }) : () -> ()
    %dma_wait3A = arith.constant 0 : i32
    %dma_wait3A_16 = arith.constant 0 : i32
    %dma_wait3A_17 = tpu.memref_slice %arg4[%arg1, %dma_wait3A, %dma_wait3A_16] : memref<16x160x128xi32, #tpu.memory_space<hbm>> -> memref<1x160x128xi32, #tpu.memory_space<hbm>>
    %dma_wait3A_18 = tpu.memref_squeeze %dma_wait3A_17 : memref<1x160x128xi32, #tpu.memory_space<hbm>> -> memref<160x128xi32, #tpu.memory_space<hbm>>
    %dma_wait3A_19 = arith.constant 0 : i32
    %dma_wait3A_20 = arith.constant 0 : i32
    %dma_wait3A_21 = tpu.memref_slice %arg4[%arg1, %dma_wait3A_19, %dma_wait3A_20] : memref<16x160x128xi32, #tpu.memory_space<hbm>> -> memref<1x160x128xi32, #tpu.memory_space<hbm>>
    %dma_wait3A_22 = tpu.memref_squeeze %dma_wait3A_21 : memref<1x160x128xi32, #tpu.memory_space<hbm>> -> memref<160x128xi32, #tpu.memory_space<hbm>>
    tpu.wait_dma2 semaphore(%arg19 : memref<!tpu.dma_semaphore, #tpu.memory_space<semaphore_mem>>) src(%dma_wait3A_22 : memref<160x128xi32, #tpu.memory_space<hbm>>) dst(%arg8 : memref<160x128xi32, #tpu.memory_space<vmem>>)
    %dma_wait3A_23 = arith.constant 0 : i32
    %dma_wait3A_24 = arith.constant 0 : i32
    %dma_wait3A_25 = tpu.memref_slice %arg5[%arg1, %dma_wait3A_23, %dma_wait3A_24] : memref<16x160x128xi32, #tpu.memory_space<hbm>> -> memref<1x160x128xi32, #tpu.memory_space<hbm>>
    %dma_wait3A_26 = tpu.memref_squeeze %dma_wait3A_25 : memref<1x160x128xi32, #tpu.memory_space<hbm>> -> memref<160x128xi32, #tpu.memory_space<hbm>>
    %dma_wait3A_27 = arith.constant 0 : i32
    %dma_wait3A_28 = arith.constant 0 : i32
    %dma_wait3A_29 = tpu.memref_slice %arg5[%arg1, %dma_wait3A_27, %dma_wait3A_28] : memref<16x160x128xi32, #tpu.memory_space<hbm>> -> memref<1x160x128xi32, #tpu.memory_space<hbm>>
    %dma_wait3A_30 = tpu.memref_squeeze %dma_wait3A_29 : memref<1x160x128xi32, #tpu.memory_space<hbm>> -> memref<160x128xi32, #tpu.memory_space<hbm>>
    tpu.wait_dma2 semaphore(%arg20 : memref<!tpu.dma_semaphore, #tpu.memory_space<semaphore_mem>>) src(%dma_wait3A_30 : memref<160x128xi32, #tpu.memory_space<hbm>>) dst(%arg9 : memref<160x128xi32, #tpu.memory_space<vmem>>)
    %barrier3A = arith.constant 0 : index
    tpu.barrier barrier_id(%barrier3A)
    %eq3A = arith.constant 0 : i32
    %eq3A_31 = arith.cmpi eq, %arg0, %eq3A : i32
    %convert_element_type3A = arith.extui %eq3A_31 : i1 to i32
    %cond3A = arith.constant 0 : i32
    %cond3A_32 = arith.cmpi ne, %convert_element_type3A, %cond3A : i32
    scf.if %cond3A_32 {
      %dma_start3A_169 = arith.constant 0 : i32
      %dma_start3A_170 = arith.constant 0 : i32
      %dma_start3A_171 = tpu.memref_slice %arg8[%dma_start3A_169, %dma_start3A_170] : memref<160x128xi32, #tpu.memory_space<vmem>> -> memref<1x128xi32, #tpu.memory_space<vmem>>
      %dma_start3A_172 = tpu.memref_squeeze %dma_start3A_171 : memref<1x128xi32, #tpu.memory_space<vmem>> -> memref<128xi32, #tpu.memory_space<vmem>>
      %dma_start3A_173 = arith.constant 0 : i32
      %dma_start3A_174 = arith.constant 0 : i32
      %dma_start3A_175 = tpu.memref_slice %arg2[%dma_start3A_173, %dma_start3A_174] : memref<10000x32xf32, #tpu.memory_space<hbm>> -> memref<10000x32xf32, #tpu.memory_space<hbm>>
      tpu.enqueue_indirect_dma source(%dma_start3A_175 : memref<10000x32xf32, #tpu.memory_space<hbm>>) target(%arg10 : memref<128x32xf32, #tpu.memory_space<vmem>>) offsets(%dma_start3A_172 : memref<128xi32, #tpu.memory_space<vmem>>) semaphore(%arg19 : memref<!tpu.dma_semaphore, #tpu.memory_space<semaphore_mem>>)
    } else {
    }
    %eq3A_33 = arith.constant 1 : i32
    %eq3A_34 = arith.cmpi eq, %arg0, %eq3A_33 : i32
    %convert_element_type3A_35 = arith.extui %eq3A_34 : i1 to i32
    %cond3A_36 = arith.constant 0 : i32
    %cond3A_37 = arith.cmpi ne, %convert_element_type3A_35, %cond3A_36 : i32
    scf.if %cond3A_37 {
      %dma_start3A_169 = arith.constant 0 : i32
      %dma_start3A_170 = arith.constant 0 : i32
      %dma_start3A_171 = tpu.memref_slice %arg8[%dma_start3A_169, %dma_start3A_170] : memref<160x128xi32, #tpu.memory_space<vmem>> -> memref<1x128xi32, #tpu.memory_space<vmem>>
      %dma_start3A_172 = tpu.memref_squeeze %dma_start3A_171 : memref<1x128xi32, #tpu.memory_space<vmem>> -> memref<128xi32, #tpu.memory_space<vmem>>
      %dma_start3A_173 = arith.constant 0 : i32
      %dma_start3A_174 = arith.constant 0 : i32
      %dma_start3A_175 = tpu.memref_slice %arg3[%dma_start3A_173, %dma_start3A_174] : memref<10000x32xf32, #tpu.memory_space<hbm>> -> memref<10000x32xf32, #tpu.memory_space<hbm>>
      tpu.enqueue_indirect_dma source(%dma_start3A_175 : memref<10000x32xf32, #tpu.memory_space<hbm>>) target(%arg10 : memref<128x32xf32, #tpu.memory_space<vmem>>) offsets(%dma_start3A_172 : memref<128xi32, #tpu.memory_space<vmem>>) semaphore(%arg19 : memref<!tpu.dma_semaphore, #tpu.memory_space<semaphore_mem>>)
    } else {
    }
    %eq3A_38 = arith.constant 0 : i32
    %eq3A_39 = arith.cmpi eq, %arg0, %eq3A_38 : i32
    %convert_element_type3A_40 = arith.extui %eq3A_39 : i1 to i32
    %cond3A_41 = arith.constant 0 : i32
    %cond3A_42 = arith.cmpi ne, %convert_element_type3A_40, %cond3A_41 : i32
    scf.if %cond3A_42 {
      %dma_start3A_169 = arith.constant 1 : i32
      %dma_start3A_170 = arith.constant 0 : i32
      %dma_start3A_171 = tpu.memref_slice %arg8[%dma_start3A_169, %dma_start3A_170] : memref<160x128xi32, #tpu.memory_space<vmem>> -> memref<1x128xi32, #tpu.memory_space<vmem>>
      %dma_start3A_172 = tpu.memref_squeeze %dma_start3A_171 : memref<1x128xi32, #tpu.memory_space<vmem>> -> memref<128xi32, #tpu.memory_space<vmem>>
      %dma_start3A_173 = arith.constant 0 : i32
      %dma_start3A_174 = arith.constant 0 : i32
      %dma_start3A_175 = tpu.memref_slice %arg2[%dma_start3A_173, %dma_start3A_174] : memref<10000x32xf32, #tpu.memory_space<hbm>> -> memref<10000x32xf32, #tpu.memory_space<hbm>>
      tpu.enqueue_indirect_dma source(%dma_start3A_175 : memref<10000x32xf32, #tpu.memory_space<hbm>>) target(%arg11 : memref<128x32xf32, #tpu.memory_space<vmem>>) offsets(%dma_start3A_172 : memref<128xi32, #tpu.memory_space<vmem>>) semaphore(%arg20 : memref<!tpu.dma_semaphore, #tpu.memory_space<semaphore_mem>>)
    } else {
    }
    %eq3A_43 = arith.constant 1 : i32
    %eq3A_44 = arith.cmpi eq, %arg0, %eq3A_43 : i32
    %convert_element_type3A_45 = arith.extui %eq3A_44 : i1 to i32
    %cond3A_46 = arith.constant 0 : i32
    %cond3A_47 = arith.cmpi ne, %convert_element_type3A_45, %cond3A_46 : i32
    scf.if %cond3A_47 {
      %dma_start3A_169 = arith.constant 1 : i32
      %dma_start3A_170 = arith.constant 0 : i32
      %dma_start3A_171 = tpu.memref_slice %arg8[%dma_start3A_169, %dma_start3A_170] : memref<160x128xi32, #tpu.memory_space<vmem>> -> memref<1x128xi32, #tpu.memory_space<vmem>>
      %dma_start3A_172 = tpu.memref_squeeze %dma_start3A_171 : memref<1x128xi32, #tpu.memory_space<vmem>> -> memref<128xi32, #tpu.memory_space<vmem>>
      %dma_start3A_173 = arith.constant 0 : i32
      %dma_start3A_174 = arith.constant 0 : i32
      %dma_start3A_175 = tpu.memref_slice %arg3[%dma_start3A_173, %dma_start3A_174] : memref<10000x32xf32, #tpu.memory_space<hbm>> -> memref<10000x32xf32, #tpu.memory_space<hbm>>
      tpu.enqueue_indirect_dma source(%dma_start3A_175 : memref<10000x32xf32, #tpu.memory_space<hbm>>) target(%arg11 : memref<128x32xf32, #tpu.memory_space<vmem>>) offsets(%dma_start3A_172 : memref<128xi32, #tpu.memory_space<vmem>>) semaphore(%arg20 : memref<!tpu.dma_semaphore, #tpu.memory_space<semaphore_mem>>)
    } else {
    }
    %eq3A_48 = arith.constant 0 : i32
    %eq3A_49 = arith.cmpi eq, %arg0, %eq3A_48 : i32
    %convert_element_type3A_50 = arith.extui %eq3A_49 : i1 to i32
    %cond3A_51 = arith.constant 0 : i32
    %cond3A_52 = arith.cmpi ne, %convert_element_type3A_50, %cond3A_51 : i32
    scf.if %cond3A_52 {
      %dma_start3A_169 = arith.constant 2 : i32
      %dma_start3A_170 = arith.constant 0 : i32
      %dma_start3A_171 = tpu.memref_slice %arg8[%dma_start3A_169, %dma_start3A_170] : memref<160x128xi32, #tpu.memory_space<vmem>> -> memref<1x128xi32, #tpu.memory_space<vmem>>
      %dma_start3A_172 = tpu.memref_squeeze %dma_start3A_171 : memref<1x128xi32, #tpu.memory_space<vmem>> -> memref<128xi32, #tpu.memory_space<vmem>>
      %dma_start3A_173 = arith.constant 0 : i32
      %dma_start3A_174 = arith.constant 0 : i32
      %dma_start3A_175 = tpu.memref_slice %arg2[%dma_start3A_173, %dma_start3A_174] : memref<10000x32xf32, #tpu.memory_space<hbm>> -> memref<10000x32xf32, #tpu.memory_space<hbm>>
      tpu.enqueue_indirect_dma source(%dma_start3A_175 : memref<10000x32xf32, #tpu.memory_space<hbm>>) target(%arg12 : memref<128x32xf32, #tpu.memory_space<vmem>>) offsets(%dma_start3A_172 : memref<128xi32, #tpu.memory_space<vmem>>) semaphore(%arg21 : memref<!tpu.dma_semaphore, #tpu.memory_space<semaphore_mem>>)
    } else {
    }
    %eq3A_53 = arith.constant 1 : i32
    %eq3A_54 = arith.cmpi eq, %arg0, %eq3A_53 : i32
    %convert_element_type3A_55 = arith.extui %eq3A_54 : i1 to i32
    %cond3A_56 = arith.constant 0 : i32
    %cond3A_57 = arith.cmpi ne, %convert_element_type3A_55, %cond3A_56 : i32
    scf.if %cond3A_57 {
      %dma_start3A_169 = arith.constant 2 : i32
      %dma_start3A_170 = arith.constant 0 : i32
      %dma_start3A_171 = tpu.memref_slice %arg8[%dma_start3A_169, %dma_start3A_170] : memref<160x128xi32, #tpu.memory_space<vmem>> -> memref<1x128xi32, #tpu.memory_space<vmem>>
      %dma_start3A_172 = tpu.memref_squeeze %dma_start3A_171 : memref<1x128xi32, #tpu.memory_space<vmem>> -> memref<128xi32, #tpu.memory_space<vmem>>
      %dma_start3A_173 = arith.constant 0 : i32
      %dma_start3A_174 = arith.constant 0 : i32
      %dma_start3A_175 = tpu.memref_slice %arg3[%dma_start3A_173, %dma_start3A_174] : memref<10000x32xf32, #tpu.memory_space<hbm>> -> memref<10000x32xf32, #tpu.memory_space<hbm>>
      tpu.enqueue_indirect_dma source(%dma_start3A_175 : memref<10000x32xf32, #tpu.memory_space<hbm>>) target(%arg12 : memref<128x32xf32, #tpu.memory_space<vmem>>) offsets(%dma_start3A_172 : memref<128xi32, #tpu.memory_space<vmem>>) semaphore(%arg21 : memref<!tpu.dma_semaphore, #tpu.memory_space<semaphore_mem>>)
    } else {
    }
    %eq3A_58 = arith.constant 0 : i32
    %eq3A_59 = arith.cmpi eq, %arg0, %eq3A_58 : i32
    %convert_element_type3A_60 = arith.extui %eq3A_59 : i1 to i32
    %cond3A_61 = arith.constant 0 : i32
    %cond3A_62 = arith.cmpi ne, %convert_element_type3A_60, %cond3A_61 : i32
    scf.if %cond3A_62 {
      %dma_start3A_169 = arith.constant 3 : i32
      %dma_start3A_170 = arith.constant 0 : i32
      %dma_start3A_171 = tpu.memref_slice %arg8[%dma_start3A_169, %dma_start3A_170] : memref<160x128xi32, #tpu.memory_space<vmem>> -> memref<1x128xi32, #tpu.memory_space<vmem>>
      %dma_start3A_172 = tpu.memref_squeeze %dma_start3A_171 : memref<1x128xi32, #tpu.memory_space<vmem>> -> memref<128xi32, #tpu.memory_space<vmem>>
      %dma_start3A_173 = arith.constant 0 : i32
      %dma_start3A_174 = arith.constant 0 : i32
      %dma_start3A_175 = tpu.memref_slice %arg2[%dma_start3A_173, %dma_start3A_174] : memref<10000x32xf32, #tpu.memory_space<hbm>> -> memref<10000x32xf32, #tpu.memory_space<hbm>>
      tpu.enqueue_indirect_dma source(%dma_start3A_175 : memref<10000x32xf32, #tpu.memory_space<hbm>>) target(%arg13 : memref<128x32xf32, #tpu.memory_space<vmem>>) offsets(%dma_start3A_172 : memref<128xi32, #tpu.memory_space<vmem>>) semaphore(%arg22 : memref<!tpu.dma_semaphore, #tpu.memory_space<semaphore_mem>>)
    } else {
    }
    %eq3A_63 = arith.constant 1 : i32
    %eq3A_64 = arith.cmpi eq, %arg0, %eq3A_63 : i32
    %convert_element_type3A_65 = arith.extui %eq3A_64 : i1 to i32
    %cond3A_66 = arith.constant 0 : i32
    %cond3A_67 = arith.cmpi ne, %convert_element_type3A_65, %cond3A_66 : i32
    scf.if %cond3A_67 {
      %dma_start3A_169 = arith.constant 3 : i32
      %dma_start3A_170 = arith.constant 0 : i32
      %dma_start3A_171 = tpu.memref_slice %arg8[%dma_start3A_169, %dma_start3A_170] : memref<160x128xi32, #tpu.memory_space<vmem>> -> memref<1x128xi32, #tpu.memory_space<vmem>>
      %dma_start3A_172 = tpu.memref_squeeze %dma_start3A_171 : memref<1x128xi32, #tpu.memory_space<vmem>> -> memref<128xi32, #tpu.memory_space<vmem>>
      %dma_start3A_173 = arith.constant 0 : i32
      %dma_start3A_174 = arith.constant 0 : i32
      %dma_start3A_175 = tpu.memref_slice %arg3[%dma_start3A_173, %dma_start3A_174] : memref<10000x32xf32, #tpu.memory_space<hbm>> -> memref<10000x32xf32, #tpu.memory_space<hbm>>
      tpu.enqueue_indirect_dma source(%dma_start3A_175 : memref<10000x32xf32, #tpu.memory_space<hbm>>) target(%arg13 : memref<128x32xf32, #tpu.memory_space<vmem>>) offsets(%dma_start3A_172 : memref<128xi32, #tpu.memory_space<vmem>>) semaphore(%arg22 : memref<!tpu.dma_semaphore, #tpu.memory_space<semaphore_mem>>)
    } else {
    }
    %eq3A_68 = arith.constant 0 : i32
    %eq3A_69 = arith.cmpi eq, %arg0, %eq3A_68 : i32
    %convert_element_type3A_70 = arith.extui %eq3A_69 : i1 to i32
    %cond3A_71 = arith.constant 0 : i32
    %cond3A_72 = arith.cmpi ne, %convert_element_type3A_70, %cond3A_71 : i32
    scf.if %cond3A_72 {
      %dma_start3A_169 = arith.constant 4 : i32
      %dma_start3A_170 = arith.constant 0 : i32
      %dma_start3A_171 = tpu.memref_slice %arg8[%dma_start3A_169, %dma_start3A_170] : memref<160x128xi32, #tpu.memory_space<vmem>> -> memref<1x128xi32, #tpu.memory_space<vmem>>
      %dma_start3A_172 = tpu.memref_squeeze %dma_start3A_171 : memref<1x128xi32, #tpu.memory_space<vmem>> -> memref<128xi32, #tpu.memory_space<vmem>>
      %dma_start3A_173 = arith.constant 0 : i32
      %dma_start3A_174 = arith.constant 0 : i32
      %dma_start3A_175 = tpu.memref_slice %arg2[%dma_start3A_173, %dma_start3A_174] : memref<10000x32xf32, #tpu.memory_space<hbm>> -> memref<10000x32xf32, #tpu.memory_space<hbm>>
      tpu.enqueue_indirect_dma source(%dma_start3A_175 : memref<10000x32xf32, #tpu.memory_space<hbm>>) target(%arg14 : memref<128x32xf32, #tpu.memory_space<vmem>>) offsets(%dma_start3A_172 : memref<128xi32, #tpu.memory_space<vmem>>) semaphore(%arg23 : memref<!tpu.dma_semaphore, #tpu.memory_space<semaphore_mem>>)
    } else {
    }
    %eq3A_73 = arith.constant 1 : i32
    %eq3A_74 = arith.cmpi eq, %arg0, %eq3A_73 : i32
    %convert_element_type3A_75 = arith.extui %eq3A_74 : i1 to i32
    %cond3A_76 = arith.constant 0 : i32
    %cond3A_77 = arith.cmpi ne, %convert_element_type3A_75, %cond3A_76 : i32
    scf.if %cond3A_77 {
      %dma_start3A_169 = arith.constant 4 : i32
      %dma_start3A_170 = arith.constant 0 : i32
      %dma_start3A_171 = tpu.memref_slice %arg8[%dma_start3A_169, %dma_start3A_170] : memref<160x128xi32, #tpu.memory_space<vmem>> -> memref<1x128xi32, #tpu.memory_space<vmem>>
      %dma_start3A_172 = tpu.memref_squeeze %dma_start3A_171 : memref<1x128xi32, #tpu.memory_space<vmem>> -> memref<128xi32, #tpu.memory_space<vmem>>
      %dma_start3A_173 = arith.constant 0 : i32
      %dma_start3A_174 = arith.constant 0 : i32
      %dma_start3A_175 = tpu.memref_slice %arg3[%dma_start3A_173, %dma_start3A_174] : memref<10000x32xf32, #tpu.memory_space<hbm>> -> memref<10000x32xf32, #tpu.memory_space<hbm>>
      tpu.enqueue_indirect_dma source(%dma_start3A_175 : memref<10000x32xf32, #tpu.memory_space<hbm>>) target(%arg14 : memref<128x32xf32, #tpu.memory_space<vmem>>) offsets(%dma_start3A_172 : memref<128xi32, #tpu.memory_space<vmem>>) semaphore(%arg23 : memref<!tpu.dma_semaphore, #tpu.memory_space<semaphore_mem>>)
    } else {
    }
    %eq3A_78 = arith.constant 0 : i32
    %eq3A_79 = arith.cmpi eq, %arg0, %eq3A_78 : i32
    %convert_element_type3A_80 = arith.extui %eq3A_79 : i1 to i32
    %cond3A_81 = arith.constant 0 : i32
    %cond3A_82 = arith.cmpi ne, %convert_element_type3A_80, %cond3A_81 : i32
    scf.if %cond3A_82 {
      %dma_start3A_169 = arith.constant 5 : i32
      %dma_start3A_170 = arith.constant 0 : i32
      %dma_start3A_171 = tpu.memref_slice %arg8[%dma_start3A_169, %dma_start3A_170] : memref<160x128xi32, #tpu.memory_space<vmem>> -> memref<1x128xi32, #tpu.memory_space<vmem>>
      %dma_start3A_172 = tpu.memref_squeeze %dma_start3A_171 : memref<1x128xi32, #tpu.memory_space<vmem>> -> memref<128xi32, #tpu.memory_space<vmem>>
      %dma_start3A_173 = arith.constant 0 : i32
      %dma_start3A_174 = arith.constant 0 : i32
      %dma_start3A_175 = tpu.memref_slice %arg2[%dma_start3A_173, %dma_start3A_174] : memref<10000x32xf32, #tpu.memory_space<hbm>> -> memref<10000x32xf32, #tpu.memory_space<hbm>>
      tpu.enqueue_indirect_dma source(%dma_start3A_175 : memref<10000x32xf32, #tpu.memory_space<hbm>>) target(%arg15 : memref<128x32xf32, #tpu.memory_space<vmem>>) offsets(%dma_start3A_172 : memref<128xi32, #tpu.memory_space<vmem>>) semaphore(%arg24 : memref<!tpu.dma_semaphore, #tpu.memory_space<semaphore_mem>>)
    } else {
    }
    %eq3A_83 = arith.constant 1 : i32
    %eq3A_84 = arith.cmpi eq, %arg0, %eq3A_83 : i32
    %convert_element_type3A_85 = arith.extui %eq3A_84 : i1 to i32
    %cond3A_86 = arith.constant 0 : i32
    %cond3A_87 = arith.cmpi ne, %convert_element_type3A_85, %cond3A_86 : i32
    scf.if %cond3A_87 {
      %dma_start3A_169 = arith.constant 5 : i32
      %dma_start3A_170 = arith.constant 0 : i32
      %dma_start3A_171 = tpu.memref_slice %arg8[%dma_start3A_169, %dma_start3A_170] : memref<160x128xi32, #tpu.memory_space<vmem>> -> memref<1x128xi32, #tpu.memory_space<vmem>>
      %dma_start3A_172 = tpu.memref_squeeze %dma_start3A_171 : memref<1x128xi32, #tpu.memory_space<vmem>> -> memref<128xi32, #tpu.memory_space<vmem>>
      %dma_start3A_173 = arith.constant 0 : i32
      %dma_start3A_174 = arith.constant 0 : i32
      %dma_start3A_175 = tpu.memref_slice %arg3[%dma_start3A_173, %dma_start3A_174] : memref<10000x32xf32, #tpu.memory_space<hbm>> -> memref<10000x32xf32, #tpu.memory_space<hbm>>
      tpu.enqueue_indirect_dma source(%dma_start3A_175 : memref<10000x32xf32, #tpu.memory_space<hbm>>) target(%arg15 : memref<128x32xf32, #tpu.memory_space<vmem>>) offsets(%dma_start3A_172 : memref<128xi32, #tpu.memory_space<vmem>>) semaphore(%arg24 : memref<!tpu.dma_semaphore, #tpu.memory_space<semaphore_mem>>)
    } else {
    }
    %eq3A_88 = arith.constant 0 : i32
    %eq3A_89 = arith.cmpi eq, %arg0, %eq3A_88 : i32
    %convert_element_type3A_90 = arith.extui %eq3A_89 : i1 to i32
    %cond3A_91 = arith.constant 0 : i32
    %cond3A_92 = arith.cmpi ne, %convert_element_type3A_90, %cond3A_91 : i32
    scf.if %cond3A_92 {
      %dma_start3A_169 = arith.constant 6 : i32
      %dma_start3A_170 = arith.constant 0 : i32
      %dma_start3A_171 = tpu.memref_slice %arg8[%dma_start3A_169, %dma_start3A_170] : memref<160x128xi32, #tpu.memory_space<vmem>> -> memref<1x128xi32, #tpu.memory_space<vmem>>
      %dma_start3A_172 = tpu.memref_squeeze %dma_start3A_171 : memref<1x128xi32, #tpu.memory_space<vmem>> -> memref<128xi32, #tpu.memory_space<vmem>>
      %dma_start3A_173 = arith.constant 0 : i32
      %dma_start3A_174 = arith.constant 0 : i32
      %dma_start3A_175 = tpu.memref_slice %arg2[%dma_start3A_173, %dma_start3A_174] : memref<10000x32xf32, #tpu.memory_space<hbm>> -> memref<10000x32xf32, #tpu.memory_space<hbm>>
      tpu.enqueue_indirect_dma source(%dma_start3A_175 : memref<10000x32xf32, #tpu.memory_space<hbm>>) target(%arg16 : memref<128x32xf32, #tpu.memory_space<vmem>>) offsets(%dma_start3A_172 : memref<128xi32, #tpu.memory_space<vmem>>) semaphore(%arg25 : memref<!tpu.dma_semaphore, #tpu.memory_space<semaphore_mem>>)
    } else {
    }
    %eq3A_93 = arith.constant 1 : i32
    %eq3A_94 = arith.cmpi eq, %arg0, %eq3A_93 : i32
    %convert_element_type3A_95 = arith.extui %eq3A_94 : i1 to i32
    %cond3A_96 = arith.constant 0 : i32
    %cond3A_97 = arith.cmpi ne, %convert_element_type3A_95, %cond3A_96 : i32
    scf.if %cond3A_97 {
      %dma_start3A_169 = arith.constant 6 : i32
      %dma_start3A_170 = arith.constant 0 : i32
      %dma_start3A_171 = tpu.memref_slice %arg8[%dma_start3A_169, %dma_start3A_170] : memref<160x128xi32, #tpu.memory_space<vmem>> -> memref<1x128xi32, #tpu.memory_space<vmem>>
      %dma_start3A_172 = tpu.memref_squeeze %dma_start3A_171 : memref<1x128xi32, #tpu.memory_space<vmem>> -> memref<128xi32, #tpu.memory_space<vmem>>
      %dma_start3A_173 = arith.constant 0 : i32
      %dma_start3A_174 = arith.constant 0 : i32
      %dma_start3A_175 = tpu.memref_slice %arg3[%dma_start3A_173, %dma_start3A_174] : memref<10000x32xf32, #tpu.memory_space<hbm>> -> memref<10000x32xf32, #tpu.memory_space<hbm>>
      tpu.enqueue_indirect_dma source(%dma_start3A_175 : memref<10000x32xf32, #tpu.memory_space<hbm>>) target(%arg16 : memref<128x32xf32, #tpu.memory_space<vmem>>) offsets(%dma_start3A_172 : memref<128xi32, #tpu.memory_space<vmem>>) semaphore(%arg25 : memref<!tpu.dma_semaphore, #tpu.memory_space<semaphore_mem>>)
    } else {
    }
    %eq3A_98 = arith.constant 0 : i32
    %eq3A_99 = arith.cmpi eq, %arg0, %eq3A_98 : i32
    %convert_element_type3A_100 = arith.extui %eq3A_99 : i1 to i32
    %cond3A_101 = arith.constant 0 : i32
    %cond3A_102 = arith.cmpi ne, %convert_element_type3A_100, %cond3A_101 : i32
    scf.if %cond3A_102 {
      %dma_start3A_169 = arith.constant 7 : i32
      %dma_start3A_170 = arith.constant 0 : i32
      %dma_start3A_171 = tpu.memref_slice %arg8[%dma_start3A_169, %dma_start3A_170] : memref<160x128xi32, #tpu.memory_space<vmem>> -> memref<1x128xi32, #tpu.memory_space<vmem>>
      %dma_start3A_172 = tpu.memref_squeeze %dma_start3A_171 : memref<1x128xi32, #tpu.memory_space<vmem>> -> memref<128xi32, #tpu.memory_space<vmem>>
      %dma_start3A_173 = arith.constant 0 : i32
      %dma_start3A_174 = arith.constant 0 : i32
      %dma_start3A_175 = tpu.memref_slice %arg2[%dma_start3A_173, %dma_start3A_174] : memref<10000x32xf32, #tpu.memory_space<hbm>> -> memref<10000x32xf32, #tpu.memory_space<hbm>>
      tpu.enqueue_indirect_dma source(%dma_start3A_175 : memref<10000x32xf32, #tpu.memory_space<hbm>>) target(%arg17 : memref<128x32xf32, #tpu.memory_space<vmem>>) offsets(%dma_start3A_172 : memref<128xi32, #tpu.memory_space<vmem>>) semaphore(%arg26 : memref<!tpu.dma_semaphore, #tpu.memory_space<semaphore_mem>>)
    } else {
    }
    %eq3A_103 = arith.constant 1 : i32
    %eq3A_104 = arith.cmpi eq, %arg0, %eq3A_103 : i32
    %convert_element_type3A_105 = arith.extui %eq3A_104 : i1 to i32
    %cond3A_106 = arith.constant 0 : i32
    %cond3A_107 = arith.cmpi ne, %convert_element_type3A_105, %cond3A_106 : i32
    scf.if %cond3A_107 {
      %dma_start3A_169 = arith.constant 7 : i32
      %dma_start3A_170 = arith.constant 0 : i32
      %dma_start3A_171 = tpu.memref_slice %arg8[%dma_start3A_169, %dma_start3A_170] : memref<160x128xi32, #tpu.memory_space<vmem>> -> memref<1x128xi32, #tpu.memory_space<vmem>>
      %dma_start3A_172 = tpu.memref_squeeze %dma_start3A_171 : memref<1x128xi32, #tpu.memory_space<vmem>> -> memref<128xi32, #tpu.memory_space<vmem>>
      %dma_start3A_173 = arith.constant 0 : i32
      %dma_start3A_174 = arith.constant 0 : i32
      %dma_start3A_175 = tpu.memref_slice %arg3[%dma_start3A_173, %dma_start3A_174] : memref<10000x32xf32, #tpu.memory_space<hbm>> -> memref<10000x32xf32, #tpu.memory_space<hbm>>
      tpu.enqueue_indirect_dma source(%dma_start3A_175 : memref<10000x32xf32, #tpu.memory_space<hbm>>) target(%arg17 : memref<128x32xf32, #tpu.memory_space<vmem>>) offsets(%dma_start3A_172 : memref<128xi32, #tpu.memory_space<vmem>>) semaphore(%arg26 : memref<!tpu.dma_semaphore, #tpu.memory_space<semaphore_mem>>)
    } else {
    }
    %scan3A = arith.constant 0 : i32
    %scan3A_108 = arith.constant 0 : i32
    %scan3A_109 = arith.constant 19 : i32
    %scan3A_110 = arith.addi %scan3A_108, %scan3A_109 : i32
    %scan3A_111 = arith.constant 1 : i32
    scf.for %scan3A_169 = %scan3A_108 to %scan3A_110 step %scan3A_111  : i32 {
      %mul3A_170 = arith.constant 8 : i32
      %mul3A_171 = arith.muli %scan3A_169, %mul3A_170 : i32
      %dma_wait3A_172 = arith.constant 0 : i32
      %dma_wait3A_173 = arith.constant 0 : i32
      %dma_wait3A_174 = tpu.memref_slice %arg2[%dma_wait3A_172, %dma_wait3A_173] : memref<10000x32xf32, #tpu.memory_space<hbm>> -> memref<128x32xf32, #tpu.memory_space<hbm>>
      %dma_wait3A_175 = arith.constant 0 : i32
      %dma_wait3A_176 = arith.constant 0 : i32
      %dma_wait3A_177 = tpu.memref_slice %arg2[%dma_wait3A_175, %dma_wait3A_176] : memref<10000x32xf32, #tpu.memory_space<hbm>> -> memref<128x32xf32, #tpu.memory_space<hbm>>
      tpu.wait_dma2 semaphore(%arg19 : memref<!tpu.dma_semaphore, #tpu.memory_space<semaphore_mem>>) src(%dma_wait3A_177 : memref<128x32xf32, #tpu.memory_space<hbm>>) dst(%arg10 : memref<128x32xf32, #tpu.memory_space<vmem>>)
      %add3A = arith.constant 0 : i32
      %add3A_178 = arith.addi %mul3A_171, %add3A : i32
      "tpu.region"() ({
        %run_scoped3A_347 = tpu.sem_alloc : memref<!tpu.dma_semaphore, #tpu.memory_space<semaphore_mem>>
        %dma_start3A_348 = arith.constant 0 : i32
        %dma_start3A_349 = tpu.memref_slice %arg9[%add3A_178, %dma_start3A_348] : memref<160x128xi32, #tpu.memory_space<vmem>> -> memref<1x128xi32, #tpu.memory_space<vmem>>
        %dma_start3A_350 = tpu.memref_squeeze %dma_start3A_349 : memref<1x128xi32, #tpu.memory_space<vmem>> -> memref<128xi32, #tpu.memory_space<vmem>>
        %dma_start3A_351 = arith.constant 0 : i32
        %dma_start3A_352 = arith.constant 0 : i32
        %dma_start3A_353 = tpu.memref_slice %arg18[%dma_start3A_351, %dma_start3A_352] : memref<10240x32xf32, #tpu.memory_space<vmem_shared>> -> memref<10240x32xf32, #tpu.memory_space<vmem_shared>>
        tpu.enqueue_indirect_dma source(%arg10 : memref<128x32xf32, #tpu.memory_space<vmem>>) target(%dma_start3A_353 : memref<10240x32xf32, #tpu.memory_space<vmem_shared>>) offsets(%dma_start3A_350 : memref<128xi32, #tpu.memory_space<vmem>>) semaphore(%run_scoped3A_347 : memref<!tpu.dma_semaphore, #tpu.memory_space<semaphore_mem>>) {add = true}
        %dma_wait3A_354 = arith.constant 0 : i32
        %dma_wait3A_355 = tpu.memref_slice %arg9[%add3A_178, %dma_wait3A_354] : memref<160x128xi32, #tpu.memory_space<vmem>> -> memref<1x128xi32, #tpu.memory_space<vmem>>
        %dma_wait3A_356 = tpu.memref_squeeze %dma_wait3A_355 : memref<1x128xi32, #tpu.memory_space<vmem>> -> memref<128xi32, #tpu.memory_space<vmem>>
        %dma_wait3A_357 = arith.constant 0 : i32
        %dma_wait3A_358 = arith.constant 0 : i32
        %dma_wait3A_359 = tpu.memref_slice %arg18[%dma_wait3A_357, %dma_wait3A_358] : memref<10240x32xf32, #tpu.memory_space<vmem_shared>> -> memref<10240x32xf32, #tpu.memory_space<vmem_shared>>
        tpu.wait_indirect_dma semaphore(%run_scoped3A_347 : memref<!tpu.dma_semaphore, #tpu.memory_space<semaphore_mem>>) src(%arg10 : memref<128x32xf32, #tpu.memory_space<vmem>>) dst(%dma_wait3A_359 : memref<10240x32xf32, #tpu.memory_space<vmem_shared>>)
        tpu.yield
      }) : () -> ()
      %add3A_179 = arith.constant 0 : i32
      %add3A_180 = arith.addi %mul3A_171, %add3A_179 : i32
      %add3A_181 = arith.constant 8 : i32
      %add3A_182 = arith.addi %add3A_180, %add3A_181 : i32
      %eq3A_183 = arith.constant 0 : i32
      %eq3A_184 = arith.cmpi eq, %arg0, %eq3A_183 : i32
      %convert_element_type3A_185 = arith.extui %eq3A_184 : i1 to i32
      %cond3A_186 = arith.constant 0 : i32
      %cond3A_187 = arith.cmpi ne, %convert_element_type3A_185, %cond3A_186 : i32
      scf.if %cond3A_187 {
        %dma_start3A_347 = arith.constant 0 : i32
        %dma_start3A_348 = tpu.memref_slice %arg8[%add3A_182, %dma_start3A_347] : memref<160x128xi32, #tpu.memory_space<vmem>> -> memref<1x128xi32, #tpu.memory_space<vmem>>
        %dma_start3A_349 = tpu.memref_squeeze %dma_start3A_348 : memref<1x128xi32, #tpu.memory_space<vmem>> -> memref<128xi32, #tpu.memory_space<vmem>>
        %dma_start3A_350 = arith.constant 0 : i32
        %dma_start3A_351 = arith.constant 0 : i32
        %dma_start3A_352 = tpu.memref_slice %arg2[%dma_start3A_350, %dma_start3A_351] : memref<10000x32xf32, #tpu.memory_space<hbm>> -> memref<10000x32xf32, #tpu.memory_space<hbm>>
        tpu.enqueue_indirect_dma source(%dma_start3A_352 : memref<10000x32xf32, #tpu.memory_space<hbm>>) target(%arg10 : memref<128x32xf32, #tpu.memory_space<vmem>>) offsets(%dma_start3A_349 : memref<128xi32, #tpu.memory_space<vmem>>) semaphore(%arg19 : memref<!tpu.dma_semaphore, #tpu.memory_space<semaphore_mem>>)
      } else {
      }
      %eq3A_188 = arith.constant 1 : i32
      %eq3A_189 = arith.cmpi eq, %arg0, %eq3A_188 : i32
      %convert_element_type3A_190 = arith.extui %eq3A_189 : i1 to i32
      %cond3A_191 = arith.constant 0 : i32
      %cond3A_192 = arith.cmpi ne, %convert_element_type3A_190, %cond3A_191 : i32
      scf.if %cond3A_192 {
        %dma_start3A_347 = arith.constant 0 : i32
        %dma_start3A_348 = tpu.memref_slice %arg8[%add3A_182, %dma_start3A_347] : memref<160x128xi32, #tpu.memory_space<vmem>> -> memref<1x128xi32, #tpu.memory_space<vmem>>
        %dma_start3A_349 = tpu.memref_squeeze %dma_start3A_348 : memref<1x128xi32, #tpu.memory_space<vmem>> -> memref<128xi32, #tpu.memory_space<vmem>>
        %dma_start3A_350 = arith.constant 0 : i32
        %dma_start3A_351 = arith.constant 0 : i32
        %dma_start3A_352 = tpu.memref_slice %arg3[%dma_start3A_350, %dma_start3A_351] : memref<10000x32xf32, #tpu.memory_space<hbm>> -> memref<10000x32xf32, #tpu.memory_space<hbm>>
        tpu.enqueue_indirect_dma source(%dma_start3A_352 : memref<10000x32xf32, #tpu.memory_space<hbm>>) target(%arg10 : memref<128x32xf32, #tpu.memory_space<vmem>>) offsets(%dma_start3A_349 : memref<128xi32, #tpu.memory_space<vmem>>) semaphore(%arg19 : memref<!tpu.dma_semaphore, #tpu.memory_space<semaphore_mem>>)
      } else {
      }
      %dma_wait3A_193 = arith.constant 0 : i32
      %dma_wait3A_194 = arith.constant 0 : i32
      %dma_wait3A_195 = tpu.memref_slice %arg2[%dma_wait3A_193, %dma_wait3A_194] : memref<10000x32xf32, #tpu.memory_space<hbm>> -> memref<128x32xf32, #tpu.memory_space<hbm>>
      %dma_wait3A_196 = arith.constant 0 : i32
      %dma_wait3A_197 = arith.constant 0 : i32
      %dma_wait3A_198 = tpu.memref_slice %arg2[%dma_wait3A_196, %dma_wait3A_197] : memref<10000x32xf32, #tpu.memory_space<hbm>> -> memref<128x32xf32, #tpu.memory_space<hbm>>
      tpu.wait_dma2 semaphore(%arg20 : memref<!tpu.dma_semaphore, #tpu.memory_space<semaphore_mem>>) src(%dma_wait3A_198 : memref<128x32xf32, #tpu.memory_space<hbm>>) dst(%arg11 : memref<128x32xf32, #tpu.memory_space<vmem>>)
      %add3A_199 = arith.constant 1 : i32
      %add3A_200 = arith.addi %mul3A_171, %add3A_199 : i32
      "tpu.region"() ({
        %run_scoped3A_347 = tpu.sem_alloc : memref<!tpu.dma_semaphore, #tpu.memory_space<semaphore_mem>>
        %dma_start3A_348 = arith.constant 0 : i32
        %dma_start3A_349 = tpu.memref_slice %arg9[%add3A_200, %dma_start3A_348] : memref<160x128xi32, #tpu.memory_space<vmem>> -> memref<1x128xi32, #tpu.memory_space<vmem>>
        %dma_start3A_350 = tpu.memref_squeeze %dma_start3A_349 : memref<1x128xi32, #tpu.memory_space<vmem>> -> memref<128xi32, #tpu.memory_space<vmem>>
        %dma_start3A_351 = arith.constant 0 : i32
        %dma_start3A_352 = arith.constant 0 : i32
        %dma_start3A_353 = tpu.memref_slice %arg18[%dma_start3A_351, %dma_start3A_352] : memref<10240x32xf32, #tpu.memory_space<vmem_shared>> -> memref<10240x32xf32, #tpu.memory_space<vmem_shared>>
        tpu.enqueue_indirect_dma source(%arg11 : memref<128x32xf32, #tpu.memory_space<vmem>>) target(%dma_start3A_353 : memref<10240x32xf32, #tpu.memory_space<vmem_shared>>) offsets(%dma_start3A_350 : memref<128xi32, #tpu.memory_space<vmem>>) semaphore(%run_scoped3A_347 : memref<!tpu.dma_semaphore, #tpu.memory_space<semaphore_mem>>) {add = true}
        %dma_wait3A_354 = arith.constant 0 : i32
        %dma_wait3A_355 = tpu.memref_slice %arg9[%add3A_200, %dma_wait3A_354] : memref<160x128xi32, #tpu.memory_space<vmem>> -> memref<1x128xi32, #tpu.memory_space<vmem>>
        %dma_wait3A_356 = tpu.memref_squeeze %dma_wait3A_355 : memref<1x128xi32, #tpu.memory_space<vmem>> -> memref<128xi32, #tpu.memory_space<vmem>>
        %dma_wait3A_357 = arith.constant 0 : i32
        %dma_wait3A_358 = arith.constant 0 : i32
        %dma_wait3A_359 = tpu.memref_slice %arg18[%dma_wait3A_357, %dma_wait3A_358] : memref<10240x32xf32, #tpu.memory_space<vmem_shared>> -> memref<10240x32xf32, #tpu.memory_space<vmem_shared>>
        tpu.wait_indirect_dma semaphore(%run_scoped3A_347 : memref<!tpu.dma_semaphore, #tpu.memory_space<semaphore_mem>>) src(%arg11 : memref<128x32xf32, #tpu.memory_space<vmem>>) dst(%dma_wait3A_359 : memref<10240x32xf32, #tpu.memory_space<vmem_shared>>)
        tpu.yield
      }) : () -> ()
      %add3A_201 = arith.constant 1 : i32
      %add3A_202 = arith.addi %mul3A_171, %add3A_201 : i32
      %add3A_203 = arith.constant 8 : i32
      %add3A_204 = arith.addi %add3A_202, %add3A_203 : i32
      %eq3A_205 = arith.constant 0 : i32
      %eq3A_206 = arith.cmpi eq, %arg0, %eq3A_205 : i32
      %convert_element_type3A_207 = arith.extui %eq3A_206 : i1 to i32
      %cond3A_208 = arith.constant 0 : i32
      %cond3A_209 = arith.cmpi ne, %convert_element_type3A_207, %cond3A_208 : i32
      scf.if %cond3A_209 {
        %dma_start3A_347 = arith.constant 0 : i32
        %dma_start3A_348 = tpu.memref_slice %arg8[%add3A_204, %dma_start3A_347] : memref<160x128xi32, #tpu.memory_space<vmem>> -> memref<1x128xi32, #tpu.memory_space<vmem>>
        %dma_start3A_349 = tpu.memref_squeeze %dma_start3A_348 : memref<1x128xi32, #tpu.memory_space<vmem>> -> memref<128xi32, #tpu.memory_space<vmem>>
        %dma_start3A_350 = arith.constant 0 : i32
        %dma_start3A_351 = arith.constant 0 : i32
        %dma_start3A_352 = tpu.memref_slice %arg2[%dma_start3A_350, %dma_start3A_351] : memref<10000x32xf32, #tpu.memory_space<hbm>> -> memref<10000x32xf32, #tpu.memory_space<hbm>>
        tpu.enqueue_indirect_dma source(%dma_start3A_352 : memref<10000x32xf32, #tpu.memory_space<hbm>>) target(%arg11 : memref<128x32xf32, #tpu.memory_space<vmem>>) offsets(%dma_start3A_349 : memref<128xi32, #tpu.memory_space<vmem>>) semaphore(%arg20 : memref<!tpu.dma_semaphore, #tpu.memory_space<semaphore_mem>>)
      } else {
      }
      %eq3A_210 = arith.constant 1 : i32
      %eq3A_211 = arith.cmpi eq, %arg0, %eq3A_210 : i32
      %convert_element_type3A_212 = arith.extui %eq3A_211 : i1 to i32
      %cond3A_213 = arith.constant 0 : i32
      %cond3A_214 = arith.cmpi ne, %convert_element_type3A_212, %cond3A_213 : i32
      scf.if %cond3A_214 {
        %dma_start3A_347 = arith.constant 0 : i32
        %dma_start3A_348 = tpu.memref_slice %arg8[%add3A_204, %dma_start3A_347] : memref<160x128xi32, #tpu.memory_space<vmem>> -> memref<1x128xi32, #tpu.memory_space<vmem>>
        %dma_start3A_349 = tpu.memref_squeeze %dma_start3A_348 : memref<1x128xi32, #tpu.memory_space<vmem>> -> memref<128xi32, #tpu.memory_space<vmem>>
        %dma_start3A_350 = arith.constant 0 : i32
        %dma_start3A_351 = arith.constant 0 : i32
        %dma_start3A_352 = tpu.memref_slice %arg3[%dma_start3A_350, %dma_start3A_351] : memref<10000x32xf32, #tpu.memory_space<hbm>> -> memref<10000x32xf32, #tpu.memory_space<hbm>>
        tpu.enqueue_indirect_dma source(%dma_start3A_352 : memref<10000x32xf32, #tpu.memory_space<hbm>>) target(%arg11 : memref<128x32xf32, #tpu.memory_space<vmem>>) offsets(%dma_start3A_349 : memref<128xi32, #tpu.memory_space<vmem>>) semaphore(%arg20 : memref<!tpu.dma_semaphore, #tpu.memory_space<semaphore_mem>>)
      } else {
      }
      %dma_wait3A_215 = arith.constant 0 : i32
      %dma_wait3A_216 = arith.constant 0 : i32
      %dma_wait3A_217 = tpu.memref_slice %arg2[%dma_wait3A_215, %dma_wait3A_216] : memref<10000x32xf32, #tpu.memory_space<hbm>> -> memref<128x32xf32, #tpu.memory_space<hbm>>
      %dma_wait3A_218 = arith.constant 0 : i32
      %dma_wait3A_219 = arith.constant 0 : i32
      %dma_wait3A_220 = tpu.memref_slice %arg2[%dma_wait3A_218, %dma_wait3A_219] : memref<10000x32xf32, #tpu.memory_space<hbm>> -> memref<128x32xf32, #tpu.memory_space<hbm>>
      tpu.wait_dma2 semaphore(%arg21 : memref<!tpu.dma_semaphore, #tpu.memory_space<semaphore_mem>>) src(%dma_wait3A_220 : memref<128x32xf32, #tpu.memory_space<hbm>>) dst(%arg12 : memref<128x32xf32, #tpu.memory_space<vmem>>)
      %add3A_221 = arith.constant 2 : i32
      %add3A_222 = arith.addi %mul3A_171, %add3A_221 : i32
      "tpu.region"() ({
        %run_scoped3A_347 = tpu.sem_alloc : memref<!tpu.dma_semaphore, #tpu.memory_space<semaphore_mem>>
        %dma_start3A_348 = arith.constant 0 : i32
        %dma_start3A_349 = tpu.memref_slice %arg9[%add3A_222, %dma_start3A_348] : memref<160x128xi32, #tpu.memory_space<vmem>> -> memref<1x128xi32, #tpu.memory_space<vmem>>
        %dma_start3A_350 = tpu.memref_squeeze %dma_start3A_349 : memref<1x128xi32, #tpu.memory_space<vmem>> -> memref<128xi32, #tpu.memory_space<vmem>>
        %dma_start3A_351 = arith.constant 0 : i32
        %dma_start3A_352 = arith.constant 0 : i32
        %dma_start3A_353 = tpu.memref_slice %arg18[%dma_start3A_351, %dma_start3A_352] : memref<10240x32xf32, #tpu.memory_space<vmem_shared>> -> memref<10240x32xf32, #tpu.memory_space<vmem_shared>>
        tpu.enqueue_indirect_dma source(%arg12 : memref<128x32xf32, #tpu.memory_space<vmem>>) target(%dma_start3A_353 : memref<10240x32xf32, #tpu.memory_space<vmem_shared>>) offsets(%dma_start3A_350 : memref<128xi32, #tpu.memory_space<vmem>>) semaphore(%run_scoped3A_347 : memref<!tpu.dma_semaphore, #tpu.memory_space<semaphore_mem>>) {add = true}
        %dma_wait3A_354 = arith.constant 0 : i32
        %dma_wait3A_355 = tpu.memref_slice %arg9[%add3A_222, %dma_wait3A_354] : memref<160x128xi32, #tpu.memory_space<vmem>> -> memref<1x128xi32, #tpu.memory_space<vmem>>
        %dma_wait3A_356 = tpu.memref_squeeze %dma_wait3A_355 : memref<1x128xi32, #tpu.memory_space<vmem>> -> memref<128xi32, #tpu.memory_space<vmem>>
        %dma_wait3A_357 = arith.constant 0 : i32
        %dma_wait3A_358 = arith.constant 0 : i32
        %dma_wait3A_359 = tpu.memref_slice %arg18[%dma_wait3A_357, %dma_wait3A_358] : memref<10240x32xf32, #tpu.memory_space<vmem_shared>> -> memref<10240x32xf32, #tpu.memory_space<vmem_shared>>
        tpu.wait_indirect_dma semaphore(%run_scoped3A_347 : memref<!tpu.dma_semaphore, #tpu.memory_space<semaphore_mem>>) src(%arg12 : memref<128x32xf32, #tpu.memory_space<vmem>>) dst(%dma_wait3A_359 : memref<10240x32xf32, #tpu.memory_space<vmem_shared>>)
        tpu.yield
      }) : () -> ()
      %add3A_223 = arith.constant 2 : i32
      %add3A_224 = arith.addi %mul3A_171, %add3A_223 : i32
      %add3A_225 = arith.constant 8 : i32
      %add3A_226 = arith.addi %add3A_224, %add3A_225 : i32
      %eq3A_227 = arith.constant 0 : i32
      %eq3A_228 = arith.cmpi eq, %arg0, %eq3A_227 : i32
      %convert_element_type3A_229 = arith.extui %eq3A_228 : i1 to i32
      %cond3A_230 = arith.constant 0 : i32
      %cond3A_231 = arith.cmpi ne, %convert_element_type3A_229, %cond3A_230 : i32
      scf.if %cond3A_231 {
        %dma_start3A_347 = arith.constant 0 : i32
        %dma_start3A_348 = tpu.memref_slice %arg8[%add3A_226, %dma_start3A_347] : memref<160x128xi32, #tpu.memory_space<vmem>> -> memref<1x128xi32, #tpu.memory_space<vmem>>
        %dma_start3A_349 = tpu.memref_squeeze %dma_start3A_348 : memref<1x128xi32, #tpu.memory_space<vmem>> -> memref<128xi32, #tpu.memory_space<vmem>>
        %dma_start3A_350 = arith.constant 0 : i32
        %dma_start3A_351 = arith.constant 0 : i32
        %dma_start3A_352 = tpu.memref_slice %arg2[%dma_start3A_350, %dma_start3A_351] : memref<10000x32xf32, #tpu.memory_space<hbm>> -> memref<10000x32xf32, #tpu.memory_space<hbm>>
        tpu.enqueue_indirect_dma source(%dma_start3A_352 : memref<10000x32xf32, #tpu.memory_space<hbm>>) target(%arg12 : memref<128x32xf32, #tpu.memory_space<vmem>>) offsets(%dma_start3A_349 : memref<128xi32, #tpu.memory_space<vmem>>) semaphore(%arg21 : memref<!tpu.dma_semaphore, #tpu.memory_space<semaphore_mem>>)
      } else {
      }
      %eq3A_232 = arith.constant 1 : i32
      %eq3A_233 = arith.cmpi eq, %arg0, %eq3A_232 : i32
      %convert_element_type3A_234 = arith.extui %eq3A_233 : i1 to i32
      %cond3A_235 = arith.constant 0 : i32
      %cond3A_236 = arith.cmpi ne, %convert_element_type3A_234, %cond3A_235 : i32
      scf.if %cond3A_236 {
        %dma_start3A_347 = arith.constant 0 : i32
        %dma_start3A_348 = tpu.memref_slice %arg8[%add3A_226, %dma_start3A_347] : memref<160x128xi32, #tpu.memory_space<vmem>> -> memref<1x128xi32, #tpu.memory_space<vmem>>
        %dma_start3A_349 = tpu.memref_squeeze %dma_start3A_348 : memref<1x128xi32, #tpu.memory_space<vmem>> -> memref<128xi32, #tpu.memory_space<vmem>>
        %dma_start3A_350 = arith.constant 0 : i32
        %dma_start3A_351 = arith.constant 0 : i32
        %dma_start3A_352 = tpu.memref_slice %arg3[%dma_start3A_350, %dma_start3A_351] : memref<10000x32xf32, #tpu.memory_space<hbm>> -> memref<10000x32xf32, #tpu.memory_space<hbm>>
        tpu.enqueue_indirect_dma source(%dma_start3A_352 : memref<10000x32xf32, #tpu.memory_space<hbm>>) target(%arg12 : memref<128x32xf32, #tpu.memory_space<vmem>>) offsets(%dma_start3A_349 : memref<128xi32, #tpu.memory_space<vmem>>) semaphore(%arg21 : memref<!tpu.dma_semaphore, #tpu.memory_space<semaphore_mem>>)
      } else {
      }
      %dma_wait3A_237 = arith.constant 0 : i32
      %dma_wait3A_238 = arith.constant 0 : i32
      %dma_wait3A_239 = tpu.memref_slice %arg2[%dma_wait3A_237, %dma_wait3A_238] : memref<10000x32xf32, #tpu.memory_space<hbm>> -> memref<128x32xf32, #tpu.memory_space<hbm>>
      %dma_wait3A_240 = arith.constant 0 : i32
      %dma_wait3A_241 = arith.constant 0 : i32
      %dma_wait3A_242 = tpu.memref_slice %arg2[%dma_wait3A_240, %dma_wait3A_241] : memref<10000x32xf32, #tpu.memory_space<hbm>> -> memref<128x32xf32, #tpu.memory_space<hbm>>
      tpu.wait_dma2 semaphore(%arg22 : memref<!tpu.dma_semaphore, #tpu.memory_space<semaphore_mem>>) src(%dma_wait3A_242 : memref<128x32xf32, #tpu.memory_space<hbm>>) dst(%arg13 : memref<128x32xf32, #tpu.memory_space<vmem>>)
      %add3A_243 = arith.constant 3 : i32
      %add3A_244 = arith.addi %mul3A_171, %add3A_243 : i32
      "tpu.region"() ({
        %run_scoped3A_347 = tpu.sem_alloc : memref<!tpu.dma_semaphore, #tpu.memory_space<semaphore_mem>>
        %dma_start3A_348 = arith.constant 0 : i32
        %dma_start3A_349 = tpu.memref_slice %arg9[%add3A_244, %dma_start3A_348] : memref<160x128xi32, #tpu.memory_space<vmem>> -> memref<1x128xi32, #tpu.memory_space<vmem>>
        %dma_start3A_350 = tpu.memref_squeeze %dma_start3A_349 : memref<1x128xi32, #tpu.memory_space<vmem>> -> memref<128xi32, #tpu.memory_space<vmem>>
        %dma_start3A_351 = arith.constant 0 : i32
        %dma_start3A_352 = arith.constant 0 : i32
        %dma_start3A_353 = tpu.memref_slice %arg18[%dma_start3A_351, %dma_start3A_352] : memref<10240x32xf32, #tpu.memory_space<vmem_shared>> -> memref<10240x32xf32, #tpu.memory_space<vmem_shared>>
        tpu.enqueue_indirect_dma source(%arg13 : memref<128x32xf32, #tpu.memory_space<vmem>>) target(%dma_start3A_353 : memref<10240x32xf32, #tpu.memory_space<vmem_shared>>) offsets(%dma_start3A_350 : memref<128xi32, #tpu.memory_space<vmem>>) semaphore(%run_scoped3A_347 : memref<!tpu.dma_semaphore, #tpu.memory_space<semaphore_mem>>) {add = true}
        %dma_wait3A_354 = arith.constant 0 : i32
        %dma_wait3A_355 = tpu.memref_slice %arg9[%add3A_244, %dma_wait3A_354] : memref<160x128xi32, #tpu.memory_space<vmem>> -> memref<1x128xi32, #tpu.memory_space<vmem>>
        %dma_wait3A_356 = tpu.memref_squeeze %dma_wait3A_355 : memref<1x128xi32, #tpu.memory_space<vmem>> -> memref<128xi32, #tpu.memory_space<vmem>>
        %dma_wait3A_357 = arith.constant 0 : i32
        %dma_wait3A_358 = arith.constant 0 : i32
        %dma_wait3A_359 = tpu.memref_slice %arg18[%dma_wait3A_357, %dma_wait3A_358] : memref<10240x32xf32, #tpu.memory_space<vmem_shared>> -> memref<10240x32xf32, #tpu.memory_space<vmem_shared>>
        tpu.wait_indirect_dma semaphore(%run_scoped3A_347 : memref<!tpu.dma_semaphore, #tpu.memory_space<semaphore_mem>>) src(%arg13 : memref<128x32xf32, #tpu.memory_space<vmem>>) dst(%dma_wait3A_359 : memref<10240x32xf32, #tpu.memory_space<vmem_shared>>)
        tpu.yield
      }) : () -> ()
      %add3A_245 = arith.constant 3 : i32
      %add3A_246 = arith.addi %mul3A_171, %add3A_245 : i32
      %add3A_247 = arith.constant 8 : i32
      %add3A_248 = arith.addi %add3A_246, %add3A_247 : i32
      %eq3A_249 = arith.constant 0 : i32
      %eq3A_250 = arith.cmpi eq, %arg0, %eq3A_249 : i32
      %convert_element_type3A_251 = arith.extui %eq3A_250 : i1 to i32
      %cond3A_252 = arith.constant 0 : i32
      %cond3A_253 = arith.cmpi ne, %convert_element_type3A_251, %cond3A_252 : i32
      scf.if %cond3A_253 {
        %dma_start3A_347 = arith.constant 0 : i32
        %dma_start3A_348 = tpu.memref_slice %arg8[%add3A_248, %dma_start3A_347] : memref<160x128xi32, #tpu.memory_space<vmem>> -> memref<1x128xi32, #tpu.memory_space<vmem>>
        %dma_start3A_349 = tpu.memref_squeeze %dma_start3A_348 : memref<1x128xi32, #tpu.memory_space<vmem>> -> memref<128xi32, #tpu.memory_space<vmem>>
        %dma_start3A_350 = arith.constant 0 : i32
        %dma_start3A_351 = arith.constant 0 : i32
        %dma_start3A_352 = tpu.memref_slice %arg2[%dma_start3A_350, %dma_start3A_351] : memref<10000x32xf32, #tpu.memory_space<hbm>> -> memref<10000x32xf32, #tpu.memory_space<hbm>>
        tpu.enqueue_indirect_dma source(%dma_start3A_352 : memref<10000x32xf32, #tpu.memory_space<hbm>>) target(%arg13 : memref<128x32xf32, #tpu.memory_space<vmem>>) offsets(%dma_start3A_349 : memref<128xi32, #tpu.memory_space<vmem>>) semaphore(%arg22 : memref<!tpu.dma_semaphore, #tpu.memory_space<semaphore_mem>>)
      } else {
      }
      %eq3A_254 = arith.constant 1 : i32
      %eq3A_255 = arith.cmpi eq, %arg0, %eq3A_254 : i32
      %convert_element_type3A_256 = arith.extui %eq3A_255 : i1 to i32
      %cond3A_257 = arith.constant 0 : i32
      %cond3A_258 = arith.cmpi ne, %convert_element_type3A_256, %cond3A_257 : i32
      scf.if %cond3A_258 {
        %dma_start3A_347 = arith.constant 0 : i32
        %dma_start3A_348 = tpu.memref_slice %arg8[%add3A_248, %dma_start3A_347] : memref<160x128xi32, #tpu.memory_space<vmem>> -> memref<1x128xi32, #tpu.memory_space<vmem>>
        %dma_start3A_349 = tpu.memref_squeeze %dma_start3A_348 : memref<1x128xi32, #tpu.memory_space<vmem>> -> memref<128xi32, #tpu.memory_space<vmem>>
        %dma_start3A_350 = arith.constant 0 : i32
        %dma_start3A_351 = arith.constant 0 : i32
        %dma_start3A_352 = tpu.memref_slice %arg3[%dma_start3A_350, %dma_start3A_351] : memref<10000x32xf32, #tpu.memory_space<hbm>> -> memref<10000x32xf32, #tpu.memory_space<hbm>>
        tpu.enqueue_indirect_dma source(%dma_start3A_352 : memref<10000x32xf32, #tpu.memory_space<hbm>>) target(%arg13 : memref<128x32xf32, #tpu.memory_space<vmem>>) offsets(%dma_start3A_349 : memref<128xi32, #tpu.memory_space<vmem>>) semaphore(%arg22 : memref<!tpu.dma_semaphore, #tpu.memory_space<semaphore_mem>>)
      } else {
      }
      %dma_wait3A_259 = arith.constant 0 : i32
      %dma_wait3A_260 = arith.constant 0 : i32
      %dma_wait3A_261 = tpu.memref_slice %arg2[%dma_wait3A_259, %dma_wait3A_260] : memref<10000x32xf32, #tpu.memory_space<hbm>> -> memref<128x32xf32, #tpu.memory_space<hbm>>
      %dma_wait3A_262 = arith.constant 0 : i32
      %dma_wait3A_263 = arith.constant 0 : i32
      %dma_wait3A_264 = tpu.memref_slice %arg2[%dma_wait3A_262, %dma_wait3A_263] : memref<10000x32xf32, #tpu.memory_space<hbm>> -> memref<128x32xf32, #tpu.memory_space<hbm>>
      tpu.wait_dma2 semaphore(%arg23 : memref<!tpu.dma_semaphore, #tpu.memory_space<semaphore_mem>>) src(%dma_wait3A_264 : memref<128x32xf32, #tpu.memory_space<hbm>>) dst(%arg14 : memref<128x32xf32, #tpu.memory_space<vmem>>)
      %add3A_265 = arith.constant 4 : i32
      %add3A_266 = arith.addi %mul3A_171, %add3A_265 : i32
      "tpu.region"() ({
        %run_scoped3A_347 = tpu.sem_alloc : memref<!tpu.dma_semaphore, #tpu.memory_space<semaphore_mem>>
        %dma_start3A_348 = arith.constant 0 : i32
        %dma_start3A_349 = tpu.memref_slice %arg9[%add3A_266, %dma_start3A_348] : memref<160x128xi32, #tpu.memory_space<vmem>> -> memref<1x128xi32, #tpu.memory_space<vmem>>
        %dma_start3A_350 = tpu.memref_squeeze %dma_start3A_349 : memref<1x128xi32, #tpu.memory_space<vmem>> -> memref<128xi32, #tpu.memory_space<vmem>>
        %dma_start3A_351 = arith.constant 0 : i32
        %dma_start3A_352 = arith.constant 0 : i32
        %dma_start3A_353 = tpu.memref_slice %arg18[%dma_start3A_351, %dma_start3A_352] : memref<10240x32xf32, #tpu.memory_space<vmem_shared>> -> memref<10240x32xf32, #tpu.memory_space<vmem_shared>>
        tpu.enqueue_indirect_dma source(%arg14 : memref<128x32xf32, #tpu.memory_space<vmem>>) target(%dma_start3A_353 : memref<10240x32xf32, #tpu.memory_space<vmem_shared>>) offsets(%dma_start3A_350 : memref<128xi32, #tpu.memory_space<vmem>>) semaphore(%run_scoped3A_347 : memref<!tpu.dma_semaphore, #tpu.memory_space<semaphore_mem>>) {add = true}
        %dma_wait3A_354 = arith.constant 0 : i32
        %dma_wait3A_355 = tpu.memref_slice %arg9[%add3A_266, %dma_wait3A_354] : memref<160x128xi32, #tpu.memory_space<vmem>> -> memref<1x128xi32, #tpu.memory_space<vmem>>
        %dma_wait3A_356 = tpu.memref_squeeze %dma_wait3A_355 : memref<1x128xi32, #tpu.memory_space<vmem>> -> memref<128xi32, #tpu.memory_space<vmem>>
        %dma_wait3A_357 = arith.constant 0 : i32
        %dma_wait3A_358 = arith.constant 0 : i32
        %dma_wait3A_359 = tpu.memref_slice %arg18[%dma_wait3A_357, %dma_wait3A_358] : memref<10240x32xf32, #tpu.memory_space<vmem_shared>> -> memref<10240x32xf32, #tpu.memory_space<vmem_shared>>
        tpu.wait_indirect_dma semaphore(%run_scoped3A_347 : memref<!tpu.dma_semaphore, #tpu.memory_space<semaphore_mem>>) src(%arg14 : memref<128x32xf32, #tpu.memory_space<vmem>>) dst(%dma_wait3A_359 : memref<10240x32xf32, #tpu.memory_space<vmem_shared>>)
        tpu.yield
      }) : () -> ()
      %add3A_267 = arith.constant 4 : i32
      %add3A_268 = arith.addi %mul3A_171, %add3A_267 : i32
      %add3A_269 = arith.constant 8 : i32
      %add3A_270 = arith.addi %add3A_268, %add3A_269 : i32
      %eq3A_271 = arith.constant 0 : i32
      %eq3A_272 = arith.cmpi eq, %arg0, %eq3A_271 : i32
      %convert_element_type3A_273 = arith.extui %eq3A_272 : i1 to i32
      %cond3A_274 = arith.constant 0 : i32
      %cond3A_275 = arith.cmpi ne, %convert_element_type3A_273, %cond3A_274 : i32
      scf.if %cond3A_275 {
        %dma_start3A_347 = arith.constant 0 : i32
        %dma_start3A_348 = tpu.memref_slice %arg8[%add3A_270, %dma_start3A_347] : memref<160x128xi32, #tpu.memory_space<vmem>> -> memref<1x128xi32, #tpu.memory_space<vmem>>
        %dma_start3A_349 = tpu.memref_squeeze %dma_start3A_348 : memref<1x128xi32, #tpu.memory_space<vmem>> -> memref<128xi32, #tpu.memory_space<vmem>>
        %dma_start3A_350 = arith.constant 0 : i32
        %dma_start3A_351 = arith.constant 0 : i32
        %dma_start3A_352 = tpu.memref_slice %arg2[%dma_start3A_350, %dma_start3A_351] : memref<10000x32xf32, #tpu.memory_space<hbm>> -> memref<10000x32xf32, #tpu.memory_space<hbm>>
        tpu.enqueue_indirect_dma source(%dma_start3A_352 : memref<10000x32xf32, #tpu.memory_space<hbm>>) target(%arg14 : memref<128x32xf32, #tpu.memory_space<vmem>>) offsets(%dma_start3A_349 : memref<128xi32, #tpu.memory_space<vmem>>) semaphore(%arg23 : memref<!tpu.dma_semaphore, #tpu.memory_space<semaphore_mem>>)
      } else {
      }
      %eq3A_276 = arith.constant 1 : i32
      %eq3A_277 = arith.cmpi eq, %arg0, %eq3A_276 : i32
      %convert_element_type3A_278 = arith.extui %eq3A_277 : i1 to i32
      %cond3A_279 = arith.constant 0 : i32
      %cond3A_280 = arith.cmpi ne, %convert_element_type3A_278, %cond3A_279 : i32
      scf.if %cond3A_280 {
        %dma_start3A_347 = arith.constant 0 : i32
        %dma_start3A_348 = tpu.memref_slice %arg8[%add3A_270, %dma_start3A_347] : memref<160x128xi32, #tpu.memory_space<vmem>> -> memref<1x128xi32, #tpu.memory_space<vmem>>
        %dma_start3A_349 = tpu.memref_squeeze %dma_start3A_348 : memref<1x128xi32, #tpu.memory_space<vmem>> -> memref<128xi32, #tpu.memory_space<vmem>>
        %dma_start3A_350 = arith.constant 0 : i32
        %dma_start3A_351 = arith.constant 0 : i32
        %dma_start3A_352 = tpu.memref_slice %arg3[%dma_start3A_350, %dma_start3A_351] : memref<10000x32xf32, #tpu.memory_space<hbm>> -> memref<10000x32xf32, #tpu.memory_space<hbm>>
        tpu.enqueue_indirect_dma source(%dma_start3A_352 : memref<10000x32xf32, #tpu.memory_space<hbm>>) target(%arg14 : memref<128x32xf32, #tpu.memory_space<vmem>>) offsets(%dma_start3A_349 : memref<128xi32, #tpu.memory_space<vmem>>) semaphore(%arg23 : memref<!tpu.dma_semaphore, #tpu.memory_space<semaphore_mem>>)
      } else {
      }
      %dma_wait3A_281 = arith.constant 0 : i32
      %dma_wait3A_282 = arith.constant 0 : i32
      %dma_wait3A_283 = tpu.memref_slice %arg2[%dma_wait3A_281, %dma_wait3A_282] : memref<10000x32xf32, #tpu.memory_space<hbm>> -> memref<128x32xf32, #tpu.memory_space<hbm>>
      %dma_wait3A_284 = arith.constant 0 : i32
      %dma_wait3A_285 = arith.constant 0 : i32
      %dma_wait3A_286 = tpu.memref_slice %arg2[%dma_wait3A_284, %dma_wait3A_285] : memref<10000x32xf32, #tpu.memory_space<hbm>> -> memref<128x32xf32, #tpu.memory_space<hbm>>
      tpu.wait_dma2 semaphore(%arg24 : memref<!tpu.dma_semaphore, #tpu.memory_space<semaphore_mem>>) src(%dma_wait3A_286 : memref<128x32xf32, #tpu.memory_space<hbm>>) dst(%arg15 : memref<128x32xf32, #tpu.memory_space<vmem>>)
      %add3A_287 = arith.constant 5 : i32
      %add3A_288 = arith.addi %mul3A_171, %add3A_287 : i32
      "tpu.region"() ({
        %run_scoped3A_347 = tpu.sem_alloc : memref<!tpu.dma_semaphore, #tpu.memory_space<semaphore_mem>>
        %dma_start3A_348 = arith.constant 0 : i32
        %dma_start3A_349 = tpu.memref_slice %arg9[%add3A_288, %dma_start3A_348] : memref<160x128xi32, #tpu.memory_space<vmem>> -> memref<1x128xi32, #tpu.memory_space<vmem>>
        %dma_start3A_350 = tpu.memref_squeeze %dma_start3A_349 : memref<1x128xi32, #tpu.memory_space<vmem>> -> memref<128xi32, #tpu.memory_space<vmem>>
        %dma_start3A_351 = arith.constant 0 : i32
        %dma_start3A_352 = arith.constant 0 : i32
        %dma_start3A_353 = tpu.memref_slice %arg18[%dma_start3A_351, %dma_start3A_352] : memref<10240x32xf32, #tpu.memory_space<vmem_shared>> -> memref<10240x32xf32, #tpu.memory_space<vmem_shared>>
        tpu.enqueue_indirect_dma source(%arg15 : memref<128x32xf32, #tpu.memory_space<vmem>>) target(%dma_start3A_353 : memref<10240x32xf32, #tpu.memory_space<vmem_shared>>) offsets(%dma_start3A_350 : memref<128xi32, #tpu.memory_space<vmem>>) semaphore(%run_scoped3A_347 : memref<!tpu.dma_semaphore, #tpu.memory_space<semaphore_mem>>) {add = true}
        %dma_wait3A_354 = arith.constant 0 : i32
        %dma_wait3A_355 = tpu.memref_slice %arg9[%add3A_288, %dma_wait3A_354] : memref<160x128xi32, #tpu.memory_space<vmem>> -> memref<1x128xi32, #tpu.memory_space<vmem>>
        %dma_wait3A_356 = tpu.memref_squeeze %dma_wait3A_355 : memref<1x128xi32, #tpu.memory_space<vmem>> -> memref<128xi32, #tpu.memory_space<vmem>>
        %dma_wait3A_357 = arith.constant 0 : i32
        %dma_wait3A_358 = arith.constant 0 : i32
        %dma_wait3A_359 = tpu.memref_slice %arg18[%dma_wait3A_357, %dma_wait3A_358] : memref<10240x32xf32, #tpu.memory_space<vmem_shared>> -> memref<10240x32xf32, #tpu.memory_space<vmem_shared>>
        tpu.wait_indirect_dma semaphore(%run_scoped3A_347 : memref<!tpu.dma_semaphore, #tpu.memory_space<semaphore_mem>>) src(%arg15 : memref<128x32xf32, #tpu.memory_space<vmem>>) dst(%dma_wait3A_359 : memref<10240x32xf32, #tpu.memory_space<vmem_shared>>)
        tpu.yield
      }) : () -> ()
      %add3A_289 = arith.constant 5 : i32
      %add3A_290 = arith.addi %mul3A_171, %add3A_289 : i32
      %add3A_291 = arith.constant 8 : i32
      %add3A_292 = arith.addi %add3A_290, %add3A_291 : i32
      %eq3A_293 = arith.constant 0 : i32
      %eq3A_294 = arith.cmpi eq, %arg0, %eq3A_293 : i32
      %convert_element_type3A_295 = arith.extui %eq3A_294 : i1 to i32
      %cond3A_296 = arith.constant 0 : i32
      %cond3A_297 = arith.cmpi ne, %convert_element_type3A_295, %cond3A_296 : i32
      scf.if %cond3A_297 {
        %dma_start3A_347 = arith.constant 0 : i32
        %dma_start3A_348 = tpu.memref_slice %arg8[%add3A_292, %dma_start3A_347] : memref<160x128xi32, #tpu.memory_space<vmem>> -> memref<1x128xi32, #tpu.memory_space<vmem>>
        %dma_start3A_349 = tpu.memref_squeeze %dma_start3A_348 : memref<1x128xi32, #tpu.memory_space<vmem>> -> memref<128xi32, #tpu.memory_space<vmem>>
        %dma_start3A_350 = arith.constant 0 : i32
        %dma_start3A_351 = arith.constant 0 : i32
        %dma_start3A_352 = tpu.memref_slice %arg2[%dma_start3A_350, %dma_start3A_351] : memref<10000x32xf32, #tpu.memory_space<hbm>> -> memref<10000x32xf32, #tpu.memory_space<hbm>>
        tpu.enqueue_indirect_dma source(%dma_start3A_352 : memref<10000x32xf32, #tpu.memory_space<hbm>>) target(%arg15 : memref<128x32xf32, #tpu.memory_space<vmem>>) offsets(%dma_start3A_349 : memref<128xi32, #tpu.memory_space<vmem>>) semaphore(%arg24 : memref<!tpu.dma_semaphore, #tpu.memory_space<semaphore_mem>>)
      } else {
      }
      %eq3A_298 = arith.constant 1 : i32
      %eq3A_299 = arith.cmpi eq, %arg0, %eq3A_298 : i32
      %convert_element_type3A_300 = arith.extui %eq3A_299 : i1 to i32
      %cond3A_301 = arith.constant 0 : i32
      %cond3A_302 = arith.cmpi ne, %convert_element_type3A_300, %cond3A_301 : i32
      scf.if %cond3A_302 {
        %dma_start3A_347 = arith.constant 0 : i32
        %dma_start3A_348 = tpu.memref_slice %arg8[%add3A_292, %dma_start3A_347] : memref<160x128xi32, #tpu.memory_space<vmem>> -> memref<1x128xi32, #tpu.memory_space<vmem>>
        %dma_start3A_349 = tpu.memref_squeeze %dma_start3A_348 : memref<1x128xi32, #tpu.memory_space<vmem>> -> memref<128xi32, #tpu.memory_space<vmem>>
        %dma_start3A_350 = arith.constant 0 : i32
        %dma_start3A_351 = arith.constant 0 : i32
        %dma_start3A_352 = tpu.memref_slice %arg3[%dma_start3A_350, %dma_start3A_351] : memref<10000x32xf32, #tpu.memory_space<hbm>> -> memref<10000x32xf32, #tpu.memory_space<hbm>>
        tpu.enqueue_indirect_dma source(%dma_start3A_352 : memref<10000x32xf32, #tpu.memory_space<hbm>>) target(%arg15 : memref<128x32xf32, #tpu.memory_space<vmem>>) offsets(%dma_start3A_349 : memref<128xi32, #tpu.memory_space<vmem>>) semaphore(%arg24 : memref<!tpu.dma_semaphore, #tpu.memory_space<semaphore_mem>>)
      } else {
      }
      %dma_wait3A_303 = arith.constant 0 : i32
      %dma_wait3A_304 = arith.constant 0 : i32
      %dma_wait3A_305 = tpu.memref_slice %arg2[%dma_wait3A_303, %dma_wait3A_304] : memref<10000x32xf32, #tpu.memory_space<hbm>> -> memref<128x32xf32, #tpu.memory_space<hbm>>
      %dma_wait3A_306 = arith.constant 0 : i32
      %dma_wait3A_307 = arith.constant 0 : i32
      %dma_wait3A_308 = tpu.memref_slice %arg2[%dma_wait3A_306, %dma_wait3A_307] : memref<10000x32xf32, #tpu.memory_space<hbm>> -> memref<128x32xf32, #tpu.memory_space<hbm>>
      tpu.wait_dma2 semaphore(%arg25 : memref<!tpu.dma_semaphore, #tpu.memory_space<semaphore_mem>>) src(%dma_wait3A_308 : memref<128x32xf32, #tpu.memory_space<hbm>>) dst(%arg16 : memref<128x32xf32, #tpu.memory_space<vmem>>)
      %add3A_309 = arith.constant 6 : i32
      %add3A_310 = arith.addi %mul3A_171, %add3A_309 : i32
      "tpu.region"() ({
        %run_scoped3A_347 = tpu.sem_alloc : memref<!tpu.dma_semaphore, #tpu.memory_space<semaphore_mem>>
        %dma_start3A_348 = arith.constant 0 : i32
        %dma_start3A_349 = tpu.memref_slice %arg9[%add3A_310, %dma_start3A_348] : memref<160x128xi32, #tpu.memory_space<vmem>> -> memref<1x128xi32, #tpu.memory_space<vmem>>
        %dma_start3A_350 = tpu.memref_squeeze %dma_start3A_349 : memref<1x128xi32, #tpu.memory_space<vmem>> -> memref<128xi32, #tpu.memory_space<vmem>>
        %dma_start3A_351 = arith.constant 0 : i32
        %dma_start3A_352 = arith.constant 0 : i32
        %dma_start3A_353 = tpu.memref_slice %arg18[%dma_start3A_351, %dma_start3A_352] : memref<10240x32xf32, #tpu.memory_space<vmem_shared>> -> memref<10240x32xf32, #tpu.memory_space<vmem_shared>>
        tpu.enqueue_indirect_dma source(%arg16 : memref<128x32xf32, #tpu.memory_space<vmem>>) target(%dma_start3A_353 : memref<10240x32xf32, #tpu.memory_space<vmem_shared>>) offsets(%dma_start3A_350 : memref<128xi32, #tpu.memory_space<vmem>>) semaphore(%run_scoped3A_347 : memref<!tpu.dma_semaphore, #tpu.memory_space<semaphore_mem>>) {add = true}
        %dma_wait3A_354 = arith.constant 0 : i32
        %dma_wait3A_355 = tpu.memref_slice %arg9[%add3A_310, %dma_wait3A_354] : memref<160x128xi32, #tpu.memory_space<vmem>> -> memref<1x128xi32, #tpu.memory_space<vmem>>
        %dma_wait3A_356 = tpu.memref_squeeze %dma_wait3A_355 : memref<1x128xi32, #tpu.memory_space<vmem>> -> memref<128xi32, #tpu.memory_space<vmem>>
        %dma_wait3A_357 = arith.constant 0 : i32
        %dma_wait3A_358 = arith.constant 0 : i32
        %dma_wait3A_359 = tpu.memref_slice %arg18[%dma_wait3A_357, %dma_wait3A_358] : memref<10240x32xf32, #tpu.memory_space<vmem_shared>> -> memref<10240x32xf32, #tpu.memory_space<vmem_shared>>
        tpu.wait_indirect_dma semaphore(%run_scoped3A_347 : memref<!tpu.dma_semaphore, #tpu.memory_space<semaphore_mem>>) src(%arg16 : memref<128x32xf32, #tpu.memory_space<vmem>>) dst(%dma_wait3A_359 : memref<10240x32xf32, #tpu.memory_space<vmem_shared>>)
        tpu.yield
      }) : () -> ()
      %add3A_311 = arith.constant 6 : i32
      %add3A_312 = arith.addi %mul3A_171, %add3A_311 : i32
      %add3A_313 = arith.constant 8 : i32
      %add3A_314 = arith.addi %add3A_312, %add3A_313 : i32
      %eq3A_315 = arith.constant 0 : i32
      %eq3A_316 = arith.cmpi eq, %arg0, %eq3A_315 : i32
      %convert_element_type3A_317 = arith.extui %eq3A_316 : i1 to i32
      %cond3A_318 = arith.constant 0 : i32
      %cond3A_319 = arith.cmpi ne, %convert_element_type3A_317, %cond3A_318 : i32
      scf.if %cond3A_319 {
        %dma_start3A_347 = arith.constant 0 : i32
        %dma_start3A_348 = tpu.memref_slice %arg8[%add3A_314, %dma_start3A_347] : memref<160x128xi32, #tpu.memory_space<vmem>> -> memref<1x128xi32, #tpu.memory_space<vmem>>
        %dma_start3A_349 = tpu.memref_squeeze %dma_start3A_348 : memref<1x128xi32, #tpu.memory_space<vmem>> -> memref<128xi32, #tpu.memory_space<vmem>>
        %dma_start3A_350 = arith.constant 0 : i32
        %dma_start3A_351 = arith.constant 0 : i32
        %dma_start3A_352 = tpu.memref_slice %arg2[%dma_start3A_350, %dma_start3A_351] : memref<10000x32xf32, #tpu.memory_space<hbm>> -> memref<10000x32xf32, #tpu.memory_space<hbm>>
        tpu.enqueue_indirect_dma source(%dma_start3A_352 : memref<10000x32xf32, #tpu.memory_space<hbm>>) target(%arg16 : memref<128x32xf32, #tpu.memory_space<vmem>>) offsets(%dma_start3A_349 : memref<128xi32, #tpu.memory_space<vmem>>) semaphore(%arg25 : memref<!tpu.dma_semaphore, #tpu.memory_space<semaphore_mem>>)
      } else {
      }
      %eq3A_320 = arith.constant 1 : i32
      %eq3A_321 = arith.cmpi eq, %arg0, %eq3A_320 : i32
      %convert_element_type3A_322 = arith.extui %eq3A_321 : i1 to i32
      %cond3A_323 = arith.constant 0 : i32
      %cond3A_324 = arith.cmpi ne, %convert_element_type3A_322, %cond3A_323 : i32
      scf.if %cond3A_324 {
        %dma_start3A_347 = arith.constant 0 : i32
        %dma_start3A_348 = tpu.memref_slice %arg8[%add3A_314, %dma_start3A_347] : memref<160x128xi32, #tpu.memory_space<vmem>> -> memref<1x128xi32, #tpu.memory_space<vmem>>
        %dma_start3A_349 = tpu.memref_squeeze %dma_start3A_348 : memref<1x128xi32, #tpu.memory_space<vmem>> -> memref<128xi32, #tpu.memory_space<vmem>>
        %dma_start3A_350 = arith.constant 0 : i32
        %dma_start3A_351 = arith.constant 0 : i32
        %dma_start3A_352 = tpu.memref_slice %arg3[%dma_start3A_350, %dma_start3A_351] : memref<10000x32xf32, #tpu.memory_space<hbm>> -> memref<10000x32xf32, #tpu.memory_space<hbm>>
        tpu.enqueue_indirect_dma source(%dma_start3A_352 : memref<10000x32xf32, #tpu.memory_space<hbm>>) target(%arg16 : memref<128x32xf32, #tpu.memory_space<vmem>>) offsets(%dma_start3A_349 : memref<128xi32, #tpu.memory_space<vmem>>) semaphore(%arg25 : memref<!tpu.dma_semaphore, #tpu.memory_space<semaphore_mem>>)
      } else {
      }
      %dma_wait3A_325 = arith.constant 0 : i32
      %dma_wait3A_326 = arith.constant 0 : i32
      %dma_wait3A_327 = tpu.memref_slice %arg2[%dma_wait3A_325, %dma_wait3A_326] : memref<10000x32xf32, #tpu.memory_space<hbm>> -> memref<128x32xf32, #tpu.memory_space<hbm>>
      %dma_wait3A_328 = arith.constant 0 : i32
      %dma_wait3A_329 = arith.constant 0 : i32
      %dma_wait3A_330 = tpu.memref_slice %arg2[%dma_wait3A_328, %dma_wait3A_329] : memref<10000x32xf32, #tpu.memory_space<hbm>> -> memref<128x32xf32, #tpu.memory_space<hbm>>
      tpu.wait_dma2 semaphore(%arg26 : memref<!tpu.dma_semaphore, #tpu.memory_space<semaphore_mem>>) src(%dma_wait3A_330 : memref<128x32xf32, #tpu.memory_space<hbm>>) dst(%arg17 : memref<128x32xf32, #tpu.memory_space<vmem>>)
      %add3A_331 = arith.constant 7 : i32
      %add3A_332 = arith.addi %mul3A_171, %add3A_331 : i32
      "tpu.region"() ({
        %run_scoped3A_347 = tpu.sem_alloc : memref<!tpu.dma_semaphore, #tpu.memory_space<semaphore_mem>>
        %dma_start3A_348 = arith.constant 0 : i32
        %dma_start3A_349 = tpu.memref_slice %arg9[%add3A_332, %dma_start3A_348] : memref<160x128xi32, #tpu.memory_space<vmem>> -> memref<1x128xi32, #tpu.memory_space<vmem>>
        %dma_start3A_350 = tpu.memref_squeeze %dma_start3A_349 : memref<1x128xi32, #tpu.memory_space<vmem>> -> memref<128xi32, #tpu.memory_space<vmem>>
        %dma_start3A_351 = arith.constant 0 : i32
        %dma_start3A_352 = arith.constant 0 : i32
        %dma_start3A_353 = tpu.memref_slice %arg18[%dma_start3A_351, %dma_start3A_352] : memref<10240x32xf32, #tpu.memory_space<vmem_shared>> -> memref<10240x32xf32, #tpu.memory_space<vmem_shared>>
        tpu.enqueue_indirect_dma source(%arg17 : memref<128x32xf32, #tpu.memory_space<vmem>>) target(%dma_start3A_353 : memref<10240x32xf32, #tpu.memory_space<vmem_shared>>) offsets(%dma_start3A_350 : memref<128xi32, #tpu.memory_space<vmem>>) semaphore(%run_scoped3A_347 : memref<!tpu.dma_semaphore, #tpu.memory_space<semaphore_mem>>) {add = true}
        %dma_wait3A_354 = arith.constant 0 : i32
        %dma_wait3A_355 = tpu.memref_slice %arg9[%add3A_332, %dma_wait3A_354] : memref<160x128xi32, #tpu.memory_space<vmem>> -> memref<1x128xi32, #tpu.memory_space<vmem>>
        %dma_wait3A_356 = tpu.memref_squeeze %dma_wait3A_355 : memref<1x128xi32, #tpu.memory_space<vmem>> -> memref<128xi32, #tpu.memory_space<vmem>>
        %dma_wait3A_357 = arith.constant 0 : i32
        %dma_wait3A_358 = arith.constant 0 : i32
        %dma_wait3A_359 = tpu.memref_slice %arg18[%dma_wait3A_357, %dma_wait3A_358] : memref<10240x32xf32, #tpu.memory_space<vmem_shared>> -> memref<10240x32xf32, #tpu.memory_space<vmem_shared>>
        tpu.wait_indirect_dma semaphore(%run_scoped3A_347 : memref<!tpu.dma_semaphore, #tpu.memory_space<semaphore_mem>>) src(%arg17 : memref<128x32xf32, #tpu.memory_space<vmem>>) dst(%dma_wait3A_359 : memref<10240x32xf32, #tpu.memory_space<vmem_shared>>)
        tpu.yield
      }) : () -> ()
      %add3A_333 = arith.constant 7 : i32
      %add3A_334 = arith.addi %mul3A_171, %add3A_333 : i32
      %add3A_335 = arith.constant 8 : i32
      %add3A_336 = arith.addi %add3A_334, %add3A_335 : i32
      %eq3A_337 = arith.constant 0 : i32
      %eq3A_338 = arith.cmpi eq, %arg0, %eq3A_337 : i32
      %convert_element_type3A_339 = arith.extui %eq3A_338 : i1 to i32
      %cond3A_340 = arith.constant 0 : i32
      %cond3A_341 = arith.cmpi ne, %convert_element_type3A_339, %cond3A_340 : i32
      scf.if %cond3A_341 {
        %dma_start3A_347 = arith.constant 0 : i32
        %dma_start3A_348 = tpu.memref_slice %arg8[%add3A_336, %dma_start3A_347] : memref<160x128xi32, #tpu.memory_space<vmem>> -> memref<1x128xi32, #tpu.memory_space<vmem>>
        %dma_start3A_349 = tpu.memref_squeeze %dma_start3A_348 : memref<1x128xi32, #tpu.memory_space<vmem>> -> memref<128xi32, #tpu.memory_space<vmem>>
        %dma_start3A_350 = arith.constant 0 : i32
        %dma_start3A_351 = arith.constant 0 : i32
        %dma_start3A_352 = tpu.memref_slice %arg2[%dma_start3A_350, %dma_start3A_351] : memref<10000x32xf32, #tpu.memory_space<hbm>> -> memref<10000x32xf32, #tpu.memory_space<hbm>>
        tpu.enqueue_indirect_dma source(%dma_start3A_352 : memref<10000x32xf32, #tpu.memory_space<hbm>>) target(%arg17 : memref<128x32xf32, #tpu.memory_space<vmem>>) offsets(%dma_start3A_349 : memref<128xi32, #tpu.memory_space<vmem>>) semaphore(%arg26 : memref<!tpu.dma_semaphore, #tpu.memory_space<semaphore_mem>>)
      } else {
      }
      %eq3A_342 = arith.constant 1 : i32
      %eq3A_343 = arith.cmpi eq, %arg0, %eq3A_342 : i32
      %convert_element_type3A_344 = arith.extui %eq3A_343 : i1 to i32
      %cond3A_345 = arith.constant 0 : i32
      %cond3A_346 = arith.cmpi ne, %convert_element_type3A_344, %cond3A_345 : i32
      scf.if %cond3A_346 {
        %dma_start3A_347 = arith.constant 0 : i32
        %dma_start3A_348 = tpu.memref_slice %arg8[%add3A_336, %dma_start3A_347] : memref<160x128xi32, #tpu.memory_space<vmem>> -> memref<1x128xi32, #tpu.memory_space<vmem>>
        %dma_start3A_349 = tpu.memref_squeeze %dma_start3A_348 : memref<1x128xi32, #tpu.memory_space<vmem>> -> memref<128xi32, #tpu.memory_space<vmem>>
        %dma_start3A_350 = arith.constant 0 : i32
        %dma_start3A_351 = arith.constant 0 : i32
        %dma_start3A_352 = tpu.memref_slice %arg3[%dma_start3A_350, %dma_start3A_351] : memref<10000x32xf32, #tpu.memory_space<hbm>> -> memref<10000x32xf32, #tpu.memory_space<hbm>>
        tpu.enqueue_indirect_dma source(%dma_start3A_352 : memref<10000x32xf32, #tpu.memory_space<hbm>>) target(%arg17 : memref<128x32xf32, #tpu.memory_space<vmem>>) offsets(%dma_start3A_349 : memref<128xi32, #tpu.memory_space<vmem>>) semaphore(%arg26 : memref<!tpu.dma_semaphore, #tpu.memory_space<semaphore_mem>>)
      } else {
      }
    }
    %scan3A_112 = arith.constant 19 : i32
    %dma_wait3A_113 = arith.constant 0 : i32
    %dma_wait3A_114 = arith.constant 0 : i32
    %dma_wait3A_115 = tpu.memref_slice %arg2[%dma_wait3A_113, %dma_wait3A_114] : memref<10000x32xf32, #tpu.memory_space<hbm>> -> memref<128x32xf32, #tpu.memory_space<hbm>>
    %dma_wait3A_116 = arith.constant 0 : i32
    %dma_wait3A_117 = arith.constant 0 : i32
    %dma_wait3A_118 = tpu.memref_slice %arg2[%dma_wait3A_116, %dma_wait3A_117] : memref<10000x32xf32, #tpu.memory_space<hbm>> -> memref<128x32xf32, #tpu.memory_space<hbm>>
    tpu.wait_dma2 semaphore(%arg19 : memref<!tpu.dma_semaphore, #tpu.memory_space<semaphore_mem>>) src(%dma_wait3A_118 : memref<128x32xf32, #tpu.memory_space<hbm>>) dst(%arg10 : memref<128x32xf32, #tpu.memory_space<vmem>>)
    %run_scoped3A = arith.constant 152 : i32
    "tpu.region"() ({
      %run_scoped3A_169 = tpu.sem_alloc : memref<!tpu.dma_semaphore, #tpu.memory_space<semaphore_mem>>
      %dma_start3A_170 = arith.constant 0 : i32
      %dma_start3A_171 = tpu.memref_slice %arg9[%run_scoped3A, %dma_start3A_170] : memref<160x128xi32, #tpu.memory_space<vmem>> -> memref<1x128xi32, #tpu.memory_space<vmem>>
      %dma_start3A_172 = tpu.memref_squeeze %dma_start3A_171 : memref<1x128xi32, #tpu.memory_space<vmem>> -> memref<128xi32, #tpu.memory_space<vmem>>
      %dma_start3A_173 = arith.constant 0 : i32
      %dma_start3A_174 = arith.constant 0 : i32
      %dma_start3A_175 = tpu.memref_slice %arg18[%dma_start3A_173, %dma_start3A_174] : memref<10240x32xf32, #tpu.memory_space<vmem_shared>> -> memref<10240x32xf32, #tpu.memory_space<vmem_shared>>
      tpu.enqueue_indirect_dma source(%arg10 : memref<128x32xf32, #tpu.memory_space<vmem>>) target(%dma_start3A_175 : memref<10240x32xf32, #tpu.memory_space<vmem_shared>>) offsets(%dma_start3A_172 : memref<128xi32, #tpu.memory_space<vmem>>) semaphore(%run_scoped3A_169 : memref<!tpu.dma_semaphore, #tpu.memory_space<semaphore_mem>>) {add = true}
      %dma_wait3A_176 = arith.constant 0 : i32
      %dma_wait3A_177 = tpu.memref_slice %arg9[%run_scoped3A, %dma_wait3A_176] : memref<160x128xi32, #tpu.memory_space<vmem>> -> memref<1x128xi32, #tpu.memory_space<vmem>>
      %dma_wait3A_178 = tpu.memref_squeeze %dma_wait3A_177 : memref<1x128xi32, #tpu.memory_space<vmem>> -> memref<128xi32, #tpu.memory_space<vmem>>
      %dma_wait3A_179 = arith.constant 0 : i32
      %dma_wait3A_180 = arith.constant 0 : i32
      %dma_wait3A_181 = tpu.memref_slice %arg18[%dma_wait3A_179, %dma_wait3A_180] : memref<10240x32xf32, #tpu.memory_space<vmem_shared>> -> memref<10240x32xf32, #tpu.memory_space<vmem_shared>>
      tpu.wait_indirect_dma semaphore(%run_scoped3A_169 : memref<!tpu.dma_semaphore, #tpu.memory_space<semaphore_mem>>) src(%arg10 : memref<128x32xf32, #tpu.memory_space<vmem>>) dst(%dma_wait3A_181 : memref<10240x32xf32, #tpu.memory_space<vmem_shared>>)
      tpu.yield
    }) : () -> ()
    %dma_wait3A_119 = arith.constant 0 : i32
    %dma_wait3A_120 = arith.constant 0 : i32
    %dma_wait3A_121 = tpu.memref_slice %arg2[%dma_wait3A_119, %dma_wait3A_120] : memref<10000x32xf32, #tpu.memory_space<hbm>> -> memref<128x32xf32, #tpu.memory_space<hbm>>
    %dma_wait3A_122 = arith.constant 0 : i32
    %dma_wait3A_123 = arith.constant 0 : i32
    %dma_wait3A_124 = tpu.memref_slice %arg2[%dma_wait3A_122, %dma_wait3A_123] : memref<10000x32xf32, #tpu.memory_space<hbm>> -> memref<128x32xf32, #tpu.memory_space<hbm>>
    tpu.wait_dma2 semaphore(%arg20 : memref<!tpu.dma_semaphore, #tpu.memory_space<semaphore_mem>>) src(%dma_wait3A_124 : memref<128x32xf32, #tpu.memory_space<hbm>>) dst(%arg11 : memref<128x32xf32, #tpu.memory_space<vmem>>)
    %run_scoped3A_125 = arith.constant 153 : i32
    "tpu.region"() ({
      %run_scoped3A_169 = tpu.sem_alloc : memref<!tpu.dma_semaphore, #tpu.memory_space<semaphore_mem>>
      %dma_start3A_170 = arith.constant 0 : i32
      %dma_start3A_171 = tpu.memref_slice %arg9[%run_scoped3A_125, %dma_start3A_170] : memref<160x128xi32, #tpu.memory_space<vmem>> -> memref<1x128xi32, #tpu.memory_space<vmem>>
      %dma_start3A_172 = tpu.memref_squeeze %dma_start3A_171 : memref<1x128xi32, #tpu.memory_space<vmem>> -> memref<128xi32, #tpu.memory_space<vmem>>
      %dma_start3A_173 = arith.constant 0 : i32
      %dma_start3A_174 = arith.constant 0 : i32
      %dma_start3A_175 = tpu.memref_slice %arg18[%dma_start3A_173, %dma_start3A_174] : memref<10240x32xf32, #tpu.memory_space<vmem_shared>> -> memref<10240x32xf32, #tpu.memory_space<vmem_shared>>
      tpu.enqueue_indirect_dma source(%arg11 : memref<128x32xf32, #tpu.memory_space<vmem>>) target(%dma_start3A_175 : memref<10240x32xf32, #tpu.memory_space<vmem_shared>>) offsets(%dma_start3A_172 : memref<128xi32, #tpu.memory_space<vmem>>) semaphore(%run_scoped3A_169 : memref<!tpu.dma_semaphore, #tpu.memory_space<semaphore_mem>>) {add = true}
      %dma_wait3A_176 = arith.constant 0 : i32
      %dma_wait3A_177 = tpu.memref_slice %arg9[%run_scoped3A_125, %dma_wait3A_176] : memref<160x128xi32, #tpu.memory_space<vmem>> -> memref<1x128xi32, #tpu.memory_space<vmem>>
      %dma_wait3A_178 = tpu.memref_squeeze %dma_wait3A_177 : memref<1x128xi32, #tpu.memory_space<vmem>> -> memref<128xi32, #tpu.memory_space<vmem>>
      %dma_wait3A_179 = arith.constant 0 : i32
      %dma_wait3A_180 = arith.constant 0 : i32
      %dma_wait3A_181 = tpu.memref_slice %arg18[%dma_wait3A_179, %dma_wait3A_180] : memref<10240x32xf32, #tpu.memory_space<vmem_shared>> -> memref<10240x32xf32, #tpu.memory_space<vmem_shared>>
      tpu.wait_indirect_dma semaphore(%run_scoped3A_169 : memref<!tpu.dma_semaphore, #tpu.memory_space<semaphore_mem>>) src(%arg11 : memref<128x32xf32, #tpu.memory_space<vmem>>) dst(%dma_wait3A_181 : memref<10240x32xf32, #tpu.memory_space<vmem_shared>>)
      tpu.yield
    }) : () -> ()
    %dma_wait3A_126 = arith.constant 0 : i32
    %dma_wait3A_127 = arith.constant 0 : i32
    %dma_wait3A_128 = tpu.memref_slice %arg2[%dma_wait3A_126, %dma_wait3A_127] : memref<10000x32xf32, #tpu.memory_space<hbm>> -> memref<128x32xf32, #tpu.memory_space<hbm>>
    %dma_wait3A_129 = arith.constant 0 : i32
    %dma_wait3A_130 = arith.constant 0 : i32
    %dma_wait3A_131 = tpu.memref_slice %arg2[%dma_wait3A_129, %dma_wait3A_130] : memref<10000x32xf32, #tpu.memory_space<hbm>> -> memref<128x32xf32, #tpu.memory_space<hbm>>
    tpu.wait_dma2 semaphore(%arg21 : memref<!tpu.dma_semaphore, #tpu.memory_space<semaphore_mem>>) src(%dma_wait3A_131 : memref<128x32xf32, #tpu.memory_space<hbm>>) dst(%arg12 : memref<128x32xf32, #tpu.memory_space<vmem>>)
    %run_scoped3A_132 = arith.constant 154 : i32
    "tpu.region"() ({
      %run_scoped3A_169 = tpu.sem_alloc : memref<!tpu.dma_semaphore, #tpu.memory_space<semaphore_mem>>
      %dma_start3A_170 = arith.constant 0 : i32
      %dma_start3A_171 = tpu.memref_slice %arg9[%run_scoped3A_132, %dma_start3A_170] : memref<160x128xi32, #tpu.memory_space<vmem>> -> memref<1x128xi32, #tpu.memory_space<vmem>>
      %dma_start3A_172 = tpu.memref_squeeze %dma_start3A_171 : memref<1x128xi32, #tpu.memory_space<vmem>> -> memref<128xi32, #tpu.memory_space<vmem>>
      %dma_start3A_173 = arith.constant 0 : i32
      %dma_start3A_174 = arith.constant 0 : i32
      %dma_start3A_175 = tpu.memref_slice %arg18[%dma_start3A_173, %dma_start3A_174] : memref<10240x32xf32, #tpu.memory_space<vmem_shared>> -> memref<10240x32xf32, #tpu.memory_space<vmem_shared>>
      tpu.enqueue_indirect_dma source(%arg12 : memref<128x32xf32, #tpu.memory_space<vmem>>) target(%dma_start3A_175 : memref<10240x32xf32, #tpu.memory_space<vmem_shared>>) offsets(%dma_start3A_172 : memref<128xi32, #tpu.memory_space<vmem>>) semaphore(%run_scoped3A_169 : memref<!tpu.dma_semaphore, #tpu.memory_space<semaphore_mem>>) {add = true}
      %dma_wait3A_176 = arith.constant 0 : i32
      %dma_wait3A_177 = tpu.memref_slice %arg9[%run_scoped3A_132, %dma_wait3A_176] : memref<160x128xi32, #tpu.memory_space<vmem>> -> memref<1x128xi32, #tpu.memory_space<vmem>>
      %dma_wait3A_178 = tpu.memref_squeeze %dma_wait3A_177 : memref<1x128xi32, #tpu.memory_space<vmem>> -> memref<128xi32, #tpu.memory_space<vmem>>
      %dma_wait3A_179 = arith.constant 0 : i32
      %dma_wait3A_180 = arith.constant 0 : i32
      %dma_wait3A_181 = tpu.memref_slice %arg18[%dma_wait3A_179, %dma_wait3A_180] : memref<10240x32xf32, #tpu.memory_space<vmem_shared>> -> memref<10240x32xf32, #tpu.memory_space<vmem_shared>>
      tpu.wait_indirect_dma semaphore(%run_scoped3A_169 : memref<!tpu.dma_semaphore, #tpu.memory_space<semaphore_mem>>) src(%arg12 : memref<128x32xf32, #tpu.memory_space<vmem>>) dst(%dma_wait3A_181 : memref<10240x32xf32, #tpu.memory_space<vmem_shared>>)
      tpu.yield
    }) : () -> ()
    %dma_wait3A_133 = arith.constant 0 : i32
    %dma_wait3A_134 = arith.constant 0 : i32
    %dma_wait3A_135 = tpu.memref_slice %arg2[%dma_wait3A_133, %dma_wait3A_134] : memref<10000x32xf32, #tpu.memory_space<hbm>> -> memref<128x32xf32, #tpu.memory_space<hbm>>
    %dma_wait3A_136 = arith.constant 0 : i32
    %dma_wait3A_137 = arith.constant 0 : i32
    %dma_wait3A_138 = tpu.memref_slice %arg2[%dma_wait3A_136, %dma_wait3A_137] : memref<10000x32xf32, #tpu.memory_space<hbm>> -> memref<128x32xf32, #tpu.memory_space<hbm>>
    tpu.wait_dma2 semaphore(%arg22 : memref<!tpu.dma_semaphore, #tpu.memory_space<semaphore_mem>>) src(%dma_wait3A_138 : memref<128x32xf32, #tpu.memory_space<hbm>>) dst(%arg13 : memref<128x32xf32, #tpu.memory_space<vmem>>)
    %run_scoped3A_139 = arith.constant 155 : i32
    "tpu.region"() ({
      %run_scoped3A_169 = tpu.sem_alloc : memref<!tpu.dma_semaphore, #tpu.memory_space<semaphore_mem>>
      %dma_start3A_170 = arith.constant 0 : i32
      %dma_start3A_171 = tpu.memref_slice %arg9[%run_scoped3A_139, %dma_start3A_170] : memref<160x128xi32, #tpu.memory_space<vmem>> -> memref<1x128xi32, #tpu.memory_space<vmem>>
      %dma_start3A_172 = tpu.memref_squeeze %dma_start3A_171 : memref<1x128xi32, #tpu.memory_space<vmem>> -> memref<128xi32, #tpu.memory_space<vmem>>
      %dma_start3A_173 = arith.constant 0 : i32
      %dma_start3A_174 = arith.constant 0 : i32
      %dma_start3A_175 = tpu.memref_slice %arg18[%dma_start3A_173, %dma_start3A_174] : memref<10240x32xf32, #tpu.memory_space<vmem_shared>> -> memref<10240x32xf32, #tpu.memory_space<vmem_shared>>
      tpu.enqueue_indirect_dma source(%arg13 : memref<128x32xf32, #tpu.memory_space<vmem>>) target(%dma_start3A_175 : memref<10240x32xf32, #tpu.memory_space<vmem_shared>>) offsets(%dma_start3A_172 : memref<128xi32, #tpu.memory_space<vmem>>) semaphore(%run_scoped3A_169 : memref<!tpu.dma_semaphore, #tpu.memory_space<semaphore_mem>>) {add = true}
      %dma_wait3A_176 = arith.constant 0 : i32
      %dma_wait3A_177 = tpu.memref_slice %arg9[%run_scoped3A_139, %dma_wait3A_176] : memref<160x128xi32, #tpu.memory_space<vmem>> -> memref<1x128xi32, #tpu.memory_space<vmem>>
      %dma_wait3A_178 = tpu.memref_squeeze %dma_wait3A_177 : memref<1x128xi32, #tpu.memory_space<vmem>> -> memref<128xi32, #tpu.memory_space<vmem>>
      %dma_wait3A_179 = arith.constant 0 : i32
      %dma_wait3A_180 = arith.constant 0 : i32
      %dma_wait3A_181 = tpu.memref_slice %arg18[%dma_wait3A_179, %dma_wait3A_180] : memref<10240x32xf32, #tpu.memory_space<vmem_shared>> -> memref<10240x32xf32, #tpu.memory_space<vmem_shared>>
      tpu.wait_indirect_dma semaphore(%run_scoped3A_169 : memref<!tpu.dma_semaphore, #tpu.memory_space<semaphore_mem>>) src(%arg13 : memref<128x32xf32, #tpu.memory_space<vmem>>) dst(%dma_wait3A_181 : memref<10240x32xf32, #tpu.memory_space<vmem_shared>>)
      tpu.yield
    }) : () -> ()
    %dma_wait3A_140 = arith.constant 0 : i32
    %dma_wait3A_141 = arith.constant 0 : i32
    %dma_wait3A_142 = tpu.memref_slice %arg2[%dma_wait3A_140, %dma_wait3A_141] : memref<10000x32xf32, #tpu.memory_space<hbm>> -> memref<128x32xf32, #tpu.memory_space<hbm>>
    %dma_wait3A_143 = arith.constant 0 : i32
    %dma_wait3A_144 = arith.constant 0 : i32
    %dma_wait3A_145 = tpu.memref_slice %arg2[%dma_wait3A_143, %dma_wait3A_144] : memref<10000x32xf32, #tpu.memory_space<hbm>> -> memref<128x32xf32, #tpu.memory_space<hbm>>
    tpu.wait_dma2 semaphore(%arg23 : memref<!tpu.dma_semaphore, #tpu.memory_space<semaphore_mem>>) src(%dma_wait3A_145 : memref<128x32xf32, #tpu.memory_space<hbm>>) dst(%arg14 : memref<128x32xf32, #tpu.memory_space<vmem>>)
    %run_scoped3A_146 = arith.constant 156 : i32
    "tpu.region"() ({
      %run_scoped3A_169 = tpu.sem_alloc : memref<!tpu.dma_semaphore, #tpu.memory_space<semaphore_mem>>
      %dma_start3A_170 = arith.constant 0 : i32
      %dma_start3A_171 = tpu.memref_slice %arg9[%run_scoped3A_146, %dma_start3A_170] : memref<160x128xi32, #tpu.memory_space<vmem>> -> memref<1x128xi32, #tpu.memory_space<vmem>>
      %dma_start3A_172 = tpu.memref_squeeze %dma_start3A_171 : memref<1x128xi32, #tpu.memory_space<vmem>> -> memref<128xi32, #tpu.memory_space<vmem>>
      %dma_start3A_173 = arith.constant 0 : i32
      %dma_start3A_174 = arith.constant 0 : i32
      %dma_start3A_175 = tpu.memref_slice %arg18[%dma_start3A_173, %dma_start3A_174] : memref<10240x32xf32, #tpu.memory_space<vmem_shared>> -> memref<10240x32xf32, #tpu.memory_space<vmem_shared>>
      tpu.enqueue_indirect_dma source(%arg14 : memref<128x32xf32, #tpu.memory_space<vmem>>) target(%dma_start3A_175 : memref<10240x32xf32, #tpu.memory_space<vmem_shared>>) offsets(%dma_start3A_172 : memref<128xi32, #tpu.memory_space<vmem>>) semaphore(%run_scoped3A_169 : memref<!tpu.dma_semaphore, #tpu.memory_space<semaphore_mem>>) {add = true}
      %dma_wait3A_176 = arith.constant 0 : i32
      %dma_wait3A_177 = tpu.memref_slice %arg9[%run_scoped3A_146, %dma_wait3A_176] : memref<160x128xi32, #tpu.memory_space<vmem>> -> memref<1x128xi32, #tpu.memory_space<vmem>>
      %dma_wait3A_178 = tpu.memref_squeeze %dma_wait3A_177 : memref<1x128xi32, #tpu.memory_space<vmem>> -> memref<128xi32, #tpu.memory_space<vmem>>
      %dma_wait3A_179 = arith.constant 0 : i32
      %dma_wait3A_180 = arith.constant 0 : i32
      %dma_wait3A_181 = tpu.memref_slice %arg18[%dma_wait3A_179, %dma_wait3A_180] : memref<10240x32xf32, #tpu.memory_space<vmem_shared>> -> memref<10240x32xf32, #tpu.memory_space<vmem_shared>>
      tpu.wait_indirect_dma semaphore(%run_scoped3A_169 : memref<!tpu.dma_semaphore, #tpu.memory_space<semaphore_mem>>) src(%arg14 : memref<128x32xf32, #tpu.memory_space<vmem>>) dst(%dma_wait3A_181 : memref<10240x32xf32, #tpu.memory_space<vmem_shared>>)
      tpu.yield
    }) : () -> ()
    %dma_wait3A_147 = arith.constant 0 : i32
    %dma_wait3A_148 = arith.constant 0 : i32
    %dma_wait3A_149 = tpu.memref_slice %arg2[%dma_wait3A_147, %dma_wait3A_148] : memref<10000x32xf32, #tpu.memory_space<hbm>> -> memref<128x32xf32, #tpu.memory_space<hbm>>
    %dma_wait3A_150 = arith.constant 0 : i32
    %dma_wait3A_151 = arith.constant 0 : i32
    %dma_wait3A_152 = tpu.memref_slice %arg2[%dma_wait3A_150, %dma_wait3A_151] : memref<10000x32xf32, #tpu.memory_space<hbm>> -> memref<128x32xf32, #tpu.memory_space<hbm>>
    tpu.wait_dma2 semaphore(%arg24 : memref<!tpu.dma_semaphore, #tpu.memory_space<semaphore_mem>>) src(%dma_wait3A_152 : memref<128x32xf32, #tpu.memory_space<hbm>>) dst(%arg15 : memref<128x32xf32, #tpu.memory_space<vmem>>)
    %run_scoped3A_153 = arith.constant 157 : i32
    "tpu.region"() ({
      %run_scoped3A_169 = tpu.sem_alloc : memref<!tpu.dma_semaphore, #tpu.memory_space<semaphore_mem>>
      %dma_start3A_170 = arith.constant 0 : i32
      %dma_start3A_171 = tpu.memref_slice %arg9[%run_scoped3A_153, %dma_start3A_170] : memref<160x128xi32, #tpu.memory_space<vmem>> -> memref<1x128xi32, #tpu.memory_space<vmem>>
      %dma_start3A_172 = tpu.memref_squeeze %dma_start3A_171 : memref<1x128xi32, #tpu.memory_space<vmem>> -> memref<128xi32, #tpu.memory_space<vmem>>
      %dma_start3A_173 = arith.constant 0 : i32
      %dma_start3A_174 = arith.constant 0 : i32
      %dma_start3A_175 = tpu.memref_slice %arg18[%dma_start3A_173, %dma_start3A_174] : memref<10240x32xf32, #tpu.memory_space<vmem_shared>> -> memref<10240x32xf32, #tpu.memory_space<vmem_shared>>
      tpu.enqueue_indirect_dma source(%arg15 : memref<128x32xf32, #tpu.memory_space<vmem>>) target(%dma_start3A_175 : memref<10240x32xf32, #tpu.memory_space<vmem_shared>>) offsets(%dma_start3A_172 : memref<128xi32, #tpu.memory_space<vmem>>) semaphore(%run_scoped3A_169 : memref<!tpu.dma_semaphore, #tpu.memory_space<semaphore_mem>>) {add = true}
      %dma_wait3A_176 = arith.constant 0 : i32
      %dma_wait3A_177 = tpu.memref_slice %arg9[%run_scoped3A_153, %dma_wait3A_176] : memref<160x128xi32, #tpu.memory_space<vmem>> -> memref<1x128xi32, #tpu.memory_space<vmem>>
      %dma_wait3A_178 = tpu.memref_squeeze %dma_wait3A_177 : memref<1x128xi32, #tpu.memory_space<vmem>> -> memref<128xi32, #tpu.memory_space<vmem>>
      %dma_wait3A_179 = arith.constant 0 : i32
      %dma_wait3A_180 = arith.constant 0 : i32
      %dma_wait3A_181 = tpu.memref_slice %arg18[%dma_wait3A_179, %dma_wait3A_180] : memref<10240x32xf32, #tpu.memory_space<vmem_shared>> -> memref<10240x32xf32, #tpu.memory_space<vmem_shared>>
      tpu.wait_indirect_dma semaphore(%run_scoped3A_169 : memref<!tpu.dma_semaphore, #tpu.memory_space<semaphore_mem>>) src(%arg15 : memref<128x32xf32, #tpu.memory_space<vmem>>) dst(%dma_wait3A_181 : memref<10240x32xf32, #tpu.memory_space<vmem_shared>>)
      tpu.yield
    }) : () -> ()
    %dma_wait3A_154 = arith.constant 0 : i32
    %dma_wait3A_155 = arith.constant 0 : i32
    %dma_wait3A_156 = tpu.memref_slice %arg2[%dma_wait3A_154, %dma_wait3A_155] : memref<10000x32xf32, #tpu.memory_space<hbm>> -> memref<128x32xf32, #tpu.memory_space<hbm>>
    %dma_wait3A_157 = arith.constant 0 : i32
    %dma_wait3A_158 = arith.constant 0 : i32
    %dma_wait3A_159 = tpu.memref_slice %arg2[%dma_wait3A_157, %dma_wait3A_158] : memref<10000x32xf32, #tpu.memory_space<hbm>> -> memref<128x32xf32, #tpu.memory_space<hbm>>
    tpu.wait_dma2 semaphore(%arg25 : memref<!tpu.dma_semaphore, #tpu.memory_space<semaphore_mem>>) src(%dma_wait3A_159 : memref<128x32xf32, #tpu.memory_space<hbm>>) dst(%arg16 : memref<128x32xf32, #tpu.memory_space<vmem>>)
    %run_scoped3A_160 = arith.constant 158 : i32
    "tpu.region"() ({
      %run_scoped3A_169 = tpu.sem_alloc : memref<!tpu.dma_semaphore, #tpu.memory_space<semaphore_mem>>
      %dma_start3A_170 = arith.constant 0 : i32
      %dma_start3A_171 = tpu.memref_slice %arg9[%run_scoped3A_160, %dma_start3A_170] : memref<160x128xi32, #tpu.memory_space<vmem>> -> memref<1x128xi32, #tpu.memory_space<vmem>>
      %dma_start3A_172 = tpu.memref_squeeze %dma_start3A_171 : memref<1x128xi32, #tpu.memory_space<vmem>> -> memref<128xi32, #tpu.memory_space<vmem>>
      %dma_start3A_173 = arith.constant 0 : i32
      %dma_start3A_174 = arith.constant 0 : i32
      %dma_start3A_175 = tpu.memref_slice %arg18[%dma_start3A_173, %dma_start3A_174] : memref<10240x32xf32, #tpu.memory_space<vmem_shared>> -> memref<10240x32xf32, #tpu.memory_space<vmem_shared>>
      tpu.enqueue_indirect_dma source(%arg16 : memref<128x32xf32, #tpu.memory_space<vmem>>) target(%dma_start3A_175 : memref<10240x32xf32, #tpu.memory_space<vmem_shared>>) offsets(%dma_start3A_172 : memref<128xi32, #tpu.memory_space<vmem>>) semaphore(%run_scoped3A_169 : memref<!tpu.dma_semaphore, #tpu.memory_space<semaphore_mem>>) {add = true}
      %dma_wait3A_176 = arith.constant 0 : i32
      %dma_wait3A_177 = tpu.memref_slice %arg9[%run_scoped3A_160, %dma_wait3A_176] : memref<160x128xi32, #tpu.memory_space<vmem>> -> memref<1x128xi32, #tpu.memory_space<vmem>>
      %dma_wait3A_178 = tpu.memref_squeeze %dma_wait3A_177 : memref<1x128xi32, #tpu.memory_space<vmem>> -> memref<128xi32, #tpu.memory_space<vmem>>
      %dma_wait3A_179 = arith.constant 0 : i32
      %dma_wait3A_180 = arith.constant 0 : i32
      %dma_wait3A_181 = tpu.memref_slice %arg18[%dma_wait3A_179, %dma_wait3A_180] : memref<10240x32xf32, #tpu.memory_space<vmem_shared>> -> memref<10240x32xf32, #tpu.memory_space<vmem_shared>>
      tpu.wait_indirect_dma semaphore(%run_scoped3A_169 : memref<!tpu.dma_semaphore, #tpu.memory_space<semaphore_mem>>) src(%arg16 : memref<128x32xf32, #tpu.memory_space<vmem>>) dst(%dma_wait3A_181 : memref<10240x32xf32, #tpu.memory_space<vmem_shared>>)
      tpu.yield
    }) : () -> ()
    %dma_wait3A_161 = arith.constant 0 : i32
    %dma_wait3A_162 = arith.constant 0 : i32
    %dma_wait3A_163 = tpu.memref_slice %arg2[%dma_wait3A_161, %dma_wait3A_162] : memref<10000x32xf32, #tpu.memory_space<hbm>> -> memref<128x32xf32, #tpu.memory_space<hbm>>
    %dma_wait3A_164 = arith.constant 0 : i32
    %dma_wait3A_165 = arith.constant 0 : i32
    %dma_wait3A_166 = tpu.memref_slice %arg2[%dma_wait3A_164, %dma_wait3A_165] : memref<10000x32xf32, #tpu.memory_space<hbm>> -> memref<128x32xf32, #tpu.memory_space<hbm>>
    tpu.wait_dma2 semaphore(%arg26 : memref<!tpu.dma_semaphore, #tpu.memory_space<semaphore_mem>>) src(%dma_wait3A_166 : memref<128x32xf32, #tpu.memory_space<hbm>>) dst(%arg17 : memref<128x32xf32, #tpu.memory_space<vmem>>)
    %run_scoped3A_167 = arith.constant 159 : i32
    "tpu.region"() ({
      %run_scoped3A_169 = tpu.sem_alloc : memref<!tpu.dma_semaphore, #tpu.memory_space<semaphore_mem>>
      %dma_start3A_170 = arith.constant 0 : i32
      %dma_start3A_171 = tpu.memref_slice %arg9[%run_scoped3A_167, %dma_start3A_170] : memref<160x128xi32, #tpu.memory_space<vmem>> -> memref<1x128xi32, #tpu.memory_space<vmem>>
      %dma_start3A_172 = tpu.memref_squeeze %dma_start3A_171 : memref<1x128xi32, #tpu.memory_space<vmem>> -> memref<128xi32, #tpu.memory_space<vmem>>
      %dma_start3A_173 = arith.constant 0 : i32
      %dma_start3A_174 = arith.constant 0 : i32
      %dma_start3A_175 = tpu.memref_slice %arg18[%dma_start3A_173, %dma_start3A_174] : memref<10240x32xf32, #tpu.memory_space<vmem_shared>> -> memref<10240x32xf32, #tpu.memory_space<vmem_shared>>
      tpu.enqueue_indirect_dma source(%arg17 : memref<128x32xf32, #tpu.memory_space<vmem>>) target(%dma_start3A_175 : memref<10240x32xf32, #tpu.memory_space<vmem_shared>>) offsets(%dma_start3A_172 : memref<128xi32, #tpu.memory_space<vmem>>) semaphore(%run_scoped3A_169 : memref<!tpu.dma_semaphore, #tpu.memory_space<semaphore_mem>>) {add = true}
      %dma_wait3A_176 = arith.constant 0 : i32
      %dma_wait3A_177 = tpu.memref_slice %arg9[%run_scoped3A_167, %dma_wait3A_176] : memref<160x128xi32, #tpu.memory_space<vmem>> -> memref<1x128xi32, #tpu.memory_space<vmem>>
      %dma_wait3A_178 = tpu.memref_squeeze %dma_wait3A_177 : memref<1x128xi32, #tpu.memory_space<vmem>> -> memref<128xi32, #tpu.memory_space<vmem>>
      %dma_wait3A_179 = arith.constant 0 : i32
      %dma_wait3A_180 = arith.constant 0 : i32
      %dma_wait3A_181 = tpu.memref_slice %arg18[%dma_wait3A_179, %dma_wait3A_180] : memref<10240x32xf32, #tpu.memory_space<vmem_shared>> -> memref<10240x32xf32, #tpu.memory_space<vmem_shared>>
      tpu.wait_indirect_dma semaphore(%run_scoped3A_169 : memref<!tpu.dma_semaphore, #tpu.memory_space<semaphore_mem>>) src(%arg17 : memref<128x32xf32, #tpu.memory_space<vmem>>) dst(%dma_wait3A_181 : memref<10240x32xf32, #tpu.memory_space<vmem_shared>>)
      tpu.yield
    }) : () -> ()
    %barrier3A_168 = arith.constant 0 : index
    tpu.barrier barrier_id(%barrier3A_168)
    "tpu.region"() ({
      %run_scoped3A_169 = tpu.sem_alloc : memref<!tpu.dma_semaphore, #tpu.memory_space<semaphore_mem>>
      %dma_start3A_170 = arith.constant 0 : i32
      %dma_start3A_171 = tpu.memref_slice %arg7[%arg0, %mul3A_0, %dma_start3A_170] : memref<2x10240x32xf32, #tpu.memory_space<hbm>> -> memref<1x640x32xf32, #tpu.memory_space<hbm>>
      %dma_start3A_172 = tpu.memref_squeeze %dma_start3A_171 : memref<1x640x32xf32, #tpu.memory_space<hbm>> -> memref<640x32xf32, #tpu.memory_space<hbm>>
      %dma_start3A_173 = arith.constant 0 : i32
      %dma_start3A_174 = tpu.memref_slice %arg18[%mul3A_0, %dma_start3A_173] : memref<10240x32xf32, #tpu.memory_space<vmem_shared>> -> memref<640x32xf32, #tpu.memory_space<vmem_shared>>
      tpu.enqueue_dma source(%dma_start3A_174 : memref<640x32xf32, #tpu.memory_space<vmem_shared>>) target(%dma_start3A_172 : memref<640x32xf32, #tpu.memory_space<hbm>>) target_semaphore(%run_scoped3A_169 : memref<!tpu.dma_semaphore, #tpu.memory_space<semaphore_mem>>)
      %dma_wait3A_175 = arith.constant 0 : i32
      %dma_wait3A_176 = tpu.memref_slice %arg7[%arg0, %mul3A_0, %dma_wait3A_175] : memref<2x10240x32xf32, #tpu.memory_space<hbm>> -> memref<1x640x32xf32, #tpu.memory_space<hbm>>
      %dma_wait3A_177 = tpu.memref_squeeze %dma_wait3A_176 : memref<1x640x32xf32, #tpu.memory_space<hbm>> -> memref<640x32xf32, #tpu.memory_space<hbm>>
      %dma_wait3A_178 = arith.constant 0 : i32
      %dma_wait3A_179 = tpu.memref_slice %arg18[%mul3A_0, %dma_wait3A_178] : memref<10240x32xf32, #tpu.memory_space<vmem_shared>> -> memref<640x32xf32, #tpu.memory_space<vmem_shared>>
      tpu.wait_dma2 semaphore(%run_scoped3A_169 : memref<!tpu.dma_semaphore, #tpu.memory_space<semaphore_mem>>) src(%dma_wait3A_179 : memref<640x32xf32, #tpu.memory_space<vmem_shared>>) dst(%dma_wait3A_177 : memref<640x32xf32, #tpu.memory_space<hbm>>)
      tpu.yield
    }) : () -> ()
    return
  }
}

#map = affine_map<(d0, d1) -> (0, 0)>
#map1 = affine_map<(d0, d1) -> (0, 0, 0)>
module attributes {stable_mosaic.version = 14 : i64} {
  func.func @agg_kernel(%arg0: i32, %arg1: i32, %arg2: memref<10000x32xf32, #tpu.memory_space<hbm>>, %arg3: memref<10000x32xf32, #tpu.memory_space<hbm>>, %arg4: memref<16x160x128xi32, #tpu.memory_space<hbm>>, %arg5: memref<16x160x128xi32, #tpu.memory_space<hbm>>, %arg6: memref<10240x32xf32, #tpu.memory_space<hbm>>, %arg7: memref<2x10240x32xf32, #tpu.memory_space<hbm>>, %arg8: memref<160x128xi32, #tpu.memory_space<vmem>>, %arg9: memref<160x128xi32, #tpu.memory_space<vmem>>, %arg10: memref<128x32xf32, #tpu.memory_space<vmem>>, %arg11: memref<128x32xf32, #tpu.memory_space<vmem>>, %arg12: memref<128x32xf32, #tpu.memory_space<vmem>>, %arg13: memref<128x32xf32, #tpu.memory_space<vmem>>, %arg14: memref<128x32xf32, #tpu.memory_space<vmem>>, %arg15: memref<128x32xf32, #tpu.memory_space<vmem>>, %arg16: memref<128x32xf32, #tpu.memory_space<vmem>>, %arg17: memref<128x32xf32, #tpu.memory_space<vmem>>, %arg18: memref<10240x32xf32, #tpu.memory_space<vmem_shared>>, %arg19: memref<!tpu.dma_semaphore, #tpu.memory_space<semaphore_mem>>, %arg20: memref<!tpu.dma_semaphore, #tpu.memory_space<semaphore_mem>>, %arg21: memref<!tpu.dma_semaphore, #tpu.memory_space<semaphore_mem>>, %arg22: memref<!tpu.dma_semaphore, #tpu.memory_space<semaphore_mem>>, %arg23: memref<!tpu.dma_semaphore, #tpu.memory_space<semaphore_mem>>, %arg24: memref<!tpu.dma_semaphore, #tpu.memory_space<semaphore_mem>>, %arg25: memref<!tpu.dma_semaphore, #tpu.memory_space<semaphore_mem>>, %arg26: memref<!tpu.dma_semaphore, #tpu.memory_space<semaphore_mem>>) attributes {dimension_semantics = [#tpu.dimension_semantics<core_parallel>, #tpu.dimension_semantics<subcore_parallel>], iteration_bounds = array<i64: 2, 16>, scalar_prefetch = 0 : i64, scratch_operands = 19 : i64, tpu.core_type = #tpu.core_type<sc_vector_subcore>, window_params = [{transform_indices = #map}, {transform_indices = #map}, {transform_indices = #map1}, {transform_indices = #map1}, {transform_indices = #map}, {transform_indices = #map1}]} {
    %mul3A = arith.constant 640 : i32
    %mul3A_0 = arith.muli %arg1, %mul3A : i32
    %dma_start3A = arith.constant 0 : i32
    %dma_start3A_1 = arith.constant 0 : i32
    %dma_start3A_2 = tpu.memref_slice %arg4[%arg1, %dma_start3A, %dma_start3A_1] : memref<16x160x128xi32, #tpu.memory_space<hbm>> -> memref<1x160x128xi32, #tpu.memory_space<hbm>>
    %dma_start3A_3 = tpu.memref_squeeze %dma_start3A_2 : memref<1x160x128xi32, #tpu.memory_space<hbm>> -> memref<160x128xi32, #tpu.memory_space<hbm>>
    %dma_start3A_4 = arith.constant 0 : i32
    %dma_start3A_5 = arith.constant 0 : i32
    %dma_start3A_6 = tpu.memref_slice %arg4[%arg1, %dma_start3A_4, %dma_start3A_5] : memref<16x160x128xi32, #tpu.memory_space<hbm>> -> memref<1x160x128xi32, #tpu.memory_space<hbm>>
    %dma_start3A_7 = tpu.memref_squeeze %dma_start3A_6 : memref<1x160x128xi32, #tpu.memory_space<hbm>> -> memref<160x128xi32, #tpu.memory_space<hbm>>
    tpu.enqueue_dma source(%dma_start3A_7 : memref<160x128xi32, #tpu.memory_space<hbm>>) target(%arg8 : memref<160x128xi32, #tpu.memory_space<vmem>>) target_semaphore(%arg19 : memref<!tpu.dma_semaphore, #tpu.memory_space<semaphore_mem>>)
    %dma_start3A_8 = arith.constant 0 : i32
    %dma_start3A_9 = arith.constant 0 : i32
    %dma_start3A_10 = tpu.memref_slice %arg5[%arg1, %dma_start3A_8, %dma_start3A_9] : memref<16x160x128xi32, #tpu.memory_space<hbm>> -> memref<1x160x128xi32, #tpu.memory_space<hbm>>
    %dma_start3A_11 = tpu.memref_squeeze %dma_start3A_10 : memref<1x160x128xi32, #tpu.memory_space<hbm>> -> memref<160x128xi32, #tpu.memory_space<hbm>>
    %dma_start3A_12 = arith.constant 0 : i32
    %dma_start3A_13 = arith.constant 0 : i32
    %dma_start3A_14 = tpu.memref_slice %arg5[%arg1, %dma_start3A_12, %dma_start3A_13] : memref<16x160x128xi32, #tpu.memory_space<hbm>> -> memref<1x160x128xi32, #tpu.memory_space<hbm>>
    %dma_start3A_15 = tpu.memref_squeeze %dma_start3A_14 : memref<1x160x128xi32, #tpu.memory_space<hbm>> -> memref<160x128xi32, #tpu.memory_space<hbm>>
    tpu.enqueue_dma source(%dma_start3A_15 : memref<160x128xi32, #tpu.memory_space<hbm>>) target(%arg9 : memref<160x128xi32, #tpu.memory_space<vmem>>) target_semaphore(%arg20 : memref<!tpu.dma_semaphore, #tpu.memory_space<semaphore_mem>>)
    "tpu.region"() ({
      %run_scoped3A_169 = tpu.sem_alloc : memref<!tpu.dma_semaphore, #tpu.memory_space<semaphore_mem>>
      %dma_start3A_170 = arith.constant 0 : i32
      %dma_start3A_171 = tpu.memref_slice %arg18[%mul3A_0, %dma_start3A_170] : memref<10240x32xf32, #tpu.memory_space<vmem_shared>> -> memref<640x32xf32, #tpu.memory_space<vmem_shared>>
      %dma_start3A_172 = arith.constant 0 : i32
      %dma_start3A_173 = tpu.memref_slice %arg6[%mul3A_0, %dma_start3A_172] : memref<10240x32xf32, #tpu.memory_space<hbm>> -> memref<640x32xf32, #tpu.memory_space<hbm>>
      tpu.enqueue_dma source(%dma_start3A_173 : memref<640x32xf32, #tpu.memory_space<hbm>>) target(%dma_start3A_171 : memref<640x32xf32, #tpu.memory_space<vmem_shared>>) target_semaphore(%run_scoped3A_169 : memref<!tpu.dma_semaphore, #tpu.memory_space<semaphore_mem>>)
      %dma_wait3A_174 = arith.constant 0 : i32
      %dma_wait3A_175 = tpu.memref_slice %arg18[%mul3A_0, %dma_wait3A_174] : memref<10240x32xf32, #tpu.memory_space<vmem_shared>> -> memref<640x32xf32, #tpu.memory_space<vmem_shared>>
      %dma_wait3A_176 = arith.constant 0 : i32
      %dma_wait3A_177 = tpu.memref_slice %arg6[%mul3A_0, %dma_wait3A_176] : memref<10240x32xf32, #tpu.memory_space<hbm>> -> memref<640x32xf32, #tpu.memory_space<hbm>>
      tpu.wait_dma2 semaphore(%run_scoped3A_169 : memref<!tpu.dma_semaphore, #tpu.memory_space<semaphore_mem>>) src(%dma_wait3A_177 : memref<640x32xf32, #tpu.memory_space<hbm>>) dst(%dma_wait3A_175 : memref<640x32xf32, #tpu.memory_space<vmem_shared>>)
      tpu.yield
    }) : () -> ()
    %dma_wait3A = arith.constant 0 : i32
    %dma_wait3A_16 = arith.constant 0 : i32
    %dma_wait3A_17 = tpu.memref_slice %arg4[%arg1, %dma_wait3A, %dma_wait3A_16] : memref<16x160x128xi32, #tpu.memory_space<hbm>> -> memref<1x160x128xi32, #tpu.memory_space<hbm>>
    %dma_wait3A_18 = tpu.memref_squeeze %dma_wait3A_17 : memref<1x160x128xi32, #tpu.memory_space<hbm>> -> memref<160x128xi32, #tpu.memory_space<hbm>>
    %dma_wait3A_19 = arith.constant 0 : i32
    %dma_wait3A_20 = arith.constant 0 : i32
    %dma_wait3A_21 = tpu.memref_slice %arg4[%arg1, %dma_wait3A_19, %dma_wait3A_20] : memref<16x160x128xi32, #tpu.memory_space<hbm>> -> memref<1x160x128xi32, #tpu.memory_space<hbm>>
    %dma_wait3A_22 = tpu.memref_squeeze %dma_wait3A_21 : memref<1x160x128xi32, #tpu.memory_space<hbm>> -> memref<160x128xi32, #tpu.memory_space<hbm>>
    tpu.wait_dma2 semaphore(%arg19 : memref<!tpu.dma_semaphore, #tpu.memory_space<semaphore_mem>>) src(%dma_wait3A_22 : memref<160x128xi32, #tpu.memory_space<hbm>>) dst(%arg8 : memref<160x128xi32, #tpu.memory_space<vmem>>)
    %dma_wait3A_23 = arith.constant 0 : i32
    %dma_wait3A_24 = arith.constant 0 : i32
    %dma_wait3A_25 = tpu.memref_slice %arg5[%arg1, %dma_wait3A_23, %dma_wait3A_24] : memref<16x160x128xi32, #tpu.memory_space<hbm>> -> memref<1x160x128xi32, #tpu.memory_space<hbm>>
    %dma_wait3A_26 = tpu.memref_squeeze %dma_wait3A_25 : memref<1x160x128xi32, #tpu.memory_space<hbm>> -> memref<160x128xi32, #tpu.memory_space<hbm>>
    %dma_wait3A_27 = arith.constant 0 : i32
    %dma_wait3A_28 = arith.constant 0 : i32
    %dma_wait3A_29 = tpu.memref_slice %arg5[%arg1, %dma_wait3A_27, %dma_wait3A_28] : memref<16x160x128xi32, #tpu.memory_space<hbm>> -> memref<1x160x128xi32, #tpu.memory_space<hbm>>
    %dma_wait3A_30 = tpu.memref_squeeze %dma_wait3A_29 : memref<1x160x128xi32, #tpu.memory_space<hbm>> -> memref<160x128xi32, #tpu.memory_space<hbm>>
    tpu.wait_dma2 semaphore(%arg20 : memref<!tpu.dma_semaphore, #tpu.memory_space<semaphore_mem>>) src(%dma_wait3A_30 : memref<160x128xi32, #tpu.memory_space<hbm>>) dst(%arg9 : memref<160x128xi32, #tpu.memory_space<vmem>>)
    %barrier3A = arith.constant 0 : index
    tpu.barrier barrier_id(%barrier3A)
    %eq3A = arith.constant 0 : i32
    %eq3A_31 = arith.cmpi eq, %arg0, %eq3A : i32
    %convert_element_type3A = arith.extui %eq3A_31 : i1 to i32
    %cond3A = arith.constant 0 : i32
    %cond3A_32 = arith.cmpi ne, %convert_element_type3A, %cond3A : i32
    scf.if %cond3A_32 {
      %dma_start3A_169 = arith.constant 0 : i32
      %dma_start3A_170 = arith.constant 0 : i32
      %dma_start3A_171 = tpu.memref_slice %arg8[%dma_start3A_169, %dma_start3A_170] : memref<160x128xi32, #tpu.memory_space<vmem>> -> memref<1x128xi32, #tpu.memory_space<vmem>>
      %dma_start3A_172 = tpu.memref_squeeze %dma_start3A_171 : memref<1x128xi32, #tpu.memory_space<vmem>> -> memref<128xi32, #tpu.memory_space<vmem>>
      %dma_start3A_173 = arith.constant 0 : i32
      %dma_start3A_174 = arith.constant 0 : i32
      %dma_start3A_175 = tpu.memref_slice %arg2[%dma_start3A_173, %dma_start3A_174] : memref<10000x32xf32, #tpu.memory_space<hbm>> -> memref<10000x32xf32, #tpu.memory_space<hbm>>
      tpu.enqueue_indirect_dma source(%dma_start3A_175 : memref<10000x32xf32, #tpu.memory_space<hbm>>) target(%arg10 : memref<128x32xf32, #tpu.memory_space<vmem>>) offsets(%dma_start3A_172 : memref<128xi32, #tpu.memory_space<vmem>>) semaphore(%arg19 : memref<!tpu.dma_semaphore, #tpu.memory_space<semaphore_mem>>)
    } else {
    }
    %eq3A_33 = arith.constant 1 : i32
    %eq3A_34 = arith.cmpi eq, %arg0, %eq3A_33 : i32
    %convert_element_type3A_35 = arith.extui %eq3A_34 : i1 to i32
    %cond3A_36 = arith.constant 0 : i32
    %cond3A_37 = arith.cmpi ne, %convert_element_type3A_35, %cond3A_36 : i32
    scf.if %cond3A_37 {
      %dma_start3A_169 = arith.constant 0 : i32
      %dma_start3A_170 = arith.constant 0 : i32
      %dma_start3A_171 = tpu.memref_slice %arg8[%dma_start3A_169, %dma_start3A_170] : memref<160x128xi32, #tpu.memory_space<vmem>> -> memref<1x128xi32, #tpu.memory_space<vmem>>
      %dma_start3A_172 = tpu.memref_squeeze %dma_start3A_171 : memref<1x128xi32, #tpu.memory_space<vmem>> -> memref<128xi32, #tpu.memory_space<vmem>>
      %dma_start3A_173 = arith.constant 0 : i32
      %dma_start3A_174 = arith.constant 0 : i32
      %dma_start3A_175 = tpu.memref_slice %arg3[%dma_start3A_173, %dma_start3A_174] : memref<10000x32xf32, #tpu.memory_space<hbm>> -> memref<10000x32xf32, #tpu.memory_space<hbm>>
      tpu.enqueue_indirect_dma source(%dma_start3A_175 : memref<10000x32xf32, #tpu.memory_space<hbm>>) target(%arg10 : memref<128x32xf32, #tpu.memory_space<vmem>>) offsets(%dma_start3A_172 : memref<128xi32, #tpu.memory_space<vmem>>) semaphore(%arg19 : memref<!tpu.dma_semaphore, #tpu.memory_space<semaphore_mem>>)
    } else {
    }
    %eq3A_38 = arith.constant 0 : i32
    %eq3A_39 = arith.cmpi eq, %arg0, %eq3A_38 : i32
    %convert_element_type3A_40 = arith.extui %eq3A_39 : i1 to i32
    %cond3A_41 = arith.constant 0 : i32
    %cond3A_42 = arith.cmpi ne, %convert_element_type3A_40, %cond3A_41 : i32
    scf.if %cond3A_42 {
      %dma_start3A_169 = arith.constant 1 : i32
      %dma_start3A_170 = arith.constant 0 : i32
      %dma_start3A_171 = tpu.memref_slice %arg8[%dma_start3A_169, %dma_start3A_170] : memref<160x128xi32, #tpu.memory_space<vmem>> -> memref<1x128xi32, #tpu.memory_space<vmem>>
      %dma_start3A_172 = tpu.memref_squeeze %dma_start3A_171 : memref<1x128xi32, #tpu.memory_space<vmem>> -> memref<128xi32, #tpu.memory_space<vmem>>
      %dma_start3A_173 = arith.constant 0 : i32
      %dma_start3A_174 = arith.constant 0 : i32
      %dma_start3A_175 = tpu.memref_slice %arg2[%dma_start3A_173, %dma_start3A_174] : memref<10000x32xf32, #tpu.memory_space<hbm>> -> memref<10000x32xf32, #tpu.memory_space<hbm>>
      tpu.enqueue_indirect_dma source(%dma_start3A_175 : memref<10000x32xf32, #tpu.memory_space<hbm>>) target(%arg11 : memref<128x32xf32, #tpu.memory_space<vmem>>) offsets(%dma_start3A_172 : memref<128xi32, #tpu.memory_space<vmem>>) semaphore(%arg20 : memref<!tpu.dma_semaphore, #tpu.memory_space<semaphore_mem>>)
    } else {
    }
    %eq3A_43 = arith.constant 1 : i32
    %eq3A_44 = arith.cmpi eq, %arg0, %eq3A_43 : i32
    %convert_element_type3A_45 = arith.extui %eq3A_44 : i1 to i32
    %cond3A_46 = arith.constant 0 : i32
    %cond3A_47 = arith.cmpi ne, %convert_element_type3A_45, %cond3A_46 : i32
    scf.if %cond3A_47 {
      %dma_start3A_169 = arith.constant 1 : i32
      %dma_start3A_170 = arith.constant 0 : i32
      %dma_start3A_171 = tpu.memref_slice %arg8[%dma_start3A_169, %dma_start3A_170] : memref<160x128xi32, #tpu.memory_space<vmem>> -> memref<1x128xi32, #tpu.memory_space<vmem>>
      %dma_start3A_172 = tpu.memref_squeeze %dma_start3A_171 : memref<1x128xi32, #tpu.memory_space<vmem>> -> memref<128xi32, #tpu.memory_space<vmem>>
      %dma_start3A_173 = arith.constant 0 : i32
      %dma_start3A_174 = arith.constant 0 : i32
      %dma_start3A_175 = tpu.memref_slice %arg3[%dma_start3A_173, %dma_start3A_174] : memref<10000x32xf32, #tpu.memory_space<hbm>> -> memref<10000x32xf32, #tpu.memory_space<hbm>>
      tpu.enqueue_indirect_dma source(%dma_start3A_175 : memref<10000x32xf32, #tpu.memory_space<hbm>>) target(%arg11 : memref<128x32xf32, #tpu.memory_space<vmem>>) offsets(%dma_start3A_172 : memref<128xi32, #tpu.memory_space<vmem>>) semaphore(%arg20 : memref<!tpu.dma_semaphore, #tpu.memory_space<semaphore_mem>>)
    } else {
    }
    %eq3A_48 = arith.constant 0 : i32
    %eq3A_49 = arith.cmpi eq, %arg0, %eq3A_48 : i32
    %convert_element_type3A_50 = arith.extui %eq3A_49 : i1 to i32
    %cond3A_51 = arith.constant 0 : i32
    %cond3A_52 = arith.cmpi ne, %convert_element_type3A_50, %cond3A_51 : i32
    scf.if %cond3A_52 {
      %dma_start3A_169 = arith.constant 2 : i32
      %dma_start3A_170 = arith.constant 0 : i32
      %dma_start3A_171 = tpu.memref_slice %arg8[%dma_start3A_169, %dma_start3A_170] : memref<160x128xi32, #tpu.memory_space<vmem>> -> memref<1x128xi32, #tpu.memory_space<vmem>>
      %dma_start3A_172 = tpu.memref_squeeze %dma_start3A_171 : memref<1x128xi32, #tpu.memory_space<vmem>> -> memref<128xi32, #tpu.memory_space<vmem>>
      %dma_start3A_173 = arith.constant 0 : i32
      %dma_start3A_174 = arith.constant 0 : i32
      %dma_start3A_175 = tpu.memref_slice %arg2[%dma_start3A_173, %dma_start3A_174] : memref<10000x32xf32, #tpu.memory_space<hbm>> -> memref<10000x32xf32, #tpu.memory_space<hbm>>
      tpu.enqueue_indirect_dma source(%dma_start3A_175 : memref<10000x32xf32, #tpu.memory_space<hbm>>) target(%arg12 : memref<128x32xf32, #tpu.memory_space<vmem>>) offsets(%dma_start3A_172 : memref<128xi32, #tpu.memory_space<vmem>>) semaphore(%arg21 : memref<!tpu.dma_semaphore, #tpu.memory_space<semaphore_mem>>)
    } else {
    }
    %eq3A_53 = arith.constant 1 : i32
    %eq3A_54 = arith.cmpi eq, %arg0, %eq3A_53 : i32
    %convert_element_type3A_55 = arith.extui %eq3A_54 : i1 to i32
    %cond3A_56 = arith.constant 0 : i32
    %cond3A_57 = arith.cmpi ne, %convert_element_type3A_55, %cond3A_56 : i32
    scf.if %cond3A_57 {
      %dma_start3A_169 = arith.constant 2 : i32
      %dma_start3A_170 = arith.constant 0 : i32
      %dma_start3A_171 = tpu.memref_slice %arg8[%dma_start3A_169, %dma_start3A_170] : memref<160x128xi32, #tpu.memory_space<vmem>> -> memref<1x128xi32, #tpu.memory_space<vmem>>
      %dma_start3A_172 = tpu.memref_squeeze %dma_start3A_171 : memref<1x128xi32, #tpu.memory_space<vmem>> -> memref<128xi32, #tpu.memory_space<vmem>>
      %dma_start3A_173 = arith.constant 0 : i32
      %dma_start3A_174 = arith.constant 0 : i32
      %dma_start3A_175 = tpu.memref_slice %arg3[%dma_start3A_173, %dma_start3A_174] : memref<10000x32xf32, #tpu.memory_space<hbm>> -> memref<10000x32xf32, #tpu.memory_space<hbm>>
      tpu.enqueue_indirect_dma source(%dma_start3A_175 : memref<10000x32xf32, #tpu.memory_space<hbm>>) target(%arg12 : memref<128x32xf32, #tpu.memory_space<vmem>>) offsets(%dma_start3A_172 : memref<128xi32, #tpu.memory_space<vmem>>) semaphore(%arg21 : memref<!tpu.dma_semaphore, #tpu.memory_space<semaphore_mem>>)
    } else {
    }
    %eq3A_58 = arith.constant 0 : i32
    %eq3A_59 = arith.cmpi eq, %arg0, %eq3A_58 : i32
    %convert_element_type3A_60 = arith.extui %eq3A_59 : i1 to i32
    %cond3A_61 = arith.constant 0 : i32
    %cond3A_62 = arith.cmpi ne, %convert_element_type3A_60, %cond3A_61 : i32
    scf.if %cond3A_62 {
      %dma_start3A_169 = arith.constant 3 : i32
      %dma_start3A_170 = arith.constant 0 : i32
      %dma_start3A_171 = tpu.memref_slice %arg8[%dma_start3A_169, %dma_start3A_170] : memref<160x128xi32, #tpu.memory_space<vmem>> -> memref<1x128xi32, #tpu.memory_space<vmem>>
      %dma_start3A_172 = tpu.memref_squeeze %dma_start3A_171 : memref<1x128xi32, #tpu.memory_space<vmem>> -> memref<128xi32, #tpu.memory_space<vmem>>
      %dma_start3A_173 = arith.constant 0 : i32
      %dma_start3A_174 = arith.constant 0 : i32
      %dma_start3A_175 = tpu.memref_slice %arg2[%dma_start3A_173, %dma_start3A_174] : memref<10000x32xf32, #tpu.memory_space<hbm>> -> memref<10000x32xf32, #tpu.memory_space<hbm>>
      tpu.enqueue_indirect_dma source(%dma_start3A_175 : memref<10000x32xf32, #tpu.memory_space<hbm>>) target(%arg13 : memref<128x32xf32, #tpu.memory_space<vmem>>) offsets(%dma_start3A_172 : memref<128xi32, #tpu.memory_space<vmem>>) semaphore(%arg22 : memref<!tpu.dma_semaphore, #tpu.memory_space<semaphore_mem>>)
    } else {
    }
    %eq3A_63 = arith.constant 1 : i32
    %eq3A_64 = arith.cmpi eq, %arg0, %eq3A_63 : i32
    %convert_element_type3A_65 = arith.extui %eq3A_64 : i1 to i32
    %cond3A_66 = arith.constant 0 : i32
    %cond3A_67 = arith.cmpi ne, %convert_element_type3A_65, %cond3A_66 : i32
    scf.if %cond3A_67 {
      %dma_start3A_169 = arith.constant 3 : i32
      %dma_start3A_170 = arith.constant 0 : i32
      %dma_start3A_171 = tpu.memref_slice %arg8[%dma_start3A_169, %dma_start3A_170] : memref<160x128xi32, #tpu.memory_space<vmem>> -> memref<1x128xi32, #tpu.memory_space<vmem>>
      %dma_start3A_172 = tpu.memref_squeeze %dma_start3A_171 : memref<1x128xi32, #tpu.memory_space<vmem>> -> memref<128xi32, #tpu.memory_space<vmem>>
      %dma_start3A_173 = arith.constant 0 : i32
      %dma_start3A_174 = arith.constant 0 : i32
      %dma_start3A_175 = tpu.memref_slice %arg3[%dma_start3A_173, %dma_start3A_174] : memref<10000x32xf32, #tpu.memory_space<hbm>> -> memref<10000x32xf32, #tpu.memory_space<hbm>>
      tpu.enqueue_indirect_dma source(%dma_start3A_175 : memref<10000x32xf32, #tpu.memory_space<hbm>>) target(%arg13 : memref<128x32xf32, #tpu.memory_space<vmem>>) offsets(%dma_start3A_172 : memref<128xi32, #tpu.memory_space<vmem>>) semaphore(%arg22 : memref<!tpu.dma_semaphore, #tpu.memory_space<semaphore_mem>>)
    } else {
    }
    %eq3A_68 = arith.constant 0 : i32
    %eq3A_69 = arith.cmpi eq, %arg0, %eq3A_68 : i32
    %convert_element_type3A_70 = arith.extui %eq3A_69 : i1 to i32
    %cond3A_71 = arith.constant 0 : i32
    %cond3A_72 = arith.cmpi ne, %convert_element_type3A_70, %cond3A_71 : i32
    scf.if %cond3A_72 {
      %dma_start3A_169 = arith.constant 4 : i32
      %dma_start3A_170 = arith.constant 0 : i32
      %dma_start3A_171 = tpu.memref_slice %arg8[%dma_start3A_169, %dma_start3A_170] : memref<160x128xi32, #tpu.memory_space<vmem>> -> memref<1x128xi32, #tpu.memory_space<vmem>>
      %dma_start3A_172 = tpu.memref_squeeze %dma_start3A_171 : memref<1x128xi32, #tpu.memory_space<vmem>> -> memref<128xi32, #tpu.memory_space<vmem>>
      %dma_start3A_173 = arith.constant 0 : i32
      %dma_start3A_174 = arith.constant 0 : i32
      %dma_start3A_175 = tpu.memref_slice %arg2[%dma_start3A_173, %dma_start3A_174] : memref<10000x32xf32, #tpu.memory_space<hbm>> -> memref<10000x32xf32, #tpu.memory_space<hbm>>
      tpu.enqueue_indirect_dma source(%dma_start3A_175 : memref<10000x32xf32, #tpu.memory_space<hbm>>) target(%arg14 : memref<128x32xf32, #tpu.memory_space<vmem>>) offsets(%dma_start3A_172 : memref<128xi32, #tpu.memory_space<vmem>>) semaphore(%arg23 : memref<!tpu.dma_semaphore, #tpu.memory_space<semaphore_mem>>)
    } else {
    }
    %eq3A_73 = arith.constant 1 : i32
    %eq3A_74 = arith.cmpi eq, %arg0, %eq3A_73 : i32
    %convert_element_type3A_75 = arith.extui %eq3A_74 : i1 to i32
    %cond3A_76 = arith.constant 0 : i32
    %cond3A_77 = arith.cmpi ne, %convert_element_type3A_75, %cond3A_76 : i32
    scf.if %cond3A_77 {
      %dma_start3A_169 = arith.constant 4 : i32
      %dma_start3A_170 = arith.constant 0 : i32
      %dma_start3A_171 = tpu.memref_slice %arg8[%dma_start3A_169, %dma_start3A_170] : memref<160x128xi32, #tpu.memory_space<vmem>> -> memref<1x128xi32, #tpu.memory_space<vmem>>
      %dma_start3A_172 = tpu.memref_squeeze %dma_start3A_171 : memref<1x128xi32, #tpu.memory_space<vmem>> -> memref<128xi32, #tpu.memory_space<vmem>>
      %dma_start3A_173 = arith.constant 0 : i32
      %dma_start3A_174 = arith.constant 0 : i32
      %dma_start3A_175 = tpu.memref_slice %arg3[%dma_start3A_173, %dma_start3A_174] : memref<10000x32xf32, #tpu.memory_space<hbm>> -> memref<10000x32xf32, #tpu.memory_space<hbm>>
      tpu.enqueue_indirect_dma source(%dma_start3A_175 : memref<10000x32xf32, #tpu.memory_space<hbm>>) target(%arg14 : memref<128x32xf32, #tpu.memory_space<vmem>>) offsets(%dma_start3A_172 : memref<128xi32, #tpu.memory_space<vmem>>) semaphore(%arg23 : memref<!tpu.dma_semaphore, #tpu.memory_space<semaphore_mem>>)
    } else {
    }
    %eq3A_78 = arith.constant 0 : i32
    %eq3A_79 = arith.cmpi eq, %arg0, %eq3A_78 : i32
    %convert_element_type3A_80 = arith.extui %eq3A_79 : i1 to i32
    %cond3A_81 = arith.constant 0 : i32
    %cond3A_82 = arith.cmpi ne, %convert_element_type3A_80, %cond3A_81 : i32
    scf.if %cond3A_82 {
      %dma_start3A_169 = arith.constant 5 : i32
      %dma_start3A_170 = arith.constant 0 : i32
      %dma_start3A_171 = tpu.memref_slice %arg8[%dma_start3A_169, %dma_start3A_170] : memref<160x128xi32, #tpu.memory_space<vmem>> -> memref<1x128xi32, #tpu.memory_space<vmem>>
      %dma_start3A_172 = tpu.memref_squeeze %dma_start3A_171 : memref<1x128xi32, #tpu.memory_space<vmem>> -> memref<128xi32, #tpu.memory_space<vmem>>
      %dma_start3A_173 = arith.constant 0 : i32
      %dma_start3A_174 = arith.constant 0 : i32
      %dma_start3A_175 = tpu.memref_slice %arg2[%dma_start3A_173, %dma_start3A_174] : memref<10000x32xf32, #tpu.memory_space<hbm>> -> memref<10000x32xf32, #tpu.memory_space<hbm>>
      tpu.enqueue_indirect_dma source(%dma_start3A_175 : memref<10000x32xf32, #tpu.memory_space<hbm>>) target(%arg15 : memref<128x32xf32, #tpu.memory_space<vmem>>) offsets(%dma_start3A_172 : memref<128xi32, #tpu.memory_space<vmem>>) semaphore(%arg24 : memref<!tpu.dma_semaphore, #tpu.memory_space<semaphore_mem>>)
    } else {
    }
    %eq3A_83 = arith.constant 1 : i32
    %eq3A_84 = arith.cmpi eq, %arg0, %eq3A_83 : i32
    %convert_element_type3A_85 = arith.extui %eq3A_84 : i1 to i32
    %cond3A_86 = arith.constant 0 : i32
    %cond3A_87 = arith.cmpi ne, %convert_element_type3A_85, %cond3A_86 : i32
    scf.if %cond3A_87 {
      %dma_start3A_169 = arith.constant 5 : i32
      %dma_start3A_170 = arith.constant 0 : i32
      %dma_start3A_171 = tpu.memref_slice %arg8[%dma_start3A_169, %dma_start3A_170] : memref<160x128xi32, #tpu.memory_space<vmem>> -> memref<1x128xi32, #tpu.memory_space<vmem>>
      %dma_start3A_172 = tpu.memref_squeeze %dma_start3A_171 : memref<1x128xi32, #tpu.memory_space<vmem>> -> memref<128xi32, #tpu.memory_space<vmem>>
      %dma_start3A_173 = arith.constant 0 : i32
      %dma_start3A_174 = arith.constant 0 : i32
      %dma_start3A_175 = tpu.memref_slice %arg3[%dma_start3A_173, %dma_start3A_174] : memref<10000x32xf32, #tpu.memory_space<hbm>> -> memref<10000x32xf32, #tpu.memory_space<hbm>>
      tpu.enqueue_indirect_dma source(%dma_start3A_175 : memref<10000x32xf32, #tpu.memory_space<hbm>>) target(%arg15 : memref<128x32xf32, #tpu.memory_space<vmem>>) offsets(%dma_start3A_172 : memref<128xi32, #tpu.memory_space<vmem>>) semaphore(%arg24 : memref<!tpu.dma_semaphore, #tpu.memory_space<semaphore_mem>>)
    } else {
    }
    %eq3A_88 = arith.constant 0 : i32
    %eq3A_89 = arith.cmpi eq, %arg0, %eq3A_88 : i32
    %convert_element_type3A_90 = arith.extui %eq3A_89 : i1 to i32
    %cond3A_91 = arith.constant 0 : i32
    %cond3A_92 = arith.cmpi ne, %convert_element_type3A_90, %cond3A_91 : i32
    scf.if %cond3A_92 {
      %dma_start3A_169 = arith.constant 6 : i32
      %dma_start3A_170 = arith.constant 0 : i32
      %dma_start3A_171 = tpu.memref_slice %arg8[%dma_start3A_169, %dma_start3A_170] : memref<160x128xi32, #tpu.memory_space<vmem>> -> memref<1x128xi32, #tpu.memory_space<vmem>>
      %dma_start3A_172 = tpu.memref_squeeze %dma_start3A_171 : memref<1x128xi32, #tpu.memory_space<vmem>> -> memref<128xi32, #tpu.memory_space<vmem>>
      %dma_start3A_173 = arith.constant 0 : i32
      %dma_start3A_174 = arith.constant 0 : i32
      %dma_start3A_175 = tpu.memref_slice %arg2[%dma_start3A_173, %dma_start3A_174] : memref<10000x32xf32, #tpu.memory_space<hbm>> -> memref<10000x32xf32, #tpu.memory_space<hbm>>
      tpu.enqueue_indirect_dma source(%dma_start3A_175 : memref<10000x32xf32, #tpu.memory_space<hbm>>) target(%arg16 : memref<128x32xf32, #tpu.memory_space<vmem>>) offsets(%dma_start3A_172 : memref<128xi32, #tpu.memory_space<vmem>>) semaphore(%arg25 : memref<!tpu.dma_semaphore, #tpu.memory_space<semaphore_mem>>)
    } else {
    }
    %eq3A_93 = arith.constant 1 : i32
    %eq3A_94 = arith.cmpi eq, %arg0, %eq3A_93 : i32
    %convert_element_type3A_95 = arith.extui %eq3A_94 : i1 to i32
    %cond3A_96 = arith.constant 0 : i32
    %cond3A_97 = arith.cmpi ne, %convert_element_type3A_95, %cond3A_96 : i32
    scf.if %cond3A_97 {
      %dma_start3A_169 = arith.constant 6 : i32
      %dma_start3A_170 = arith.constant 0 : i32
      %dma_start3A_171 = tpu.memref_slice %arg8[%dma_start3A_169, %dma_start3A_170] : memref<160x128xi32, #tpu.memory_space<vmem>> -> memref<1x128xi32, #tpu.memory_space<vmem>>
      %dma_start3A_172 = tpu.memref_squeeze %dma_start3A_171 : memref<1x128xi32, #tpu.memory_space<vmem>> -> memref<128xi32, #tpu.memory_space<vmem>>
      %dma_start3A_173 = arith.constant 0 : i32
      %dma_start3A_174 = arith.constant 0 : i32
      %dma_start3A_175 = tpu.memref_slice %arg3[%dma_start3A_173, %dma_start3A_174] : memref<10000x32xf32, #tpu.memory_space<hbm>> -> memref<10000x32xf32, #tpu.memory_space<hbm>>
      tpu.enqueue_indirect_dma source(%dma_start3A_175 : memref<10000x32xf32, #tpu.memory_space<hbm>>) target(%arg16 : memref<128x32xf32, #tpu.memory_space<vmem>>) offsets(%dma_start3A_172 : memref<128xi32, #tpu.memory_space<vmem>>) semaphore(%arg25 : memref<!tpu.dma_semaphore, #tpu.memory_space<semaphore_mem>>)
    } else {
    }
    %eq3A_98 = arith.constant 0 : i32
    %eq3A_99 = arith.cmpi eq, %arg0, %eq3A_98 : i32
    %convert_element_type3A_100 = arith.extui %eq3A_99 : i1 to i32
    %cond3A_101 = arith.constant 0 : i32
    %cond3A_102 = arith.cmpi ne, %convert_element_type3A_100, %cond3A_101 : i32
    scf.if %cond3A_102 {
      %dma_start3A_169 = arith.constant 7 : i32
      %dma_start3A_170 = arith.constant 0 : i32
      %dma_start3A_171 = tpu.memref_slice %arg8[%dma_start3A_169, %dma_start3A_170] : memref<160x128xi32, #tpu.memory_space<vmem>> -> memref<1x128xi32, #tpu.memory_space<vmem>>
      %dma_start3A_172 = tpu.memref_squeeze %dma_start3A_171 : memref<1x128xi32, #tpu.memory_space<vmem>> -> memref<128xi32, #tpu.memory_space<vmem>>
      %dma_start3A_173 = arith.constant 0 : i32
      %dma_start3A_174 = arith.constant 0 : i32
      %dma_start3A_175 = tpu.memref_slice %arg2[%dma_start3A_173, %dma_start3A_174] : memref<10000x32xf32, #tpu.memory_space<hbm>> -> memref<10000x32xf32, #tpu.memory_space<hbm>>
      tpu.enqueue_indirect_dma source(%dma_start3A_175 : memref<10000x32xf32, #tpu.memory_space<hbm>>) target(%arg17 : memref<128x32xf32, #tpu.memory_space<vmem>>) offsets(%dma_start3A_172 : memref<128xi32, #tpu.memory_space<vmem>>) semaphore(%arg26 : memref<!tpu.dma_semaphore, #tpu.memory_space<semaphore_mem>>)
    } else {
    }
    %eq3A_103 = arith.constant 1 : i32
    %eq3A_104 = arith.cmpi eq, %arg0, %eq3A_103 : i32
    %convert_element_type3A_105 = arith.extui %eq3A_104 : i1 to i32
    %cond3A_106 = arith.constant 0 : i32
    %cond3A_107 = arith.cmpi ne, %convert_element_type3A_105, %cond3A_106 : i32
    scf.if %cond3A_107 {
      %dma_start3A_169 = arith.constant 7 : i32
      %dma_start3A_170 = arith.constant 0 : i32
      %dma_start3A_171 = tpu.memref_slice %arg8[%dma_start3A_169, %dma_start3A_170] : memref<160x128xi32, #tpu.memory_space<vmem>> -> memref<1x128xi32, #tpu.memory_space<vmem>>
      %dma_start3A_172 = tpu.memref_squeeze %dma_start3A_171 : memref<1x128xi32, #tpu.memory_space<vmem>> -> memref<128xi32, #tpu.memory_space<vmem>>
      %dma_start3A_173 = arith.constant 0 : i32
      %dma_start3A_174 = arith.constant 0 : i32
      %dma_start3A_175 = tpu.memref_slice %arg3[%dma_start3A_173, %dma_start3A_174] : memref<10000x32xf32, #tpu.memory_space<hbm>> -> memref<10000x32xf32, #tpu.memory_space<hbm>>
      tpu.enqueue_indirect_dma source(%dma_start3A_175 : memref<10000x32xf32, #tpu.memory_space<hbm>>) target(%arg17 : memref<128x32xf32, #tpu.memory_space<vmem>>) offsets(%dma_start3A_172 : memref<128xi32, #tpu.memory_space<vmem>>) semaphore(%arg26 : memref<!tpu.dma_semaphore, #tpu.memory_space<semaphore_mem>>)
    } else {
    }
    %scan3A = arith.constant 0 : i32
    %scan3A_108 = arith.constant 0 : i32
    %scan3A_109 = arith.constant 19 : i32
    %scan3A_110 = arith.addi %scan3A_108, %scan3A_109 : i32
    %scan3A_111 = arith.constant 1 : i32
    scf.for %scan3A_169 = %scan3A_108 to %scan3A_110 step %scan3A_111  : i32 {
      %mul3A_170 = arith.constant 8 : i32
      %mul3A_171 = arith.muli %scan3A_169, %mul3A_170 : i32
      %dma_wait3A_172 = arith.constant 0 : i32
      %dma_wait3A_173 = arith.constant 0 : i32
      %dma_wait3A_174 = tpu.memref_slice %arg2[%dma_wait3A_172, %dma_wait3A_173] : memref<10000x32xf32, #tpu.memory_space<hbm>> -> memref<128x32xf32, #tpu.memory_space<hbm>>
      %dma_wait3A_175 = arith.constant 0 : i32
      %dma_wait3A_176 = arith.constant 0 : i32
      %dma_wait3A_177 = tpu.memref_slice %arg2[%dma_wait3A_175, %dma_wait3A_176] : memref<10000x32xf32, #tpu.memory_space<hbm>> -> memref<128x32xf32, #tpu.memory_space<hbm>>
      tpu.wait_dma2 semaphore(%arg19 : memref<!tpu.dma_semaphore, #tpu.memory_space<semaphore_mem>>) src(%dma_wait3A_177 : memref<128x32xf32, #tpu.memory_space<hbm>>) dst(%arg10 : memref<128x32xf32, #tpu.memory_space<vmem>>)
      %add3A = arith.constant 0 : i32
      %add3A_178 = arith.addi %mul3A_171, %add3A : i32
      "tpu.region"() ({
        %run_scoped3A_347 = tpu.sem_alloc : memref<!tpu.dma_semaphore, #tpu.memory_space<semaphore_mem>>
        %dma_start3A_348 = arith.constant 0 : i32
        %dma_start3A_349 = tpu.memref_slice %arg9[%add3A_178, %dma_start3A_348] : memref<160x128xi32, #tpu.memory_space<vmem>> -> memref<1x128xi32, #tpu.memory_space<vmem>>
        %dma_start3A_350 = tpu.memref_squeeze %dma_start3A_349 : memref<1x128xi32, #tpu.memory_space<vmem>> -> memref<128xi32, #tpu.memory_space<vmem>>
        %dma_start3A_351 = arith.constant 0 : i32
        %dma_start3A_352 = arith.constant 0 : i32
        %dma_start3A_353 = tpu.memref_slice %arg18[%dma_start3A_351, %dma_start3A_352] : memref<10240x32xf32, #tpu.memory_space<vmem_shared>> -> memref<10240x32xf32, #tpu.memory_space<vmem_shared>>
        tpu.enqueue_indirect_dma source(%arg10 : memref<128x32xf32, #tpu.memory_space<vmem>>) target(%dma_start3A_353 : memref<10240x32xf32, #tpu.memory_space<vmem_shared>>) offsets(%dma_start3A_350 : memref<128xi32, #tpu.memory_space<vmem>>) semaphore(%run_scoped3A_347 : memref<!tpu.dma_semaphore, #tpu.memory_space<semaphore_mem>>) {add = true}
        %dma_wait3A_354 = arith.constant 0 : i32
        %dma_wait3A_355 = tpu.memref_slice %arg9[%add3A_178, %dma_wait3A_354] : memref<160x128xi32, #tpu.memory_space<vmem>> -> memref<1x128xi32, #tpu.memory_space<vmem>>
        %dma_wait3A_356 = tpu.memref_squeeze %dma_wait3A_355 : memref<1x128xi32, #tpu.memory_space<vmem>> -> memref<128xi32, #tpu.memory_space<vmem>>
        %dma_wait3A_357 = arith.constant 0 : i32
        %dma_wait3A_358 = arith.constant 0 : i32
        %dma_wait3A_359 = tpu.memref_slice %arg18[%dma_wait3A_357, %dma_wait3A_358] : memref<10240x32xf32, #tpu.memory_space<vmem_shared>> -> memref<10240x32xf32, #tpu.memory_space<vmem_shared>>
        tpu.wait_indirect_dma semaphore(%run_scoped3A_347 : memref<!tpu.dma_semaphore, #tpu.memory_space<semaphore_mem>>) src(%arg10 : memref<128x32xf32, #tpu.memory_space<vmem>>) dst(%dma_wait3A_359 : memref<10240x32xf32, #tpu.memory_space<vmem_shared>>)
        tpu.yield
      }) : () -> ()
      %add3A_179 = arith.constant 0 : i32
      %add3A_180 = arith.addi %mul3A_171, %add3A_179 : i32
      %add3A_181 = arith.constant 8 : i32
      %add3A_182 = arith.addi %add3A_180, %add3A_181 : i32
      %eq3A_183 = arith.constant 0 : i32
      %eq3A_184 = arith.cmpi eq, %arg0, %eq3A_183 : i32
      %convert_element_type3A_185 = arith.extui %eq3A_184 : i1 to i32
      %cond3A_186 = arith.constant 0 : i32
      %cond3A_187 = arith.cmpi ne, %convert_element_type3A_185, %cond3A_186 : i32
      scf.if %cond3A_187 {
        %dma_start3A_347 = arith.constant 0 : i32
        %dma_start3A_348 = tpu.memref_slice %arg8[%add3A_182, %dma_start3A_347] : memref<160x128xi32, #tpu.memory_space<vmem>> -> memref<1x128xi32, #tpu.memory_space<vmem>>
        %dma_start3A_349 = tpu.memref_squeeze %dma_start3A_348 : memref<1x128xi32, #tpu.memory_space<vmem>> -> memref<128xi32, #tpu.memory_space<vmem>>
        %dma_start3A_350 = arith.constant 0 : i32
        %dma_start3A_351 = arith.constant 0 : i32
        %dma_start3A_352 = tpu.memref_slice %arg2[%dma_start3A_350, %dma_start3A_351] : memref<10000x32xf32, #tpu.memory_space<hbm>> -> memref<10000x32xf32, #tpu.memory_space<hbm>>
        tpu.enqueue_indirect_dma source(%dma_start3A_352 : memref<10000x32xf32, #tpu.memory_space<hbm>>) target(%arg10 : memref<128x32xf32, #tpu.memory_space<vmem>>) offsets(%dma_start3A_349 : memref<128xi32, #tpu.memory_space<vmem>>) semaphore(%arg19 : memref<!tpu.dma_semaphore, #tpu.memory_space<semaphore_mem>>)
      } else {
      }
      %eq3A_188 = arith.constant 1 : i32
      %eq3A_189 = arith.cmpi eq, %arg0, %eq3A_188 : i32
      %convert_element_type3A_190 = arith.extui %eq3A_189 : i1 to i32
      %cond3A_191 = arith.constant 0 : i32
      %cond3A_192 = arith.cmpi ne, %convert_element_type3A_190, %cond3A_191 : i32
      scf.if %cond3A_192 {
        %dma_start3A_347 = arith.constant 0 : i32
        %dma_start3A_348 = tpu.memref_slice %arg8[%add3A_182, %dma_start3A_347] : memref<160x128xi32, #tpu.memory_space<vmem>> -> memref<1x128xi32, #tpu.memory_space<vmem>>
        %dma_start3A_349 = tpu.memref_squeeze %dma_start3A_348 : memref<1x128xi32, #tpu.memory_space<vmem>> -> memref<128xi32, #tpu.memory_space<vmem>>
        %dma_start3A_350 = arith.constant 0 : i32
        %dma_start3A_351 = arith.constant 0 : i32
        %dma_start3A_352 = tpu.memref_slice %arg3[%dma_start3A_350, %dma_start3A_351] : memref<10000x32xf32, #tpu.memory_space<hbm>> -> memref<10000x32xf32, #tpu.memory_space<hbm>>
        tpu.enqueue_indirect_dma source(%dma_start3A_352 : memref<10000x32xf32, #tpu.memory_space<hbm>>) target(%arg10 : memref<128x32xf32, #tpu.memory_space<vmem>>) offsets(%dma_start3A_349 : memref<128xi32, #tpu.memory_space<vmem>>) semaphore(%arg19 : memref<!tpu.dma_semaphore, #tpu.memory_space<semaphore_mem>>)
      } else {
      }
      %dma_wait3A_193 = arith.constant 0 : i32
      %dma_wait3A_194 = arith.constant 0 : i32
      %dma_wait3A_195 = tpu.memref_slice %arg2[%dma_wait3A_193, %dma_wait3A_194] : memref<10000x32xf32, #tpu.memory_space<hbm>> -> memref<128x32xf32, #tpu.memory_space<hbm>>
      %dma_wait3A_196 = arith.constant 0 : i32
      %dma_wait3A_197 = arith.constant 0 : i32
      %dma_wait3A_198 = tpu.memref_slice %arg2[%dma_wait3A_196, %dma_wait3A_197] : memref<10000x32xf32, #tpu.memory_space<hbm>> -> memref<128x32xf32, #tpu.memory_space<hbm>>
      tpu.wait_dma2 semaphore(%arg20 : memref<!tpu.dma_semaphore, #tpu.memory_space<semaphore_mem>>) src(%dma_wait3A_198 : memref<128x32xf32, #tpu.memory_space<hbm>>) dst(%arg11 : memref<128x32xf32, #tpu.memory_space<vmem>>)
      %add3A_199 = arith.constant 1 : i32
      %add3A_200 = arith.addi %mul3A_171, %add3A_199 : i32
      "tpu.region"() ({
        %run_scoped3A_347 = tpu.sem_alloc : memref<!tpu.dma_semaphore, #tpu.memory_space<semaphore_mem>>
        %dma_start3A_348 = arith.constant 0 : i32
        %dma_start3A_349 = tpu.memref_slice %arg9[%add3A_200, %dma_start3A_348] : memref<160x128xi32, #tpu.memory_space<vmem>> -> memref<1x128xi32, #tpu.memory_space<vmem>>
        %dma_start3A_350 = tpu.memref_squeeze %dma_start3A_349 : memref<1x128xi32, #tpu.memory_space<vmem>> -> memref<128xi32, #tpu.memory_space<vmem>>
        %dma_start3A_351 = arith.constant 0 : i32
        %dma_start3A_352 = arith.constant 0 : i32
        %dma_start3A_353 = tpu.memref_slice %arg18[%dma_start3A_351, %dma_start3A_352] : memref<10240x32xf32, #tpu.memory_space<vmem_shared>> -> memref<10240x32xf32, #tpu.memory_space<vmem_shared>>
        tpu.enqueue_indirect_dma source(%arg11 : memref<128x32xf32, #tpu.memory_space<vmem>>) target(%dma_start3A_353 : memref<10240x32xf32, #tpu.memory_space<vmem_shared>>) offsets(%dma_start3A_350 : memref<128xi32, #tpu.memory_space<vmem>>) semaphore(%run_scoped3A_347 : memref<!tpu.dma_semaphore, #tpu.memory_space<semaphore_mem>>) {add = true}
        %dma_wait3A_354 = arith.constant 0 : i32
        %dma_wait3A_355 = tpu.memref_slice %arg9[%add3A_200, %dma_wait3A_354] : memref<160x128xi32, #tpu.memory_space<vmem>> -> memref<1x128xi32, #tpu.memory_space<vmem>>
        %dma_wait3A_356 = tpu.memref_squeeze %dma_wait3A_355 : memref<1x128xi32, #tpu.memory_space<vmem>> -> memref<128xi32, #tpu.memory_space<vmem>>
        %dma_wait3A_357 = arith.constant 0 : i32
        %dma_wait3A_358 = arith.constant 0 : i32
        %dma_wait3A_359 = tpu.memref_slice %arg18[%dma_wait3A_357, %dma_wait3A_358] : memref<10240x32xf32, #tpu.memory_space<vmem_shared>> -> memref<10240x32xf32, #tpu.memory_space<vmem_shared>>
        tpu.wait_indirect_dma semaphore(%run_scoped3A_347 : memref<!tpu.dma_semaphore, #tpu.memory_space<semaphore_mem>>) src(%arg11 : memref<128x32xf32, #tpu.memory_space<vmem>>) dst(%dma_wait3A_359 : memref<10240x32xf32, #tpu.memory_space<vmem_shared>>)
        tpu.yield
      }) : () -> ()
      %add3A_201 = arith.constant 1 : i32
      %add3A_202 = arith.addi %mul3A_171, %add3A_201 : i32
      %add3A_203 = arith.constant 8 : i32
      %add3A_204 = arith.addi %add3A_202, %add3A_203 : i32
      %eq3A_205 = arith.constant 0 : i32
      %eq3A_206 = arith.cmpi eq, %arg0, %eq3A_205 : i32
      %convert_element_type3A_207 = arith.extui %eq3A_206 : i1 to i32
      %cond3A_208 = arith.constant 0 : i32
      %cond3A_209 = arith.cmpi ne, %convert_element_type3A_207, %cond3A_208 : i32
      scf.if %cond3A_209 {
        %dma_start3A_347 = arith.constant 0 : i32
        %dma_start3A_348 = tpu.memref_slice %arg8[%add3A_204, %dma_start3A_347] : memref<160x128xi32, #tpu.memory_space<vmem>> -> memref<1x128xi32, #tpu.memory_space<vmem>>
        %dma_start3A_349 = tpu.memref_squeeze %dma_start3A_348 : memref<1x128xi32, #tpu.memory_space<vmem>> -> memref<128xi32, #tpu.memory_space<vmem>>
        %dma_start3A_350 = arith.constant 0 : i32
        %dma_start3A_351 = arith.constant 0 : i32
        %dma_start3A_352 = tpu.memref_slice %arg2[%dma_start3A_350, %dma_start3A_351] : memref<10000x32xf32, #tpu.memory_space<hbm>> -> memref<10000x32xf32, #tpu.memory_space<hbm>>
        tpu.enqueue_indirect_dma source(%dma_start3A_352 : memref<10000x32xf32, #tpu.memory_space<hbm>>) target(%arg11 : memref<128x32xf32, #tpu.memory_space<vmem>>) offsets(%dma_start3A_349 : memref<128xi32, #tpu.memory_space<vmem>>) semaphore(%arg20 : memref<!tpu.dma_semaphore, #tpu.memory_space<semaphore_mem>>)
      } else {
      }
      %eq3A_210 = arith.constant 1 : i32
      %eq3A_211 = arith.cmpi eq, %arg0, %eq3A_210 : i32
      %convert_element_type3A_212 = arith.extui %eq3A_211 : i1 to i32
      %cond3A_213 = arith.constant 0 : i32
      %cond3A_214 = arith.cmpi ne, %convert_element_type3A_212, %cond3A_213 : i32
      scf.if %cond3A_214 {
        %dma_start3A_347 = arith.constant 0 : i32
        %dma_start3A_348 = tpu.memref_slice %arg8[%add3A_204, %dma_start3A_347] : memref<160x128xi32, #tpu.memory_space<vmem>> -> memref<1x128xi32, #tpu.memory_space<vmem>>
        %dma_start3A_349 = tpu.memref_squeeze %dma_start3A_348 : memref<1x128xi32, #tpu.memory_space<vmem>> -> memref<128xi32, #tpu.memory_space<vmem>>
        %dma_start3A_350 = arith.constant 0 : i32
        %dma_start3A_351 = arith.constant 0 : i32
        %dma_start3A_352 = tpu.memref_slice %arg3[%dma_start3A_350, %dma_start3A_351] : memref<10000x32xf32, #tpu.memory_space<hbm>> -> memref<10000x32xf32, #tpu.memory_space<hbm>>
        tpu.enqueue_indirect_dma source(%dma_start3A_352 : memref<10000x32xf32, #tpu.memory_space<hbm>>) target(%arg11 : memref<128x32xf32, #tpu.memory_space<vmem>>) offsets(%dma_start3A_349 : memref<128xi32, #tpu.memory_space<vmem>>) semaphore(%arg20 : memref<!tpu.dma_semaphore, #tpu.memory_space<semaphore_mem>>)
      } else {
      }
      %dma_wait3A_215 = arith.constant 0 : i32
      %dma_wait3A_216 = arith.constant 0 : i32
      %dma_wait3A_217 = tpu.memref_slice %arg2[%dma_wait3A_215, %dma_wait3A_216] : memref<10000x32xf32, #tpu.memory_space<hbm>> -> memref<128x32xf32, #tpu.memory_space<hbm>>
      %dma_wait3A_218 = arith.constant 0 : i32
      %dma_wait3A_219 = arith.constant 0 : i32
      %dma_wait3A_220 = tpu.memref_slice %arg2[%dma_wait3A_218, %dma_wait3A_219] : memref<10000x32xf32, #tpu.memory_space<hbm>> -> memref<128x32xf32, #tpu.memory_space<hbm>>
      tpu.wait_dma2 semaphore(%arg21 : memref<!tpu.dma_semaphore, #tpu.memory_space<semaphore_mem>>) src(%dma_wait3A_220 : memref<128x32xf32, #tpu.memory_space<hbm>>) dst(%arg12 : memref<128x32xf32, #tpu.memory_space<vmem>>)
      %add3A_221 = arith.constant 2 : i32
      %add3A_222 = arith.addi %mul3A_171, %add3A_221 : i32
      "tpu.region"() ({
        %run_scoped3A_347 = tpu.sem_alloc : memref<!tpu.dma_semaphore, #tpu.memory_space<semaphore_mem>>
        %dma_start3A_348 = arith.constant 0 : i32
        %dma_start3A_349 = tpu.memref_slice %arg9[%add3A_222, %dma_start3A_348] : memref<160x128xi32, #tpu.memory_space<vmem>> -> memref<1x128xi32, #tpu.memory_space<vmem>>
        %dma_start3A_350 = tpu.memref_squeeze %dma_start3A_349 : memref<1x128xi32, #tpu.memory_space<vmem>> -> memref<128xi32, #tpu.memory_space<vmem>>
        %dma_start3A_351 = arith.constant 0 : i32
        %dma_start3A_352 = arith.constant 0 : i32
        %dma_start3A_353 = tpu.memref_slice %arg18[%dma_start3A_351, %dma_start3A_352] : memref<10240x32xf32, #tpu.memory_space<vmem_shared>> -> memref<10240x32xf32, #tpu.memory_space<vmem_shared>>
        tpu.enqueue_indirect_dma source(%arg12 : memref<128x32xf32, #tpu.memory_space<vmem>>) target(%dma_start3A_353 : memref<10240x32xf32, #tpu.memory_space<vmem_shared>>) offsets(%dma_start3A_350 : memref<128xi32, #tpu.memory_space<vmem>>) semaphore(%run_scoped3A_347 : memref<!tpu.dma_semaphore, #tpu.memory_space<semaphore_mem>>) {add = true}
        %dma_wait3A_354 = arith.constant 0 : i32
        %dma_wait3A_355 = tpu.memref_slice %arg9[%add3A_222, %dma_wait3A_354] : memref<160x128xi32, #tpu.memory_space<vmem>> -> memref<1x128xi32, #tpu.memory_space<vmem>>
        %dma_wait3A_356 = tpu.memref_squeeze %dma_wait3A_355 : memref<1x128xi32, #tpu.memory_space<vmem>> -> memref<128xi32, #tpu.memory_space<vmem>>
        %dma_wait3A_357 = arith.constant 0 : i32
        %dma_wait3A_358 = arith.constant 0 : i32
        %dma_wait3A_359 = tpu.memref_slice %arg18[%dma_wait3A_357, %dma_wait3A_358] : memref<10240x32xf32, #tpu.memory_space<vmem_shared>> -> memref<10240x32xf32, #tpu.memory_space<vmem_shared>>
        tpu.wait_indirect_dma semaphore(%run_scoped3A_347 : memref<!tpu.dma_semaphore, #tpu.memory_space<semaphore_mem>>) src(%arg12 : memref<128x32xf32, #tpu.memory_space<vmem>>) dst(%dma_wait3A_359 : memref<10240x32xf32, #tpu.memory_space<vmem_shared>>)
        tpu.yield
      }) : () -> ()
      %add3A_223 = arith.constant 2 : i32
      %add3A_224 = arith.addi %mul3A_171, %add3A_223 : i32
      %add3A_225 = arith.constant 8 : i32
      %add3A_226 = arith.addi %add3A_224, %add3A_225 : i32
      %eq3A_227 = arith.constant 0 : i32
      %eq3A_228 = arith.cmpi eq, %arg0, %eq3A_227 : i32
      %convert_element_type3A_229 = arith.extui %eq3A_228 : i1 to i32
      %cond3A_230 = arith.constant 0 : i32
      %cond3A_231 = arith.cmpi ne, %convert_element_type3A_229, %cond3A_230 : i32
      scf.if %cond3A_231 {
        %dma_start3A_347 = arith.constant 0 : i32
        %dma_start3A_348 = tpu.memref_slice %arg8[%add3A_226, %dma_start3A_347] : memref<160x128xi32, #tpu.memory_space<vmem>> -> memref<1x128xi32, #tpu.memory_space<vmem>>
        %dma_start3A_349 = tpu.memref_squeeze %dma_start3A_348 : memref<1x128xi32, #tpu.memory_space<vmem>> -> memref<128xi32, #tpu.memory_space<vmem>>
        %dma_start3A_350 = arith.constant 0 : i32
        %dma_start3A_351 = arith.constant 0 : i32
        %dma_start3A_352 = tpu.memref_slice %arg2[%dma_start3A_350, %dma_start3A_351] : memref<10000x32xf32, #tpu.memory_space<hbm>> -> memref<10000x32xf32, #tpu.memory_space<hbm>>
        tpu.enqueue_indirect_dma source(%dma_start3A_352 : memref<10000x32xf32, #tpu.memory_space<hbm>>) target(%arg12 : memref<128x32xf32, #tpu.memory_space<vmem>>) offsets(%dma_start3A_349 : memref<128xi32, #tpu.memory_space<vmem>>) semaphore(%arg21 : memref<!tpu.dma_semaphore, #tpu.memory_space<semaphore_mem>>)
      } else {
      }
      %eq3A_232 = arith.constant 1 : i32
      %eq3A_233 = arith.cmpi eq, %arg0, %eq3A_232 : i32
      %convert_element_type3A_234 = arith.extui %eq3A_233 : i1 to i32
      %cond3A_235 = arith.constant 0 : i32
      %cond3A_236 = arith.cmpi ne, %convert_element_type3A_234, %cond3A_235 : i32
      scf.if %cond3A_236 {
        %dma_start3A_347 = arith.constant 0 : i32
        %dma_start3A_348 = tpu.memref_slice %arg8[%add3A_226, %dma_start3A_347] : memref<160x128xi32, #tpu.memory_space<vmem>> -> memref<1x128xi32, #tpu.memory_space<vmem>>
        %dma_start3A_349 = tpu.memref_squeeze %dma_start3A_348 : memref<1x128xi32, #tpu.memory_space<vmem>> -> memref<128xi32, #tpu.memory_space<vmem>>
        %dma_start3A_350 = arith.constant 0 : i32
        %dma_start3A_351 = arith.constant 0 : i32
        %dma_start3A_352 = tpu.memref_slice %arg3[%dma_start3A_350, %dma_start3A_351] : memref<10000x32xf32, #tpu.memory_space<hbm>> -> memref<10000x32xf32, #tpu.memory_space<hbm>>
        tpu.enqueue_indirect_dma source(%dma_start3A_352 : memref<10000x32xf32, #tpu.memory_space<hbm>>) target(%arg12 : memref<128x32xf32, #tpu.memory_space<vmem>>) offsets(%dma_start3A_349 : memref<128xi32, #tpu.memory_space<vmem>>) semaphore(%arg21 : memref<!tpu.dma_semaphore, #tpu.memory_space<semaphore_mem>>)
      } else {
      }
      %dma_wait3A_237 = arith.constant 0 : i32
      %dma_wait3A_238 = arith.constant 0 : i32
      %dma_wait3A_239 = tpu.memref_slice %arg2[%dma_wait3A_237, %dma_wait3A_238] : memref<10000x32xf32, #tpu.memory_space<hbm>> -> memref<128x32xf32, #tpu.memory_space<hbm>>
      %dma_wait3A_240 = arith.constant 0 : i32
      %dma_wait3A_241 = arith.constant 0 : i32
      %dma_wait3A_242 = tpu.memref_slice %arg2[%dma_wait3A_240, %dma_wait3A_241] : memref<10000x32xf32, #tpu.memory_space<hbm>> -> memref<128x32xf32, #tpu.memory_space<hbm>>
      tpu.wait_dma2 semaphore(%arg22 : memref<!tpu.dma_semaphore, #tpu.memory_space<semaphore_mem>>) src(%dma_wait3A_242 : memref<128x32xf32, #tpu.memory_space<hbm>>) dst(%arg13 : memref<128x32xf32, #tpu.memory_space<vmem>>)
      %add3A_243 = arith.constant 3 : i32
      %add3A_244 = arith.addi %mul3A_171, %add3A_243 : i32
      "tpu.region"() ({
        %run_scoped3A_347 = tpu.sem_alloc : memref<!tpu.dma_semaphore, #tpu.memory_space<semaphore_mem>>
        %dma_start3A_348 = arith.constant 0 : i32
        %dma_start3A_349 = tpu.memref_slice %arg9[%add3A_244, %dma_start3A_348] : memref<160x128xi32, #tpu.memory_space<vmem>> -> memref<1x128xi32, #tpu.memory_space<vmem>>
        %dma_start3A_350 = tpu.memref_squeeze %dma_start3A_349 : memref<1x128xi32, #tpu.memory_space<vmem>> -> memref<128xi32, #tpu.memory_space<vmem>>
        %dma_start3A_351 = arith.constant 0 : i32
        %dma_start3A_352 = arith.constant 0 : i32
        %dma_start3A_353 = tpu.memref_slice %arg18[%dma_start3A_351, %dma_start3A_352] : memref<10240x32xf32, #tpu.memory_space<vmem_shared>> -> memref<10240x32xf32, #tpu.memory_space<vmem_shared>>
        tpu.enqueue_indirect_dma source(%arg13 : memref<128x32xf32, #tpu.memory_space<vmem>>) target(%dma_start3A_353 : memref<10240x32xf32, #tpu.memory_space<vmem_shared>>) offsets(%dma_start3A_350 : memref<128xi32, #tpu.memory_space<vmem>>) semaphore(%run_scoped3A_347 : memref<!tpu.dma_semaphore, #tpu.memory_space<semaphore_mem>>) {add = true}
        %dma_wait3A_354 = arith.constant 0 : i32
        %dma_wait3A_355 = tpu.memref_slice %arg9[%add3A_244, %dma_wait3A_354] : memref<160x128xi32, #tpu.memory_space<vmem>> -> memref<1x128xi32, #tpu.memory_space<vmem>>
        %dma_wait3A_356 = tpu.memref_squeeze %dma_wait3A_355 : memref<1x128xi32, #tpu.memory_space<vmem>> -> memref<128xi32, #tpu.memory_space<vmem>>
        %dma_wait3A_357 = arith.constant 0 : i32
        %dma_wait3A_358 = arith.constant 0 : i32
        %dma_wait3A_359 = tpu.memref_slice %arg18[%dma_wait3A_357, %dma_wait3A_358] : memref<10240x32xf32, #tpu.memory_space<vmem_shared>> -> memref<10240x32xf32, #tpu.memory_space<vmem_shared>>
        tpu.wait_indirect_dma semaphore(%run_scoped3A_347 : memref<!tpu.dma_semaphore, #tpu.memory_space<semaphore_mem>>) src(%arg13 : memref<128x32xf32, #tpu.memory_space<vmem>>) dst(%dma_wait3A_359 : memref<10240x32xf32, #tpu.memory_space<vmem_shared>>)
        tpu.yield
      }) : () -> ()
      %add3A_245 = arith.constant 3 : i32
      %add3A_246 = arith.addi %mul3A_171, %add3A_245 : i32
      %add3A_247 = arith.constant 8 : i32
      %add3A_248 = arith.addi %add3A_246, %add3A_247 : i32
      %eq3A_249 = arith.constant 0 : i32
      %eq3A_250 = arith.cmpi eq, %arg0, %eq3A_249 : i32
      %convert_element_type3A_251 = arith.extui %eq3A_250 : i1 to i32
      %cond3A_252 = arith.constant 0 : i32
      %cond3A_253 = arith.cmpi ne, %convert_element_type3A_251, %cond3A_252 : i32
      scf.if %cond3A_253 {
        %dma_start3A_347 = arith.constant 0 : i32
        %dma_start3A_348 = tpu.memref_slice %arg8[%add3A_248, %dma_start3A_347] : memref<160x128xi32, #tpu.memory_space<vmem>> -> memref<1x128xi32, #tpu.memory_space<vmem>>
        %dma_start3A_349 = tpu.memref_squeeze %dma_start3A_348 : memref<1x128xi32, #tpu.memory_space<vmem>> -> memref<128xi32, #tpu.memory_space<vmem>>
        %dma_start3A_350 = arith.constant 0 : i32
        %dma_start3A_351 = arith.constant 0 : i32
        %dma_start3A_352 = tpu.memref_slice %arg2[%dma_start3A_350, %dma_start3A_351] : memref<10000x32xf32, #tpu.memory_space<hbm>> -> memref<10000x32xf32, #tpu.memory_space<hbm>>
        tpu.enqueue_indirect_dma source(%dma_start3A_352 : memref<10000x32xf32, #tpu.memory_space<hbm>>) target(%arg13 : memref<128x32xf32, #tpu.memory_space<vmem>>) offsets(%dma_start3A_349 : memref<128xi32, #tpu.memory_space<vmem>>) semaphore(%arg22 : memref<!tpu.dma_semaphore, #tpu.memory_space<semaphore_mem>>)
      } else {
      }
      %eq3A_254 = arith.constant 1 : i32
      %eq3A_255 = arith.cmpi eq, %arg0, %eq3A_254 : i32
      %convert_element_type3A_256 = arith.extui %eq3A_255 : i1 to i32
      %cond3A_257 = arith.constant 0 : i32
      %cond3A_258 = arith.cmpi ne, %convert_element_type3A_256, %cond3A_257 : i32
      scf.if %cond3A_258 {
        %dma_start3A_347 = arith.constant 0 : i32
        %dma_start3A_348 = tpu.memref_slice %arg8[%add3A_248, %dma_start3A_347] : memref<160x128xi32, #tpu.memory_space<vmem>> -> memref<1x128xi32, #tpu.memory_space<vmem>>
        %dma_start3A_349 = tpu.memref_squeeze %dma_start3A_348 : memref<1x128xi32, #tpu.memory_space<vmem>> -> memref<128xi32, #tpu.memory_space<vmem>>
        %dma_start3A_350 = arith.constant 0 : i32
        %dma_start3A_351 = arith.constant 0 : i32
        %dma_start3A_352 = tpu.memref_slice %arg3[%dma_start3A_350, %dma_start3A_351] : memref<10000x32xf32, #tpu.memory_space<hbm>> -> memref<10000x32xf32, #tpu.memory_space<hbm>>
        tpu.enqueue_indirect_dma source(%dma_start3A_352 : memref<10000x32xf32, #tpu.memory_space<hbm>>) target(%arg13 : memref<128x32xf32, #tpu.memory_space<vmem>>) offsets(%dma_start3A_349 : memref<128xi32, #tpu.memory_space<vmem>>) semaphore(%arg22 : memref<!tpu.dma_semaphore, #tpu.memory_space<semaphore_mem>>)
      } else {
      }
      %dma_wait3A_259 = arith.constant 0 : i32
      %dma_wait3A_260 = arith.constant 0 : i32
      %dma_wait3A_261 = tpu.memref_slice %arg2[%dma_wait3A_259, %dma_wait3A_260] : memref<10000x32xf32, #tpu.memory_space<hbm>> -> memref<128x32xf32, #tpu.memory_space<hbm>>
      %dma_wait3A_262 = arith.constant 0 : i32
      %dma_wait3A_263 = arith.constant 0 : i32
      %dma_wait3A_264 = tpu.memref_slice %arg2[%dma_wait3A_262, %dma_wait3A_263] : memref<10000x32xf32, #tpu.memory_space<hbm>> -> memref<128x32xf32, #tpu.memory_space<hbm>>
      tpu.wait_dma2 semaphore(%arg23 : memref<!tpu.dma_semaphore, #tpu.memory_space<semaphore_mem>>) src(%dma_wait3A_264 : memref<128x32xf32, #tpu.memory_space<hbm>>) dst(%arg14 : memref<128x32xf32, #tpu.memory_space<vmem>>)
      %add3A_265 = arith.constant 4 : i32
      %add3A_266 = arith.addi %mul3A_171, %add3A_265 : i32
      "tpu.region"() ({
        %run_scoped3A_347 = tpu.sem_alloc : memref<!tpu.dma_semaphore, #tpu.memory_space<semaphore_mem>>
        %dma_start3A_348 = arith.constant 0 : i32
        %dma_start3A_349 = tpu.memref_slice %arg9[%add3A_266, %dma_start3A_348] : memref<160x128xi32, #tpu.memory_space<vmem>> -> memref<1x128xi32, #tpu.memory_space<vmem>>
        %dma_start3A_350 = tpu.memref_squeeze %dma_start3A_349 : memref<1x128xi32, #tpu.memory_space<vmem>> -> memref<128xi32, #tpu.memory_space<vmem>>
        %dma_start3A_351 = arith.constant 0 : i32
        %dma_start3A_352 = arith.constant 0 : i32
        %dma_start3A_353 = tpu.memref_slice %arg18[%dma_start3A_351, %dma_start3A_352] : memref<10240x32xf32, #tpu.memory_space<vmem_shared>> -> memref<10240x32xf32, #tpu.memory_space<vmem_shared>>
        tpu.enqueue_indirect_dma source(%arg14 : memref<128x32xf32, #tpu.memory_space<vmem>>) target(%dma_start3A_353 : memref<10240x32xf32, #tpu.memory_space<vmem_shared>>) offsets(%dma_start3A_350 : memref<128xi32, #tpu.memory_space<vmem>>) semaphore(%run_scoped3A_347 : memref<!tpu.dma_semaphore, #tpu.memory_space<semaphore_mem>>) {add = true}
        %dma_wait3A_354 = arith.constant 0 : i32
        %dma_wait3A_355 = tpu.memref_slice %arg9[%add3A_266, %dma_wait3A_354] : memref<160x128xi32, #tpu.memory_space<vmem>> -> memref<1x128xi32, #tpu.memory_space<vmem>>
        %dma_wait3A_356 = tpu.memref_squeeze %dma_wait3A_355 : memref<1x128xi32, #tpu.memory_space<vmem>> -> memref<128xi32, #tpu.memory_space<vmem>>
        %dma_wait3A_357 = arith.constant 0 : i32
        %dma_wait3A_358 = arith.constant 0 : i32
        %dma_wait3A_359 = tpu.memref_slice %arg18[%dma_wait3A_357, %dma_wait3A_358] : memref<10240x32xf32, #tpu.memory_space<vmem_shared>> -> memref<10240x32xf32, #tpu.memory_space<vmem_shared>>
        tpu.wait_indirect_dma semaphore(%run_scoped3A_347 : memref<!tpu.dma_semaphore, #tpu.memory_space<semaphore_mem>>) src(%arg14 : memref<128x32xf32, #tpu.memory_space<vmem>>) dst(%dma_wait3A_359 : memref<10240x32xf32, #tpu.memory_space<vmem_shared>>)
        tpu.yield
      }) : () -> ()
      %add3A_267 = arith.constant 4 : i32
      %add3A_268 = arith.addi %mul3A_171, %add3A_267 : i32
      %add3A_269 = arith.constant 8 : i32
      %add3A_270 = arith.addi %add3A_268, %add3A_269 : i32
      %eq3A_271 = arith.constant 0 : i32
      %eq3A_272 = arith.cmpi eq, %arg0, %eq3A_271 : i32
      %convert_element_type3A_273 = arith.extui %eq3A_272 : i1 to i32
      %cond3A_274 = arith.constant 0 : i32
      %cond3A_275 = arith.cmpi ne, %convert_element_type3A_273, %cond3A_274 : i32
      scf.if %cond3A_275 {
        %dma_start3A_347 = arith.constant 0 : i32
        %dma_start3A_348 = tpu.memref_slice %arg8[%add3A_270, %dma_start3A_347] : memref<160x128xi32, #tpu.memory_space<vmem>> -> memref<1x128xi32, #tpu.memory_space<vmem>>
        %dma_start3A_349 = tpu.memref_squeeze %dma_start3A_348 : memref<1x128xi32, #tpu.memory_space<vmem>> -> memref<128xi32, #tpu.memory_space<vmem>>
        %dma_start3A_350 = arith.constant 0 : i32
        %dma_start3A_351 = arith.constant 0 : i32
        %dma_start3A_352 = tpu.memref_slice %arg2[%dma_start3A_350, %dma_start3A_351] : memref<10000x32xf32, #tpu.memory_space<hbm>> -> memref<10000x32xf32, #tpu.memory_space<hbm>>
        tpu.enqueue_indirect_dma source(%dma_start3A_352 : memref<10000x32xf32, #tpu.memory_space<hbm>>) target(%arg14 : memref<128x32xf32, #tpu.memory_space<vmem>>) offsets(%dma_start3A_349 : memref<128xi32, #tpu.memory_space<vmem>>) semaphore(%arg23 : memref<!tpu.dma_semaphore, #tpu.memory_space<semaphore_mem>>)
      } else {
      }
      %eq3A_276 = arith.constant 1 : i32
      %eq3A_277 = arith.cmpi eq, %arg0, %eq3A_276 : i32
      %convert_element_type3A_278 = arith.extui %eq3A_277 : i1 to i32
      %cond3A_279 = arith.constant 0 : i32
      %cond3A_280 = arith.cmpi ne, %convert_element_type3A_278, %cond3A_279 : i32
      scf.if %cond3A_280 {
        %dma_start3A_347 = arith.constant 0 : i32
        %dma_start3A_348 = tpu.memref_slice %arg8[%add3A_270, %dma_start3A_347] : memref<160x128xi32, #tpu.memory_space<vmem>> -> memref<1x128xi32, #tpu.memory_space<vmem>>
        %dma_start3A_349 = tpu.memref_squeeze %dma_start3A_348 : memref<1x128xi32, #tpu.memory_space<vmem>> -> memref<128xi32, #tpu.memory_space<vmem>>
        %dma_start3A_350 = arith.constant 0 : i32
        %dma_start3A_351 = arith.constant 0 : i32
        %dma_start3A_352 = tpu.memref_slice %arg3[%dma_start3A_350, %dma_start3A_351] : memref<10000x32xf32, #tpu.memory_space<hbm>> -> memref<10000x32xf32, #tpu.memory_space<hbm>>
        tpu.enqueue_indirect_dma source(%dma_start3A_352 : memref<10000x32xf32, #tpu.memory_space<hbm>>) target(%arg14 : memref<128x32xf32, #tpu.memory_space<vmem>>) offsets(%dma_start3A_349 : memref<128xi32, #tpu.memory_space<vmem>>) semaphore(%arg23 : memref<!tpu.dma_semaphore, #tpu.memory_space<semaphore_mem>>)
      } else {
      }
      %dma_wait3A_281 = arith.constant 0 : i32
      %dma_wait3A_282 = arith.constant 0 : i32
      %dma_wait3A_283 = tpu.memref_slice %arg2[%dma_wait3A_281, %dma_wait3A_282] : memref<10000x32xf32, #tpu.memory_space<hbm>> -> memref<128x32xf32, #tpu.memory_space<hbm>>
      %dma_wait3A_284 = arith.constant 0 : i32
      %dma_wait3A_285 = arith.constant 0 : i32
      %dma_wait3A_286 = tpu.memref_slice %arg2[%dma_wait3A_284, %dma_wait3A_285] : memref<10000x32xf32, #tpu.memory_space<hbm>> -> memref<128x32xf32, #tpu.memory_space<hbm>>
      tpu.wait_dma2 semaphore(%arg24 : memref<!tpu.dma_semaphore, #tpu.memory_space<semaphore_mem>>) src(%dma_wait3A_286 : memref<128x32xf32, #tpu.memory_space<hbm>>) dst(%arg15 : memref<128x32xf32, #tpu.memory_space<vmem>>)
      %add3A_287 = arith.constant 5 : i32
      %add3A_288 = arith.addi %mul3A_171, %add3A_287 : i32
      "tpu.region"() ({
        %run_scoped3A_347 = tpu.sem_alloc : memref<!tpu.dma_semaphore, #tpu.memory_space<semaphore_mem>>
        %dma_start3A_348 = arith.constant 0 : i32
        %dma_start3A_349 = tpu.memref_slice %arg9[%add3A_288, %dma_start3A_348] : memref<160x128xi32, #tpu.memory_space<vmem>> -> memref<1x128xi32, #tpu.memory_space<vmem>>
        %dma_start3A_350 = tpu.memref_squeeze %dma_start3A_349 : memref<1x128xi32, #tpu.memory_space<vmem>> -> memref<128xi32, #tpu.memory_space<vmem>>
        %dma_start3A_351 = arith.constant 0 : i32
        %dma_start3A_352 = arith.constant 0 : i32
        %dma_start3A_353 = tpu.memref_slice %arg18[%dma_start3A_351, %dma_start3A_352] : memref<10240x32xf32, #tpu.memory_space<vmem_shared>> -> memref<10240x32xf32, #tpu.memory_space<vmem_shared>>
        tpu.enqueue_indirect_dma source(%arg15 : memref<128x32xf32, #tpu.memory_space<vmem>>) target(%dma_start3A_353 : memref<10240x32xf32, #tpu.memory_space<vmem_shared>>) offsets(%dma_start3A_350 : memref<128xi32, #tpu.memory_space<vmem>>) semaphore(%run_scoped3A_347 : memref<!tpu.dma_semaphore, #tpu.memory_space<semaphore_mem>>) {add = true}
        %dma_wait3A_354 = arith.constant 0 : i32
        %dma_wait3A_355 = tpu.memref_slice %arg9[%add3A_288, %dma_wait3A_354] : memref<160x128xi32, #tpu.memory_space<vmem>> -> memref<1x128xi32, #tpu.memory_space<vmem>>
        %dma_wait3A_356 = tpu.memref_squeeze %dma_wait3A_355 : memref<1x128xi32, #tpu.memory_space<vmem>> -> memref<128xi32, #tpu.memory_space<vmem>>
        %dma_wait3A_357 = arith.constant 0 : i32
        %dma_wait3A_358 = arith.constant 0 : i32
        %dma_wait3A_359 = tpu.memref_slice %arg18[%dma_wait3A_357, %dma_wait3A_358] : memref<10240x32xf32, #tpu.memory_space<vmem_shared>> -> memref<10240x32xf32, #tpu.memory_space<vmem_shared>>
        tpu.wait_indirect_dma semaphore(%run_scoped3A_347 : memref<!tpu.dma_semaphore, #tpu.memory_space<semaphore_mem>>) src(%arg15 : memref<128x32xf32, #tpu.memory_space<vmem>>) dst(%dma_wait3A_359 : memref<10240x32xf32, #tpu.memory_space<vmem_shared>>)
        tpu.yield
      }) : () -> ()
      %add3A_289 = arith.constant 5 : i32
      %add3A_290 = arith.addi %mul3A_171, %add3A_289 : i32
      %add3A_291 = arith.constant 8 : i32
      %add3A_292 = arith.addi %add3A_290, %add3A_291 : i32
      %eq3A_293 = arith.constant 0 : i32
      %eq3A_294 = arith.cmpi eq, %arg0, %eq3A_293 : i32
      %convert_element_type3A_295 = arith.extui %eq3A_294 : i1 to i32
      %cond3A_296 = arith.constant 0 : i32
      %cond3A_297 = arith.cmpi ne, %convert_element_type3A_295, %cond3A_296 : i32
      scf.if %cond3A_297 {
        %dma_start3A_347 = arith.constant 0 : i32
        %dma_start3A_348 = tpu.memref_slice %arg8[%add3A_292, %dma_start3A_347] : memref<160x128xi32, #tpu.memory_space<vmem>> -> memref<1x128xi32, #tpu.memory_space<vmem>>
        %dma_start3A_349 = tpu.memref_squeeze %dma_start3A_348 : memref<1x128xi32, #tpu.memory_space<vmem>> -> memref<128xi32, #tpu.memory_space<vmem>>
        %dma_start3A_350 = arith.constant 0 : i32
        %dma_start3A_351 = arith.constant 0 : i32
        %dma_start3A_352 = tpu.memref_slice %arg2[%dma_start3A_350, %dma_start3A_351] : memref<10000x32xf32, #tpu.memory_space<hbm>> -> memref<10000x32xf32, #tpu.memory_space<hbm>>
        tpu.enqueue_indirect_dma source(%dma_start3A_352 : memref<10000x32xf32, #tpu.memory_space<hbm>>) target(%arg15 : memref<128x32xf32, #tpu.memory_space<vmem>>) offsets(%dma_start3A_349 : memref<128xi32, #tpu.memory_space<vmem>>) semaphore(%arg24 : memref<!tpu.dma_semaphore, #tpu.memory_space<semaphore_mem>>)
      } else {
      }
      %eq3A_298 = arith.constant 1 : i32
      %eq3A_299 = arith.cmpi eq, %arg0, %eq3A_298 : i32
      %convert_element_type3A_300 = arith.extui %eq3A_299 : i1 to i32
      %cond3A_301 = arith.constant 0 : i32
      %cond3A_302 = arith.cmpi ne, %convert_element_type3A_300, %cond3A_301 : i32
      scf.if %cond3A_302 {
        %dma_start3A_347 = arith.constant 0 : i32
        %dma_start3A_348 = tpu.memref_slice %arg8[%add3A_292, %dma_start3A_347] : memref<160x128xi32, #tpu.memory_space<vmem>> -> memref<1x128xi32, #tpu.memory_space<vmem>>
        %dma_start3A_349 = tpu.memref_squeeze %dma_start3A_348 : memref<1x128xi32, #tpu.memory_space<vmem>> -> memref<128xi32, #tpu.memory_space<vmem>>
        %dma_start3A_350 = arith.constant 0 : i32
        %dma_start3A_351 = arith.constant 0 : i32
        %dma_start3A_352 = tpu.memref_slice %arg3[%dma_start3A_350, %dma_start3A_351] : memref<10000x32xf32, #tpu.memory_space<hbm>> -> memref<10000x32xf32, #tpu.memory_space<hbm>>
        tpu.enqueue_indirect_dma source(%dma_start3A_352 : memref<10000x32xf32, #tpu.memory_space<hbm>>) target(%arg15 : memref<128x32xf32, #tpu.memory_space<vmem>>) offsets(%dma_start3A_349 : memref<128xi32, #tpu.memory_space<vmem>>) semaphore(%arg24 : memref<!tpu.dma_semaphore, #tpu.memory_space<semaphore_mem>>)
      } else {
      }
      %dma_wait3A_303 = arith.constant 0 : i32
      %dma_wait3A_304 = arith.constant 0 : i32
      %dma_wait3A_305 = tpu.memref_slice %arg2[%dma_wait3A_303, %dma_wait3A_304] : memref<10000x32xf32, #tpu.memory_space<hbm>> -> memref<128x32xf32, #tpu.memory_space<hbm>>
      %dma_wait3A_306 = arith.constant 0 : i32
      %dma_wait3A_307 = arith.constant 0 : i32
      %dma_wait3A_308 = tpu.memref_slice %arg2[%dma_wait3A_306, %dma_wait3A_307] : memref<10000x32xf32, #tpu.memory_space<hbm>> -> memref<128x32xf32, #tpu.memory_space<hbm>>
      tpu.wait_dma2 semaphore(%arg25 : memref<!tpu.dma_semaphore, #tpu.memory_space<semaphore_mem>>) src(%dma_wait3A_308 : memref<128x32xf32, #tpu.memory_space<hbm>>) dst(%arg16 : memref<128x32xf32, #tpu.memory_space<vmem>>)
      %add3A_309 = arith.constant 6 : i32
      %add3A_310 = arith.addi %mul3A_171, %add3A_309 : i32
      "tpu.region"() ({
        %run_scoped3A_347 = tpu.sem_alloc : memref<!tpu.dma_semaphore, #tpu.memory_space<semaphore_mem>>
        %dma_start3A_348 = arith.constant 0 : i32
        %dma_start3A_349 = tpu.memref_slice %arg9[%add3A_310, %dma_start3A_348] : memref<160x128xi32, #tpu.memory_space<vmem>> -> memref<1x128xi32, #tpu.memory_space<vmem>>
        %dma_start3A_350 = tpu.memref_squeeze %dma_start3A_349 : memref<1x128xi32, #tpu.memory_space<vmem>> -> memref<128xi32, #tpu.memory_space<vmem>>
        %dma_start3A_351 = arith.constant 0 : i32
        %dma_start3A_352 = arith.constant 0 : i32
        %dma_start3A_353 = tpu.memref_slice %arg18[%dma_start3A_351, %dma_start3A_352] : memref<10240x32xf32, #tpu.memory_space<vmem_shared>> -> memref<10240x32xf32, #tpu.memory_space<vmem_shared>>
        tpu.enqueue_indirect_dma source(%arg16 : memref<128x32xf32, #tpu.memory_space<vmem>>) target(%dma_start3A_353 : memref<10240x32xf32, #tpu.memory_space<vmem_shared>>) offsets(%dma_start3A_350 : memref<128xi32, #tpu.memory_space<vmem>>) semaphore(%run_scoped3A_347 : memref<!tpu.dma_semaphore, #tpu.memory_space<semaphore_mem>>) {add = true}
        %dma_wait3A_354 = arith.constant 0 : i32
        %dma_wait3A_355 = tpu.memref_slice %arg9[%add3A_310, %dma_wait3A_354] : memref<160x128xi32, #tpu.memory_space<vmem>> -> memref<1x128xi32, #tpu.memory_space<vmem>>
        %dma_wait3A_356 = tpu.memref_squeeze %dma_wait3A_355 : memref<1x128xi32, #tpu.memory_space<vmem>> -> memref<128xi32, #tpu.memory_space<vmem>>
        %dma_wait3A_357 = arith.constant 0 : i32
        %dma_wait3A_358 = arith.constant 0 : i32
        %dma_wait3A_359 = tpu.memref_slice %arg18[%dma_wait3A_357, %dma_wait3A_358] : memref<10240x32xf32, #tpu.memory_space<vmem_shared>> -> memref<10240x32xf32, #tpu.memory_space<vmem_shared>>
        tpu.wait_indirect_dma semaphore(%run_scoped3A_347 : memref<!tpu.dma_semaphore, #tpu.memory_space<semaphore_mem>>) src(%arg16 : memref<128x32xf32, #tpu.memory_space<vmem>>) dst(%dma_wait3A_359 : memref<10240x32xf32, #tpu.memory_space<vmem_shared>>)
        tpu.yield
      }) : () -> ()
      %add3A_311 = arith.constant 6 : i32
      %add3A_312 = arith.addi %mul3A_171, %add3A_311 : i32
      %add3A_313 = arith.constant 8 : i32
      %add3A_314 = arith.addi %add3A_312, %add3A_313 : i32
      %eq3A_315 = arith.constant 0 : i32
      %eq3A_316 = arith.cmpi eq, %arg0, %eq3A_315 : i32
      %convert_element_type3A_317 = arith.extui %eq3A_316 : i1 to i32
      %cond3A_318 = arith.constant 0 : i32
      %cond3A_319 = arith.cmpi ne, %convert_element_type3A_317, %cond3A_318 : i32
      scf.if %cond3A_319 {
        %dma_start3A_347 = arith.constant 0 : i32
        %dma_start3A_348 = tpu.memref_slice %arg8[%add3A_314, %dma_start3A_347] : memref<160x128xi32, #tpu.memory_space<vmem>> -> memref<1x128xi32, #tpu.memory_space<vmem>>
        %dma_start3A_349 = tpu.memref_squeeze %dma_start3A_348 : memref<1x128xi32, #tpu.memory_space<vmem>> -> memref<128xi32, #tpu.memory_space<vmem>>
        %dma_start3A_350 = arith.constant 0 : i32
        %dma_start3A_351 = arith.constant 0 : i32
        %dma_start3A_352 = tpu.memref_slice %arg2[%dma_start3A_350, %dma_start3A_351] : memref<10000x32xf32, #tpu.memory_space<hbm>> -> memref<10000x32xf32, #tpu.memory_space<hbm>>
        tpu.enqueue_indirect_dma source(%dma_start3A_352 : memref<10000x32xf32, #tpu.memory_space<hbm>>) target(%arg16 : memref<128x32xf32, #tpu.memory_space<vmem>>) offsets(%dma_start3A_349 : memref<128xi32, #tpu.memory_space<vmem>>) semaphore(%arg25 : memref<!tpu.dma_semaphore, #tpu.memory_space<semaphore_mem>>)
      } else {
      }
      %eq3A_320 = arith.constant 1 : i32
      %eq3A_321 = arith.cmpi eq, %arg0, %eq3A_320 : i32
      %convert_element_type3A_322 = arith.extui %eq3A_321 : i1 to i32
      %cond3A_323 = arith.constant 0 : i32
      %cond3A_324 = arith.cmpi ne, %convert_element_type3A_322, %cond3A_323 : i32
      scf.if %cond3A_324 {
        %dma_start3A_347 = arith.constant 0 : i32
        %dma_start3A_348 = tpu.memref_slice %arg8[%add3A_314, %dma_start3A_347] : memref<160x128xi32, #tpu.memory_space<vmem>> -> memref<1x128xi32, #tpu.memory_space<vmem>>
        %dma_start3A_349 = tpu.memref_squeeze %dma_start3A_348 : memref<1x128xi32, #tpu.memory_space<vmem>> -> memref<128xi32, #tpu.memory_space<vmem>>
        %dma_start3A_350 = arith.constant 0 : i32
        %dma_start3A_351 = arith.constant 0 : i32
        %dma_start3A_352 = tpu.memref_slice %arg3[%dma_start3A_350, %dma_start3A_351] : memref<10000x32xf32, #tpu.memory_space<hbm>> -> memref<10000x32xf32, #tpu.memory_space<hbm>>
        tpu.enqueue_indirect_dma source(%dma_start3A_352 : memref<10000x32xf32, #tpu.memory_space<hbm>>) target(%arg16 : memref<128x32xf32, #tpu.memory_space<vmem>>) offsets(%dma_start3A_349 : memref<128xi32, #tpu.memory_space<vmem>>) semaphore(%arg25 : memref<!tpu.dma_semaphore, #tpu.memory_space<semaphore_mem>>)
      } else {
      }
      %dma_wait3A_325 = arith.constant 0 : i32
      %dma_wait3A_326 = arith.constant 0 : i32
      %dma_wait3A_327 = tpu.memref_slice %arg2[%dma_wait3A_325, %dma_wait3A_326] : memref<10000x32xf32, #tpu.memory_space<hbm>> -> memref<128x32xf32, #tpu.memory_space<hbm>>
      %dma_wait3A_328 = arith.constant 0 : i32
      %dma_wait3A_329 = arith.constant 0 : i32
      %dma_wait3A_330 = tpu.memref_slice %arg2[%dma_wait3A_328, %dma_wait3A_329] : memref<10000x32xf32, #tpu.memory_space<hbm>> -> memref<128x32xf32, #tpu.memory_space<hbm>>
      tpu.wait_dma2 semaphore(%arg26 : memref<!tpu.dma_semaphore, #tpu.memory_space<semaphore_mem>>) src(%dma_wait3A_330 : memref<128x32xf32, #tpu.memory_space<hbm>>) dst(%arg17 : memref<128x32xf32, #tpu.memory_space<vmem>>)
      %add3A_331 = arith.constant 7 : i32
      %add3A_332 = arith.addi %mul3A_171, %add3A_331 : i32
      "tpu.region"() ({
        %run_scoped3A_347 = tpu.sem_alloc : memref<!tpu.dma_semaphore, #tpu.memory_space<semaphore_mem>>
        %dma_start3A_348 = arith.constant 0 : i32
        %dma_start3A_349 = tpu.memref_slice %arg9[%add3A_332, %dma_start3A_348] : memref<160x128xi32, #tpu.memory_space<vmem>> -> memref<1x128xi32, #tpu.memory_space<vmem>>
        %dma_start3A_350 = tpu.memref_squeeze %dma_start3A_349 : memref<1x128xi32, #tpu.memory_space<vmem>> -> memref<128xi32, #tpu.memory_space<vmem>>
        %dma_start3A_351 = arith.constant 0 : i32
        %dma_start3A_352 = arith.constant 0 : i32
        %dma_start3A_353 = tpu.memref_slice %arg18[%dma_start3A_351, %dma_start3A_352] : memref<10240x32xf32, #tpu.memory_space<vmem_shared>> -> memref<10240x32xf32, #tpu.memory_space<vmem_shared>>
        tpu.enqueue_indirect_dma source(%arg17 : memref<128x32xf32, #tpu.memory_space<vmem>>) target(%dma_start3A_353 : memref<10240x32xf32, #tpu.memory_space<vmem_shared>>) offsets(%dma_start3A_350 : memref<128xi32, #tpu.memory_space<vmem>>) semaphore(%run_scoped3A_347 : memref<!tpu.dma_semaphore, #tpu.memory_space<semaphore_mem>>) {add = true}
        %dma_wait3A_354 = arith.constant 0 : i32
        %dma_wait3A_355 = tpu.memref_slice %arg9[%add3A_332, %dma_wait3A_354] : memref<160x128xi32, #tpu.memory_space<vmem>> -> memref<1x128xi32, #tpu.memory_space<vmem>>
        %dma_wait3A_356 = tpu.memref_squeeze %dma_wait3A_355 : memref<1x128xi32, #tpu.memory_space<vmem>> -> memref<128xi32, #tpu.memory_space<vmem>>
        %dma_wait3A_357 = arith.constant 0 : i32
        %dma_wait3A_358 = arith.constant 0 : i32
        %dma_wait3A_359 = tpu.memref_slice %arg18[%dma_wait3A_357, %dma_wait3A_358] : memref<10240x32xf32, #tpu.memory_space<vmem_shared>> -> memref<10240x32xf32, #tpu.memory_space<vmem_shared>>
        tpu.wait_indirect_dma semaphore(%run_scoped3A_347 : memref<!tpu.dma_semaphore, #tpu.memory_space<semaphore_mem>>) src(%arg17 : memref<128x32xf32, #tpu.memory_space<vmem>>) dst(%dma_wait3A_359 : memref<10240x32xf32, #tpu.memory_space<vmem_shared>>)
        tpu.yield
      }) : () -> ()
      %add3A_333 = arith.constant 7 : i32
      %add3A_334 = arith.addi %mul3A_171, %add3A_333 : i32
      %add3A_335 = arith.constant 8 : i32
      %add3A_336 = arith.addi %add3A_334, %add3A_335 : i32
      %eq3A_337 = arith.constant 0 : i32
      %eq3A_338 = arith.cmpi eq, %arg0, %eq3A_337 : i32
      %convert_element_type3A_339 = arith.extui %eq3A_338 : i1 to i32
      %cond3A_340 = arith.constant 0 : i32
      %cond3A_341 = arith.cmpi ne, %convert_element_type3A_339, %cond3A_340 : i32
      scf.if %cond3A_341 {
        %dma_start3A_347 = arith.constant 0 : i32
        %dma_start3A_348 = tpu.memref_slice %arg8[%add3A_336, %dma_start3A_347] : memref<160x128xi32, #tpu.memory_space<vmem>> -> memref<1x128xi32, #tpu.memory_space<vmem>>
        %dma_start3A_349 = tpu.memref_squeeze %dma_start3A_348 : memref<1x128xi32, #tpu.memory_space<vmem>> -> memref<128xi32, #tpu.memory_space<vmem>>
        %dma_start3A_350 = arith.constant 0 : i32
        %dma_start3A_351 = arith.constant 0 : i32
        %dma_start3A_352 = tpu.memref_slice %arg2[%dma_start3A_350, %dma_start3A_351] : memref<10000x32xf32, #tpu.memory_space<hbm>> -> memref<10000x32xf32, #tpu.memory_space<hbm>>
        tpu.enqueue_indirect_dma source(%dma_start3A_352 : memref<10000x32xf32, #tpu.memory_space<hbm>>) target(%arg17 : memref<128x32xf32, #tpu.memory_space<vmem>>) offsets(%dma_start3A_349 : memref<128xi32, #tpu.memory_space<vmem>>) semaphore(%arg26 : memref<!tpu.dma_semaphore, #tpu.memory_space<semaphore_mem>>)
      } else {
      }
      %eq3A_342 = arith.constant 1 : i32
      %eq3A_343 = arith.cmpi eq, %arg0, %eq3A_342 : i32
      %convert_element_type3A_344 = arith.extui %eq3A_343 : i1 to i32
      %cond3A_345 = arith.constant 0 : i32
      %cond3A_346 = arith.cmpi ne, %convert_element_type3A_344, %cond3A_345 : i32
      scf.if %cond3A_346 {
        %dma_start3A_347 = arith.constant 0 : i32
        %dma_start3A_348 = tpu.memref_slice %arg8[%add3A_336, %dma_start3A_347] : memref<160x128xi32, #tpu.memory_space<vmem>> -> memref<1x128xi32, #tpu.memory_space<vmem>>
        %dma_start3A_349 = tpu.memref_squeeze %dma_start3A_348 : memref<1x128xi32, #tpu.memory_space<vmem>> -> memref<128xi32, #tpu.memory_space<vmem>>
        %dma_start3A_350 = arith.constant 0 : i32
        %dma_start3A_351 = arith.constant 0 : i32
        %dma_start3A_352 = tpu.memref_slice %arg3[%dma_start3A_350, %dma_start3A_351] : memref<10000x32xf32, #tpu.memory_space<hbm>> -> memref<10000x32xf32, #tpu.memory_space<hbm>>
        tpu.enqueue_indirect_dma source(%dma_start3A_352 : memref<10000x32xf32, #tpu.memory_space<hbm>>) target(%arg17 : memref<128x32xf32, #tpu.memory_space<vmem>>) offsets(%dma_start3A_349 : memref<128xi32, #tpu.memory_space<vmem>>) semaphore(%arg26 : memref<!tpu.dma_semaphore, #tpu.memory_space<semaphore_mem>>)
      } else {
      }
    }
    %scan3A_112 = arith.constant 19 : i32
    %dma_wait3A_113 = arith.constant 0 : i32
    %dma_wait3A_114 = arith.constant 0 : i32
    %dma_wait3A_115 = tpu.memref_slice %arg2[%dma_wait3A_113, %dma_wait3A_114] : memref<10000x32xf32, #tpu.memory_space<hbm>> -> memref<128x32xf32, #tpu.memory_space<hbm>>
    %dma_wait3A_116 = arith.constant 0 : i32
    %dma_wait3A_117 = arith.constant 0 : i32
    %dma_wait3A_118 = tpu.memref_slice %arg2[%dma_wait3A_116, %dma_wait3A_117] : memref<10000x32xf32, #tpu.memory_space<hbm>> -> memref<128x32xf32, #tpu.memory_space<hbm>>
    tpu.wait_dma2 semaphore(%arg19 : memref<!tpu.dma_semaphore, #tpu.memory_space<semaphore_mem>>) src(%dma_wait3A_118 : memref<128x32xf32, #tpu.memory_space<hbm>>) dst(%arg10 : memref<128x32xf32, #tpu.memory_space<vmem>>)
    %run_scoped3A = arith.constant 152 : i32
    "tpu.region"() ({
      %run_scoped3A_169 = tpu.sem_alloc : memref<!tpu.dma_semaphore, #tpu.memory_space<semaphore_mem>>
      %dma_start3A_170 = arith.constant 0 : i32
      %dma_start3A_171 = tpu.memref_slice %arg9[%run_scoped3A, %dma_start3A_170] : memref<160x128xi32, #tpu.memory_space<vmem>> -> memref<1x128xi32, #tpu.memory_space<vmem>>
      %dma_start3A_172 = tpu.memref_squeeze %dma_start3A_171 : memref<1x128xi32, #tpu.memory_space<vmem>> -> memref<128xi32, #tpu.memory_space<vmem>>
      %dma_start3A_173 = arith.constant 0 : i32
      %dma_start3A_174 = arith.constant 0 : i32
      %dma_start3A_175 = tpu.memref_slice %arg18[%dma_start3A_173, %dma_start3A_174] : memref<10240x32xf32, #tpu.memory_space<vmem_shared>> -> memref<10240x32xf32, #tpu.memory_space<vmem_shared>>
      tpu.enqueue_indirect_dma source(%arg10 : memref<128x32xf32, #tpu.memory_space<vmem>>) target(%dma_start3A_175 : memref<10240x32xf32, #tpu.memory_space<vmem_shared>>) offsets(%dma_start3A_172 : memref<128xi32, #tpu.memory_space<vmem>>) semaphore(%run_scoped3A_169 : memref<!tpu.dma_semaphore, #tpu.memory_space<semaphore_mem>>) {add = true}
      %dma_wait3A_176 = arith.constant 0 : i32
      %dma_wait3A_177 = tpu.memref_slice %arg9[%run_scoped3A, %dma_wait3A_176] : memref<160x128xi32, #tpu.memory_space<vmem>> -> memref<1x128xi32, #tpu.memory_space<vmem>>
      %dma_wait3A_178 = tpu.memref_squeeze %dma_wait3A_177 : memref<1x128xi32, #tpu.memory_space<vmem>> -> memref<128xi32, #tpu.memory_space<vmem>>
      %dma_wait3A_179 = arith.constant 0 : i32
      %dma_wait3A_180 = arith.constant 0 : i32
      %dma_wait3A_181 = tpu.memref_slice %arg18[%dma_wait3A_179, %dma_wait3A_180] : memref<10240x32xf32, #tpu.memory_space<vmem_shared>> -> memref<10240x32xf32, #tpu.memory_space<vmem_shared>>
      tpu.wait_indirect_dma semaphore(%run_scoped3A_169 : memref<!tpu.dma_semaphore, #tpu.memory_space<semaphore_mem>>) src(%arg10 : memref<128x32xf32, #tpu.memory_space<vmem>>) dst(%dma_wait3A_181 : memref<10240x32xf32, #tpu.memory_space<vmem_shared>>)
      tpu.yield
    }) : () -> ()
    %dma_wait3A_119 = arith.constant 0 : i32
    %dma_wait3A_120 = arith.constant 0 : i32
    %dma_wait3A_121 = tpu.memref_slice %arg2[%dma_wait3A_119, %dma_wait3A_120] : memref<10000x32xf32, #tpu.memory_space<hbm>> -> memref<128x32xf32, #tpu.memory_space<hbm>>
    %dma_wait3A_122 = arith.constant 0 : i32
    %dma_wait3A_123 = arith.constant 0 : i32
    %dma_wait3A_124 = tpu.memref_slice %arg2[%dma_wait3A_122, %dma_wait3A_123] : memref<10000x32xf32, #tpu.memory_space<hbm>> -> memref<128x32xf32, #tpu.memory_space<hbm>>
    tpu.wait_dma2 semaphore(%arg20 : memref<!tpu.dma_semaphore, #tpu.memory_space<semaphore_mem>>) src(%dma_wait3A_124 : memref<128x32xf32, #tpu.memory_space<hbm>>) dst(%arg11 : memref<128x32xf32, #tpu.memory_space<vmem>>)
    %run_scoped3A_125 = arith.constant 153 : i32
    "tpu.region"() ({
      %run_scoped3A_169 = tpu.sem_alloc : memref<!tpu.dma_semaphore, #tpu.memory_space<semaphore_mem>>
      %dma_start3A_170 = arith.constant 0 : i32
      %dma_start3A_171 = tpu.memref_slice %arg9[%run_scoped3A_125, %dma_start3A_170] : memref<160x128xi32, #tpu.memory_space<vmem>> -> memref<1x128xi32, #tpu.memory_space<vmem>>
      %dma_start3A_172 = tpu.memref_squeeze %dma_start3A_171 : memref<1x128xi32, #tpu.memory_space<vmem>> -> memref<128xi32, #tpu.memory_space<vmem>>
      %dma_start3A_173 = arith.constant 0 : i32
      %dma_start3A_174 = arith.constant 0 : i32
      %dma_start3A_175 = tpu.memref_slice %arg18[%dma_start3A_173, %dma_start3A_174] : memref<10240x32xf32, #tpu.memory_space<vmem_shared>> -> memref<10240x32xf32, #tpu.memory_space<vmem_shared>>
      tpu.enqueue_indirect_dma source(%arg11 : memref<128x32xf32, #tpu.memory_space<vmem>>) target(%dma_start3A_175 : memref<10240x32xf32, #tpu.memory_space<vmem_shared>>) offsets(%dma_start3A_172 : memref<128xi32, #tpu.memory_space<vmem>>) semaphore(%run_scoped3A_169 : memref<!tpu.dma_semaphore, #tpu.memory_space<semaphore_mem>>) {add = true}
      %dma_wait3A_176 = arith.constant 0 : i32
      %dma_wait3A_177 = tpu.memref_slice %arg9[%run_scoped3A_125, %dma_wait3A_176] : memref<160x128xi32, #tpu.memory_space<vmem>> -> memref<1x128xi32, #tpu.memory_space<vmem>>
      %dma_wait3A_178 = tpu.memref_squeeze %dma_wait3A_177 : memref<1x128xi32, #tpu.memory_space<vmem>> -> memref<128xi32, #tpu.memory_space<vmem>>
      %dma_wait3A_179 = arith.constant 0 : i32
      %dma_wait3A_180 = arith.constant 0 : i32
      %dma_wait3A_181 = tpu.memref_slice %arg18[%dma_wait3A_179, %dma_wait3A_180] : memref<10240x32xf32, #tpu.memory_space<vmem_shared>> -> memref<10240x32xf32, #tpu.memory_space<vmem_shared>>
      tpu.wait_indirect_dma semaphore(%run_scoped3A_169 : memref<!tpu.dma_semaphore, #tpu.memory_space<semaphore_mem>>) src(%arg11 : memref<128x32xf32, #tpu.memory_space<vmem>>) dst(%dma_wait3A_181 : memref<10240x32xf32, #tpu.memory_space<vmem_shared>>)
      tpu.yield
    }) : () -> ()
    %dma_wait3A_126 = arith.constant 0 : i32
    %dma_wait3A_127 = arith.constant 0 : i32
    %dma_wait3A_128 = tpu.memref_slice %arg2[%dma_wait3A_126, %dma_wait3A_127] : memref<10000x32xf32, #tpu.memory_space<hbm>> -> memref<128x32xf32, #tpu.memory_space<hbm>>
    %dma_wait3A_129 = arith.constant 0 : i32
    %dma_wait3A_130 = arith.constant 0 : i32
    %dma_wait3A_131 = tpu.memref_slice %arg2[%dma_wait3A_129, %dma_wait3A_130] : memref<10000x32xf32, #tpu.memory_space<hbm>> -> memref<128x32xf32, #tpu.memory_space<hbm>>
    tpu.wait_dma2 semaphore(%arg21 : memref<!tpu.dma_semaphore, #tpu.memory_space<semaphore_mem>>) src(%dma_wait3A_131 : memref<128x32xf32, #tpu.memory_space<hbm>>) dst(%arg12 : memref<128x32xf32, #tpu.memory_space<vmem>>)
    %run_scoped3A_132 = arith.constant 154 : i32
    "tpu.region"() ({
      %run_scoped3A_169 = tpu.sem_alloc : memref<!tpu.dma_semaphore, #tpu.memory_space<semaphore_mem>>
      %dma_start3A_170 = arith.constant 0 : i32
      %dma_start3A_171 = tpu.memref_slice %arg9[%run_scoped3A_132, %dma_start3A_170] : memref<160x128xi32, #tpu.memory_space<vmem>> -> memref<1x128xi32, #tpu.memory_space<vmem>>
      %dma_start3A_172 = tpu.memref_squeeze %dma_start3A_171 : memref<1x128xi32, #tpu.memory_space<vmem>> -> memref<128xi32, #tpu.memory_space<vmem>>
      %dma_start3A_173 = arith.constant 0 : i32
      %dma_start3A_174 = arith.constant 0 : i32
      %dma_start3A_175 = tpu.memref_slice %arg18[%dma_start3A_173, %dma_start3A_174] : memref<10240x32xf32, #tpu.memory_space<vmem_shared>> -> memref<10240x32xf32, #tpu.memory_space<vmem_shared>>
      tpu.enqueue_indirect_dma source(%arg12 : memref<128x32xf32, #tpu.memory_space<vmem>>) target(%dma_start3A_175 : memref<10240x32xf32, #tpu.memory_space<vmem_shared>>) offsets(%dma_start3A_172 : memref<128xi32, #tpu.memory_space<vmem>>) semaphore(%run_scoped3A_169 : memref<!tpu.dma_semaphore, #tpu.memory_space<semaphore_mem>>) {add = true}
      %dma_wait3A_176 = arith.constant 0 : i32
      %dma_wait3A_177 = tpu.memref_slice %arg9[%run_scoped3A_132, %dma_wait3A_176] : memref<160x128xi32, #tpu.memory_space<vmem>> -> memref<1x128xi32, #tpu.memory_space<vmem>>
      %dma_wait3A_178 = tpu.memref_squeeze %dma_wait3A_177 : memref<1x128xi32, #tpu.memory_space<vmem>> -> memref<128xi32, #tpu.memory_space<vmem>>
      %dma_wait3A_179 = arith.constant 0 : i32
      %dma_wait3A_180 = arith.constant 0 : i32
      %dma_wait3A_181 = tpu.memref_slice %arg18[%dma_wait3A_179, %dma_wait3A_180] : memref<10240x32xf32, #tpu.memory_space<vmem_shared>> -> memref<10240x32xf32, #tpu.memory_space<vmem_shared>>
      tpu.wait_indirect_dma semaphore(%run_scoped3A_169 : memref<!tpu.dma_semaphore, #tpu.memory_space<semaphore_mem>>) src(%arg12 : memref<128x32xf32, #tpu.memory_space<vmem>>) dst(%dma_wait3A_181 : memref<10240x32xf32, #tpu.memory_space<vmem_shared>>)
      tpu.yield
    }) : () -> ()
    %dma_wait3A_133 = arith.constant 0 : i32
    %dma_wait3A_134 = arith.constant 0 : i32
    %dma_wait3A_135 = tpu.memref_slice %arg2[%dma_wait3A_133, %dma_wait3A_134] : memref<10000x32xf32, #tpu.memory_space<hbm>> -> memref<128x32xf32, #tpu.memory_space<hbm>>
    %dma_wait3A_136 = arith.constant 0 : i32
    %dma_wait3A_137 = arith.constant 0 : i32
    %dma_wait3A_138 = tpu.memref_slice %arg2[%dma_wait3A_136, %dma_wait3A_137] : memref<10000x32xf32, #tpu.memory_space<hbm>> -> memref<128x32xf32, #tpu.memory_space<hbm>>
    tpu.wait_dma2 semaphore(%arg22 : memref<!tpu.dma_semaphore, #tpu.memory_space<semaphore_mem>>) src(%dma_wait3A_138 : memref<128x32xf32, #tpu.memory_space<hbm>>) dst(%arg13 : memref<128x32xf32, #tpu.memory_space<vmem>>)
    %run_scoped3A_139 = arith.constant 155 : i32
    "tpu.region"() ({
      %run_scoped3A_169 = tpu.sem_alloc : memref<!tpu.dma_semaphore, #tpu.memory_space<semaphore_mem>>
      %dma_start3A_170 = arith.constant 0 : i32
      %dma_start3A_171 = tpu.memref_slice %arg9[%run_scoped3A_139, %dma_start3A_170] : memref<160x128xi32, #tpu.memory_space<vmem>> -> memref<1x128xi32, #tpu.memory_space<vmem>>
      %dma_start3A_172 = tpu.memref_squeeze %dma_start3A_171 : memref<1x128xi32, #tpu.memory_space<vmem>> -> memref<128xi32, #tpu.memory_space<vmem>>
      %dma_start3A_173 = arith.constant 0 : i32
      %dma_start3A_174 = arith.constant 0 : i32
      %dma_start3A_175 = tpu.memref_slice %arg18[%dma_start3A_173, %dma_start3A_174] : memref<10240x32xf32, #tpu.memory_space<vmem_shared>> -> memref<10240x32xf32, #tpu.memory_space<vmem_shared>>
      tpu.enqueue_indirect_dma source(%arg13 : memref<128x32xf32, #tpu.memory_space<vmem>>) target(%dma_start3A_175 : memref<10240x32xf32, #tpu.memory_space<vmem_shared>>) offsets(%dma_start3A_172 : memref<128xi32, #tpu.memory_space<vmem>>) semaphore(%run_scoped3A_169 : memref<!tpu.dma_semaphore, #tpu.memory_space<semaphore_mem>>) {add = true}
      %dma_wait3A_176 = arith.constant 0 : i32
      %dma_wait3A_177 = tpu.memref_slice %arg9[%run_scoped3A_139, %dma_wait3A_176] : memref<160x128xi32, #tpu.memory_space<vmem>> -> memref<1x128xi32, #tpu.memory_space<vmem>>
      %dma_wait3A_178 = tpu.memref_squeeze %dma_wait3A_177 : memref<1x128xi32, #tpu.memory_space<vmem>> -> memref<128xi32, #tpu.memory_space<vmem>>
      %dma_wait3A_179 = arith.constant 0 : i32
      %dma_wait3A_180 = arith.constant 0 : i32
      %dma_wait3A_181 = tpu.memref_slice %arg18[%dma_wait3A_179, %dma_wait3A_180] : memref<10240x32xf32, #tpu.memory_space<vmem_shared>> -> memref<10240x32xf32, #tpu.memory_space<vmem_shared>>
      tpu.wait_indirect_dma semaphore(%run_scoped3A_169 : memref<!tpu.dma_semaphore, #tpu.memory_space<semaphore_mem>>) src(%arg13 : memref<128x32xf32, #tpu.memory_space<vmem>>) dst(%dma_wait3A_181 : memref<10240x32xf32, #tpu.memory_space<vmem_shared>>)
      tpu.yield
    }) : () -> ()
    %dma_wait3A_140 = arith.constant 0 : i32
    %dma_wait3A_141 = arith.constant 0 : i32
    %dma_wait3A_142 = tpu.memref_slice %arg2[%dma_wait3A_140, %dma_wait3A_141] : memref<10000x32xf32, #tpu.memory_space<hbm>> -> memref<128x32xf32, #tpu.memory_space<hbm>>
    %dma_wait3A_143 = arith.constant 0 : i32
    %dma_wait3A_144 = arith.constant 0 : i32
    %dma_wait3A_145 = tpu.memref_slice %arg2[%dma_wait3A_143, %dma_wait3A_144] : memref<10000x32xf32, #tpu.memory_space<hbm>> -> memref<128x32xf32, #tpu.memory_space<hbm>>
    tpu.wait_dma2 semaphore(%arg23 : memref<!tpu.dma_semaphore, #tpu.memory_space<semaphore_mem>>) src(%dma_wait3A_145 : memref<128x32xf32, #tpu.memory_space<hbm>>) dst(%arg14 : memref<128x32xf32, #tpu.memory_space<vmem>>)
    %run_scoped3A_146 = arith.constant 156 : i32
    "tpu.region"() ({
      %run_scoped3A_169 = tpu.sem_alloc : memref<!tpu.dma_semaphore, #tpu.memory_space<semaphore_mem>>
      %dma_start3A_170 = arith.constant 0 : i32
      %dma_start3A_171 = tpu.memref_slice %arg9[%run_scoped3A_146, %dma_start3A_170] : memref<160x128xi32, #tpu.memory_space<vmem>> -> memref<1x128xi32, #tpu.memory_space<vmem>>
      %dma_start3A_172 = tpu.memref_squeeze %dma_start3A_171 : memref<1x128xi32, #tpu.memory_space<vmem>> -> memref<128xi32, #tpu.memory_space<vmem>>
      %dma_start3A_173 = arith.constant 0 : i32
      %dma_start3A_174 = arith.constant 0 : i32
      %dma_start3A_175 = tpu.memref_slice %arg18[%dma_start3A_173, %dma_start3A_174] : memref<10240x32xf32, #tpu.memory_space<vmem_shared>> -> memref<10240x32xf32, #tpu.memory_space<vmem_shared>>
      tpu.enqueue_indirect_dma source(%arg14 : memref<128x32xf32, #tpu.memory_space<vmem>>) target(%dma_start3A_175 : memref<10240x32xf32, #tpu.memory_space<vmem_shared>>) offsets(%dma_start3A_172 : memref<128xi32, #tpu.memory_space<vmem>>) semaphore(%run_scoped3A_169 : memref<!tpu.dma_semaphore, #tpu.memory_space<semaphore_mem>>) {add = true}
      %dma_wait3A_176 = arith.constant 0 : i32
      %dma_wait3A_177 = tpu.memref_slice %arg9[%run_scoped3A_146, %dma_wait3A_176] : memref<160x128xi32, #tpu.memory_space<vmem>> -> memref<1x128xi32, #tpu.memory_space<vmem>>
      %dma_wait3A_178 = tpu.memref_squeeze %dma_wait3A_177 : memref<1x128xi32, #tpu.memory_space<vmem>> -> memref<128xi32, #tpu.memory_space<vmem>>
      %dma_wait3A_179 = arith.constant 0 : i32
      %dma_wait3A_180 = arith.constant 0 : i32
      %dma_wait3A_181 = tpu.memref_slice %arg18[%dma_wait3A_179, %dma_wait3A_180] : memref<10240x32xf32, #tpu.memory_space<vmem_shared>> -> memref<10240x32xf32, #tpu.memory_space<vmem_shared>>
      tpu.wait_indirect_dma semaphore(%run_scoped3A_169 : memref<!tpu.dma_semaphore, #tpu.memory_space<semaphore_mem>>) src(%arg14 : memref<128x32xf32, #tpu.memory_space<vmem>>) dst(%dma_wait3A_181 : memref<10240x32xf32, #tpu.memory_space<vmem_shared>>)
      tpu.yield
    }) : () -> ()
    %dma_wait3A_147 = arith.constant 0 : i32
    %dma_wait3A_148 = arith.constant 0 : i32
    %dma_wait3A_149 = tpu.memref_slice %arg2[%dma_wait3A_147, %dma_wait3A_148] : memref<10000x32xf32, #tpu.memory_space<hbm>> -> memref<128x32xf32, #tpu.memory_space<hbm>>
    %dma_wait3A_150 = arith.constant 0 : i32
    %dma_wait3A_151 = arith.constant 0 : i32
    %dma_wait3A_152 = tpu.memref_slice %arg2[%dma_wait3A_150, %dma_wait3A_151] : memref<10000x32xf32, #tpu.memory_space<hbm>> -> memref<128x32xf32, #tpu.memory_space<hbm>>
    tpu.wait_dma2 semaphore(%arg24 : memref<!tpu.dma_semaphore, #tpu.memory_space<semaphore_mem>>) src(%dma_wait3A_152 : memref<128x32xf32, #tpu.memory_space<hbm>>) dst(%arg15 : memref<128x32xf32, #tpu.memory_space<vmem>>)
    %run_scoped3A_153 = arith.constant 157 : i32
    "tpu.region"() ({
      %run_scoped3A_169 = tpu.sem_alloc : memref<!tpu.dma_semaphore, #tpu.memory_space<semaphore_mem>>
      %dma_start3A_170 = arith.constant 0 : i32
      %dma_start3A_171 = tpu.memref_slice %arg9[%run_scoped3A_153, %dma_start3A_170] : memref<160x128xi32, #tpu.memory_space<vmem>> -> memref<1x128xi32, #tpu.memory_space<vmem>>
      %dma_start3A_172 = tpu.memref_squeeze %dma_start3A_171 : memref<1x128xi32, #tpu.memory_space<vmem>> -> memref<128xi32, #tpu.memory_space<vmem>>
      %dma_start3A_173 = arith.constant 0 : i32
      %dma_start3A_174 = arith.constant 0 : i32
      %dma_start3A_175 = tpu.memref_slice %arg18[%dma_start3A_173, %dma_start3A_174] : memref<10240x32xf32, #tpu.memory_space<vmem_shared>> -> memref<10240x32xf32, #tpu.memory_space<vmem_shared>>
      tpu.enqueue_indirect_dma source(%arg15 : memref<128x32xf32, #tpu.memory_space<vmem>>) target(%dma_start3A_175 : memref<10240x32xf32, #tpu.memory_space<vmem_shared>>) offsets(%dma_start3A_172 : memref<128xi32, #tpu.memory_space<vmem>>) semaphore(%run_scoped3A_169 : memref<!tpu.dma_semaphore, #tpu.memory_space<semaphore_mem>>) {add = true}
      %dma_wait3A_176 = arith.constant 0 : i32
      %dma_wait3A_177 = tpu.memref_slice %arg9[%run_scoped3A_153, %dma_wait3A_176] : memref<160x128xi32, #tpu.memory_space<vmem>> -> memref<1x128xi32, #tpu.memory_space<vmem>>
      %dma_wait3A_178 = tpu.memref_squeeze %dma_wait3A_177 : memref<1x128xi32, #tpu.memory_space<vmem>> -> memref<128xi32, #tpu.memory_space<vmem>>
      %dma_wait3A_179 = arith.constant 0 : i32
      %dma_wait3A_180 = arith.constant 0 : i32
      %dma_wait3A_181 = tpu.memref_slice %arg18[%dma_wait3A_179, %dma_wait3A_180] : memref<10240x32xf32, #tpu.memory_space<vmem_shared>> -> memref<10240x32xf32, #tpu.memory_space<vmem_shared>>
      tpu.wait_indirect_dma semaphore(%run_scoped3A_169 : memref<!tpu.dma_semaphore, #tpu.memory_space<semaphore_mem>>) src(%arg15 : memref<128x32xf32, #tpu.memory_space<vmem>>) dst(%dma_wait3A_181 : memref<10240x32xf32, #tpu.memory_space<vmem_shared>>)
      tpu.yield
    }) : () -> ()
    %dma_wait3A_154 = arith.constant 0 : i32
    %dma_wait3A_155 = arith.constant 0 : i32
    %dma_wait3A_156 = tpu.memref_slice %arg2[%dma_wait3A_154, %dma_wait3A_155] : memref<10000x32xf32, #tpu.memory_space<hbm>> -> memref<128x32xf32, #tpu.memory_space<hbm>>
    %dma_wait3A_157 = arith.constant 0 : i32
    %dma_wait3A_158 = arith.constant 0 : i32
    %dma_wait3A_159 = tpu.memref_slice %arg2[%dma_wait3A_157, %dma_wait3A_158] : memref<10000x32xf32, #tpu.memory_space<hbm>> -> memref<128x32xf32, #tpu.memory_space<hbm>>
    tpu.wait_dma2 semaphore(%arg25 : memref<!tpu.dma_semaphore, #tpu.memory_space<semaphore_mem>>) src(%dma_wait3A_159 : memref<128x32xf32, #tpu.memory_space<hbm>>) dst(%arg16 : memref<128x32xf32, #tpu.memory_space<vmem>>)
    %run_scoped3A_160 = arith.constant 158 : i32
    "tpu.region"() ({
      %run_scoped3A_169 = tpu.sem_alloc : memref<!tpu.dma_semaphore, #tpu.memory_space<semaphore_mem>>
      %dma_start3A_170 = arith.constant 0 : i32
      %dma_start3A_171 = tpu.memref_slice %arg9[%run_scoped3A_160, %dma_start3A_170] : memref<160x128xi32, #tpu.memory_space<vmem>> -> memref<1x128xi32, #tpu.memory_space<vmem>>
      %dma_start3A_172 = tpu.memref_squeeze %dma_start3A_171 : memref<1x128xi32, #tpu.memory_space<vmem>> -> memref<128xi32, #tpu.memory_space<vmem>>
      %dma_start3A_173 = arith.constant 0 : i32
      %dma_start3A_174 = arith.constant 0 : i32
      %dma_start3A_175 = tpu.memref_slice %arg18[%dma_start3A_173, %dma_start3A_174] : memref<10240x32xf32, #tpu.memory_space<vmem_shared>> -> memref<10240x32xf32, #tpu.memory_space<vmem_shared>>
      tpu.enqueue_indirect_dma source(%arg16 : memref<128x32xf32, #tpu.memory_space<vmem>>) target(%dma_start3A_175 : memref<10240x32xf32, #tpu.memory_space<vmem_shared>>) offsets(%dma_start3A_172 : memref<128xi32, #tpu.memory_space<vmem>>) semaphore(%run_scoped3A_169 : memref<!tpu.dma_semaphore, #tpu.memory_space<semaphore_mem>>) {add = true}
      %dma_wait3A_176 = arith.constant 0 : i32
      %dma_wait3A_177 = tpu.memref_slice %arg9[%run_scoped3A_160, %dma_wait3A_176] : memref<160x128xi32, #tpu.memory_space<vmem>> -> memref<1x128xi32, #tpu.memory_space<vmem>>
      %dma_wait3A_178 = tpu.memref_squeeze %dma_wait3A_177 : memref<1x128xi32, #tpu.memory_space<vmem>> -> memref<128xi32, #tpu.memory_space<vmem>>
      %dma_wait3A_179 = arith.constant 0 : i32
      %dma_wait3A_180 = arith.constant 0 : i32
      %dma_wait3A_181 = tpu.memref_slice %arg18[%dma_wait3A_179, %dma_wait3A_180] : memref<10240x32xf32, #tpu.memory_space<vmem_shared>> -> memref<10240x32xf32, #tpu.memory_space<vmem_shared>>
      tpu.wait_indirect_dma semaphore(%run_scoped3A_169 : memref<!tpu.dma_semaphore, #tpu.memory_space<semaphore_mem>>) src(%arg16 : memref<128x32xf32, #tpu.memory_space<vmem>>) dst(%dma_wait3A_181 : memref<10240x32xf32, #tpu.memory_space<vmem_shared>>)
      tpu.yield
    }) : () -> ()
    %dma_wait3A_161 = arith.constant 0 : i32
    %dma_wait3A_162 = arith.constant 0 : i32
    %dma_wait3A_163 = tpu.memref_slice %arg2[%dma_wait3A_161, %dma_wait3A_162] : memref<10000x32xf32, #tpu.memory_space<hbm>> -> memref<128x32xf32, #tpu.memory_space<hbm>>
    %dma_wait3A_164 = arith.constant 0 : i32
    %dma_wait3A_165 = arith.constant 0 : i32
    %dma_wait3A_166 = tpu.memref_slice %arg2[%dma_wait3A_164, %dma_wait3A_165] : memref<10000x32xf32, #tpu.memory_space<hbm>> -> memref<128x32xf32, #tpu.memory_space<hbm>>
    tpu.wait_dma2 semaphore(%arg26 : memref<!tpu.dma_semaphore, #tpu.memory_space<semaphore_mem>>) src(%dma_wait3A_166 : memref<128x32xf32, #tpu.memory_space<hbm>>) dst(%arg17 : memref<128x32xf32, #tpu.memory_space<vmem>>)
    %run_scoped3A_167 = arith.constant 159 : i32
    "tpu.region"() ({
      %run_scoped3A_169 = tpu.sem_alloc : memref<!tpu.dma_semaphore, #tpu.memory_space<semaphore_mem>>
      %dma_start3A_170 = arith.constant 0 : i32
      %dma_start3A_171 = tpu.memref_slice %arg9[%run_scoped3A_167, %dma_start3A_170] : memref<160x128xi32, #tpu.memory_space<vmem>> -> memref<1x128xi32, #tpu.memory_space<vmem>>
      %dma_start3A_172 = tpu.memref_squeeze %dma_start3A_171 : memref<1x128xi32, #tpu.memory_space<vmem>> -> memref<128xi32, #tpu.memory_space<vmem>>
      %dma_start3A_173 = arith.constant 0 : i32
      %dma_start3A_174 = arith.constant 0 : i32
      %dma_start3A_175 = tpu.memref_slice %arg18[%dma_start3A_173, %dma_start3A_174] : memref<10240x32xf32, #tpu.memory_space<vmem_shared>> -> memref<10240x32xf32, #tpu.memory_space<vmem_shared>>
      tpu.enqueue_indirect_dma source(%arg17 : memref<128x32xf32, #tpu.memory_space<vmem>>) target(%dma_start3A_175 : memref<10240x32xf32, #tpu.memory_space<vmem_shared>>) offsets(%dma_start3A_172 : memref<128xi32, #tpu.memory_space<vmem>>) semaphore(%run_scoped3A_169 : memref<!tpu.dma_semaphore, #tpu.memory_space<semaphore_mem>>) {add = true}
      %dma_wait3A_176 = arith.constant 0 : i32
      %dma_wait3A_177 = tpu.memref_slice %arg9[%run_scoped3A_167, %dma_wait3A_176] : memref<160x128xi32, #tpu.memory_space<vmem>> -> memref<1x128xi32, #tpu.memory_space<vmem>>
      %dma_wait3A_178 = tpu.memref_squeeze %dma_wait3A_177 : memref<1x128xi32, #tpu.memory_space<vmem>> -> memref<128xi32, #tpu.memory_space<vmem>>
      %dma_wait3A_179 = arith.constant 0 : i32
      %dma_wait3A_180 = arith.constant 0 : i32
      %dma_wait3A_181 = tpu.memref_slice %arg18[%dma_wait3A_179, %dma_wait3A_180] : memref<10240x32xf32, #tpu.memory_space<vmem_shared>> -> memref<10240x32xf32, #tpu.memory_space<vmem_shared>>
      tpu.wait_indirect_dma semaphore(%run_scoped3A_169 : memref<!tpu.dma_semaphore, #tpu.memory_space<semaphore_mem>>) src(%arg17 : memref<128x32xf32, #tpu.memory_space<vmem>>) dst(%dma_wait3A_181 : memref<10240x32xf32, #tpu.memory_space<vmem_shared>>)
      tpu.yield
    }) : () -> ()
    %barrier3A_168 = arith.constant 0 : index
    tpu.barrier barrier_id(%barrier3A_168)
    "tpu.region"() ({
      %run_scoped3A_169 = tpu.sem_alloc : memref<!tpu.dma_semaphore, #tpu.memory_space<semaphore_mem>>
      %dma_start3A_170 = arith.constant 0 : i32
      %dma_start3A_171 = tpu.memref_slice %arg7[%arg0, %mul3A_0, %dma_start3A_170] : memref<2x10240x32xf32, #tpu.memory_space<hbm>> -> memref<1x640x32xf32, #tpu.memory_space<hbm>>
      %dma_start3A_172 = tpu.memref_squeeze %dma_start3A_171 : memref<1x640x32xf32, #tpu.memory_space<hbm>> -> memref<640x32xf32, #tpu.memory_space<hbm>>
      %dma_start3A_173 = arith.constant 0 : i32
      %dma_start3A_174 = tpu.memref_slice %arg18[%mul3A_0, %dma_start3A_173] : memref<10240x32xf32, #tpu.memory_space<vmem_shared>> -> memref<640x32xf32, #tpu.memory_space<vmem_shared>>
      tpu.enqueue_dma source(%dma_start3A_174 : memref<640x32xf32, #tpu.memory_space<vmem_shared>>) target(%dma_start3A_172 : memref<640x32xf32, #tpu.memory_space<hbm>>) target_semaphore(%run_scoped3A_169 : memref<!tpu.dma_semaphore, #tpu.memory_space<semaphore_mem>>)
      %dma_wait3A_175 = arith.constant 0 : i32
      %dma_wait3A_176 = tpu.memref_slice %arg7[%arg0, %mul3A_0, %dma_wait3A_175] : memref<2x10240x32xf32, #tpu.memory_space<hbm>> -> memref<1x640x32xf32, #tpu.memory_space<hbm>>
      %dma_wait3A_177 = tpu.memref_squeeze %dma_wait3A_176 : memref<1x640x32xf32, #tpu.memory_space<hbm>> -> memref<640x32xf32, #tpu.memory_space<hbm>>
      %dma_wait3A_178 = arith.constant 0 : i32
      %dma_wait3A_179 = tpu.memref_slice %arg18[%mul3A_0, %dma_wait3A_178] : memref<10240x32xf32, #tpu.memory_space<vmem_shared>> -> memref<640x32xf32, #tpu.memory_space<vmem_shared>>
      tpu.wait_dma2 semaphore(%run_scoped3A_169 : memref<!tpu.dma_semaphore, #tpu.memory_space<semaphore_mem>>) src(%dma_wait3A_179 : memref<640x32xf32, #tpu.memory_space<vmem_shared>>) dst(%dma_wait3A_177 : memref<640x32xf32, #tpu.memory_space<hbm>>)
      tpu.yield
    }) : () -> ()
    return
  }
}

module attributes {stable_mosaic.version = 14 : i64} {
  func.func @body(%arg0: i32, %arg1: memref<5000x128xf32, #tpu.memory_space<vmem>>, %arg2: memref<128x64xf32, #tpu.memory_space<vmem>>, %arg3: memref<1x64xf32, #tpu.memory_space<vmem>>, %arg4: memref<5000x32xf32, #tpu.memory_space<vmem>>, %arg5: memref<5000x32xf32, #tpu.memory_space<vmem>>) attributes {dimension_semantics = [#tpu.dimension_semantics<arbitrary>], iteration_bounds = array<i64: 2>, scalar_prefetch = 0 : i64, scratch_operands = 0 : i64, tpu.core_type = #tpu.core_type<tc>, window_params = [{transform_indices = @transform_0, window_bounds = array<i64: 5000, 128>}, {pipeline_mode = #tpu.pipeline_mode<synchronous>, transform_indices = @transform_1, window_bounds = array<i64: 128, 64>}, {pipeline_mode = #tpu.pipeline_mode<synchronous>, transform_indices = @transform_2, window_bounds = array<i64: 1, 64>}, {transform_indices = @transform_3, window_bounds = array<i64: 5000, 32>}, {transform_indices = @transform_4, window_bounds = array<i64: 5000, 32>}]} {
    %get3A = arith.constant 0 : index
    %get3A_0 = arith.constant 0 : index
    %get3A_1 = vector.load %arg1[%get3A, %get3A_0] : memref<5000x128xf32, #tpu.memory_space<vmem>>, vector<5000x128xf32>
    %get3A_2 = arith.constant 0 : index
    %get3A_3 = arith.constant 0 : index
    %get3A_4 = vector.load %arg2[%get3A_2, %get3A_3] : memref<128x64xf32, #tpu.memory_space<vmem>>, vector<128x64xf32>
    %dot_general3A = arith.constant dense<0.000000e+00> : vector<5000x64xf32>
    %dot_general3A_5 = tpu.matmul %get3A_1, %get3A_4, %dot_general3A {dimension_numbers = #tpu.dot_dimension_numbers<[1], [0], [0], [1], [0, 0, 1, 1], [], []>, transpose_lhs_hint = false} : vector<5000x128xf32>, vector<128x64xf32>, vector<5000x64xf32> -> vector<5000x64xf32>
    %get3A_6 = arith.constant 0 : index
    %get3A_7 = arith.constant 0 : index
    %get3A_8 = vector.load %arg3[%get3A_6, %get3A_7] : memref<1x64xf32, #tpu.memory_space<vmem>>, vector<1x64xf32>
    %add3A = vector.broadcast %get3A_8 : vector<1x64xf32> to vector<5000x64xf32>
    %add3A_9 = arith.addf %dot_general3A_5, %add3A : vector<5000x64xf32>
    %mul3A = arith.constant 0.999994993 : f32
    %mul3A_10 = vector.broadcast %mul3A : f32 to vector<5000x64xf32>
    %mul3A_11 = arith.mulf %add3A_9, %mul3A_10 : vector<5000x64xf32>
    %max3A = arith.constant 0.000000e+00 : f32
    %max3A_12 = vector.broadcast %max3A : f32 to vector<5000x64xf32>
    %max3A_13 = arith.maximumf %mul3A_11, %max3A_12 : vector<5000x64xf32>
    %slice3A = vector.extract_strided_slice %max3A_13 {offsets = [0, 0], sizes = [5000, 32], strides = [1, 1]} : vector<5000x64xf32> to vector<5000x32xf32>
    %swap3A = arith.constant 0 : index
    %swap3A_14 = arith.constant 0 : index
    %swap3A_15 = vector.load %arg4[%swap3A, %swap3A_14] : memref<5000x32xf32, #tpu.memory_space<vmem>>, vector<5000x32xf32>
    tpu.vector_store %arg4[%swap3A, %swap3A_14], %slice3A {strides = array<i32>} : memref<5000x32xf32, #tpu.memory_space<vmem>>, vector<5000x32xf32>,
    %slice3A_16 = vector.extract_strided_slice %max3A_13 {offsets = [0, 32], sizes = [5000, 32], strides = [1, 1]} : vector<5000x64xf32> to vector<5000x32xf32>
    %swap3A_17 = arith.constant 0 : index
    %swap3A_18 = arith.constant 0 : index
    %swap3A_19 = vector.load %arg5[%swap3A_17, %swap3A_18] : memref<5000x32xf32, #tpu.memory_space<vmem>>, vector<5000x32xf32>
    tpu.vector_store %arg5[%swap3A_17, %swap3A_18], %slice3A_16 {strides = array<i32>} : memref<5000x32xf32, #tpu.memory_space<vmem>>, vector<5000x32xf32>,
    return
  }
  func.func @transform_0(%arg0: i32) -> (i32, i32) {
    %c0_i32 = arith.constant 0 : i32
    %c0_i32_0 = arith.constant 0 : i32
    return %arg0, %c0_i32 : i32, i32
  }
  func.func @transform_1(%arg0: i32) -> (i32, i32) {
    %c0_i32 = arith.constant 0 : i32
    %c0_i32_0 = arith.constant 0 : i32
    %c0_i32_1 = arith.constant 0 : i32
    return %c0_i32, %c0_i32_0 : i32, i32
  }
  func.func @transform_2(%arg0: i32) -> (i32, i32) {
    %c0_i32 = arith.constant 0 : i32
    %c0_i32_0 = arith.constant 0 : i32
    %c0_i32_1 = arith.constant 0 : i32
    return %c0_i32, %c0_i32_0 : i32, i32
  }
  func.func @transform_3(%arg0: i32) -> (i32, i32) {
    %c0_i32 = arith.constant 0 : i32
    %c0_i32_0 = arith.constant 0 : i32
    return %arg0, %c0_i32 : i32, i32
  }
  func.func @transform_4(%arg0: i32) -> (i32, i32) {
    %c0_i32 = arith.constant 0 : i32
    %c0_i32_0 = arith.constant 0 : i32
    return %arg0, %c0_i32 : i32, i32
  }
}

module attributes {stable_mosaic.version = 14 : i64} {
  func.func @body(%arg0: i32, %arg1: memref<5000x32xf32, #tpu.memory_space<vmem>>, %arg2: memref<5000x32xf32, #tpu.memory_space<vmem>>, %arg3: memref<2x5000x32xf32, #tpu.memory_space<vmem>>, %arg4: memref<1x1xf32, #tpu.memory_space<vmem>>, %arg5: memref<64x64xf32, #tpu.memory_space<vmem>>, %arg6: memref<1x64xf32, #tpu.memory_space<vmem>>, %arg7: memref<64x64xf32, #tpu.memory_space<vmem>>, %arg8: memref<1x64xf32, #tpu.memory_space<vmem>>, %arg9: memref<5000x32xf32, #tpu.memory_space<vmem>>, %arg10: memref<5000x32xf32, #tpu.memory_space<vmem>>) attributes {dimension_semantics = [#tpu.dimension_semantics<arbitrary>], iteration_bounds = array<i64: 2>, scalar_prefetch = 0 : i64, scratch_operands = 0 : i64, tpu.core_type = #tpu.core_type<tc>, window_params = [{transform_indices = @transform_0, window_bounds = array<i64: 5000, 32>}, {transform_indices = @transform_1, window_bounds = array<i64: 5000, 32>}, {transform_indices = @transform_2, window_bounds = array<i64: 2, 5000, 32>}, {pipeline_mode = #tpu.pipeline_mode<synchronous>, transform_indices = @transform_3, window_bounds = array<i64: 1, 1>}, {pipeline_mode = #tpu.pipeline_mode<synchronous>, transform_indices = @transform_4, window_bounds = array<i64: 64, 64>}, {pipeline_mode = #tpu.pipeline_mode<synchronous>, transform_indices = @transform_5, window_bounds = array<i64: 1, 64>}, {pipeline_mode = #tpu.pipeline_mode<synchronous>, transform_indices = @transform_6, window_bounds = array<i64: 64, 64>}, {pipeline_mode = #tpu.pipeline_mode<synchronous>, transform_indices = @transform_7, window_bounds = array<i64: 1, 64>}, {transform_indices = @transform_8, window_bounds = array<i64: 5000, 32>}, {transform_indices = @transform_9, window_bounds = array<i64: 5000, 32>}]} {
    %get3A = arith.constant 0 : index
    %get3A_0 = arith.constant 0 : index
    %get3A_1 = vector.load %arg1[%get3A, %get3A_0] : memref<5000x32xf32, #tpu.memory_space<vmem>>, vector<5000x32xf32>
    %get3A_2 = arith.constant 0 : index
    %get3A_3 = arith.constant 0 : index
    %get3A_4 = vector.load %arg2[%get3A_2, %get3A_3] : memref<5000x32xf32, #tpu.memory_space<vmem>>, vector<5000x32xf32>
    %get3A_5 = arith.constant 0 : index
    %get3A_6 = arith.constant 0 : index
    %get3A_7 = arith.constant 0 : index
    %get3A_8 = vector.load %arg3[%get3A_5, %get3A_6, %get3A_7] : memref<2x5000x32xf32, #tpu.memory_space<vmem>>, vector<2x5000x32xf32>
    %get3A_9 = arith.constant 0 : index
    %get3A_10 = arith.constant 0 : index
    %get3A_11 = vector.load %arg4[%get3A_9, %get3A_10] : memref<1x1xf32, #tpu.memory_space<vmem>>, vector<1x1xf32>
    %get3A_12 = vector.extract %get3A_11[0, 0] : f32 from vector<1x1xf32>
    %add3A = arith.constant 1.000000e+00 : f32
    %add3A_13 = arith.addf %add3A, %get3A_12 : f32
    %mul3A = vector.broadcast %add3A_13 : f32 to vector<5000x32xf32>
    %mul3A_14 = arith.mulf %get3A_1, %mul3A : vector<5000x32xf32>
    %slice3A = vector.extract_strided_slice %get3A_8 {offsets = [0, 0, 0], sizes = [1, 5000, 32], strides = [1, 1, 1]} : vector<2x5000x32xf32> to vector<1x5000x32xf32>
    %squeeze3A = vector.shape_cast %slice3A : vector<1x5000x32xf32> to vector<5000x32xf32>
    %add3A_15 = arith.addf %mul3A_14, %squeeze3A : vector<5000x32xf32>
    %mul3A_16 = vector.broadcast %add3A_13 : f32 to vector<5000x32xf32>
    %mul3A_17 = arith.mulf %get3A_4, %mul3A_16 : vector<5000x32xf32>
    %slice3A_18 = vector.extract_strided_slice %get3A_8 {offsets = [1, 0, 0], sizes = [1, 5000, 32], strides = [1, 1, 1]} : vector<2x5000x32xf32> to vector<1x5000x32xf32>
    %squeeze3A_19 = vector.shape_cast %slice3A_18 : vector<1x5000x32xf32> to vector<5000x32xf32>
    %add3A_20 = arith.addf %mul3A_17, %squeeze3A_19 : vector<5000x32xf32>
    %concatenate3A = tpu.concatenate %add3A_15, %add3A_20 in 1 : vector<5000x32xf32>, vector<5000x32xf32> -> vector<5000x64xf32>
    %get3A_21 = arith.constant 0 : index
    %get3A_22 = arith.constant 0 : index
    %get3A_23 = vector.load %arg5[%get3A_21, %get3A_22] : memref<64x64xf32, #tpu.memory_space<vmem>>, vector<64x64xf32>
    %dot_general3A = arith.constant dense<0.000000e+00> : vector<5000x64xf32>
    %dot_general3A_24 = tpu.matmul %concatenate3A, %get3A_23, %dot_general3A {dimension_numbers = #tpu.dot_dimension_numbers<[1], [0], [0], [1], [0, 0, 1, 1], [], []>, transpose_lhs_hint = false} : vector<5000x64xf32>, vector<64x64xf32>, vector<5000x64xf32> -> vector<5000x64xf32>
    %get3A_25 = arith.constant 0 : index
    %get3A_26 = arith.constant 0 : index
    %get3A_27 = vector.load %arg6[%get3A_25, %get3A_26] : memref<1x64xf32, #tpu.memory_space<vmem>>, vector<1x64xf32>
    %add3A_28 = vector.broadcast %get3A_27 : vector<1x64xf32> to vector<5000x64xf32>
    %add3A_29 = arith.addf %dot_general3A_24, %add3A_28 : vector<5000x64xf32>
    %mul3A_30 = arith.constant 0.999994993 : f32
    %mul3A_31 = vector.broadcast %mul3A_30 : f32 to vector<5000x64xf32>
    %mul3A_32 = arith.mulf %add3A_29, %mul3A_31 : vector<5000x64xf32>
    %max3A = arith.constant 0.000000e+00 : f32
    %max3A_33 = vector.broadcast %max3A : f32 to vector<5000x64xf32>
    %max3A_34 = arith.maximumf %mul3A_32, %max3A_33 : vector<5000x64xf32>
    %get3A_35 = arith.constant 0 : index
    %get3A_36 = arith.constant 0 : index
    %get3A_37 = vector.load %arg7[%get3A_35, %get3A_36] : memref<64x64xf32, #tpu.memory_space<vmem>>, vector<64x64xf32>
    %dot_general3A_38 = arith.constant dense<0.000000e+00> : vector<5000x64xf32>
    %dot_general3A_39 = tpu.matmul %max3A_34, %get3A_37, %dot_general3A_38 {dimension_numbers = #tpu.dot_dimension_numbers<[1], [0], [0], [1], [0, 0, 1, 1], [], []>, transpose_lhs_hint = false} : vector<5000x64xf32>, vector<64x64xf32>, vector<5000x64xf32> -> vector<5000x64xf32>
    %get3A_40 = arith.constant 0 : index
    %get3A_41 = arith.constant 0 : index
    %get3A_42 = vector.load %arg8[%get3A_40, %get3A_41] : memref<1x64xf32, #tpu.memory_space<vmem>>, vector<1x64xf32>
    %add3A_43 = vector.broadcast %get3A_42 : vector<1x64xf32> to vector<5000x64xf32>
    %add3A_44 = arith.addf %dot_general3A_39, %add3A_43 : vector<5000x64xf32>
    %mul3A_45 = arith.constant 0.999994993 : f32
    %mul3A_46 = vector.broadcast %mul3A_45 : f32 to vector<5000x64xf32>
    %mul3A_47 = arith.mulf %add3A_44, %mul3A_46 : vector<5000x64xf32>
    %slice3A_48 = vector.extract_strided_slice %mul3A_47 {offsets = [0, 0], sizes = [5000, 32], strides = [1, 1]} : vector<5000x64xf32> to vector<5000x32xf32>
    %add3A_49 = arith.addf %slice3A_48, %get3A_1 : vector<5000x32xf32>
    %swap3A = arith.constant 0 : index
    %swap3A_50 = arith.constant 0 : index
    %swap3A_51 = vector.load %arg9[%swap3A, %swap3A_50] : memref<5000x32xf32, #tpu.memory_space<vmem>>, vector<5000x32xf32>
    tpu.vector_store %arg9[%swap3A, %swap3A_50], %add3A_49 {strides = array<i32>} : memref<5000x32xf32, #tpu.memory_space<vmem>>, vector<5000x32xf32>,
    %slice3A_52 = vector.extract_strided_slice %mul3A_47 {offsets = [0, 32], sizes = [5000, 32], strides = [1, 1]} : vector<5000x64xf32> to vector<5000x32xf32>
    %add3A_53 = arith.addf %slice3A_52, %get3A_4 : vector<5000x32xf32>
    %swap3A_54 = arith.constant 0 : index
    %swap3A_55 = arith.constant 0 : index
    %swap3A_56 = vector.load %arg10[%swap3A_54, %swap3A_55] : memref<5000x32xf32, #tpu.memory_space<vmem>>, vector<5000x32xf32>
    tpu.vector_store %arg10[%swap3A_54, %swap3A_55], %add3A_53 {strides = array<i32>} : memref<5000x32xf32, #tpu.memory_space<vmem>>, vector<5000x32xf32>,
    return
  }
  func.func @transform_0(%arg0: i32) -> (i32, i32) {
    %c0_i32 = arith.constant 0 : i32
    %c0_i32_0 = arith.constant 0 : i32
    return %arg0, %c0_i32 : i32, i32
  }
  func.func @transform_1(%arg0: i32) -> (i32, i32) {
    %c0_i32 = arith.constant 0 : i32
    %c0_i32_0 = arith.constant 0 : i32
    return %arg0, %c0_i32 : i32, i32
  }
  func.func @transform_2(%arg0: i32) -> (i32, i32, i32) {
    %c0_i32 = arith.constant 0 : i32
    %c0_i32_0 = arith.constant 0 : i32
    %c0_i32_1 = arith.constant 0 : i32
    return %c0_i32, %arg0, %c0_i32_0 : i32, i32, i32
  }
  func.func @transform_3(%arg0: i32) -> (i32, i32) {
    %c0_i32 = arith.constant 0 : i32
    %c0_i32_0 = arith.constant 0 : i32
    %c0_i32_1 = arith.constant 0 : i32
    return %c0_i32, %c0_i32_0 : i32, i32
  }
  func.func @transform_4(%arg0: i32) -> (i32, i32) {
    %c0_i32 = arith.constant 0 : i32
    %c0_i32_0 = arith.constant 0 : i32
    %c0_i32_1 = arith.constant 0 : i32
    return %c0_i32, %c0_i32_0 : i32, i32
  }
  func.func @transform_5(%arg0: i32) -> (i32, i32) {
    %c0_i32 = arith.constant 0 : i32
    %c0_i32_0 = arith.constant 0 : i32
    %c0_i32_1 = arith.constant 0 : i32
    return %c0_i32, %c0_i32_0 : i32, i32
  }
  func.func @transform_6(%arg0: i32) -> (i32, i32) {
    %c0_i32 = arith.constant 0 : i32
    %c0_i32_0 = arith.constant 0 : i32
    %c0_i32_1 = arith.constant 0 : i32
    return %c0_i32, %c0_i32_0 : i32, i32
  }
  func.func @transform_7(%arg0: i32) -> (i32, i32) {
    %c0_i32 = arith.constant 0 : i32
    %c0_i32_0 = arith.constant 0 : i32
    %c0_i32_1 = arith.constant 0 : i32
    return %c0_i32, %c0_i32_0 : i32, i32
  }
  func.func @transform_8(%arg0: i32) -> (i32, i32) {
    %c0_i32 = arith.constant 0 : i32
    %c0_i32_0 = arith.constant 0 : i32
    return %arg0, %c0_i32 : i32, i32
  }
  func.func @transform_9(%arg0: i32) -> (i32, i32) {
    %c0_i32 = arith.constant 0 : i32
    %c0_i32_0 = arith.constant 0 : i32
    return %arg0, %c0_i32 : i32, i32
  }
}

module attributes {stable_mosaic.version = 14 : i64} {
  func.func @body(%arg0: i32, %arg1: memref<5000x32xf32, #tpu.memory_space<vmem>>, %arg2: memref<5000x32xf32, #tpu.memory_space<vmem>>, %arg3: memref<2x5000x32xf32, #tpu.memory_space<vmem>>, %arg4: memref<1x1xf32, #tpu.memory_space<vmem>>, %arg5: memref<64x64xf32, #tpu.memory_space<vmem>>, %arg6: memref<1x64xf32, #tpu.memory_space<vmem>>, %arg7: memref<64x64xf32, #tpu.memory_space<vmem>>, %arg8: memref<1x64xf32, #tpu.memory_space<vmem>>, %arg9: memref<64x32xf32, #tpu.memory_space<vmem>>, %arg10: memref<1x32xf32, #tpu.memory_space<vmem>>, %arg11: memref<32x2xf32, #tpu.memory_space<vmem>>, %arg12: memref<1x2xf32, #tpu.memory_space<vmem>>, %arg13: memref<1x2xf32, #tpu.memory_space<vmem>>, %arg14: memref<1x64xf32, #tpu.memory_space<vmem>>) attributes {dimension_semantics = [#tpu.dimension_semantics<arbitrary>], iteration_bounds = array<i64: 2>, scalar_prefetch = 0 : i64, scratch_operands = 1 : i64, tpu.core_type = #tpu.core_type<tc>, window_params = [{transform_indices = @transform_0, window_bounds = array<i64: 5000, 32>}, {transform_indices = @transform_1, window_bounds = array<i64: 5000, 32>}, {transform_indices = @transform_2, window_bounds = array<i64: 2, 5000, 32>}, {pipeline_mode = #tpu.pipeline_mode<synchronous>, transform_indices = @transform_3, window_bounds = array<i64: 1, 1>}, {pipeline_mode = #tpu.pipeline_mode<synchronous>, transform_indices = @transform_4, window_bounds = array<i64: 64, 64>}, {pipeline_mode = #tpu.pipeline_mode<synchronous>, transform_indices = @transform_5, window_bounds = array<i64: 1, 64>}, {pipeline_mode = #tpu.pipeline_mode<synchronous>, transform_indices = @transform_6, window_bounds = array<i64: 64, 64>}, {pipeline_mode = #tpu.pipeline_mode<synchronous>, transform_indices = @transform_7, window_bounds = array<i64: 1, 64>}, {pipeline_mode = #tpu.pipeline_mode<synchronous>, transform_indices = @transform_8, window_bounds = array<i64: 64, 32>}, {pipeline_mode = #tpu.pipeline_mode<synchronous>, transform_indices = @transform_9, window_bounds = array<i64: 1, 32>}, {pipeline_mode = #tpu.pipeline_mode<synchronous>, transform_indices = @transform_10, window_bounds = array<i64: 32, 2>}, {pipeline_mode = #tpu.pipeline_mode<synchronous>, transform_indices = @transform_11, window_bounds = array<i64: 1, 2>}, {pipeline_mode = #tpu.pipeline_mode<synchronous>, transform_indices = @transform_12, window_bounds = array<i64: 1, 2>}]} {
    %get3A = arith.constant 0 : index
    %get3A_0 = arith.constant 0 : index
    %get3A_1 = vector.load %arg1[%get3A, %get3A_0] : memref<5000x32xf32, #tpu.memory_space<vmem>>, vector<5000x32xf32>
    %get3A_2 = arith.constant 0 : index
    %get3A_3 = arith.constant 0 : index
    %get3A_4 = vector.load %arg2[%get3A_2, %get3A_3] : memref<5000x32xf32, #tpu.memory_space<vmem>>, vector<5000x32xf32>
    %get3A_5 = arith.constant 0 : index
    %get3A_6 = arith.constant 0 : index
    %get3A_7 = arith.constant 0 : index
    %get3A_8 = vector.load %arg3[%get3A_5, %get3A_6, %get3A_7] : memref<2x5000x32xf32, #tpu.memory_space<vmem>>, vector<2x5000x32xf32>
    %get3A_9 = arith.constant 0 : index
    %get3A_10 = arith.constant 0 : index
    %get3A_11 = vector.load %arg4[%get3A_9, %get3A_10] : memref<1x1xf32, #tpu.memory_space<vmem>>, vector<1x1xf32>
    %get3A_12 = vector.extract %get3A_11[0, 0] : f32 from vector<1x1xf32>
    %add3A = arith.constant 1.000000e+00 : f32
    %add3A_13 = arith.addf %add3A, %get3A_12 : f32
    %mul3A = vector.broadcast %add3A_13 : f32 to vector<5000x32xf32>
    %mul3A_14 = arith.mulf %get3A_1, %mul3A : vector<5000x32xf32>
    %slice3A = vector.extract_strided_slice %get3A_8 {offsets = [0, 0, 0], sizes = [1, 5000, 32], strides = [1, 1, 1]} : vector<2x5000x32xf32> to vector<1x5000x32xf32>
    %squeeze3A = vector.shape_cast %slice3A : vector<1x5000x32xf32> to vector<5000x32xf32>
    %add3A_15 = arith.addf %mul3A_14, %squeeze3A : vector<5000x32xf32>
    %mul3A_16 = vector.broadcast %add3A_13 : f32 to vector<5000x32xf32>
    %mul3A_17 = arith.mulf %get3A_4, %mul3A_16 : vector<5000x32xf32>
    %slice3A_18 = vector.extract_strided_slice %get3A_8 {offsets = [1, 0, 0], sizes = [1, 5000, 32], strides = [1, 1, 1]} : vector<2x5000x32xf32> to vector<1x5000x32xf32>
    %squeeze3A_19 = vector.shape_cast %slice3A_18 : vector<1x5000x32xf32> to vector<5000x32xf32>
    %add3A_20 = arith.addf %mul3A_17, %squeeze3A_19 : vector<5000x32xf32>
    %concatenate3A = tpu.concatenate %add3A_15, %add3A_20 in 1 : vector<5000x32xf32>, vector<5000x32xf32> -> vector<5000x64xf32>
    %get3A_21 = arith.constant 0 : index
    %get3A_22 = arith.constant 0 : index
    %get3A_23 = vector.load %arg5[%get3A_21, %get3A_22] : memref<64x64xf32, #tpu.memory_space<vmem>>, vector<64x64xf32>
    %dot_general3A = arith.constant dense<0.000000e+00> : vector<5000x64xf32>
    %dot_general3A_24 = tpu.matmul %concatenate3A, %get3A_23, %dot_general3A {dimension_numbers = #tpu.dot_dimension_numbers<[1], [0], [0], [1], [0, 0, 1, 1], [], []>, transpose_lhs_hint = false} : vector<5000x64xf32>, vector<64x64xf32>, vector<5000x64xf32> -> vector<5000x64xf32>
    %get3A_25 = arith.constant 0 : index
    %get3A_26 = arith.constant 0 : index
    %get3A_27 = vector.load %arg6[%get3A_25, %get3A_26] : memref<1x64xf32, #tpu.memory_space<vmem>>, vector<1x64xf32>
    %add3A_28 = vector.broadcast %get3A_27 : vector<1x64xf32> to vector<5000x64xf32>
    %add3A_29 = arith.addf %dot_general3A_24, %add3A_28 : vector<5000x64xf32>
    %mul3A_30 = arith.constant 0.999994993 : f32
    %mul3A_31 = vector.broadcast %mul3A_30 : f32 to vector<5000x64xf32>
    %mul3A_32 = arith.mulf %add3A_29, %mul3A_31 : vector<5000x64xf32>
    %max3A = arith.constant 0.000000e+00 : f32
    %max3A_33 = vector.broadcast %max3A : f32 to vector<5000x64xf32>
    %max3A_34 = arith.maximumf %mul3A_32, %max3A_33 : vector<5000x64xf32>
    %get3A_35 = arith.constant 0 : index
    %get3A_36 = arith.constant 0 : index
    %get3A_37 = vector.load %arg7[%get3A_35, %get3A_36] : memref<64x64xf32, #tpu.memory_space<vmem>>, vector<64x64xf32>
    %dot_general3A_38 = arith.constant dense<0.000000e+00> : vector<5000x64xf32>
    %dot_general3A_39 = tpu.matmul %max3A_34, %get3A_37, %dot_general3A_38 {dimension_numbers = #tpu.dot_dimension_numbers<[1], [0], [0], [1], [0, 0, 1, 1], [], []>, transpose_lhs_hint = false} : vector<5000x64xf32>, vector<64x64xf32>, vector<5000x64xf32> -> vector<5000x64xf32>
    %get3A_40 = arith.constant 0 : index
    %get3A_41 = arith.constant 0 : index
    %get3A_42 = vector.load %arg8[%get3A_40, %get3A_41] : memref<1x64xf32, #tpu.memory_space<vmem>>, vector<1x64xf32>
    %add3A_43 = vector.broadcast %get3A_42 : vector<1x64xf32> to vector<5000x64xf32>
    %add3A_44 = arith.addf %dot_general3A_39, %add3A_43 : vector<5000x64xf32>
    %mul3A_45 = arith.constant 0.999994993 : f32
    %mul3A_46 = vector.broadcast %mul3A_45 : f32 to vector<5000x64xf32>
    %mul3A_47 = arith.mulf %add3A_44, %mul3A_46 : vector<5000x64xf32>
    %concatenate3A_48 = tpu.concatenate %get3A_1, %get3A_4 in 1 : vector<5000x32xf32>, vector<5000x32xf32> -> vector<5000x64xf32>
    %add3A_49 = arith.addf %mul3A_47, %concatenate3A_48 : vector<5000x64xf32>
    %reduce_sum3A = arith.constant dense<0.000000e+00> : vector<64xf32>
    %reduce_sum3A_50 = vector.multi_reduction <add>, %add3A_49, %reduce_sum3A [0] : vector<5000x64xf32> to vector<64xf32>
    %broadcast_in_dim3A = vector.shape_cast %reduce_sum3A_50 : vector<64xf32> to vector<1x64xf32>
    %eq3A = arith.constant 0 : i32
    %eq3A_51 = arith.cmpi eq, %arg0, %eq3A : i32
    %convert_element_type3A = arith.extui %eq3A_51 : i1 to i32
    %cond3A = arith.constant 0 : i32
    %cond3A_52 = arith.cmpi ne, %convert_element_type3A, %cond3A : i32
    scf.if %cond3A_52 {
      %swap3A = arith.constant 0 : index
      %swap3A_62 = arith.constant 0 : index
      %swap3A_63 = vector.load %arg14[%swap3A, %swap3A_62] : memref<1x64xf32, #tpu.memory_space<vmem>>, vector<1x64xf32>
      tpu.vector_store %arg14[%swap3A, %swap3A_62], %broadcast_in_dim3A {strides = array<i32>} : memref<1x64xf32, #tpu.memory_space<vmem>>, vector<1x64xf32>,
    } else {
    }
    %gt3A = arith.constant 0 : i32
    %gt3A_53 = arith.cmpi sgt, %arg0, %gt3A : i32
    %convert_element_type3A_54 = arith.extui %gt3A_53 : i1 to i32
    %cond3A_55 = arith.constant 0 : i32
    %cond3A_56 = arith.cmpi ne, %convert_element_type3A_54, %cond3A_55 : i32
    scf.if %cond3A_56 {
      %get3A_62 = arith.constant 0 : index
      %get3A_63 = arith.constant 0 : index
      %get3A_64 = vector.load %arg14[%get3A_62, %get3A_63] : memref<1x64xf32, #tpu.memory_space<vmem>>, vector<1x64xf32>
      %add3A_65 = arith.addf %get3A_64, %broadcast_in_dim3A : vector<1x64xf32>
      %swap3A = arith.constant 0 : index
      %swap3A_66 = arith.constant 0 : index
      %swap3A_67 = vector.load %arg14[%swap3A, %swap3A_66] : memref<1x64xf32, #tpu.memory_space<vmem>>, vector<1x64xf32>
      tpu.vector_store %arg14[%swap3A, %swap3A_66], %add3A_65 {strides = array<i32>} : memref<1x64xf32, #tpu.memory_space<vmem>>, vector<1x64xf32>,
    } else {
    }
    %eq3A_57 = arith.constant 1 : i32
    %eq3A_58 = arith.cmpi eq, %arg0, %eq3A_57 : i32
    %convert_element_type3A_59 = arith.extui %eq3A_58 : i1 to i32
    %cond3A_60 = arith.constant 0 : i32
    %cond3A_61 = arith.cmpi ne, %convert_element_type3A_59, %cond3A_60 : i32
    scf.if %cond3A_61 {
      %get3A_62 = arith.constant 0 : index
      %get3A_63 = arith.constant 0 : index
      %get3A_64 = vector.load %arg14[%get3A_62, %get3A_63] : memref<1x64xf32, #tpu.memory_space<vmem>>, vector<1x64xf32>
      %mul3A_65 = arith.constant 9.99999974E-5 : f32
      %mul3A_66 = vector.broadcast %mul3A_65 : f32 to vector<1x64xf32>
      %mul3A_67 = arith.mulf %get3A_64, %mul3A_66 : vector<1x64xf32>
      %get3A_68 = arith.constant 0 : index
      %get3A_69 = arith.constant 0 : index
      %get3A_70 = vector.load %arg9[%get3A_68, %get3A_69] : memref<64x32xf32, #tpu.memory_space<vmem>>, vector<64x32xf32>
      %dot_general3A_71 = arith.constant dense<0.000000e+00> : vector<1x32xf32>
      %dot_general3A_72 = tpu.matmul %mul3A_67, %get3A_70, %dot_general3A_71 {dimension_numbers = #tpu.dot_dimension_numbers<[1], [0], [0], [1], [0, 0, 1, 1], [], []>, transpose_lhs_hint = false} : vector<1x64xf32>, vector<64x32xf32>, vector<1x32xf32> -> vector<1x32xf32>
      %get3A_73 = arith.constant 0 : index
      %get3A_74 = arith.constant 0 : index
      %get3A_75 = vector.load %arg10[%get3A_73, %get3A_74] : memref<1x32xf32, #tpu.memory_space<vmem>>, vector<1x32xf32>
      %add3A_76 = arith.addf %dot_general3A_72, %get3A_75 : vector<1x32xf32>
      %mul3A_77 = arith.constant 0.999994993 : f32
      %mul3A_78 = vector.broadcast %mul3A_77 : f32 to vector<1x32xf32>
      %mul3A_79 = arith.mulf %add3A_76, %mul3A_78 : vector<1x32xf32>
      %max3A_80 = arith.constant 0.000000e+00 : f32
      %max3A_81 = vector.broadcast %max3A_80 : f32 to vector<1x32xf32>
      %max3A_82 = arith.maximumf %mul3A_79, %max3A_81 : vector<1x32xf32>
      %get3A_83 = arith.constant 0 : index
      %get3A_84 = arith.constant 0 : index
      %get3A_85 = vector.load %arg11[%get3A_83, %get3A_84] : memref<32x2xf32, #tpu.memory_space<vmem>>, vector<32x2xf32>
      %dot_general3A_86 = arith.constant dense<0.000000e+00> : vector<1x2xf32>
      %dot_general3A_87 = tpu.matmul %max3A_82, %get3A_85, %dot_general3A_86 {dimension_numbers = #tpu.dot_dimension_numbers<[1], [0], [0], [1], [0, 0, 1, 1], [], []>, transpose_lhs_hint = false} : vector<1x32xf32>, vector<32x2xf32>, vector<1x2xf32> -> vector<1x2xf32>
      %get3A_88 = arith.constant 0 : index
      %get3A_89 = arith.constant 0 : index
      %get3A_90 = vector.load %arg12[%get3A_88, %get3A_89] : memref<1x2xf32, #tpu.memory_space<vmem>>, vector<1x2xf32>
      %add3A_91 = arith.addf %dot_general3A_87, %get3A_90 : vector<1x2xf32>
      %swap3A = arith.constant 0 : index
      %swap3A_92 = arith.constant 0 : index
      %swap3A_93 = vector.load %arg13[%swap3A, %swap3A_92] : memref<1x2xf32, #tpu.memory_space<vmem>>, vector<1x2xf32>
      tpu.vector_store %arg13[%swap3A, %swap3A_92], %add3A_91 {strides = array<i32>} : memref<1x2xf32, #tpu.memory_space<vmem>>, vector<1x2xf32>,
    } else {
    }
    return
  }
  func.func @transform_0(%arg0: i32) -> (i32, i32) {
    %c0_i32 = arith.constant 0 : i32
    %c0_i32_0 = arith.constant 0 : i32
    return %arg0, %c0_i32 : i32, i32
  }
  func.func @transform_1(%arg0: i32) -> (i32, i32) {
    %c0_i32 = arith.constant 0 : i32
    %c0_i32_0 = arith.constant 0 : i32
    return %arg0, %c0_i32 : i32, i32
  }
  func.func @transform_2(%arg0: i32) -> (i32, i32, i32) {
    %c0_i32 = arith.constant 0 : i32
    %c0_i32_0 = arith.constant 0 : i32
    %c0_i32_1 = arith.constant 0 : i32
    return %c0_i32, %arg0, %c0_i32_0 : i32, i32, i32
  }
  func.func @transform_3(%arg0: i32) -> (i32, i32) {
    %c0_i32 = arith.constant 0 : i32
    %c0_i32_0 = arith.constant 0 : i32
    %c0_i32_1 = arith.constant 0 : i32
    return %c0_i32, %c0_i32_0 : i32, i32
  }
  func.func @transform_4(%arg0: i32) -> (i32, i32) {
    %c0_i32 = arith.constant 0 : i32
    %c0_i32_0 = arith.constant 0 : i32
    %c0_i32_1 = arith.constant 0 : i32
    return %c0_i32, %c0_i32_0 : i32, i32
  }
  func.func @transform_5(%arg0: i32) -> (i32, i32) {
    %c0_i32 = arith.constant 0 : i32
    %c0_i32_0 = arith.constant 0 : i32
    %c0_i32_1 = arith.constant 0 : i32
    return %c0_i32, %c0_i32_0 : i32, i32
  }
  func.func @transform_6(%arg0: i32) -> (i32, i32) {
    %c0_i32 = arith.constant 0 : i32
    %c0_i32_0 = arith.constant 0 : i32
    %c0_i32_1 = arith.constant 0 : i32
    return %c0_i32, %c0_i32_0 : i32, i32
  }
  func.func @transform_7(%arg0: i32) -> (i32, i32) {
    %c0_i32 = arith.constant 0 : i32
    %c0_i32_0 = arith.constant 0 : i32
    %c0_i32_1 = arith.constant 0 : i32
    return %c0_i32, %c0_i32_0 : i32, i32
  }
  func.func @transform_8(%arg0: i32) -> (i32, i32) {
    %c0_i32 = arith.constant 0 : i32
    %c0_i32_0 = arith.constant 0 : i32
    %c0_i32_1 = arith.constant 0 : i32
    return %c0_i32, %c0_i32_0 : i32, i32
  }
  func.func @transform_9(%arg0: i32) -> (i32, i32) {
    %c0_i32 = arith.constant 0 : i32
    %c0_i32_0 = arith.constant 0 : i32
    %c0_i32_1 = arith.constant 0 : i32
    return %c0_i32, %c0_i32_0 : i32, i32
  }
  func.func @transform_10(%arg0: i32) -> (i32, i32) {
    %c0_i32 = arith.constant 0 : i32
    %c0_i32_0 = arith.constant 0 : i32
    %c0_i32_1 = arith.constant 0 : i32
    return %c0_i32, %c0_i32_0 : i32, i32
  }
  func.func @transform_11(%arg0: i32) -> (i32, i32) {
    %c0_i32 = arith.constant 0 : i32
    %c0_i32_0 = arith.constant 0 : i32
    %c0_i32_1 = arith.constant 0 : i32
    return %c0_i32, %c0_i32_0 : i32, i32
  }
  func.func @transform_12(%arg0: i32) -> (i32, i32) {
    %c0_i32 = arith.constant 0 : i32
    %c0_i32_0 = arith.constant 0 : i32
    %c0_i32_1 = arith.constant 0 : i32
    return %c0_i32, %c0_i32_0 : i32, i32
  }
}

</mosaic_0001>

<sc_bundles>
// kernel: kernel.12.cloned.1.call-start
scs
__scs_entry_jumppad:
0x0: {  	(pc) =	sbr.rel $0x88, $3  }
0x1: {  	(tag) =	ssettag $0x0;
	lr =	simm.s32 $0x1  }
0x2: {  	[smem:$0x3F8A] =	sst lr;
	_ =	strace $0xD0000000  }
0x3: {  	_ = 	snop  }
0x4: {  	_ = 	snop  }
0x5: {  	_ = 	snop  }
0x6: {  	_ = 	snop  }
0x7: {  	_ = 	snop  }
__scs_overlays_trampoline_lowered:
0x8: {  	[smem:$0x3F99] =	sst s0  }
0x9: {  	[smem:$0x3F9A] =	sst s1  }
0xa: {  	[smem:$0x3F9B] =	sst s2  }
0xb: {  	[smem:$0x3F9C] =	sst s3  }
0xc: {  	[smem:$0x3F9D] =	sst s4  }
0xd: {  	[smem:$0x3F9E] =	sst s5  }
0xe: {  	[smem:$0x3F9F] =	sst s6  }
0xf: {  	[smem:$0x3FA0] =	sst s7  }
0x10: {  	[smem:$0x3FA1] =	sst s8  }
0x11: {  	[smem:$0x3FA2] =	sst s9;
	s0 =	simm.s32 @!p0 $0x0  }
0x12: {  	s1 =	sld [smem:$0x3F88];
	s0 =	simm.s32 @p0 $0x1  }
0x13: {  	[smem:$0x3FA3] =	sst s0;
	s0 =	simm.s32 @!p1 $0x0  }
0x14: {  	s2 =	sld [smem:$0x3F87];
	s0 =	simm.s32 @p1 $0x1  }
0x15: {  	[smem:$0x3FA4] =	sst s0;
	s0 =	simm.s32 @!p2 $0x0  }
0x16: {  	s3 =	sld [smem:$0x3FDB];
	s0 =	simm.s32 @p2 $0x1  }
0x17: {  	s4 =	simm.s32 $0x1BF5;
	[smem:$0x3FA6] =	sst s0  }
0x18: {  	s0 =	sld [smem:$0x3F89];
	_ =	swait.ge [sflag:s4], $0x0  }
0x19: {  	s7 =	sld [smem:$0x3F8A]  }
0x1a: {  	s8 =	sadd.s32 $0xFFFFE003, lr  }
0x1b: {  	s9 =	sadd.s32 $0xFFFFFEF7, lr;
	s5 =	simm.s32 $0xFFFFFFFF;
	p2 =	slt.u32 s8, $0xFFFFF086  }
0x1c: {  	p1 =	slt.u32 s9, $0xF7A;
	s5 =	simm.s32 @!p2 $0x0  }
0x1d: {  	s5 =	simm.s32 @p1 $0x1;
	p0 =	seq.s32 s7, s2  }
0x1e: {  	s7 =	smul.u32 @!p0 $0xF7A, s2;
	p2 =	seq.s32 @!p0 s5, $0x0  }
0x1f: {  	s9 =	smul.u32 $0xF7A, s1;
	s8 =	simm.s32 @!p0 $0x1BF5;
	p2 =	por !p2, p0  }
0x20: {  	[sflag:s8] =	ssyncset.s32 @!p0 $0xFFFFF086;
	s6 =	sadd.s32 @!p0 s3, s7;
	s7 =	simm.s32 @!p0 $0x108  }
0x21: {  	s3 =	sadd.s32 s3, s9;
	s6 =	sadd.s32 @!p0 $0x88, s6;
	s7 =	simm.s32 @p2 $0x1082  }
0x22: {  	[simem:s7], [sflag:s8] =	dma.local @!p0 [hbm:s6], $0xF7A  }
0x23: {  	s9 =	sor.u32 $0xD0000000, s2;
	s6 =	simm.s32 $0x108;
	_ =	swait.ge @!p0 [sflag:s8], $0x0  }
0x24: {  	s3 =	sadd.s32 $0x88, s3;
	s6 =	simm.s32 @!p1 $0x1082;
	[sflag:s4] =	ssyncset.s32 $0xFFFFF086  }
0x25: {  	[simem:s6], [sflag:s4] =	dma.local [hbm:s3], $0xF7A  }
0x26: {  	[smem:$0x3F8A] =	sst s1;
	(tag) =	ssettag s2;
	_ =	strace s9  }
0x27: {  	s1 =	sld [smem:$0x3F9A]  }
0x28: {  	s2 =	sld [smem:$0x3F9B]  }
0x29: {  	s4 =	sld [smem:$0x3F9D]  }
0x2a: {  	p0 =	seq.s32 s5, $0x0;
	s5 =	sld [smem:$0x3F9E]  }
0x2b: {  	s6 =	sld [smem:$0x3F9F]  }
0x2c: {  	s7 =	sld [smem:$0x3FA0]  }
0x2d: {  	s3 =	simm.s32 $0x108;
	s8 =	sld [smem:$0x3FA1]  }
0x2e: {  	s3 =	simm.s32 @!p0 $0x1082;
	s9 =	sld [smem:$0x3FA2]  }
0x2f: {  	lr =	sadd.s32 s0, s3;
	s0 =	sld [smem:$0x3F99]  }
0x30: {  	s3 =	sld [smem:$0x3F9C]  }
0x31: {  	[smem:$0x3FA5] =	sst s10  }
0x32: {  	s10 =	sld [smem:$0x3FA3];
	_ =	sdelay $0x3  }
0x33: {  	p0 =	seq.s32 s10, $0x1;
	s10 =	sld [smem:$0x3FA5];
	_ =	sdelay $0x3  }
0x34: {  	[smem:$0x3FA5] =	sst s10  }
0x35: {  	s10 =	sld [smem:$0x3FA4];
	_ =	sdelay $0x3  }
0x36: {  	p1 =	seq.s32 s10, $0x1;
	s10 =	sld [smem:$0x3FA5];
	_ =	sdelay $0x3  }
0x37: {  	[smem:$0x3FA5] =	sst s10  }
0x38: {  	s10 =	sld [smem:$0x3FA6]  }
0x39: {  	_ = 	snop;
	(pc) =	sbr.ind lr, $3  }
0x3a: {  	_ = 	snop  }
0x3b: {  	_ = 	snop  }
0x3c: {  	p2 =	seq.s32 s10, $0x1;
	s10 =	sld [smem:$0x3FA5]  }
0x3d: {  	_ =	shalt  }
0x3e: {  	_ =	shalt  }
0x3f: {  	_ =	shalt  }
0x40: {  	_ =	shalt  }
0x41: {  	_ =	shalt  }
0x42: {  	_ =	shalt  }
0x43: {  	_ =	shalt  }
0x44: {  	_ =	shalt  }
0x45: {  	_ =	shalt  }
0x46: {  	_ =	shalt  }
0x47: {  	_ =	shalt  }
0x48: {  	_ =	shalt  }
0x49: {  	_ =	shalt  }
0x4a: {  	_ =	shalt  }
0x4b: {  	_ =	shalt  }
0x4c: {  	_ =	shalt  }
0x4d: {  	_ =	shalt  }
0x4e: {  	_ =	shalt  }
0x4f: {  	_ =	shalt  }
0x50: {  	_ =	shalt  }
0x51: {  	_ =	shalt  }
0x52: {  	_ =	shalt  }
0x53: {  	_ =	shalt  }
0x54: {  	_ =	shalt  }
0x55: {  	_ =	shalt  }
0x56: {  	_ =	shalt  }
0x57: {  	_ =	shalt  }
0x58: {  	_ =	shalt  }
0x59: {  	_ =	shalt  }
0x5a: {  	_ =	shalt  }
0x5b: {  	_ =	shalt  }
0x5c: {  	_ =	shalt  }
0x5d: {  	_ =	shalt  }
0x5e: {  	_ =	shalt  }
0x5f: {  	_ =	shalt  }
0x60: {  	_ =	shalt  }
0x61: {  	_ =	shalt  }
0x62: {  	_ =	shalt  }
0x63: {  	_ =	shalt  }
0x64: {  	_ =	shalt  }
0x65: {  	_ =	shalt  }
0x66: {  	_ =	shalt  }
0x67: {  	_ =	shalt  }
0x68: {  	_ =	shalt  }
0x69: {  	_ =	shalt  }
0x6a: {  	_ =	shalt  }
0x6b: {  	_ =	shalt  }
0x6c: {  	_ =	shalt  }
0x6d: {  	_ =	shalt  }
0x6e: {  	_ =	shalt  }
0x6f: {  	_ =	shalt  }
0x70: {  	_ =	shalt  }
0x71: {  	_ =	shalt  }
0x72: {  	_ =	shalt  }
0x73: {  	_ =	shalt  }
0x74: {  	_ =	shalt  }
0x75: {  	_ =	shalt  }
0x76: {  	_ =	shalt  }
0x77: {  	_ =	shalt  }
0x78: {  	_ =	shalt  }
0x79: {  	_ =	shalt  }
0x7a: {  	_ =	shalt  }
0x7b: {  	_ =	shalt  }
0x7c: {  	_ =	shalt  }
0x7d: {  	_ =	shalt  }
0x7e: {  	_ =	shalt  }
0x7f: {  	_ =	shalt  }
0x80: {  	_ =	shalt  }
0x81: {  	_ =	shalt  }
0x82: {  	_ =	shalt  }
0x83: {  	_ =	shalt  }
0x84: {  	_ =	shalt  }
0x85: {  	_ =	shalt  }
0x86: {  	_ =	shalt  }
0x87: {  	_ =	shalt  }
.Lfunc_end0:
.L_simem_size_0:
called_computation.1_lowered:
.L_overlay_start_0:
0x88: {  	s2 =	sld [smem:$0x3FD9]  }
0x89: {  	s3 =	sld [smem:$0x3FFE];
	_ =	sdelay $0x1  }
0x8a: {  	s1 =	srdreg.scid  }
0x8b: {  	s0 =	sand.u32 $0x1, s1  }
0x8c: {  	s16 =	sshll.u32 s0, $0xA;
	s2 =	sadd.s32 s3, s2  }
0x8d: {  	s2 =	sadd.s32 s2, s16  }
0x8e: {  	[smem:$0x3FB1] =	sst s2  }
0x8f: {  	_ = 	snop  }
0x90: {  	(tm) =	ssettm $0x1  }
0x91: {  	s17 =	sld [smem:$0x3FFB];
	_ =	sdelay $0x3  }
0x92: {  	_ =	strace s17  }
0x93: {  	s2 =	sld [smem:$0x3FFC];
	_ =	sdelay $0x3  }
0x94: {  	_ =	strace s2  }
0x95: {  	s2 =	sld [smem:$0x3FFD];
	_ =	sdelay $0x3  }
0x96: {  	_ =	strace s2  }
0x97: {  	_ =	strace $0x8FFFFFFF  }
0x98: {  	s18 =	sld [smem:$0x3FDB];
	_ =	sdelay $0x1  }
0x99: {  	s19 =	simm.s32 $_scs_section_size  }
0x9a: {  	s4 =	simm.s32 $_size__tile_overlayer_lowered;
	s5 =	simm.s32 $_tile_overlayer_lowered  }
0x9b: {  	s22 =	simm.s32 $0x1BFF;
	s21 =	sshll.u32 s5, $0x1;
	s2 =	sadd.s32 s19, s18  }
0x9c: {  	s6 =	simm.s32 $0x0;
	s20 =	sshll.u32 s4, $0x1;
	s4 =	sadd.s32 s21, s2  }
0x9d: {  	[timem:s6], [sflag:s22] =	dma.local [hbm:s4], s20  }
0x9e: {  	_ =	swait.ge [sflag:s22], s20  }
0x9f: {  	s3 =	ssub.s32 $0x0, s20;
	[sflag:s22] =	ssyncset.done $0x0  }
0xa0: {  	[sflag:s22] =	ssyncadd.s32 s3;
	_ =	sdelay $0x1  }
0xa1: {  	s23 =	simm.s32 $0x1B8B  }
0xa2: {  	_ =	swait.ge [sflag:s23], $0x1  }
0xa3: {  	[sflag:s23] =	ssyncset.done $0x0  }
0xa4: {  	s25 =	simm.s32 $0x1B8E;
	s24 =	sld [smem:$0x3FFE];
	[sflag:s23] =	ssyncadd.s32 $0xFFFFFFFF  }
0xa5: {  	s26 =	simm.s32 $execute0_lowered;
	[smem:$0x3FD2] =	sst s25  }
0xa6: {  	s4 =	sshll.u32 s26, $0x1;
	_ =	strace $0x80000049;
	[dreg:$0x1] =	wrdreg $0xFFFFFFFF  }
0xa7: {  	s28 =	simm.s32 $_size_execute0_lowered;
	s2 =	sadd.s32 s2, s4;
	[dreg:$0x0] =	wrdreg $0x0  }
0xa8: {  	s4 =	sshll.u32 s28, $0x1;
	[dreg:$0x2] =	wrdreg s2  }
0xa9: {  	[dreg:$0x3] =	wrdreg s4  }
0xaa: {  	[dreg:$0x4] =	wrdreg $0xC0  }
0xab: {  	_ =	task [dreg:s6], $0x5FFFF  }
0xac: {  	[dreg:$0x1] =	wrdreg $0xFFFFFFFF  }
0xad: {  	[dreg:$0x0] =	wrdreg $0x60  }
0xae: {  	[dreg:$0x2] =	wrdreg s24  }
0xaf: {  	[dreg:$0x3] =	wrdreg $0x120000  }
0xb0: {  	[dreg:$0x4] =	wrdreg $0x9  }
0xb1: {  	_ =	task.clear_ibuf [dreg:s6], $0x5FFFF;
	_ =	strace $0x90000049  }
0xb2: {  	s29 =	simm.s32 $0x9;
	_ =	strace $0x8000004B  }
0xb3: {  	_ =	swait.ge [sflag:s29], $0x1  }
0xb4: {  	[sflag:s29] =	ssyncadd.s32 $0xFFFFFFFF  }
0xb5: {  	_ =	strace $0x9000004B  }
0xb6: {  	_ =	sfence  }
0xb7: {  	s30 =	sld [smem:$0x0];
	_ =	sdelay $0x2  }
0xb8: {  	s31 =	sshll.u32 s1, $0xD;
	s1 =	sshrl.u32 s1, $0x2  }
0xb9: {  	s3 =	sand.u32 $0x4000, s31;
	s1 =	sadd.s32 s1, s30  }
0xba: {  	s0 =	sor.u32 s3, s0;
	s1 =	sshll.u32 s1, $0x11  }
0xbb: {  	s0 =	sor.u32 s1, s0  }
0xbc: {  	s0 =	sadd.s32 $0x8F2B, s0  }
0xbd: {  	[sflag:s0] =	ssyncadd.remote.s32 $0x1  }
0xbe: {  	_ =	sfence.sel $0xFFFF  }
0xbf: {  	[dreg:$0x0] =	wrdreg $0xFFFFFFFF;
	(pc) =	sbr.abs _section_cstart, $3  }
0xc0: {  	[dreg:$0x1] =	wrdreg $0xFFFFFFFF  }
0xc1: {  	_ =	task.clear_ibuf [dreg:s6], $0x2FFFF;
	_ =	strace $0x9FFFFFFF  }
0xc2: {  	(tm) =	ssettm $0x7FFFFFFF  }
0xc3: {  	_ =	shalt  }
tec
execute0_lowered:
.L_overlay_start_1:
0x0: {  	(tag) =	ssettag $0x1  }
0x1: {  	s0 =	rddreg [dreg:$0x0];
	s12 =	stileid.u32  }
0x2: {  	s3 =	srdreg.scid;
	s2 =	rddreg [dreg:$0x1];
	s13 =	simm.s32 $0x9  }
0x3: {  	s14 =	simm.s32 $0x1;
	s15 =	simm.s32 $0x2;
	s16 =	simm.s32 $0x80  }
0x4: {  	s17 =	simm.s32 $0xA000;
	s18 =	simm.s32 $0xB000;
	s20 =	simm.s32 $0xC000  }
0x5: {  	s22 =	simm.s32 $0xD000;
	s29 =	simm.s32 $0x10000;
	s31 =	simm.s32 $0x11000  }
0x6: {  	s19 =	simm.s32 $0x6;
	s21 =	simm.s32 $0x7;
	s1 =	smul.u32 $0xA00, s12  }
0x7: {  	s23 =	simm.s32 $0x8;
	s30 =	simm.s32 $0x0;
	s6 =	smul.u32 $0x5000, s12  }
0x8: {  	s8 =	sand.u32 $0x1, s3;
	s3 =	simm.s32 $0x0;
	s28 =	sshll.u32 s12, $0x6  }
0x9: {  	s12 =	simm.s32 $0xCC00;
	s4 =	smul.u32 $0x50000, s8;
	[smem:$0x7FF] =	sst s3  }
0xa: {  	s7 =	ssub.s32 $0x2, s8;
	p0 =	seq.s32 s8, $0x0;
	_ =	strace $0x8000004A  }
0xb: {  	s1 =	sadd.s32 s1, s0;
	s5 =	sshrl.u32 s6, $0x3;
	s24 =	sshrl.u32 s7, $0x1  }
0xc: {  	s26 =	sadd.s32 s6, s2;
	s12 =	simm.s32 @!p0 $0x2E00;
	s4 =	sadd.s32 s6, s4  }
0xd: {  	s9 =	sadd.s32 s5, s0;
	s11 =	ssub.s32 s7, s24;
	s25 =	sadd.s32 $0x20A00, s1  }
0xe: {  	s5 =	sadd.s32 $0x16A00, s1;
	s7 =	sor.u32 $0x1C09, s28;
	s24 =	simm.s32 $0xE000  }
0xf: {  	s1 =	simm.s32 $0x3;
	s4 =	sshrl.u32 s4, $0x3;
	[dreg:$0x3] =	wrdreg s25  }
0x10: {  	s6 =	sadd.s32 $0x2AA00, s9;
	s9 =	smax.u32 s11, $0x1;
	s10 =	sadd.s32 s4, s0  }
0x11: {  	s11 =	simm.s32 $0x5;
	s8 =	sadd.s32 $0x34A00, s10;
	s10 =	sadd.s32 s12, s0  }
0x12: {  	s12 =	sshrl.u32 s26, $0x3;
	s26 =	simm.s32 $0xF000;
	s0 =	simm.s32 $0x4  }
.LBB2_1:
0x13: {  	s4 =	rddreg [dreg:$0x3]  }
0x14: {  	[tilespmem:s3], [sflag:$0x1] =	stream.linear.gather [hbm4b:s4+s3], $0x5000, $0x38;
	[tilespmem:$0x17000] =	vst v63  }
0x15: {  	s25 =	simm.s32 $0x5000  }
0x16: {  	[tilespmem:s25], [sflag:$0x2] =	stream.linear.gather [hbm4b:s5+s3], $0x5000, $0x38;
	[tilespmem:$0x17000] =	vst v63  }
0x17: {  	[spmem:s12], [sflag:s7] =	dma.local [hbm:s6], $0xA00  }
0x18: {  	_ =	swait.ge [sflag:s13], $0xA00  }
0x19: {  	[sflag:s13] =	ssyncset.done $0x0  }
0x1a: {  	[sflag:s13] =	ssyncadd.s32 $0xFFFFF600  }
0x1b: {  	_ =	swait.ge [sflag:s14], $0x5000  }
0x1c: {  	[sflag:s14] =	ssyncset.done $0x0  }
0x1d: {  	[sflag:s14] =	ssyncadd.s32 $0xFFFFB000  }
0x1e: {  	_ =	swait.ge [sflag:s15], $0x5000  }
0x1f: {  	[sflag:s15] =	ssyncset.done $0x0  }
0x20: {  	[sflag:s15] =	ssyncadd.s32 $0xFFFFB000  }
0x21: {  	[bflag:$0x0] =	sbarrier.arrive $0xFFFF  }
0x22: {  	[tilespmem:s17], [sflag:$0x1] =	stream.indirect.gather [hbm4b:s10+s16], $0x20, s3, s16, $0xb8;
	[tilespmem:$0x17000] =	vst v63  }
0x23: {  	_ = 	snop  }
0x24: {  	[tilespmem:s18], [sflag:$0x2] =	stream.indirect.gather [hbm4b:s10+s16], $0x20, s16, s16, $0xb8;
	[tilespmem:$0x17000] =	vst v63  }
0x25: {  	s25 =	simm.s32 $0x100  }
0x26: {  	[tilespmem:s20], [sflag:$0x3] =	stream.indirect.gather [hbm4b:s10+s16], $0x20, s25, s16, $0xb8;
	[tilespmem:$0x17000] =	vst v63  }
0x27: {  	s25 =	simm.s32 $0x180  }
0x28: {  	[tilespmem:s22], [sflag:$0x4] =	stream.indirect.gather [hbm4b:s10+s16], $0x20, s25, s16, $0xb8;
	[tilespmem:$0x17000] =	vst v63  }
0x29: {  	s25 =	simm.s32 $0x200  }
0x2a: {  	[tilespmem:s24], [sflag:$0x5] =	stream.indirect.gather [hbm4b:s10+s16], $0x20, s25, s16, $0xb8;
	[tilespmem:$0x17000] =	vst v63  }
0x2b: {  	s25 =	simm.s32 $0x280  }
0x2c: {  	[tilespmem:s26], [sflag:$0x6] =	stream.indirect.gather [hbm4b:s10+s16], $0x20, s25, s16, $0xb8;
	[tilespmem:$0x17000] =	vst v63  }
0x2d: {  	s25 =	simm.s32 $0x300  }
0x2e: {  	[tilespmem:s29], [sflag:$0x7] =	stream.indirect.gather [hbm4b:s10+s16], $0x20, s25, s16, $0xb8;
	[tilespmem:$0x17000] =	vst v63  }
0x2f: {  	s25 =	simm.s32 $0x380  }
0x30: {  	[tilespmem:s31], [sflag:$0x8] =	stream.indirect.gather [hbm4b:s10+s16], $0x20, s25, s16, $0xb8;
	[tilespmem:$0x17000] =	vst v63  }
0x31: {  	_ =	swait.ge [sflag:s14], $0x1000  }
0x32: {  	[sflag:s14] =	ssyncset.done $0x0  }
0x33: {  	s25 =	simm.s32 $0x5000;
	[sflag:s14] =	ssyncadd.s32 $0xFFFFF000  }
0x34: {  	[spmem:s2] =	stream.indirect.scatter.add.f32 [tilespmem:s17], [sflag:$0x9], $0x20, s25, s16, $0xb8;
	[tilespmem:$0x17000] =	vst v63  }
0x35: {  	_ =	swait.ge [sflag:s13], $0x1000  }
0x36: {  	[sflag:s13] =	ssyncset.done $0x0  }
0x37: {  	s4 =	simm.s32 $0x400;
	[sflag:s13] =	ssyncadd.s32 $0xFFFFF000  }
0x38: {  	[tilespmem:s17], [sflag:$0x1] =	stream.indirect.gather [hbm4b:s10+s16], $0x20, s4, s16, $0xb8;
	[tilespmem:$0x17000] =	vst v63  }
0x39: {  	_ =	swait.ge [sflag:s15], $0x1000  }
0x3a: {  	[sflag:s15] =	ssyncset.done $0x0  }
0x3b: {  	s4 =	simm.s32 $0x5080;
	[sflag:s15] =	ssyncadd.s32 $0xFFFFF000  }
0x3c: {  	[spmem:s2] =	stream.indirect.scatter.add.f32 [tilespmem:s18], [sflag:$0x9], $0x20, s4, s16, $0xb8;
	[tilespmem:$0x17000] =	vst v63  }
0x3d: {  	_ =	swait.ge [sflag:s13], $0x1000  }
0x3e: {  	[sflag:s13] =	ssyncset.done $0x0  }
0x3f: {  	s4 =	simm.s32 $0x480;
	[sflag:s13] =	ssyncadd.s32 $0xFFFFF000  }
0x40: {  	[tilespmem:s18], [sflag:$0x2] =	stream.indirect.gather [hbm4b:s10+s16], $0x20, s4, s16, $0xb8;
	[tilespmem:$0x17000] =	vst v63  }
0x41: {  	_ =	swait.ge [sflag:s1], $0x1000  }
0x42: {  	[sflag:s1] =	ssyncset.done $0x0  }
0x43: {  	s4 =	simm.s32 $0x5100;
	[sflag:s1] =	ssyncadd.s32 $0xFFFFF000  }
0x44: {  	[spmem:s2] =	stream.indirect.scatter.add.f32 [tilespmem:s20], [sflag:$0x9], $0x20, s4, s16, $0xb8;
	[tilespmem:$0x17000] =	vst v63  }
0x45: {  	_ =	swait.ge [sflag:s13], $0x1000  }
0x46: {  	[sflag:s13] =	ssyncset.done $0x0  }
0x47: {  	s4 =	simm.s32 $0x500;
	[sflag:s13] =	ssyncadd.s32 $0xFFFFF000  }
0x48: {  	[tilespmem:s20], [sflag:$0x3] =	stream.indirect.gather [hbm4b:s10+s16], $0x20, s4, s16, $0xb8;
	[tilespmem:$0x17000] =	vst v63  }
0x49: {  	_ =	swait.ge [sflag:s0], $0x1000  }
0x4a: {  	[sflag:s0] =	ssyncset.done $0x0  }
0x4b: {  	s4 =	simm.s32 $0x5180;
	[sflag:s0] =	ssyncadd.s32 $0xFFFFF000  }
0x4c: {  	[spmem:s2] =	stream.indirect.scatter.add.f32 [tilespmem:s22], [sflag:$0x9], $0x20, s4, s16, $0xb8;
	[tilespmem:$0x17000] =	vst v63  }
0x4d: {  	_ =	swait.ge [sflag:s13], $0x1000  }
0x4e: {  	[sflag:s13] =	ssyncset.done $0x0  }
0x4f: {  	s4 =	simm.s32 $0x580;
	[sflag:s13] =	ssyncadd.s32 $0xFFFFF000  }
0x50: {  	[tilespmem:s22], [sflag:$0x4] =	stream.indirect.gather [hbm4b:s10+s16], $0x20, s4, s16, $0xb8;
	[tilespmem:$0x17000] =	vst v63  }
0x51: {  	_ =	swait.ge [sflag:s11], $0x1000  }
0x52: {  	[sflag:s11] =	ssyncset.done $0x0  }
0x53: {  	s4 =	simm.s32 $0x5200;
	[sflag:s11] =	ssyncadd.s32 $0xFFFFF000  }
0x54: {  	[spmem:s2] =	stream.indirect.scatter.add.f32 [tilespmem:s24], [sflag:$0x9], $0x20, s4, s16, $0xb8;
	[tilespmem:$0x17000] =	vst v63  }
0x55: {  	_ =	swait.ge [sflag:s13], $0x1000  }
0x56: {  	[sflag:s13] =	ssyncset.done $0x0  }
0x57: {  	s4 =	simm.s32 $0x600;
	[sflag:s13] =	ssyncadd.s32 $0xFFFFF000  }
0x58: {  	[tilespmem:s24], [sflag:$0x5] =	stream.indirect.gather [hbm4b:s10+s16], $0x20, s4, s16, $0xb8;
	[tilespmem:$0x17000] =	vst v63  }
0x59: {  	_ =	swait.ge [sflag:s19], $0x1000  }
0x5a: {  	[sflag:s19] =	ssyncset.done $0x0  }
0x5b: {  	s4 =	simm.s32 $0x5280;
	[sflag:s19] =	ssyncadd.s32 $0xFFFFF000  }
0x5c: {  	[spmem:s2] =	stream.indirect.scatter.add.f32 [tilespmem:s26], [sflag:$0x9], $0x20, s4, s16, $0xb8;
	[tilespmem:$0x17000] =	vst v63  }
0x5d: {  	_ =	swait.ge [sflag:s13], $0x1000  }
0x5e: {  	[sflag:s13] =	ssyncset.done $0x0  }
0x5f: {  	s4 =	simm.s32 $0x680;
	[sflag:s13] =	ssyncadd.s32 $0xFFFFF000  }
0x60: {  	[tilespmem:s26], [sflag:$0x6] =	stream.indirect.gather [hbm4b:s10+s16], $0x20, s4, s16, $0xb8;
	[tilespmem:$0x17000] =	vst v63  }
0x61: {  	_ =	swait.ge [sflag:s21], $0x1000  }
0x62: {  	[sflag:s21] =	ssyncset.done $0x0  }
0x63: {  	s4 =	simm.s32 $0x5300;
	[sflag:s21] =	ssyncadd.s32 $0xFFFFF000  }
0x64: {  	[spmem:s2] =	stream.indirect.scatter.add.f32 [tilespmem:s29], [sflag:$0x9], $0x20, s4, s16, $0xb8;
	[tilespmem:$0x17000] =	vst v63  }
0x65: {  	_ =	swait.ge [sflag:s13], $0x1000  }
0x66: {  	[sflag:s13] =	ssyncset.done $0x0  }
0x67: {  	s4 =	simm.s32 $0x700;
	[sflag:s13] =	ssyncadd.s32 $0xFFFFF000  }
0x68: {  	[tilespmem:s29], [sflag:$0x7] =	stream.indirect.gather [hbm4b:s10+s16], $0x20, s4, s16, $0xb8;
	[tilespmem:$0x17000] =	vst v63  }
0x69: {  	_ =	swait.ge [sflag:s23], $0x1000  }
0x6a: {  	[sflag:s23] =	ssyncset.done $0x0  }
0x6b: {  	s4 =	simm.s32 $0x5380;
	[sflag:s23] =	ssyncadd.s32 $0xFFFFF000  }
0x6c: {  	[spmem:s2] =	stream.indirect.scatter.add.f32 [tilespmem:s31], [sflag:$0x9], $0x20, s4, s16, $0xb8;
	[tilespmem:$0x17000] =	vst v63  }
0x6d: {  	_ =	swait.ge [sflag:s13], $0x1000  }
0x6e: {  	[sflag:s13] =	ssyncset.done $0x0  }
0x6f: {  	s28 =	simm.s32 $0x780;
	s25 =	simm.s32 $0x1000;
	[sflag:s13] =	ssyncadd.s32 $0xFFFFF000  }
.LBB2_2:
0x70: {  	[tilespmem:s31], [sflag:$0x8] =	stream.indirect.gather [hbm4b:s10+s16], $0x20, s28, s16, $0xb8;
	[tilespmem:$0x17000] =	vst v63  }
0x71: {  	s28 =	smov.u32 s25  }
0x72: {  	p0 =	sne.s32 s25, $0x12000;
	s25 =	sadd.s32 $0x1000, s25;
	_ =	swait.ge [sflag:s14], $0x1000  }
0x73: {  	s28 =	sshra.s32 s28, $0x2;
	[sflag:s14] =	ssyncset.done $0x0  }
0x74: {  	s4 =	sadd.s32 $0x5000, s28;
	[sflag:s14] =	ssyncadd.s32 $0xFFFFF000  }
0x75: {  	[spmem:s2] =	stream.indirect.scatter.add.f32 [tilespmem:s17], [sflag:$0x9], $0x20, s4, s16, $0xb8;
	[tilespmem:$0x17000] =	vst v63  }
0x76: {  	_ =	swait.ge [sflag:s13], $0x1000  }
0x77: {  	[sflag:s13] =	ssyncset.done $0x0  }
0x78: {  	s4 =	sadd.s32 $0x400, s28;
	[sflag:s13] =	ssyncadd.s32 $0xFFFFF000  }
0x79: {  	[tilespmem:s17], [sflag:$0x1] =	stream.indirect.gather [hbm4b:s10+s16], $0x20, s4, s16, $0xb8;
	[tilespmem:$0x17000] =	vst v63  }
0x7a: {  	_ =	swait.ge [sflag:s15], $0x1000  }
0x7b: {  	[sflag:s15] =	ssyncset.done $0x0  }
0x7c: {  	s4 =	sadd.s32 $0x5080, s28;
	[sflag:s15] =	ssyncadd.s32 $0xFFFFF000  }
0x7d: {  	[spmem:s2] =	stream.indirect.scatter.add.f32 [tilespmem:s18], [sflag:$0x9], $0x20, s4, s16, $0xb8;
	[tilespmem:$0x17000] =	vst v63  }
0x7e: {  	_ =	swait.ge [sflag:s13], $0x1000  }
0x7f: {  	[sflag:s13] =	ssyncset.done $0x0  }
0x80: {  	s4 =	sadd.s32 $0x480, s28;
	[sflag:s13] =	ssyncadd.s32 $0xFFFFF000  }
0x81: {  	[tilespmem:s18], [sflag:$0x2] =	stream.indirect.gather [hbm4b:s10+s16], $0x20, s4, s16, $0xb8;
	[tilespmem:$0x17000] =	vst v63  }
0x82: {  	_ =	swait.ge [sflag:s1], $0x1000  }
0x83: {  	[sflag:s1] =	ssyncset.done $0x0  }
0x84: {  	s4 =	sadd.s32 $0x5100, s28;
	[sflag:s1] =	ssyncadd.s32 $0xFFFFF000  }
0x85: {  	[spmem:s2] =	stream.indirect.scatter.add.f32 [tilespmem:s20], [sflag:$0x9], $0x20, s4, s16, $0xb8;
	[tilespmem:$0x17000] =	vst v63  }
0x86: {  	_ =	swait.ge [sflag:s13], $0x1000  }
0x87: {  	[sflag:s13] =	ssyncset.done $0x0  }
0x88: {  	s4 =	sadd.s32 $0x500, s28;
	[sflag:s13] =	ssyncadd.s32 $0xFFFFF000  }
0x89: {  	[tilespmem:s20], [sflag:$0x3] =	stream.indirect.gather [hbm4b:s10+s16], $0x20, s4, s16, $0xb8;
	[tilespmem:$0x17000] =	vst v63  }
0x8a: {  	_ =	swait.ge [sflag:s0], $0x1000  }
0x8b: {  	[sflag:s0] =	ssyncset.done $0x0  }
0x8c: {  	s4 =	sadd.s32 $0x5180, s28;
	[sflag:s0] =	ssyncadd.s32 $0xFFFFF000  }
0x8d: {  	[spmem:s2] =	stream.indirect.scatter.add.f32 [tilespmem:s22], [sflag:$0x9], $0x20, s4, s16, $0xb8;
	[tilespmem:$0x17000] =	vst v63  }
0x8e: {  	_ =	swait.ge [sflag:s13], $0x1000  }
0x8f: {  	[sflag:s13] =	ssyncset.done $0x0  }
0x90: {  	s4 =	sadd.s32 $0x580, s28;
	[sflag:s13] =	ssyncadd.s32 $0xFFFFF000  }
0x91: {  	[tilespmem:s22], [sflag:$0x4] =	stream.indirect.gather [hbm4b:s10+s16], $0x20, s4, s16, $0xb8;
	[tilespmem:$0x17000] =	vst v63  }
0x92: {  	_ =	swait.ge [sflag:s11], $0x1000  }
0x93: {  	[sflag:s11] =	ssyncset.done $0x0  }
0x94: {  	s4 =	sadd.s32 $0x5200, s28;
	[sflag:s11] =	ssyncadd.s32 $0xFFFFF000  }
0x95: {  	[spmem:s2] =	stream.indirect.scatter.add.f32 [tilespmem:s24], [sflag:$0x9], $0x20, s4, s16, $0xb8;
	[tilespmem:$0x17000] =	vst v63  }
0x96: {  	_ =	swait.ge [sflag:s13], $0x1000  }
0x97: {  	[sflag:s13] =	ssyncset.done $0x0  }
0x98: {  	s4 =	sadd.s32 $0x600, s28;
	[sflag:s13] =	ssyncadd.s32 $0xFFFFF000  }
0x99: {  	[tilespmem:s24], [sflag:$0x5] =	stream.indirect.gather [hbm4b:s10+s16], $0x20, s4, s16, $0xb8;
	[tilespmem:$0x17000] =	vst v63  }
0x9a: {  	_ =	swait.ge [sflag:s19], $0x1000  }
0x9b: {  	[sflag:s19] =	ssyncset.done $0x0  }
0x9c: {  	s4 =	sadd.s32 $0x5280, s28;
	[sflag:s19] =	ssyncadd.s32 $0xFFFFF000  }
0x9d: {  	[spmem:s2] =	stream.indirect.scatter.add.f32 [tilespmem:s26], [sflag:$0x9], $0x20, s4, s16, $0xb8;
	[tilespmem:$0x17000] =	vst v63  }
0x9e: {  	_ =	swait.ge [sflag:s13], $0x1000  }
0x9f: {  	[sflag:s13] =	ssyncset.done $0x0  }
0xa0: {  	s4 =	sadd.s32 $0x680, s28;
	[sflag:s13] =	ssyncadd.s32 $0xFFFFF000  }
0xa1: {  	[tilespmem:s26], [sflag:$0x6] =	stream.indirect.gather [hbm4b:s10+s16], $0x20, s4, s16, $0xb8;
	[tilespmem:$0x17000] =	vst v63  }
0xa2: {  	_ =	swait.ge [sflag:s21], $0x1000  }
0xa3: {  	[sflag:s21] =	ssyncset.done $0x0  }
0xa4: {  	s4 =	sadd.s32 $0x5300, s28;
	[sflag:s21] =	ssyncadd.s32 $0xFFFFF000  }
0xa5: {  	[spmem:s2] =	stream.indirect.scatter.add.f32 [tilespmem:s29], [sflag:$0x9], $0x20, s4, s16, $0xb8;
	[tilespmem:$0x17000] =	vst v63  }
0xa6: {  	_ =	swait.ge [sflag:s13], $0x1000  }
0xa7: {  	[sflag:s13] =	ssyncset.done $0x0  }
0xa8: {  	s4 =	sadd.s32 $0x700, s28;
	[sflag:s13] =	ssyncadd.s32 $0xFFFFF000  }
0xa9: {  	[tilespmem:s29], [sflag:$0x7] =	stream.indirect.gather [hbm4b:s10+s16], $0x20, s4, s16, $0xb8;
	[tilespmem:$0x17000] =	vst v63  }
0xaa: {  	_ =	swait.ge [sflag:s23], $0x1000  }
0xab: {  	[sflag:s23] =	ssyncset.done $0x0  }
.Ltmp0:
0xac: {  	s4 =	sadd.s32 $0x5380, s28;
	[sflag:s23] =	ssyncadd.s32 $0xFFFFF000;
	(pc) =	sbr.rel @p0 .LBB2_2-.Ltmp0, $4  }
0xad: {  	[spmem:s2] =	stream.indirect.scatter.add.f32 [tilespmem:s31], [sflag:$0x9], $0x20, s4, s16, $0xb8;
	[tilespmem:$0x17000] =	vst v63  }
0xae: {  	_ =	swait.ge [sflag:s13], $0x1000  }
0xaf: {  	[sflag:s13] =	ssyncset.done $0x0  }
0xb0: {  	s28 =	sadd.s32 $0x780, s28;
	[sflag:s13] =	ssyncadd.s32 $0xFFFFF000  }
0xb1: {  	[tilespmem:s31], [sflag:$0x8] =	stream.indirect.gather [hbm4b:s10+s16], $0x20, s28, s16, $0xb8;
	[tilespmem:$0x17000] =	vst v63  }
0xb2: {  	_ =	swait.ge [sflag:s14], $0x1000  }
0xb3: {  	[sflag:s14] =	ssyncset.done $0x0  }
0xb4: {  	s4 =	simm.s32 $0x9C00;
	[sflag:s14] =	ssyncadd.s32 $0xFFFFF000  }
0xb5: {  	[spmem:s2] =	stream.indirect.scatter.add.f32 [tilespmem:s17], [sflag:$0x9], $0x20, s4, s16, $0xb8;
	[tilespmem:$0x17000] =	vst v63  }
0xb6: {  	_ =	swait.ge [sflag:s13], $0x1000  }
0xb7: {  	[sflag:s13] =	ssyncset.done $0x0  }
0xb8: {  	[sflag:s13] =	ssyncadd.s32 $0xFFFFF000  }
0xb9: {  	_ =	swait.ge [sflag:s15], $0x1000  }
0xba: {  	[sflag:s15] =	ssyncset.done $0x0  }
0xbb: {  	s28 =	simm.s32 $0x9C80;
	[sflag:s15] =	ssyncadd.s32 $0xFFFFF000  }
0xbc: {  	[spmem:s2] =	stream.indirect.scatter.add.f32 [tilespmem:s18], [sflag:$0x9], $0x20, s28, s16, $0xb8;
	[tilespmem:$0x17000] =	vst v63  }
0xbd: {  	_ =	swait.ge [sflag:s13], $0x1000  }
0xbe: {  	[sflag:s13] =	ssyncset.done $0x0  }
0xbf: {  	[sflag:s13] =	ssyncadd.s32 $0xFFFFF000  }
0xc0: {  	_ =	swait.ge [sflag:s1], $0x1000  }
0xc1: {  	[sflag:s1] =	ssyncset.done $0x0  }
0xc2: {  	s25 =	simm.s32 $0x9D00;
	[sflag:s1] =	ssyncadd.s32 $0xFFFFF000  }
0xc3: {  	[spmem:s2] =	stream.indirect.scatter.add.f32 [tilespmem:s20], [sflag:$0x9], $0x20, s25, s16, $0xb8;
	[tilespmem:$0x17000] =	vst v63  }
0xc4: {  	_ =	swait.ge [sflag:s13], $0x1000  }
0xc5: {  	[sflag:s13] =	ssyncset.done $0x0  }
0xc6: {  	[sflag:s13] =	ssyncadd.s32 $0xFFFFF000  }
0xc7: {  	_ =	swait.ge [sflag:s0], $0x1000  }
0xc8: {  	[sflag:s0] =	ssyncset.done $0x0  }
0xc9: {  	s28 =	simm.s32 $0x9D80;
	[sflag:s0] =	ssyncadd.s32 $0xFFFFF000  }
0xca: {  	[spmem:s2] =	stream.indirect.scatter.add.f32 [tilespmem:s22], [sflag:$0x9], $0x20, s28, s16, $0xb8;
	[tilespmem:$0x17000] =	vst v63  }
0xcb: {  	_ =	swait.ge [sflag:s13], $0x1000  }
0xcc: {  	[sflag:s13] =	ssyncset.done $0x0  }
0xcd: {  	[sflag:s13] =	ssyncadd.s32 $0xFFFFF000  }
0xce: {  	_ =	swait.ge [sflag:s11], $0x1000  }
0xcf: {  	[sflag:s11] =	ssyncset.done $0x0  }
0xd0: {  	s25 =	simm.s32 $0x9E00;
	[sflag:s11] =	ssyncadd.s32 $0xFFFFF000  }
0xd1: {  	[spmem:s2] =	stream.indirect.scatter.add.f32 [tilespmem:s24], [sflag:$0x9], $0x20, s25, s16, $0xb8;
	[tilespmem:$0x17000] =	vst v63  }
0xd2: {  	_ =	swait.ge [sflag:s13], $0x1000  }
0xd3: {  	[sflag:s13] =	ssyncset.done $0x0  }
0xd4: {  	[sflag:s13] =	ssyncadd.s32 $0xFFFFF000  }
0xd5: {  	_ =	swait.ge [sflag:s19], $0x1000  }
0xd6: {  	[sflag:s19] =	ssyncset.done $0x0  }
0xd7: {  	s28 =	simm.s32 $0x9E80;
	[sflag:s19] =	ssyncadd.s32 $0xFFFFF000  }
0xd8: {  	[spmem:s2] =	stream.indirect.scatter.add.f32 [tilespmem:s26], [sflag:$0x9], $0x20, s28, s16, $0xb8;
	[tilespmem:$0x17000] =	vst v63  }
0xd9: {  	_ =	swait.ge [sflag:s13], $0x1000  }
0xda: {  	[sflag:s13] =	ssyncset.done $0x0  }
0xdb: {  	[sflag:s13] =	ssyncadd.s32 $0xFFFFF000  }
0xdc: {  	_ =	swait.ge [sflag:s21], $0x1000  }
0xdd: {  	[sflag:s21] =	ssyncset.done $0x0  }
0xde: {  	s25 =	simm.s32 $0x9F00;
	[sflag:s21] =	ssyncadd.s32 $0xFFFFF000  }
0xdf: {  	[spmem:s2] =	stream.indirect.scatter.add.f32 [tilespmem:s29], [sflag:$0x9], $0x20, s25, s16, $0xb8;
	[tilespmem:$0x17000] =	vst v63  }
0xe0: {  	_ =	swait.ge [sflag:s13], $0x1000  }
0xe1: {  	[sflag:s13] =	ssyncset.done $0x0  }
0xe2: {  	[sflag:s13] =	ssyncadd.s32 $0xFFFFF000  }
0xe3: {  	_ =	swait.ge [sflag:s23], $0x1000  }
0xe4: {  	[sflag:s23] =	ssyncset.done $0x0  }
0xe5: {  	s28 =	simm.s32 $0x9F80;
	[sflag:s23] =	ssyncadd.s32 $0xFFFFF000  }
0xe6: {  	[spmem:s2] =	stream.indirect.scatter.add.f32 [tilespmem:s31], [sflag:$0x9], $0x20, s28, s16, $0xb8;
	[tilespmem:$0x17000] =	vst v63  }
0xe7: {  	_ =	swait.ge [sflag:s13], $0x1000  }
0xe8: {  	s30 =	sadd.s32 $0x1, s30;
	[sflag:s13] =	ssyncset.done $0x0  }
0xe9: {  	p0 =	sne.s32 s30, s9;
	[sflag:s13] =	ssyncadd.s32 $0xFFFFF000  }
.Ltmp1:
0xea: {  	[bflag:$0x0] =	sbarrier.arrive $0xFFFF;
	(pc) =	sbr.rel @p0 .LBB2_1-.Ltmp1, $4  }
0xeb: {  	[hbm:s8], [sflag:s7] =	dma.local [spmem:s12], $0xA00  }
0xec: {  	_ =	swait.ge [sflag:s13], $0xA00  }
0xed: {  	[sflag:s13] =	ssyncset.done $0x0  }
0xee: {  	[sflag:s13] =	ssyncadd.s32 $0xFFFFF600  }
0xef: {  	_ =	sfence.sel $0x180000  }
0xf0: {  	[bflag:$0x0] =	sbarrier.arrive $0xFFFF  }
0xf1: {  	_ =	strace $0x9000004A  }
0xf2: {  	s0 =	stileid.u32;
	[bflag:$0x2] =	sbarrier.arrive $0xFFFF  }
0xf3: {  	p0 =	sne.s32 s0, $0x0;
	s0 =	rddreg [dreg:$0x2]  }
0xf4: {  	s0 =	sadd.s32 @!p0 $0x100000, s0  }
0xf5: {  	[sflag:s0] =	ssyncadd.tile.s32 @!p0 $0x1;
	_ =	shalt  }
.Lfunc_end2:
_tile_overlayer_lowered:
.L_overlay_start_2:
0xf6: {  	(tag) =	ssettag $0x2  }
0xf7: {  	s0 =	rddreg [dreg:$0x0];
	s2 =	stileid.u32  }
0xf8: {  	s1 =	rddreg [dreg:$0x1];
	p0 =	sne.s32 s2, $0x0  }
0xf9: {  	s3 =	rddreg [dreg:$0x2];
	[bflag:$0x3] =	sbarrier.arrive $0xFFFF;
	s2 =	simm.s32 @!p0 $0x1C09  }
0xfa: {  	[timem:s3], [sflag:s2] =	dma.local @!p0 [hbm:s0], s1  }
0xfb: {  	s0 =	simm.s32 @!p0 $0x9  }
0xfc: {  	_ =	swait.ge @!p0 [sflag:s0], s1  }
0xfd: {  	s1 =	ssub.s32 @!p0 $0x0, s1;
	[sflag:s0] =	ssyncset.done @!p0 $0x0  }
0xfe: {  	[sflag:s0] =	ssyncadd.s32 @!p0 s1  }
0xff: {  	[bflag:$0x3] =	sbarrier.arrive $0xFFFF  }
0x100: {  	_ =	shalt  }

// kernel: kernel.15.cloned.1.call-start
scs
__scs_entry_jumppad:
0x0: {  	(pc) =	sbr.rel $0x88, $3  }
0x1: {  	(tag) =	ssettag $0x0;
	lr =	simm.s32 $0x1  }
0x2: {  	[smem:$0x3F8A] =	sst lr;
	_ =	strace $0xD0000000  }
0x3: {  	_ = 	snop  }
0x4: {  	_ = 	snop  }
0x5: {  	_ = 	snop  }
0x6: {  	_ = 	snop  }
0x7: {  	_ = 	snop  }
__scs_overlays_trampoline_lowered:
0x8: {  	[smem:$0x3F99] =	sst s0  }
0x9: {  	[smem:$0x3F9A] =	sst s1  }
0xa: {  	[smem:$0x3F9B] =	sst s2  }
0xb: {  	[smem:$0x3F9C] =	sst s3  }
0xc: {  	[smem:$0x3F9D] =	sst s4  }
0xd: {  	[smem:$0x3F9E] =	sst s5  }
0xe: {  	[smem:$0x3F9F] =	sst s6  }
0xf: {  	[smem:$0x3FA0] =	sst s7  }
0x10: {  	[smem:$0x3FA1] =	sst s8  }
0x11: {  	[smem:$0x3FA2] =	sst s9;
	s0 =	simm.s32 @!p0 $0x0  }
0x12: {  	s1 =	sld [smem:$0x3F88];
	s0 =	simm.s32 @p0 $0x1  }
0x13: {  	[smem:$0x3FA3] =	sst s0;
	s0 =	simm.s32 @!p1 $0x0  }
0x14: {  	s2 =	sld [smem:$0x3F87];
	s0 =	simm.s32 @p1 $0x1  }
0x15: {  	[smem:$0x3FA4] =	sst s0;
	s0 =	simm.s32 @!p2 $0x0  }
0x16: {  	s3 =	sld [smem:$0x3FDB];
	s0 =	simm.s32 @p2 $0x1  }
0x17: {  	s4 =	simm.s32 $0x1BF5;
	[smem:$0x3FA6] =	sst s0  }
0x18: {  	s0 =	sld [smem:$0x3F89];
	_ =	swait.ge [sflag:s4], $0x0  }
0x19: {  	s7 =	sld [smem:$0x3F8A]  }
0x1a: {  	s8 =	sadd.s32 $0xFFFFE003, lr  }
0x1b: {  	s9 =	sadd.s32 $0xFFFFFEF7, lr;
	s5 =	simm.s32 $0xFFFFFFFF;
	p2 =	slt.u32 s8, $0xFFFFF086  }
0x1c: {  	p1 =	slt.u32 s9, $0xF7A;
	s5 =	simm.s32 @!p2 $0x0  }
0x1d: {  	s5 =	simm.s32 @p1 $0x1;
	p0 =	seq.s32 s7, s2  }
0x1e: {  	s7 =	smul.u32 @!p0 $0xF7A, s2;
	p2 =	seq.s32 @!p0 s5, $0x0  }
0x1f: {  	s9 =	smul.u32 $0xF7A, s1;
	s8 =	simm.s32 @!p0 $0x1BF5;
	p2 =	por !p2, p0  }
0x20: {  	[sflag:s8] =	ssyncset.s32 @!p0 $0xFFFFF086;
	s6 =	sadd.s32 @!p0 s3, s7;
	s7 =	simm.s32 @!p0 $0x108  }
0x21: {  	s3 =	sadd.s32 s3, s9;
	s6 =	sadd.s32 @!p0 $0x88, s6;
	s7 =	simm.s32 @p2 $0x1082  }
0x22: {  	[simem:s7], [sflag:s8] =	dma.local @!p0 [hbm:s6], $0xF7A  }
0x23: {  	s9 =	sor.u32 $0xD0000000, s2;
	s6 =	simm.s32 $0x108;
	_ =	swait.ge @!p0 [sflag:s8], $0x0  }
0x24: {  	s3 =	sadd.s32 $0x88, s3;
	s6 =	simm.s32 @!p1 $0x1082;
	[sflag:s4] =	ssyncset.s32 $0xFFFFF086  }
0x25: {  	[simem:s6], [sflag:s4] =	dma.local [hbm:s3], $0xF7A  }
0x26: {  	[smem:$0x3F8A] =	sst s1;
	(tag) =	ssettag s2;
	_ =	strace s9  }
0x27: {  	s1 =	sld [smem:$0x3F9A]  }
0x28: {  	s2 =	sld [smem:$0x3F9B]  }
0x29: {  	s4 =	sld [smem:$0x3F9D]  }
0x2a: {  	p0 =	seq.s32 s5, $0x0;
	s5 =	sld [smem:$0x3F9E]  }
0x2b: {  	s6 =	sld [smem:$0x3F9F]  }
0x2c: {  	s7 =	sld [smem:$0x3FA0]  }
0x2d: {  	s3 =	simm.s32 $0x108;
	s8 =	sld [smem:$0x3FA1]  }
0x2e: {  	s3 =	simm.s32 @!p0 $0x1082;
	s9 =	sld [smem:$0x3FA2]  }
0x2f: {  	lr =	sadd.s32 s0, s3;
	s0 =	sld [smem:$0x3F99]  }
0x30: {  	s3 =	sld [smem:$0x3F9C]  }
0x31: {  	[smem:$0x3FA5] =	sst s10  }
0x32: {  	s10 =	sld [smem:$0x3FA3];
	_ =	sdelay $0x3  }
0x33: {  	p0 =	seq.s32 s10, $0x1;
	s10 =	sld [smem:$0x3FA5];
	_ =	sdelay $0x3  }
0x34: {  	[smem:$0x3FA5] =	sst s10  }
0x35: {  	s10 =	sld [smem:$0x3FA4];
	_ =	sdelay $0x3  }
0x36: {  	p1 =	seq.s32 s10, $0x1;
	s10 =	sld [smem:$0x3FA5];
	_ =	sdelay $0x3  }
0x37: {  	[smem:$0x3FA5] =	sst s10  }
0x38: {  	s10 =	sld [smem:$0x3FA6]  }
0x39: {  	_ = 	snop;
	(pc) =	sbr.ind lr, $3  }
0x3a: {  	_ = 	snop  }
0x3b: {  	_ = 	snop  }
0x3c: {  	p2 =	seq.s32 s10, $0x1;
	s10 =	sld [smem:$0x3FA5]  }
0x3d: {  	_ =	shalt  }
0x3e: {  	_ =	shalt  }
0x3f: {  	_ =	shalt  }
0x40: {  	_ =	shalt  }
0x41: {  	_ =	shalt  }
0x42: {  	_ =	shalt  }
0x43: {  	_ =	shalt  }
0x44: {  	_ =	shalt  }
0x45: {  	_ =	shalt  }
0x46: {  	_ =	shalt  }
0x47: {  	_ =	shalt  }
0x48: {  	_ =	shalt  }
0x49: {  	_ =	shalt  }
0x4a: {  	_ =	shalt  }
0x4b: {  	_ =	shalt  }
0x4c: {  	_ =	shalt  }
0x4d: {  	_ =	shalt  }
0x4e: {  	_ =	shalt  }
0x4f: {  	_ =	shalt  }
0x50: {  	_ =	shalt  }
0x51: {  	_ =	shalt  }
0x52: {  	_ =	shalt  }
0x53: {  	_ =	shalt  }
0x54: {  	_ =	shalt  }
0x55: {  	_ =	shalt  }
0x56: {  	_ =	shalt  }
0x57: {  	_ =	shalt  }
0x58: {  	_ =	shalt  }
0x59: {  	_ =	shalt  }
0x5a: {  	_ =	shalt  }
0x5b: {  	_ =	shalt  }
0x5c: {  	_ =	shalt  }
0x5d: {  	_ =	shalt  }
0x5e: {  	_ =	shalt  }
0x5f: {  	_ =	shalt  }
0x60: {  	_ =	shalt  }
0x61: {  	_ =	shalt  }
0x62: {  	_ =	shalt  }
0x63: {  	_ =	shalt  }
0x64: {  	_ =	shalt  }
0x65: {  	_ =	shalt  }
0x66: {  	_ =	shalt  }
0x67: {  	_ =	shalt  }
0x68: {  	_ =	shalt  }
0x69: {  	_ =	shalt  }
0x6a: {  	_ =	shalt  }
0x6b: {  	_ =	shalt  }
0x6c: {  	_ =	shalt  }
0x6d: {  	_ =	shalt  }
0x6e: {  	_ =	shalt  }
0x6f: {  	_ =	shalt  }
0x70: {  	_ =	shalt  }
0x71: {  	_ =	shalt  }
0x72: {  	_ =	shalt  }
0x73: {  	_ =	shalt  }
0x74: {  	_ =	shalt  }
0x75: {  	_ =	shalt  }
0x76: {  	_ =	shalt  }
0x77: {  	_ =	shalt  }
0x78: {  	_ =	shalt  }
0x79: {  	_ =	shalt  }
0x7a: {  	_ =	shalt  }
0x7b: {  	_ =	shalt  }
0x7c: {  	_ =	shalt  }
0x7d: {  	_ =	shalt  }
0x7e: {  	_ =	shalt  }
0x7f: {  	_ =	shalt  }
0x80: {  	_ =	shalt  }
0x81: {  	_ =	shalt  }
0x82: {  	_ =	shalt  }
0x83: {  	_ =	shalt  }
0x84: {  	_ =	shalt  }
0x85: {  	_ =	shalt  }
0x86: {  	_ =	shalt  }
0x87: {  	_ =	shalt  }
.Lfunc_end0:
.L_simem_size_0:
called_computation.2_lowered:
.L_overlay_start_0:
0x88: {  	s2 =	sld [smem:$0x3FD9]  }
0x89: {  	s3 =	sld [smem:$0x3FFE];
	_ =	sdelay $0x1  }
0x8a: {  	s1 =	srdreg.scid  }
0x8b: {  	s0 =	sand.u32 $0x1, s1  }
0x8c: {  	s16 =	sshll.u32 s0, $0xA;
	s2 =	sadd.s32 s3, s2  }
0x8d: {  	s2 =	sadd.s32 s2, s16  }
0x8e: {  	[smem:$0x3FB1] =	sst s2  }
0x8f: {  	_ = 	snop  }
0x90: {  	(tm) =	ssettm $0x1  }
0x91: {  	s17 =	sld [smem:$0x3FFB];
	_ =	sdelay $0x3  }
0x92: {  	_ =	strace s17  }
0x93: {  	s2 =	sld [smem:$0x3FFC];
	_ =	sdelay $0x3  }
0x94: {  	_ =	strace s2  }
0x95: {  	s2 =	sld [smem:$0x3FFD];
	_ =	sdelay $0x3  }
0x96: {  	_ =	strace s2  }
0x97: {  	_ =	strace $0x8FFFFFFF  }
0x98: {  	s18 =	sld [smem:$0x3FDB];
	_ =	sdelay $0x1  }
0x99: {  	s19 =	simm.s32 $_scs_section_size  }
0x9a: {  	s4 =	simm.s32 $_size__tile_overlayer_lowered;
	s5 =	simm.s32 $_tile_overlayer_lowered  }
0x9b: {  	s22 =	simm.s32 $0x1BFF;
	s21 =	sshll.u32 s5, $0x1;
	s2 =	sadd.s32 s19, s18  }
0x9c: {  	s6 =	simm.s32 $0x0;
	s20 =	sshll.u32 s4, $0x1;
	s4 =	sadd.s32 s21, s2  }
0x9d: {  	[timem:s6], [sflag:s22] =	dma.local [hbm:s4], s20  }
0x9e: {  	_ =	swait.ge [sflag:s22], s20  }
0x9f: {  	s3 =	ssub.s32 $0x0, s20;
	[sflag:s22] =	ssyncset.done $0x0  }
0xa0: {  	[sflag:s22] =	ssyncadd.s32 s3;
	_ =	sdelay $0x1  }
0xa1: {  	s23 =	simm.s32 $0x1B8B  }
0xa2: {  	_ =	swait.ge [sflag:s23], $0x1  }
0xa3: {  	[sflag:s23] =	ssyncset.done $0x0  }
0xa4: {  	s25 =	simm.s32 $0x1B8E;
	s24 =	sld [smem:$0x3FFE];
	[sflag:s23] =	ssyncadd.s32 $0xFFFFFFFF  }
0xa5: {  	s26 =	simm.s32 $execute0_lowered;
	[smem:$0x3FD2] =	sst s25  }
0xa6: {  	s4 =	sshll.u32 s26, $0x1;
	_ =	strace $0x8000004C;
	[dreg:$0x1] =	wrdreg $0xFFFFFFFF  }
0xa7: {  	s28 =	simm.s32 $_size_execute0_lowered;
	s2 =	sadd.s32 s2, s4;
	[dreg:$0x0] =	wrdreg $0x0  }
0xa8: {  	s4 =	sshll.u32 s28, $0x1;
	[dreg:$0x2] =	wrdreg s2  }
0xa9: {  	[dreg:$0x3] =	wrdreg s4  }
0xaa: {  	[dreg:$0x4] =	wrdreg $0xC0  }
0xab: {  	_ =	task [dreg:s6], $0x5FFFF  }
0xac: {  	[dreg:$0x1] =	wrdreg $0xFFFFFFFF  }
0xad: {  	[dreg:$0x0] =	wrdreg $0x60  }
0xae: {  	[dreg:$0x2] =	wrdreg s24  }
0xaf: {  	[dreg:$0x3] =	wrdreg $0x120000  }
0xb0: {  	[dreg:$0x4] =	wrdreg $0x9  }
0xb1: {  	_ =	task.clear_ibuf [dreg:s6], $0x5FFFF;
	_ =	strace $0x9000004C  }
0xb2: {  	s29 =	simm.s32 $0x9;
	_ =	strace $0x8000004E  }
0xb3: {  	_ =	swait.ge [sflag:s29], $0x1  }
0xb4: {  	[sflag:s29] =	ssyncadd.s32 $0xFFFFFFFF  }
0xb5: {  	_ =	strace $0x9000004E  }
0xb6: {  	_ =	sfence  }
0xb7: {  	s30 =	sld [smem:$0x0];
	_ =	sdelay $0x2  }
0xb8: {  	s31 =	sshll.u32 s1, $0xD;
	s1 =	sshrl.u32 s1, $0x2  }
0xb9: {  	s3 =	sand.u32 $0x4000, s31;
	s1 =	sadd.s32 s1, s30  }
0xba: {  	s0 =	sor.u32 s3, s0;
	s1 =	sshll.u32 s1, $0x11  }
0xbb: {  	s0 =	sor.u32 s1, s0  }
0xbc: {  	s0 =	sadd.s32 $0x8F2B, s0  }
0xbd: {  	[sflag:s0] =	ssyncadd.remote.s32 $0x1  }
0xbe: {  	_ =	sfence.sel $0xFFFF  }
0xbf: {  	[dreg:$0x0] =	wrdreg $0xFFFFFFFF;
	(pc) =	sbr.abs _section_cstart, $3  }
0xc0: {  	[dreg:$0x1] =	wrdreg $0xFFFFFFFF  }
0xc1: {  	_ =	task.clear_ibuf [dreg:s6], $0x2FFFF;
	_ =	strace $0x9FFFFFFF  }
0xc2: {  	(tm) =	ssettm $0x7FFFFFFF  }
0xc3: {  	_ =	shalt  }
tec
execute0_lowered:
.L_overlay_start_1:
0x0: {  	(tag) =	ssettag $0x1  }
0x1: {  	s0 =	rddreg [dreg:$0x0];
	s12 =	stileid.u32  }
0x2: {  	s3 =	srdreg.scid;
	s2 =	rddreg [dreg:$0x1];
	s13 =	simm.s32 $0x9  }
0x3: {  	s14 =	simm.s32 $0x1;
	s15 =	simm.s32 $0x2;
	s16 =	simm.s32 $0x80  }
0x4: {  	s17 =	simm.s32 $0xA000;
	s18 =	simm.s32 $0xB000;
	s20 =	simm.s32 $0xC000  }
0x5: {  	s22 =	simm.s32 $0xD000;
	s29 =	simm.s32 $0x10000;
	s31 =	simm.s32 $0x11000  }
0x6: {  	s19 =	simm.s32 $0x6;
	s21 =	simm.s32 $0x7;
	s1 =	smul.u32 $0xA00, s12  }
0x7: {  	s23 =	simm.s32 $0x8;
	s30 =	simm.s32 $0x0;
	s6 =	smul.u32 $0x5000, s12  }
0x8: {  	s8 =	sand.u32 $0x1, s3;
	s3 =	simm.s32 $0x0;
	s28 =	sshll.u32 s12, $0x6  }
0x9: {  	s12 =	simm.s32 $0xCC00;
	s4 =	smul.u32 $0x50000, s8;
	[smem:$0x7FF] =	sst s3  }
0xa: {  	s7 =	ssub.s32 $0x2, s8;
	p0 =	seq.s32 s8, $0x0;
	_ =	strace $0x8000004D  }
0xb: {  	s1 =	sadd.s32 s1, s0;
	s5 =	sshrl.u32 s6, $0x3;
	s24 =	sshrl.u32 s7, $0x1  }
0xc: {  	s26 =	sadd.s32 s6, s2;
	s12 =	simm.s32 @!p0 $0x2E00;
	s4 =	sadd.s32 s6, s4  }
0xd: {  	s9 =	sadd.s32 s5, s0;
	s11 =	ssub.s32 s7, s24;
	s25 =	sadd.s32 $0x20A00, s1  }
0xe: {  	s5 =	sadd.s32 $0x16A00, s1;
	s7 =	sor.u32 $0x1C09, s28;
	s24 =	simm.s32 $0xE000  }
0xf: {  	s1 =	simm.s32 $0x3;
	s4 =	sshrl.u32 s4, $0x3;
	[dreg:$0x3] =	wrdreg s25  }
0x10: {  	s6 =	sadd.s32 $0x2AA00, s9;
	s9 =	smax.u32 s11, $0x1;
	s10 =	sadd.s32 s4, s0  }
0x11: {  	s11 =	simm.s32 $0x5;
	s8 =	sadd.s32 $0x34A00, s10;
	s10 =	sadd.s32 s12, s0  }
0x12: {  	s12 =	sshrl.u32 s26, $0x3;
	s26 =	simm.s32 $0xF000;
	s0 =	simm.s32 $0x4  }
.LBB2_1:
0x13: {  	s4 =	rddreg [dreg:$0x3]  }
0x14: {  	[tilespmem:s3], [sflag:$0x1] =	stream.linear.gather [hbm4b:s4+s3], $0x5000, $0x38;
	[tilespmem:$0x17000] =	vst v63  }
0x15: {  	s25 =	simm.s32 $0x5000  }
0x16: {  	[tilespmem:s25], [sflag:$0x2] =	stream.linear.gather [hbm4b:s5+s3], $0x5000, $0x38;
	[tilespmem:$0x17000] =	vst v63  }
0x17: {  	[spmem:s12], [sflag:s7] =	dma.local [hbm:s6], $0xA00  }
0x18: {  	_ =	swait.ge [sflag:s13], $0xA00  }
0x19: {  	[sflag:s13] =	ssyncset.done $0x0  }
0x1a: {  	[sflag:s13] =	ssyncadd.s32 $0xFFFFF600  }
0x1b: {  	_ =	swait.ge [sflag:s14], $0x5000  }
0x1c: {  	[sflag:s14] =	ssyncset.done $0x0  }
0x1d: {  	[sflag:s14] =	ssyncadd.s32 $0xFFFFB000  }
0x1e: {  	_ =	swait.ge [sflag:s15], $0x5000  }
0x1f: {  	[sflag:s15] =	ssyncset.done $0x0  }
0x20: {  	[sflag:s15] =	ssyncadd.s32 $0xFFFFB000  }
0x21: {  	[bflag:$0x0] =	sbarrier.arrive $0xFFFF  }
0x22: {  	[tilespmem:s17], [sflag:$0x1] =	stream.indirect.gather [hbm4b:s10+s16], $0x20, s3, s16, $0xb8;
	[tilespmem:$0x17000] =	vst v63  }
0x23: {  	_ = 	snop  }
0x24: {  	[tilespmem:s18], [sflag:$0x2] =	stream.indirect.gather [hbm4b:s10+s16], $0x20, s16, s16, $0xb8;
	[tilespmem:$0x17000] =	vst v63  }
0x25: {  	s25 =	simm.s32 $0x100  }
0x26: {  	[tilespmem:s20], [sflag:$0x3] =	stream.indirect.gather [hbm4b:s10+s16], $0x20, s25, s16, $0xb8;
	[tilespmem:$0x17000] =	vst v63  }
0x27: {  	s25 =	simm.s32 $0x180  }
0x28: {  	[tilespmem:s22], [sflag:$0x4] =	stream.indirect.gather [hbm4b:s10+s16], $0x20, s25, s16, $0xb8;
	[tilespmem:$0x17000] =	vst v63  }
0x29: {  	s25 =	simm.s32 $0x200  }
0x2a: {  	[tilespmem:s24], [sflag:$0x5] =	stream.indirect.gather [hbm4b:s10+s16], $0x20, s25, s16, $0xb8;
	[tilespmem:$0x17000] =	vst v63  }
0x2b: {  	s25 =	simm.s32 $0x280  }
0x2c: {  	[tilespmem:s26], [sflag:$0x6] =	stream.indirect.gather [hbm4b:s10+s16], $0x20, s25, s16, $0xb8;
	[tilespmem:$0x17000] =	vst v63  }
0x2d: {  	s25 =	simm.s32 $0x300  }
0x2e: {  	[tilespmem:s29], [sflag:$0x7] =	stream.indirect.gather [hbm4b:s10+s16], $0x20, s25, s16, $0xb8;
	[tilespmem:$0x17000] =	vst v63  }
0x2f: {  	s25 =	simm.s32 $0x380  }
0x30: {  	[tilespmem:s31], [sflag:$0x8] =	stream.indirect.gather [hbm4b:s10+s16], $0x20, s25, s16, $0xb8;
	[tilespmem:$0x17000] =	vst v63  }
0x31: {  	_ =	swait.ge [sflag:s14], $0x1000  }
0x32: {  	[sflag:s14] =	ssyncset.done $0x0  }
0x33: {  	s25 =	simm.s32 $0x5000;
	[sflag:s14] =	ssyncadd.s32 $0xFFFFF000  }
0x34: {  	[spmem:s2] =	stream.indirect.scatter.add.f32 [tilespmem:s17], [sflag:$0x9], $0x20, s25, s16, $0xb8;
	[tilespmem:$0x17000] =	vst v63  }
0x35: {  	_ =	swait.ge [sflag:s13], $0x1000  }
0x36: {  	[sflag:s13] =	ssyncset.done $0x0  }
0x37: {  	s4 =	simm.s32 $0x400;
	[sflag:s13] =	ssyncadd.s32 $0xFFFFF000  }
0x38: {  	[tilespmem:s17], [sflag:$0x1] =	stream.indirect.gather [hbm4b:s10+s16], $0x20, s4, s16, $0xb8;
	[tilespmem:$0x17000] =	vst v63  }
0x39: {  	_ =	swait.ge [sflag:s15], $0x1000  }
0x3a: {  	[sflag:s15] =	ssyncset.done $0x0  }
0x3b: {  	s4 =	simm.s32 $0x5080;
	[sflag:s15] =	ssyncadd.s32 $0xFFFFF000  }
0x3c: {  	[spmem:s2] =	stream.indirect.scatter.add.f32 [tilespmem:s18], [sflag:$0x9], $0x20, s4, s16, $0xb8;
	[tilespmem:$0x17000] =	vst v63  }
0x3d: {  	_ =	swait.ge [sflag:s13], $0x1000  }
0x3e: {  	[sflag:s13] =	ssyncset.done $0x0  }
0x3f: {  	s4 =	simm.s32 $0x480;
	[sflag:s13] =	ssyncadd.s32 $0xFFFFF000  }
0x40: {  	[tilespmem:s18], [sflag:$0x2] =	stream.indirect.gather [hbm4b:s10+s16], $0x20, s4, s16, $0xb8;
	[tilespmem:$0x17000] =	vst v63  }
0x41: {  	_ =	swait.ge [sflag:s1], $0x1000  }
0x42: {  	[sflag:s1] =	ssyncset.done $0x0  }
0x43: {  	s4 =	simm.s32 $0x5100;
	[sflag:s1] =	ssyncadd.s32 $0xFFFFF000  }
0x44: {  	[spmem:s2] =	stream.indirect.scatter.add.f32 [tilespmem:s20], [sflag:$0x9], $0x20, s4, s16, $0xb8;
	[tilespmem:$0x17000] =	vst v63  }
0x45: {  	_ =	swait.ge [sflag:s13], $0x1000  }
0x46: {  	[sflag:s13] =	ssyncset.done $0x0  }
0x47: {  	s4 =	simm.s32 $0x500;
	[sflag:s13] =	ssyncadd.s32 $0xFFFFF000  }
0x48: {  	[tilespmem:s20], [sflag:$0x3] =	stream.indirect.gather [hbm4b:s10+s16], $0x20, s4, s16, $0xb8;
	[tilespmem:$0x17000] =	vst v63  }
0x49: {  	_ =	swait.ge [sflag:s0], $0x1000  }
0x4a: {  	[sflag:s0] =	ssyncset.done $0x0  }
0x4b: {  	s4 =	simm.s32 $0x5180;
	[sflag:s0] =	ssyncadd.s32 $0xFFFFF000  }
0x4c: {  	[spmem:s2] =	stream.indirect.scatter.add.f32 [tilespmem:s22], [sflag:$0x9], $0x20, s4, s16, $0xb8;
	[tilespmem:$0x17000] =	vst v63  }
0x4d: {  	_ =	swait.ge [sflag:s13], $0x1000  }
0x4e: {  	[sflag:s13] =	ssyncset.done $0x0  }
0x4f: {  	s4 =	simm.s32 $0x580;
	[sflag:s13] =	ssyncadd.s32 $0xFFFFF000  }
0x50: {  	[tilespmem:s22], [sflag:$0x4] =	stream.indirect.gather [hbm4b:s10+s16], $0x20, s4, s16, $0xb8;
	[tilespmem:$0x17000] =	vst v63  }
0x51: {  	_ =	swait.ge [sflag:s11], $0x1000  }
0x52: {  	[sflag:s11] =	ssyncset.done $0x0  }
0x53: {  	s4 =	simm.s32 $0x5200;
	[sflag:s11] =	ssyncadd.s32 $0xFFFFF000  }
0x54: {  	[spmem:s2] =	stream.indirect.scatter.add.f32 [tilespmem:s24], [sflag:$0x9], $0x20, s4, s16, $0xb8;
	[tilespmem:$0x17000] =	vst v63  }
0x55: {  	_ =	swait.ge [sflag:s13], $0x1000  }
0x56: {  	[sflag:s13] =	ssyncset.done $0x0  }
0x57: {  	s4 =	simm.s32 $0x600;
	[sflag:s13] =	ssyncadd.s32 $0xFFFFF000  }
0x58: {  	[tilespmem:s24], [sflag:$0x5] =	stream.indirect.gather [hbm4b:s10+s16], $0x20, s4, s16, $0xb8;
	[tilespmem:$0x17000] =	vst v63  }
0x59: {  	_ =	swait.ge [sflag:s19], $0x1000  }
0x5a: {  	[sflag:s19] =	ssyncset.done $0x0  }
0x5b: {  	s4 =	simm.s32 $0x5280;
	[sflag:s19] =	ssyncadd.s32 $0xFFFFF000  }
0x5c: {  	[spmem:s2] =	stream.indirect.scatter.add.f32 [tilespmem:s26], [sflag:$0x9], $0x20, s4, s16, $0xb8;
	[tilespmem:$0x17000] =	vst v63  }
0x5d: {  	_ =	swait.ge [sflag:s13], $0x1000  }
0x5e: {  	[sflag:s13] =	ssyncset.done $0x0  }
0x5f: {  	s4 =	simm.s32 $0x680;
	[sflag:s13] =	ssyncadd.s32 $0xFFFFF000  }
0x60: {  	[tilespmem:s26], [sflag:$0x6] =	stream.indirect.gather [hbm4b:s10+s16], $0x20, s4, s16, $0xb8;
	[tilespmem:$0x17000] =	vst v63  }
0x61: {  	_ =	swait.ge [sflag:s21], $0x1000  }
0x62: {  	[sflag:s21] =	ssyncset.done $0x0  }
0x63: {  	s4 =	simm.s32 $0x5300;
	[sflag:s21] =	ssyncadd.s32 $0xFFFFF000  }
0x64: {  	[spmem:s2] =	stream.indirect.scatter.add.f32 [tilespmem:s29], [sflag:$0x9], $0x20, s4, s16, $0xb8;
	[tilespmem:$0x17000] =	vst v63  }
0x65: {  	_ =	swait.ge [sflag:s13], $0x1000  }
0x66: {  	[sflag:s13] =	ssyncset.done $0x0  }
0x67: {  	s4 =	simm.s32 $0x700;
	[sflag:s13] =	ssyncadd.s32 $0xFFFFF000  }
0x68: {  	[tilespmem:s29], [sflag:$0x7] =	stream.indirect.gather [hbm4b:s10+s16], $0x20, s4, s16, $0xb8;
	[tilespmem:$0x17000] =	vst v63  }
0x69: {  	_ =	swait.ge [sflag:s23], $0x1000  }
0x6a: {  	[sflag:s23] =	ssyncset.done $0x0  }
0x6b: {  	s4 =	simm.s32 $0x5380;
	[sflag:s23] =	ssyncadd.s32 $0xFFFFF000  }
0x6c: {  	[spmem:s2] =	stream.indirect.scatter.add.f32 [tilespmem:s31], [sflag:$0x9], $0x20, s4, s16, $0xb8;
	[tilespmem:$0x17000] =	vst v63  }
0x6d: {  	_ =	swait.ge [sflag:s13], $0x1000  }
0x6e: {  	[sflag:s13] =	ssyncset.done $0x0  }
0x6f: {  	s28 =	simm.s32 $0x780;
	s25 =	simm.s32 $0x1000;
	[sflag:s13] =	ssyncadd.s32 $0xFFFFF000  }
.LBB2_2:
0x70: {  	[tilespmem:s31], [sflag:$0x8] =	stream.indirect.gather [hbm4b:s10+s16], $0x20, s28, s16, $0xb8;
	[tilespmem:$0x17000] =	vst v63  }
0x71: {  	s28 =	smov.u32 s25  }
0x72: {  	p0 =	sne.s32 s25, $0x12000;
	s25 =	sadd.s32 $0x1000, s25;
	_ =	swait.ge [sflag:s14], $0x1000  }
0x73: {  	s28 =	sshra.s32 s28, $0x2;
	[sflag:s14] =	ssyncset.done $0x0  }
0x74: {  	s4 =	sadd.s32 $0x5000, s28;
	[sflag:s14] =	ssyncadd.s32 $0xFFFFF000  }
0x75: {  	[spmem:s2] =	stream.indirect.scatter.add.f32 [tilespmem:s17], [sflag:$0x9], $0x20, s4, s16, $0xb8;
	[tilespmem:$0x17000] =	vst v63  }
0x76: {  	_ =	swait.ge [sflag:s13], $0x1000  }
0x77: {  	[sflag:s13] =	ssyncset.done $0x0  }
0x78: {  	s4 =	sadd.s32 $0x400, s28;
	[sflag:s13] =	ssyncadd.s32 $0xFFFFF000  }
0x79: {  	[tilespmem:s17], [sflag:$0x1] =	stream.indirect.gather [hbm4b:s10+s16], $0x20, s4, s16, $0xb8;
	[tilespmem:$0x17000] =	vst v63  }
0x7a: {  	_ =	swait.ge [sflag:s15], $0x1000  }
0x7b: {  	[sflag:s15] =	ssyncset.done $0x0  }
0x7c: {  	s4 =	sadd.s32 $0x5080, s28;
	[sflag:s15] =	ssyncadd.s32 $0xFFFFF000  }
0x7d: {  	[spmem:s2] =	stream.indirect.scatter.add.f32 [tilespmem:s18], [sflag:$0x9], $0x20, s4, s16, $0xb8;
	[tilespmem:$0x17000] =	vst v63  }
0x7e: {  	_ =	swait.ge [sflag:s13], $0x1000  }
0x7f: {  	[sflag:s13] =	ssyncset.done $0x0  }
0x80: {  	s4 =	sadd.s32 $0x480, s28;
	[sflag:s13] =	ssyncadd.s32 $0xFFFFF000  }
0x81: {  	[tilespmem:s18], [sflag:$0x2] =	stream.indirect.gather [hbm4b:s10+s16], $0x20, s4, s16, $0xb8;
	[tilespmem:$0x17000] =	vst v63  }
0x82: {  	_ =	swait.ge [sflag:s1], $0x1000  }
0x83: {  	[sflag:s1] =	ssyncset.done $0x0  }
0x84: {  	s4 =	sadd.s32 $0x5100, s28;
	[sflag:s1] =	ssyncadd.s32 $0xFFFFF000  }
0x85: {  	[spmem:s2] =	stream.indirect.scatter.add.f32 [tilespmem:s20], [sflag:$0x9], $0x20, s4, s16, $0xb8;
	[tilespmem:$0x17000] =	vst v63  }
0x86: {  	_ =	swait.ge [sflag:s13], $0x1000  }
0x87: {  	[sflag:s13] =	ssyncset.done $0x0  }
0x88: {  	s4 =	sadd.s32 $0x500, s28;
	[sflag:s13] =	ssyncadd.s32 $0xFFFFF000  }
0x89: {  	[tilespmem:s20], [sflag:$0x3] =	stream.indirect.gather [hbm4b:s10+s16], $0x20, s4, s16, $0xb8;
	[tilespmem:$0x17000] =	vst v63  }
0x8a: {  	_ =	swait.ge [sflag:s0], $0x1000  }
0x8b: {  	[sflag:s0] =	ssyncset.done $0x0  }
0x8c: {  	s4 =	sadd.s32 $0x5180, s28;
	[sflag:s0] =	ssyncadd.s32 $0xFFFFF000  }
0x8d: {  	[spmem:s2] =	stream.indirect.scatter.add.f32 [tilespmem:s22], [sflag:$0x9], $0x20, s4, s16, $0xb8;
	[tilespmem:$0x17000] =	vst v63  }
0x8e: {  	_ =	swait.ge [sflag:s13], $0x1000  }
0x8f: {  	[sflag:s13] =	ssyncset.done $0x0  }
0x90: {  	s4 =	sadd.s32 $0x580, s28;
	[sflag:s13] =	ssyncadd.s32 $0xFFFFF000  }
0x91: {  	[tilespmem:s22], [sflag:$0x4] =	stream.indirect.gather [hbm4b:s10+s16], $0x20, s4, s16, $0xb8;
	[tilespmem:$0x17000] =	vst v63  }
0x92: {  	_ =	swait.ge [sflag:s11], $0x1000  }
0x93: {  	[sflag:s11] =	ssyncset.done $0x0  }
0x94: {  	s4 =	sadd.s32 $0x5200, s28;
	[sflag:s11] =	ssyncadd.s32 $0xFFFFF000  }
0x95: {  	[spmem:s2] =	stream.indirect.scatter.add.f32 [tilespmem:s24], [sflag:$0x9], $0x20, s4, s16, $0xb8;
	[tilespmem:$0x17000] =	vst v63  }
0x96: {  	_ =	swait.ge [sflag:s13], $0x1000  }
0x97: {  	[sflag:s13] =	ssyncset.done $0x0  }
0x98: {  	s4 =	sadd.s32 $0x600, s28;
	[sflag:s13] =	ssyncadd.s32 $0xFFFFF000  }
0x99: {  	[tilespmem:s24], [sflag:$0x5] =	stream.indirect.gather [hbm4b:s10+s16], $0x20, s4, s16, $0xb8;
	[tilespmem:$0x17000] =	vst v63  }
0x9a: {  	_ =	swait.ge [sflag:s19], $0x1000  }
0x9b: {  	[sflag:s19] =	ssyncset.done $0x0  }
0x9c: {  	s4 =	sadd.s32 $0x5280, s28;
	[sflag:s19] =	ssyncadd.s32 $0xFFFFF000  }
0x9d: {  	[spmem:s2] =	stream.indirect.scatter.add.f32 [tilespmem:s26], [sflag:$0x9], $0x20, s4, s16, $0xb8;
	[tilespmem:$0x17000] =	vst v63  }
0x9e: {  	_ =	swait.ge [sflag:s13], $0x1000  }
0x9f: {  	[sflag:s13] =	ssyncset.done $0x0  }
0xa0: {  	s4 =	sadd.s32 $0x680, s28;
	[sflag:s13] =	ssyncadd.s32 $0xFFFFF000  }
0xa1: {  	[tilespmem:s26], [sflag:$0x6] =	stream.indirect.gather [hbm4b:s10+s16], $0x20, s4, s16, $0xb8;
	[tilespmem:$0x17000] =	vst v63  }
0xa2: {  	_ =	swait.ge [sflag:s21], $0x1000  }
0xa3: {  	[sflag:s21] =	ssyncset.done $0x0  }
0xa4: {  	s4 =	sadd.s32 $0x5300, s28;
	[sflag:s21] =	ssyncadd.s32 $0xFFFFF000  }
0xa5: {  	[spmem:s2] =	stream.indirect.scatter.add.f32 [tilespmem:s29], [sflag:$0x9], $0x20, s4, s16, $0xb8;
	[tilespmem:$0x17000] =	vst v63  }
0xa6: {  	_ =	swait.ge [sflag:s13], $0x1000  }
0xa7: {  	[sflag:s13] =	ssyncset.done $0x0  }
0xa8: {  	s4 =	sadd.s32 $0x700, s28;
	[sflag:s13] =	ssyncadd.s32 $0xFFFFF000  }
0xa9: {  	[tilespmem:s29], [sflag:$0x7] =	stream.indirect.gather [hbm4b:s10+s16], $0x20, s4, s16, $0xb8;
	[tilespmem:$0x17000] =	vst v63  }
0xaa: {  	_ =	swait.ge [sflag:s23], $0x1000  }
0xab: {  	[sflag:s23] =	ssyncset.done $0x0  }
.Ltmp0:
0xac: {  	s4 =	sadd.s32 $0x5380, s28;
	[sflag:s23] =	ssyncadd.s32 $0xFFFFF000;
	(pc) =	sbr.rel @p0 .LBB2_2-.Ltmp0, $4  }
0xad: {  	[spmem:s2] =	stream.indirect.scatter.add.f32 [tilespmem:s31], [sflag:$0x9], $0x20, s4, s16, $0xb8;
	[tilespmem:$0x17000] =	vst v63  }
0xae: {  	_ =	swait.ge [sflag:s13], $0x1000  }
0xaf: {  	[sflag:s13] =	ssyncset.done $0x0  }
0xb0: {  	s28 =	sadd.s32 $0x780, s28;
	[sflag:s13] =	ssyncadd.s32 $0xFFFFF000  }
0xb1: {  	[tilespmem:s31], [sflag:$0x8] =	stream.indirect.gather [hbm4b:s10+s16], $0x20, s28, s16, $0xb8;
	[tilespmem:$0x17000] =	vst v63  }
0xb2: {  	_ =	swait.ge [sflag:s14], $0x1000  }
0xb3: {  	[sflag:s14] =	ssyncset.done $0x0  }
0xb4: {  	s4 =	simm.s32 $0x9C00;
	[sflag:s14] =	ssyncadd.s32 $0xFFFFF000  }
0xb5: {  	[spmem:s2] =	stream.indirect.scatter.add.f32 [tilespmem:s17], [sflag:$0x9], $0x20, s4, s16, $0xb8;
	[tilespmem:$0x17000] =	vst v63  }
0xb6: {  	_ =	swait.ge [sflag:s13], $0x1000  }
0xb7: {  	[sflag:s13] =	ssyncset.done $0x0  }
0xb8: {  	[sflag:s13] =	ssyncadd.s32 $0xFFFFF000  }
0xb9: {  	_ =	swait.ge [sflag:s15], $0x1000  }
0xba: {  	[sflag:s15] =	ssyncset.done $0x0  }
0xbb: {  	s28 =	simm.s32 $0x9C80;
	[sflag:s15] =	ssyncadd.s32 $0xFFFFF000  }
0xbc: {  	[spmem:s2] =	stream.indirect.scatter.add.f32 [tilespmem:s18], [sflag:$0x9], $0x20, s28, s16, $0xb8;
	[tilespmem:$0x17000] =	vst v63  }
0xbd: {  	_ =	swait.ge [sflag:s13], $0x1000  }
0xbe: {  	[sflag:s13] =	ssyncset.done $0x0  }
0xbf: {  	[sflag:s13] =	ssyncadd.s32 $0xFFFFF000  }
0xc0: {  	_ =	swait.ge [sflag:s1], $0x1000  }
0xc1: {  	[sflag:s1] =	ssyncset.done $0x0  }
0xc2: {  	s25 =	simm.s32 $0x9D00;
	[sflag:s1] =	ssyncadd.s32 $0xFFFFF000  }
0xc3: {  	[spmem:s2] =	stream.indirect.scatter.add.f32 [tilespmem:s20], [sflag:$0x9], $0x20, s25, s16, $0xb8;
	[tilespmem:$0x17000] =	vst v63  }
0xc4: {  	_ =	swait.ge [sflag:s13], $0x1000  }
0xc5: {  	[sflag:s13] =	ssyncset.done $0x0  }
0xc6: {  	[sflag:s13] =	ssyncadd.s32 $0xFFFFF000  }
0xc7: {  	_ =	swait.ge [sflag:s0], $0x1000  }
0xc8: {  	[sflag:s0] =	ssyncset.done $0x0  }
0xc9: {  	s28 =	simm.s32 $0x9D80;
	[sflag:s0] =	ssyncadd.s32 $0xFFFFF000  }
0xca: {  	[spmem:s2] =	stream.indirect.scatter.add.f32 [tilespmem:s22], [sflag:$0x9], $0x20, s28, s16, $0xb8;
	[tilespmem:$0x17000] =	vst v63  }
0xcb: {  	_ =	swait.ge [sflag:s13], $0x1000  }
0xcc: {  	[sflag:s13] =	ssyncset.done $0x0  }
0xcd: {  	[sflag:s13] =	ssyncadd.s32 $0xFFFFF000  }
0xce: {  	_ =	swait.ge [sflag:s11], $0x1000  }
0xcf: {  	[sflag:s11] =	ssyncset.done $0x0  }
0xd0: {  	s25 =	simm.s32 $0x9E00;
	[sflag:s11] =	ssyncadd.s32 $0xFFFFF000  }
0xd1: {  	[spmem:s2] =	stream.indirect.scatter.add.f32 [tilespmem:s24], [sflag:$0x9], $0x20, s25, s16, $0xb8;
	[tilespmem:$0x17000] =	vst v63  }
0xd2: {  	_ =	swait.ge [sflag:s13], $0x1000  }
0xd3: {  	[sflag:s13] =	ssyncset.done $0x0  }
0xd4: {  	[sflag:s13] =	ssyncadd.s32 $0xFFFFF000  }
0xd5: {  	_ =	swait.ge [sflag:s19], $0x1000  }
0xd6: {  	[sflag:s19] =	ssyncset.done $0x0  }
0xd7: {  	s28 =	simm.s32 $0x9E80;
	[sflag:s19] =	ssyncadd.s32 $0xFFFFF000  }
0xd8: {  	[spmem:s2] =	stream.indirect.scatter.add.f32 [tilespmem:s26], [sflag:$0x9], $0x20, s28, s16, $0xb8;
	[tilespmem:$0x17000] =	vst v63  }
0xd9: {  	_ =	swait.ge [sflag:s13], $0x1000  }
0xda: {  	[sflag:s13] =	ssyncset.done $0x0  }
0xdb: {  	[sflag:s13] =	ssyncadd.s32 $0xFFFFF000  }
0xdc: {  	_ =	swait.ge [sflag:s21], $0x1000  }
0xdd: {  	[sflag:s21] =	ssyncset.done $0x0  }
0xde: {  	s25 =	simm.s32 $0x9F00;
	[sflag:s21] =	ssyncadd.s32 $0xFFFFF000  }
0xdf: {  	[spmem:s2] =	stream.indirect.scatter.add.f32 [tilespmem:s29], [sflag:$0x9], $0x20, s25, s16, $0xb8;
	[tilespmem:$0x17000] =	vst v63  }
0xe0: {  	_ =	swait.ge [sflag:s13], $0x1000  }
0xe1: {  	[sflag:s13] =	ssyncset.done $0x0  }
0xe2: {  	[sflag:s13] =	ssyncadd.s32 $0xFFFFF000  }
0xe3: {  	_ =	swait.ge [sflag:s23], $0x1000  }
0xe4: {  	[sflag:s23] =	ssyncset.done $0x0  }
0xe5: {  	s28 =	simm.s32 $0x9F80;
	[sflag:s23] =	ssyncadd.s32 $0xFFFFF000  }
0xe6: {  	[spmem:s2] =	stream.indirect.scatter.add.f32 [tilespmem:s31], [sflag:$0x9], $0x20, s28, s16, $0xb8;
	[tilespmem:$0x17000] =	vst v63  }
0xe7: {  	_ =	swait.ge [sflag:s13], $0x1000  }
0xe8: {  	s30 =	sadd.s32 $0x1, s30;
	[sflag:s13] =	ssyncset.done $0x0  }
0xe9: {  	p0 =	sne.s32 s30, s9;
	[sflag:s13] =	ssyncadd.s32 $0xFFFFF000  }
.Ltmp1:
0xea: {  	[bflag:$0x0] =	sbarrier.arrive $0xFFFF;
	(pc) =	sbr.rel @p0 .LBB2_1-.Ltmp1, $4  }
0xeb: {  	[hbm:s8], [sflag:s7] =	dma.local [spmem:s12], $0xA00  }
0xec: {  	_ =	swait.ge [sflag:s13], $0xA00  }
0xed: {  	[sflag:s13] =	ssyncset.done $0x0  }
0xee: {  	[sflag:s13] =	ssyncadd.s32 $0xFFFFF600  }
0xef: {  	_ =	sfence.sel $0x180000  }
0xf0: {  	[bflag:$0x0] =	sbarrier.arrive $0xFFFF  }
0xf1: {  	_ =	strace $0x9000004D  }
0xf2: {  	s0 =	stileid.u32;
	[bflag:$0x2] =	sbarrier.arrive $0xFFFF  }
0xf3: {  	p0 =	sne.s32 s0, $0x0;
	s0 =	rddreg [dreg:$0x2]  }
0xf4: {  	s0 =	sadd.s32 @!p0 $0x100000, s0  }
0xf5: {  	[sflag:s0] =	ssyncadd.tile.s32 @!p0 $0x1;
	_ =	shalt  }
.Lfunc_end2:
_tile_overlayer_lowered:
.L_overlay_start_2:
0xf6: {  	(tag) =	ssettag $0x2  }
0xf7: {  	s0 =	rddreg [dreg:$0x0];
	s2 =	stileid.u32  }
0xf8: {  	s1 =	rddreg [dreg:$0x1];
	p0 =	sne.s32 s2, $0x0  }
0xf9: {  	s3 =	rddreg [dreg:$0x2];
	[bflag:$0x3] =	sbarrier.arrive $0xFFFF;
	s2 =	simm.s32 @!p0 $0x1C09  }
0xfa: {  	[timem:s3], [sflag:s2] =	dma.local @!p0 [hbm:s0], s1  }
0xfb: {  	s0 =	simm.s32 @!p0 $0x9  }
0xfc: {  	_ =	swait.ge @!p0 [sflag:s0], s1  }
0xfd: {  	s1 =	ssub.s32 @!p0 $0x0, s1;
	[sflag:s0] =	ssyncset.done @!p0 $0x0  }
0xfe: {  	[sflag:s0] =	ssyncadd.s32 @!p0 s1  }
0xff: {  	[bflag:$0x3] =	sbarrier.arrive $0xFFFF  }
0x100: {  	_ =	shalt  }

// kernel: kernel.9.cloned.1.call-start
scs
__scs_entry_jumppad:
0x0: {  	(pc) =	sbr.rel $0x88, $3  }
0x1: {  	(tag) =	ssettag $0x0;
	lr =	simm.s32 $0x1  }
0x2: {  	[smem:$0x3F8A] =	sst lr;
	_ =	strace $0xD0000000  }
0x3: {  	_ = 	snop  }
0x4: {  	_ = 	snop  }
0x5: {  	_ = 	snop  }
0x6: {  	_ = 	snop  }
0x7: {  	_ = 	snop  }
__scs_overlays_trampoline_lowered:
0x8: {  	[smem:$0x3F99] =	sst s0  }
0x9: {  	[smem:$0x3F9A] =	sst s1  }
0xa: {  	[smem:$0x3F9B] =	sst s2  }
0xb: {  	[smem:$0x3F9C] =	sst s3  }
0xc: {  	[smem:$0x3F9D] =	sst s4  }
0xd: {  	[smem:$0x3F9E] =	sst s5  }
0xe: {  	[smem:$0x3F9F] =	sst s6  }
0xf: {  	[smem:$0x3FA0] =	sst s7  }
0x10: {  	[smem:$0x3FA1] =	sst s8  }
0x11: {  	[smem:$0x3FA2] =	sst s9;
	s0 =	simm.s32 @!p0 $0x0  }
0x12: {  	s1 =	sld [smem:$0x3F88];
	s0 =	simm.s32 @p0 $0x1  }
0x13: {  	[smem:$0x3FA3] =	sst s0;
	s0 =	simm.s32 @!p1 $0x0  }
0x14: {  	s2 =	sld [smem:$0x3F87];
	s0 =	simm.s32 @p1 $0x1  }
0x15: {  	[smem:$0x3FA4] =	sst s0;
	s0 =	simm.s32 @!p2 $0x0  }
0x16: {  	s3 =	sld [smem:$0x3FDB];
	s0 =	simm.s32 @p2 $0x1  }
0x17: {  	s4 =	simm.s32 $0x1BF5;
	[smem:$0x3FA6] =	sst s0  }
0x18: {  	s0 =	sld [smem:$0x3F89];
	_ =	swait.ge [sflag:s4], $0x0  }
0x19: {  	s7 =	sld [smem:$0x3F8A]  }
0x1a: {  	s8 =	sadd.s32 $0xFFFFE003, lr  }
0x1b: {  	s9 =	sadd.s32 $0xFFFFFEF7, lr;
	s5 =	simm.s32 $0xFFFFFFFF;
	p2 =	slt.u32 s8, $0xFFFFF086  }
0x1c: {  	p1 =	slt.u32 s9, $0xF7A;
	s5 =	simm.s32 @!p2 $0x0  }
0x1d: {  	s5 =	simm.s32 @p1 $0x1;
	p0 =	seq.s32 s7, s2  }
0x1e: {  	s7 =	smul.u32 @!p0 $0xF7A, s2;
	p2 =	seq.s32 @!p0 s5, $0x0  }
0x1f: {  	s9 =	smul.u32 $0xF7A, s1;
	s8 =	simm.s32 @!p0 $0x1BF5;
	p2 =	por !p2, p0  }
0x20: {  	[sflag:s8] =	ssyncset.s32 @!p0 $0xFFFFF086;
	s6 =	sadd.s32 @!p0 s3, s7;
	s7 =	simm.s32 @!p0 $0x108  }
0x21: {  	s3 =	sadd.s32 s3, s9;
	s6 =	sadd.s32 @!p0 $0x88, s6;
	s7 =	simm.s32 @p2 $0x1082  }
0x22: {  	[simem:s7], [sflag:s8] =	dma.local @!p0 [hbm:s6], $0xF7A  }
0x23: {  	s9 =	sor.u32 $0xD0000000, s2;
	s6 =	simm.s32 $0x108;
	_ =	swait.ge @!p0 [sflag:s8], $0x0  }
0x24: {  	s3 =	sadd.s32 $0x88, s3;
	s6 =	simm.s32 @!p1 $0x1082;
	[sflag:s4] =	ssyncset.s32 $0xFFFFF086  }
0x25: {  	[simem:s6], [sflag:s4] =	dma.local [hbm:s3], $0xF7A  }
0x26: {  	[smem:$0x3F8A] =	sst s1;
	(tag) =	ssettag s2;
	_ =	strace s9  }
0x27: {  	s1 =	sld [smem:$0x3F9A]  }
0x28: {  	s2 =	sld [smem:$0x3F9B]  }
0x29: {  	s4 =	sld [smem:$0x3F9D]  }
0x2a: {  	p0 =	seq.s32 s5, $0x0;
	s5 =	sld [smem:$0x3F9E]  }
0x2b: {  	s6 =	sld [smem:$0x3F9F]  }
0x2c: {  	s7 =	sld [smem:$0x3FA0]  }
0x2d: {  	s3 =	simm.s32 $0x108;
	s8 =	sld [smem:$0x3FA1]  }
0x2e: {  	s3 =	simm.s32 @!p0 $0x1082;
	s9 =	sld [smem:$0x3FA2]  }
0x2f: {  	lr =	sadd.s32 s0, s3;
	s0 =	sld [smem:$0x3F99]  }
0x30: {  	s3 =	sld [smem:$0x3F9C]  }
0x31: {  	[smem:$0x3FA5] =	sst s10  }
0x32: {  	s10 =	sld [smem:$0x3FA3];
	_ =	sdelay $0x3  }
0x33: {  	p0 =	seq.s32 s10, $0x1;
	s10 =	sld [smem:$0x3FA5];
	_ =	sdelay $0x3  }
0x34: {  	[smem:$0x3FA5] =	sst s10  }
0x35: {  	s10 =	sld [smem:$0x3FA4];
	_ =	sdelay $0x3  }
0x36: {  	p1 =	seq.s32 s10, $0x1;
	s10 =	sld [smem:$0x3FA5];
	_ =	sdelay $0x3  }
0x37: {  	[smem:$0x3FA5] =	sst s10  }
0x38: {  	s10 =	sld [smem:$0x3FA6]  }
0x39: {  	_ = 	snop;
	(pc) =	sbr.ind lr, $3  }
0x3a: {  	_ = 	snop  }
0x3b: {  	_ = 	snop  }
0x3c: {  	p2 =	seq.s32 s10, $0x1;
	s10 =	sld [smem:$0x3FA5]  }
0x3d: {  	_ =	shalt  }
0x3e: {  	_ =	shalt  }
0x3f: {  	_ =	shalt  }
0x40: {  	_ =	shalt  }
0x41: {  	_ =	shalt  }
0x42: {  	_ =	shalt  }
0x43: {  	_ =	shalt  }
0x44: {  	_ =	shalt  }
0x45: {  	_ =	shalt  }
0x46: {  	_ =	shalt  }
0x47: {  	_ =	shalt  }
0x48: {  	_ =	shalt  }
0x49: {  	_ =	shalt  }
0x4a: {  	_ =	shalt  }
0x4b: {  	_ =	shalt  }
0x4c: {  	_ =	shalt  }
0x4d: {  	_ =	shalt  }
0x4e: {  	_ =	shalt  }
0x4f: {  	_ =	shalt  }
0x50: {  	_ =	shalt  }
0x51: {  	_ =	shalt  }
0x52: {  	_ =	shalt  }
0x53: {  	_ =	shalt  }
0x54: {  	_ =	shalt  }
0x55: {  	_ =	shalt  }
0x56: {  	_ =	shalt  }
0x57: {  	_ =	shalt  }
0x58: {  	_ =	shalt  }
0x59: {  	_ =	shalt  }
0x5a: {  	_ =	shalt  }
0x5b: {  	_ =	shalt  }
0x5c: {  	_ =	shalt  }
0x5d: {  	_ =	shalt  }
0x5e: {  	_ =	shalt  }
0x5f: {  	_ =	shalt  }
0x60: {  	_ =	shalt  }
0x61: {  	_ =	shalt  }
0x62: {  	_ =	shalt  }
0x63: {  	_ =	shalt  }
0x64: {  	_ =	shalt  }
0x65: {  	_ =	shalt  }
0x66: {  	_ =	shalt  }
0x67: {  	_ =	shalt  }
0x68: {  	_ =	shalt  }
0x69: {  	_ =	shalt  }
0x6a: {  	_ =	shalt  }
0x6b: {  	_ =	shalt  }
0x6c: {  	_ =	shalt  }
0x6d: {  	_ =	shalt  }
0x6e: {  	_ =	shalt  }
0x6f: {  	_ =	shalt  }
0x70: {  	_ =	shalt  }
0x71: {  	_ =	shalt  }
0x72: {  	_ =	shalt  }
0x73: {  	_ =	shalt  }
0x74: {  	_ =	shalt  }
0x75: {  	_ =	shalt  }
0x76: {  	_ =	shalt  }
0x77: {  	_ =	shalt  }
0x78: {  	_ =	shalt  }
0x79: {  	_ =	shalt  }
0x7a: {  	_ =	shalt  }
0x7b: {  	_ =	shalt  }
0x7c: {  	_ =	shalt  }
0x7d: {  	_ =	shalt  }
0x7e: {  	_ =	shalt  }
0x7f: {  	_ =	shalt  }
0x80: {  	_ =	shalt  }
0x81: {  	_ =	shalt  }
0x82: {  	_ =	shalt  }
0x83: {  	_ =	shalt  }
0x84: {  	_ =	shalt  }
0x85: {  	_ =	shalt  }
0x86: {  	_ =	shalt  }
0x87: {  	_ =	shalt  }
.Lfunc_end0:
.L_simem_size_0:
called_computation_lowered:
.L_overlay_start_0:
0x88: {  	s2 =	sld [smem:$0x3FD9]  }
0x89: {  	s3 =	sld [smem:$0x3FFE];
	_ =	sdelay $0x1  }
0x8a: {  	s1 =	srdreg.scid  }
0x8b: {  	s0 =	sand.u32 $0x1, s1  }
0x8c: {  	s16 =	sshll.u32 s0, $0xA;
	s2 =	sadd.s32 s3, s2  }
0x8d: {  	s2 =	sadd.s32 s2, s16  }
0x8e: {  	[smem:$0x3FB1] =	sst s2  }
0x8f: {  	_ = 	snop  }
0x90: {  	(tm) =	ssettm $0x1  }
0x91: {  	s17 =	sld [smem:$0x3FFB];
	_ =	sdelay $0x3  }
0x92: {  	_ =	strace s17  }
0x93: {  	s2 =	sld [smem:$0x3FFC];
	_ =	sdelay $0x3  }
0x94: {  	_ =	strace s2  }
0x95: {  	s2 =	sld [smem:$0x3FFD];
	_ =	sdelay $0x3  }
0x96: {  	_ =	strace s2  }
0x97: {  	_ =	strace $0x8FFFFFFF  }
0x98: {  	s18 =	sld [smem:$0x3FDB];
	_ =	sdelay $0x1  }
0x99: {  	s19 =	simm.s32 $_scs_section_size  }
0x9a: {  	s4 =	simm.s32 $_size__tile_overlayer_lowered;
	s5 =	simm.s32 $_tile_overlayer_lowered  }
0x9b: {  	s22 =	simm.s32 $0x1BFF;
	s21 =	sshll.u32 s5, $0x1;
	s2 =	sadd.s32 s19, s18  }
0x9c: {  	s6 =	simm.s32 $0x0;
	s20 =	sshll.u32 s4, $0x1;
	s4 =	sadd.s32 s21, s2  }
0x9d: {  	[timem:s6], [sflag:s22] =	dma.local [hbm:s4], s20  }
0x9e: {  	_ =	swait.ge [sflag:s22], s20  }
0x9f: {  	s3 =	ssub.s32 $0x0, s20;
	[sflag:s22] =	ssyncset.done $0x0  }
0xa0: {  	[sflag:s22] =	ssyncadd.s32 s3;
	_ =	sdelay $0x1  }
0xa1: {  	s23 =	simm.s32 $0x1B8B  }
0xa2: {  	_ =	swait.ge [sflag:s23], $0x1  }
0xa3: {  	[sflag:s23] =	ssyncset.done $0x0  }
0xa4: {  	s25 =	simm.s32 $0x1B8E;
	s24 =	sld [smem:$0x3FFE];
	[sflag:s23] =	ssyncadd.s32 $0xFFFFFFFF  }
0xa5: {  	s26 =	simm.s32 $execute0_lowered;
	[smem:$0x3FD2] =	sst s25  }
0xa6: {  	s4 =	sshll.u32 s26, $0x1;
	_ =	strace $0x80000046;
	[dreg:$0x1] =	wrdreg $0xFFFFFFFF  }
0xa7: {  	s28 =	simm.s32 $_size_execute0_lowered;
	s2 =	sadd.s32 s2, s4;
	[dreg:$0x0] =	wrdreg $0x0  }
0xa8: {  	s4 =	sshll.u32 s28, $0x1;
	[dreg:$0x2] =	wrdreg s2  }
0xa9: {  	[dreg:$0x3] =	wrdreg s4  }
0xaa: {  	[dreg:$0x4] =	wrdreg $0xC0  }
0xab: {  	_ =	task [dreg:s6], $0x5FFFF  }
0xac: {  	[dreg:$0x1] =	wrdreg $0xFFFFFFFF  }
0xad: {  	[dreg:$0x0] =	wrdreg $0x60  }
0xae: {  	[dreg:$0x2] =	wrdreg s24  }
0xaf: {  	[dreg:$0x3] =	wrdreg $0x120000  }
0xb0: {  	[dreg:$0x4] =	wrdreg $0x9  }
0xb1: {  	_ =	task.clear_ibuf [dreg:s6], $0x5FFFF;
	_ =	strace $0x90000046  }
0xb2: {  	s29 =	simm.s32 $0x9;
	_ =	strace $0x80000048  }
0xb3: {  	_ =	swait.ge [sflag:s29], $0x1  }
0xb4: {  	[sflag:s29] =	ssyncadd.s32 $0xFFFFFFFF  }
0xb5: {  	_ =	strace $0x90000048  }
0xb6: {  	_ =	sfence  }
0xb7: {  	s30 =	sld [smem:$0x0];
	_ =	sdelay $0x2  }
0xb8: {  	s31 =	sshll.u32 s1, $0xD;
	s1 =	sshrl.u32 s1, $0x2  }
0xb9: {  	s3 =	sand.u32 $0x4000, s31;
	s1 =	sadd.s32 s1, s30  }
0xba: {  	s0 =	sor.u32 s3, s0;
	s1 =	sshll.u32 s1, $0x11  }
0xbb: {  	s0 =	sor.u32 s1, s0  }
0xbc: {  	s0 =	sadd.s32 $0x8F2B, s0  }
0xbd: {  	[sflag:s0] =	ssyncadd.remote.s32 $0x1  }
0xbe: {  	_ =	sfence.sel $0xFFFF  }
0xbf: {  	[dreg:$0x0] =	wrdreg $0xFFFFFFFF;
	(pc) =	sbr.abs _section_cstart, $3  }
0xc0: {  	[dreg:$0x1] =	wrdreg $0xFFFFFFFF  }
0xc1: {  	_ =	task.clear_ibuf [dreg:s6], $0x2FFFF;
	_ =	strace $0x9FFFFFFF  }
0xc2: {  	(tm) =	ssettm $0x7FFFFFFF  }
0xc3: {  	_ =	shalt  }
tec
execute0_lowered:
.L_overlay_start_1:
0x0: {  	(tag) =	ssettag $0x1  }
0x1: {  	s0 =	rddreg [dreg:$0x0];
	s12 =	stileid.u32  }
0x2: {  	s3 =	srdreg.scid;
	s2 =	rddreg [dreg:$0x1];
	s13 =	simm.s32 $0x9  }
0x3: {  	s14 =	simm.s32 $0x1;
	s15 =	simm.s32 $0x2;
	s16 =	simm.s32 $0x80  }
0x4: {  	s17 =	simm.s32 $0xA000;
	s18 =	simm.s32 $0xB000;
	s20 =	simm.s32 $0xC000  }
0x5: {  	s22 =	simm.s32 $0xD000;
	s29 =	simm.s32 $0x10000;
	s31 =	simm.s32 $0x11000  }
0x6: {  	s19 =	simm.s32 $0x6;
	s21 =	simm.s32 $0x7;
	s1 =	smul.u32 $0xA00, s12  }
0x7: {  	s23 =	simm.s32 $0x8;
	s30 =	simm.s32 $0x0;
	s6 =	smul.u32 $0x5000, s12  }
0x8: {  	s8 =	sand.u32 $0x1, s3;
	s3 =	simm.s32 $0x0;
	s28 =	sshll.u32 s12, $0x6  }
0x9: {  	s12 =	simm.s32 $0xCC00;
	s4 =	smul.u32 $0x50000, s8;
	[smem:$0x7FF] =	sst s3  }
0xa: {  	s7 =	ssub.s32 $0x2, s8;
	p0 =	seq.s32 s8, $0x0;
	_ =	strace $0x80000047  }
0xb: {  	s1 =	sadd.s32 s1, s0;
	s5 =	sshrl.u32 s6, $0x3;
	s24 =	sshrl.u32 s7, $0x1  }
0xc: {  	s26 =	sadd.s32 s6, s2;
	s12 =	simm.s32 @!p0 $0x2E00;
	s4 =	sadd.s32 s6, s4  }
0xd: {  	s9 =	sadd.s32 s5, s0;
	s11 =	ssub.s32 s7, s24;
	s25 =	sadd.s32 $0x20A00, s1  }
0xe: {  	s5 =	sadd.s32 $0x16A00, s1;
	s7 =	sor.u32 $0x1C09, s28;
	s24 =	simm.s32 $0xE000  }
0xf: {  	s1 =	simm.s32 $0x3;
	s4 =	sshrl.u32 s4, $0x3;
	[dreg:$0x3] =	wrdreg s25  }
0x10: {  	s6 =	sadd.s32 $0x2AA00, s9;
	s9 =	smax.u32 s11, $0x1;
	s10 =	sadd.s32 s4, s0  }
0x11: {  	s11 =	simm.s32 $0x5;
	s8 =	sadd.s32 $0x34A00, s10;
	s10 =	sadd.s32 s12, s0  }
0x12: {  	s12 =	sshrl.u32 s26, $0x3;
	s26 =	simm.s32 $0xF000;
	s0 =	simm.s32 $0x4  }
.LBB2_1:
0x13: {  	s4 =	rddreg [dreg:$0x3]  }
0x14: {  	[tilespmem:s3], [sflag:$0x1] =	stream.linear.gather [hbm4b:s4+s3], $0x5000, $0x38;
	[tilespmem:$0x17000] =	vst v63  }
0x15: {  	s25 =	simm.s32 $0x5000  }
0x16: {  	[tilespmem:s25], [sflag:$0x2] =	stream.linear.gather [hbm4b:s5+s3], $0x5000, $0x38;
	[tilespmem:$0x17000] =	vst v63  }
0x17: {  	[spmem:s12], [sflag:s7] =	dma.local [hbm:s6], $0xA00  }
0x18: {  	_ =	swait.ge [sflag:s13], $0xA00  }
0x19: {  	[sflag:s13] =	ssyncset.done $0x0  }
0x1a: {  	[sflag:s13] =	ssyncadd.s32 $0xFFFFF600  }
0x1b: {  	_ =	swait.ge [sflag:s14], $0x5000  }
0x1c: {  	[sflag:s14] =	ssyncset.done $0x0  }
0x1d: {  	[sflag:s14] =	ssyncadd.s32 $0xFFFFB000  }
0x1e: {  	_ =	swait.ge [sflag:s15], $0x5000  }
0x1f: {  	[sflag:s15] =	ssyncset.done $0x0  }
0x20: {  	[sflag:s15] =	ssyncadd.s32 $0xFFFFB000  }
0x21: {  	[bflag:$0x0] =	sbarrier.arrive $0xFFFF  }
0x22: {  	[tilespmem:s17], [sflag:$0x1] =	stream.indirect.gather [hbm4b:s10+s16], $0x20, s3, s16, $0xb8;
	[tilespmem:$0x17000] =	vst v63  }
0x23: {  	_ = 	snop  }
0x24: {  	[tilespmem:s18], [sflag:$0x2] =	stream.indirect.gather [hbm4b:s10+s16], $0x20, s16, s16, $0xb8;
	[tilespmem:$0x17000] =	vst v63  }
0x25: {  	s25 =	simm.s32 $0x100  }
0x26: {  	[tilespmem:s20], [sflag:$0x3] =	stream.indirect.gather [hbm4b:s10+s16], $0x20, s25, s16, $0xb8;
	[tilespmem:$0x17000] =	vst v63  }
0x27: {  	s25 =	simm.s32 $0x180  }
0x28: {  	[tilespmem:s22], [sflag:$0x4] =	stream.indirect.gather [hbm4b:s10+s16], $0x20, s25, s16, $0xb8;
	[tilespmem:$0x17000] =	vst v63  }
0x29: {  	s25 =	simm.s32 $0x200  }
0x2a: {  	[tilespmem:s24], [sflag:$0x5] =	stream.indirect.gather [hbm4b:s10+s16], $0x20, s25, s16, $0xb8;
	[tilespmem:$0x17000] =	vst v63  }
0x2b: {  	s25 =	simm.s32 $0x280  }
0x2c: {  	[tilespmem:s26], [sflag:$0x6] =	stream.indirect.gather [hbm4b:s10+s16], $0x20, s25, s16, $0xb8;
	[tilespmem:$0x17000] =	vst v63  }
0x2d: {  	s25 =	simm.s32 $0x300  }
0x2e: {  	[tilespmem:s29], [sflag:$0x7] =	stream.indirect.gather [hbm4b:s10+s16], $0x20, s25, s16, $0xb8;
	[tilespmem:$0x17000] =	vst v63  }
0x2f: {  	s25 =	simm.s32 $0x380  }
0x30: {  	[tilespmem:s31], [sflag:$0x8] =	stream.indirect.gather [hbm4b:s10+s16], $0x20, s25, s16, $0xb8;
	[tilespmem:$0x17000] =	vst v63  }
0x31: {  	_ =	swait.ge [sflag:s14], $0x1000  }
0x32: {  	[sflag:s14] =	ssyncset.done $0x0  }
0x33: {  	s25 =	simm.s32 $0x5000;
	[sflag:s14] =	ssyncadd.s32 $0xFFFFF000  }
0x34: {  	[spmem:s2] =	stream.indirect.scatter.add.f32 [tilespmem:s17], [sflag:$0x9], $0x20, s25, s16, $0xb8;
	[tilespmem:$0x17000] =	vst v63  }
0x35: {  	_ =	swait.ge [sflag:s13], $0x1000  }
0x36: {  	[sflag:s13] =	ssyncset.done $0x0  }
0x37: {  	s4 =	simm.s32 $0x400;
	[sflag:s13] =	ssyncadd.s32 $0xFFFFF000  }
0x38: {  	[tilespmem:s17], [sflag:$0x1] =	stream.indirect.gather [hbm4b:s10+s16], $0x20, s4, s16, $0xb8;
	[tilespmem:$0x17000] =	vst v63  }
0x39: {  	_ =	swait.ge [sflag:s15], $0x1000  }
0x3a: {  	[sflag:s15] =	ssyncset.done $0x0  }
0x3b: {  	s4 =	simm.s32 $0x5080;
	[sflag:s15] =	ssyncadd.s32 $0xFFFFF000  }
0x3c: {  	[spmem:s2] =	stream.indirect.scatter.add.f32 [tilespmem:s18], [sflag:$0x9], $0x20, s4, s16, $0xb8;
	[tilespmem:$0x17000] =	vst v63  }
0x3d: {  	_ =	swait.ge [sflag:s13], $0x1000  }
0x3e: {  	[sflag:s13] =	ssyncset.done $0x0  }
0x3f: {  	s4 =	simm.s32 $0x480;
	[sflag:s13] =	ssyncadd.s32 $0xFFFFF000  }
0x40: {  	[tilespmem:s18], [sflag:$0x2] =	stream.indirect.gather [hbm4b:s10+s16], $0x20, s4, s16, $0xb8;
	[tilespmem:$0x17000] =	vst v63  }
0x41: {  	_ =	swait.ge [sflag:s1], $0x1000  }
0x42: {  	[sflag:s1] =	ssyncset.done $0x0  }
0x43: {  	s4 =	simm.s32 $0x5100;
	[sflag:s1] =	ssyncadd.s32 $0xFFFFF000  }
0x44: {  	[spmem:s2] =	stream.indirect.scatter.add.f32 [tilespmem:s20], [sflag:$0x9], $0x20, s4, s16, $0xb8;
	[tilespmem:$0x17000] =	vst v63  }
0x45: {  	_ =	swait.ge [sflag:s13], $0x1000  }
0x46: {  	[sflag:s13] =	ssyncset.done $0x0  }
0x47: {  	s4 =	simm.s32 $0x500;
	[sflag:s13] =	ssyncadd.s32 $0xFFFFF000  }
0x48: {  	[tilespmem:s20], [sflag:$0x3] =	stream.indirect.gather [hbm4b:s10+s16], $0x20, s4, s16, $0xb8;
	[tilespmem:$0x17000] =	vst v63  }
0x49: {  	_ =	swait.ge [sflag:s0], $0x1000  }
0x4a: {  	[sflag:s0] =	ssyncset.done $0x0  }
0x4b: {  	s4 =	simm.s32 $0x5180;
	[sflag:s0] =	ssyncadd.s32 $0xFFFFF000  }
0x4c: {  	[spmem:s2] =	stream.indirect.scatter.add.f32 [tilespmem:s22], [sflag:$0x9], $0x20, s4, s16, $0xb8;
	[tilespmem:$0x17000] =	vst v63  }
0x4d: {  	_ =	swait.ge [sflag:s13], $0x1000  }
0x4e: {  	[sflag:s13] =	ssyncset.done $0x0  }
0x4f: {  	s4 =	simm.s32 $0x580;
	[sflag:s13] =	ssyncadd.s32 $0xFFFFF000  }
0x50: {  	[tilespmem:s22], [sflag:$0x4] =	stream.indirect.gather [hbm4b:s10+s16], $0x20, s4, s16, $0xb8;
	[tilespmem:$0x17000] =	vst v63  }
0x51: {  	_ =	swait.ge [sflag:s11], $0x1000  }
0x52: {  	[sflag:s11] =	ssyncset.done $0x0  }
0x53: {  	s4 =	simm.s32 $0x5200;
	[sflag:s11] =	ssyncadd.s32 $0xFFFFF000  }
0x54: {  	[spmem:s2] =	stream.indirect.scatter.add.f32 [tilespmem:s24], [sflag:$0x9], $0x20, s4, s16, $0xb8;
	[tilespmem:$0x17000] =	vst v63  }
0x55: {  	_ =	swait.ge [sflag:s13], $0x1000  }
0x56: {  	[sflag:s13] =	ssyncset.done $0x0  }
0x57: {  	s4 =	simm.s32 $0x600;
	[sflag:s13] =	ssyncadd.s32 $0xFFFFF000  }
0x58: {  	[tilespmem:s24], [sflag:$0x5] =	stream.indirect.gather [hbm4b:s10+s16], $0x20, s4, s16, $0xb8;
	[tilespmem:$0x17000] =	vst v63  }
0x59: {  	_ =	swait.ge [sflag:s19], $0x1000  }
0x5a: {  	[sflag:s19] =	ssyncset.done $0x0  }
0x5b: {  	s4 =	simm.s32 $0x5280;
	[sflag:s19] =	ssyncadd.s32 $0xFFFFF000  }
0x5c: {  	[spmem:s2] =	stream.indirect.scatter.add.f32 [tilespmem:s26], [sflag:$0x9], $0x20, s4, s16, $0xb8;
	[tilespmem:$0x17000] =	vst v63  }
0x5d: {  	_ =	swait.ge [sflag:s13], $0x1000  }
0x5e: {  	[sflag:s13] =	ssyncset.done $0x0  }
0x5f: {  	s4 =	simm.s32 $0x680;
	[sflag:s13] =	ssyncadd.s32 $0xFFFFF000  }
0x60: {  	[tilespmem:s26], [sflag:$0x6] =	stream.indirect.gather [hbm4b:s10+s16], $0x20, s4, s16, $0xb8;
	[tilespmem:$0x17000] =	vst v63  }
0x61: {  	_ =	swait.ge [sflag:s21], $0x1000  }
0x62: {  	[sflag:s21] =	ssyncset.done $0x0  }
0x63: {  	s4 =	simm.s32 $0x5300;
	[sflag:s21] =	ssyncadd.s32 $0xFFFFF000  }
0x64: {  	[spmem:s2] =	stream.indirect.scatter.add.f32 [tilespmem:s29], [sflag:$0x9], $0x20, s4, s16, $0xb8;
	[tilespmem:$0x17000] =	vst v63  }
0x65: {  	_ =	swait.ge [sflag:s13], $0x1000  }
0x66: {  	[sflag:s13] =	ssyncset.done $0x0  }
0x67: {  	s4 =	simm.s32 $0x700;
	[sflag:s13] =	ssyncadd.s32 $0xFFFFF000  }
0x68: {  	[tilespmem:s29], [sflag:$0x7] =	stream.indirect.gather [hbm4b:s10+s16], $0x20, s4, s16, $0xb8;
	[tilespmem:$0x17000] =	vst v63  }
0x69: {  	_ =	swait.ge [sflag:s23], $0x1000  }
0x6a: {  	[sflag:s23] =	ssyncset.done $0x0  }
0x6b: {  	s4 =	simm.s32 $0x5380;
	[sflag:s23] =	ssyncadd.s32 $0xFFFFF000  }
0x6c: {  	[spmem:s2] =	stream.indirect.scatter.add.f32 [tilespmem:s31], [sflag:$0x9], $0x20, s4, s16, $0xb8;
	[tilespmem:$0x17000] =	vst v63  }
0x6d: {  	_ =	swait.ge [sflag:s13], $0x1000  }
0x6e: {  	[sflag:s13] =	ssyncset.done $0x0  }
0x6f: {  	s28 =	simm.s32 $0x780;
	s25 =	simm.s32 $0x1000;
	[sflag:s13] =	ssyncadd.s32 $0xFFFFF000  }
.LBB2_2:
0x70: {  	[tilespmem:s31], [sflag:$0x8] =	stream.indirect.gather [hbm4b:s10+s16], $0x20, s28, s16, $0xb8;
	[tilespmem:$0x17000] =	vst v63  }
0x71: {  	s28 =	smov.u32 s25  }
0x72: {  	p0 =	sne.s32 s25, $0x12000;
	s25 =	sadd.s32 $0x1000, s25;
	_ =	swait.ge [sflag:s14], $0x1000  }
0x73: {  	s28 =	sshra.s32 s28, $0x2;
	[sflag:s14] =	ssyncset.done $0x0  }
0x74: {  	s4 =	sadd.s32 $0x5000, s28;
	[sflag:s14] =	ssyncadd.s32 $0xFFFFF000  }
0x75: {  	[spmem:s2] =	stream.indirect.scatter.add.f32 [tilespmem:s17], [sflag:$0x9], $0x20, s4, s16, $0xb8;
	[tilespmem:$0x17000] =	vst v63  }
0x76: {  	_ =	swait.ge [sflag:s13], $0x1000  }
0x77: {  	[sflag:s13] =	ssyncset.done $0x0  }
0x78: {  	s4 =	sadd.s32 $0x400, s28;
	[sflag:s13] =	ssyncadd.s32 $0xFFFFF000  }
0x79: {  	[tilespmem:s17], [sflag:$0x1] =	stream.indirect.gather [hbm4b:s10+s16], $0x20, s4, s16, $0xb8;
	[tilespmem:$0x17000] =	vst v63  }
0x7a: {  	_ =	swait.ge [sflag:s15], $0x1000  }
0x7b: {  	[sflag:s15] =	ssyncset.done $0x0  }
0x7c: {  	s4 =	sadd.s32 $0x5080, s28;
	[sflag:s15] =	ssyncadd.s32 $0xFFFFF000  }
0x7d: {  	[spmem:s2] =	stream.indirect.scatter.add.f32 [tilespmem:s18], [sflag:$0x9], $0x20, s4, s16, $0xb8;
	[tilespmem:$0x17000] =	vst v63  }
0x7e: {  	_ =	swait.ge [sflag:s13], $0x1000  }
0x7f: {  	[sflag:s13] =	ssyncset.done $0x0  }
0x80: {  	s4 =	sadd.s32 $0x480, s28;
	[sflag:s13] =	ssyncadd.s32 $0xFFFFF000  }
0x81: {  	[tilespmem:s18], [sflag:$0x2] =	stream.indirect.gather [hbm4b:s10+s16], $0x20, s4, s16, $0xb8;
	[tilespmem:$0x17000] =	vst v63  }
0x82: {  	_ =	swait.ge [sflag:s1], $0x1000  }
0x83: {  	[sflag:s1] =	ssyncset.done $0x0  }
0x84: {  	s4 =	sadd.s32 $0x5100, s28;
	[sflag:s1] =	ssyncadd.s32 $0xFFFFF000  }
0x85: {  	[spmem:s2] =	stream.indirect.scatter.add.f32 [tilespmem:s20], [sflag:$0x9], $0x20, s4, s16, $0xb8;
	[tilespmem:$0x17000] =	vst v63  }
0x86: {  	_ =	swait.ge [sflag:s13], $0x1000  }
0x87: {  	[sflag:s13] =	ssyncset.done $0x0  }
0x88: {  	s4 =	sadd.s32 $0x500, s28;
	[sflag:s13] =	ssyncadd.s32 $0xFFFFF000  }
0x89: {  	[tilespmem:s20], [sflag:$0x3] =	stream.indirect.gather [hbm4b:s10+s16], $0x20, s4, s16, $0xb8;
	[tilespmem:$0x17000] =	vst v63  }
0x8a: {  	_ =	swait.ge [sflag:s0], $0x1000  }
0x8b: {  	[sflag:s0] =	ssyncset.done $0x0  }
0x8c: {  	s4 =	sadd.s32 $0x5180, s28;
	[sflag:s0] =	ssyncadd.s32 $0xFFFFF000  }
0x8d: {  	[spmem:s2] =	stream.indirect.scatter.add.f32 [tilespmem:s22], [sflag:$0x9], $0x20, s4, s16, $0xb8;
	[tilespmem:$0x17000] =	vst v63  }
0x8e: {  	_ =	swait.ge [sflag:s13], $0x1000  }
0x8f: {  	[sflag:s13] =	ssyncset.done $0x0  }
0x90: {  	s4 =	sadd.s32 $0x580, s28;
	[sflag:s13] =	ssyncadd.s32 $0xFFFFF000  }
0x91: {  	[tilespmem:s22], [sflag:$0x4] =	stream.indirect.gather [hbm4b:s10+s16], $0x20, s4, s16, $0xb8;
	[tilespmem:$0x17000] =	vst v63  }
0x92: {  	_ =	swait.ge [sflag:s11], $0x1000  }
0x93: {  	[sflag:s11] =	ssyncset.done $0x0  }
0x94: {  	s4 =	sadd.s32 $0x5200, s28;
	[sflag:s11] =	ssyncadd.s32 $0xFFFFF000  }
0x95: {  	[spmem:s2] =	stream.indirect.scatter.add.f32 [tilespmem:s24], [sflag:$0x9], $0x20, s4, s16, $0xb8;
	[tilespmem:$0x17000] =	vst v63  }
0x96: {  	_ =	swait.ge [sflag:s13], $0x1000  }
0x97: {  	[sflag:s13] =	ssyncset.done $0x0  }
0x98: {  	s4 =	sadd.s32 $0x600, s28;
	[sflag:s13] =	ssyncadd.s32 $0xFFFFF000  }
0x99: {  	[tilespmem:s24], [sflag:$0x5] =	stream.indirect.gather [hbm4b:s10+s16], $0x20, s4, s16, $0xb8;
	[tilespmem:$0x17000] =	vst v63  }
0x9a: {  	_ =	swait.ge [sflag:s19], $0x1000  }
0x9b: {  	[sflag:s19] =	ssyncset.done $0x0  }
0x9c: {  	s4 =	sadd.s32 $0x5280, s28;
	[sflag:s19] =	ssyncadd.s32 $0xFFFFF000  }
0x9d: {  	[spmem:s2] =	stream.indirect.scatter.add.f32 [tilespmem:s26], [sflag:$0x9], $0x20, s4, s16, $0xb8;
	[tilespmem:$0x17000] =	vst v63  }
0x9e: {  	_ =	swait.ge [sflag:s13], $0x1000  }
0x9f: {  	[sflag:s13] =	ssyncset.done $0x0  }
0xa0: {  	s4 =	sadd.s32 $0x680, s28;
	[sflag:s13] =	ssyncadd.s32 $0xFFFFF000  }
0xa1: {  	[tilespmem:s26], [sflag:$0x6] =	stream.indirect.gather [hbm4b:s10+s16], $0x20, s4, s16, $0xb8;
	[tilespmem:$0x17000] =	vst v63  }
0xa2: {  	_ =	swait.ge [sflag:s21], $0x1000  }
0xa3: {  	[sflag:s21] =	ssyncset.done $0x0  }
0xa4: {  	s4 =	sadd.s32 $0x5300, s28;
	[sflag:s21] =	ssyncadd.s32 $0xFFFFF000  }
0xa5: {  	[spmem:s2] =	stream.indirect.scatter.add.f32 [tilespmem:s29], [sflag:$0x9], $0x20, s4, s16, $0xb8;
	[tilespmem:$0x17000] =	vst v63  }
0xa6: {  	_ =	swait.ge [sflag:s13], $0x1000  }
0xa7: {  	[sflag:s13] =	ssyncset.done $0x0  }
0xa8: {  	s4 =	sadd.s32 $0x700, s28;
	[sflag:s13] =	ssyncadd.s32 $0xFFFFF000  }
0xa9: {  	[tilespmem:s29], [sflag:$0x7] =	stream.indirect.gather [hbm4b:s10+s16], $0x20, s4, s16, $0xb8;
	[tilespmem:$0x17000] =	vst v63  }
0xaa: {  	_ =	swait.ge [sflag:s23], $0x1000  }
0xab: {  	[sflag:s23] =	ssyncset.done $0x0  }
.Ltmp0:
0xac: {  	s4 =	sadd.s32 $0x5380, s28;
	[sflag:s23] =	ssyncadd.s32 $0xFFFFF000;
	(pc) =	sbr.rel @p0 .LBB2_2-.Ltmp0, $4  }
0xad: {  	[spmem:s2] =	stream.indirect.scatter.add.f32 [tilespmem:s31], [sflag:$0x9], $0x20, s4, s16, $0xb8;
	[tilespmem:$0x17000] =	vst v63  }
0xae: {  	_ =	swait.ge [sflag:s13], $0x1000  }
0xaf: {  	[sflag:s13] =	ssyncset.done $0x0  }
0xb0: {  	s28 =	sadd.s32 $0x780, s28;
	[sflag:s13] =	ssyncadd.s32 $0xFFFFF000  }
0xb1: {  	[tilespmem:s31], [sflag:$0x8] =	stream.indirect.gather [hbm4b:s10+s16], $0x20, s28, s16, $0xb8;
	[tilespmem:$0x17000] =	vst v63  }
0xb2: {  	_ =	swait.ge [sflag:s14], $0x1000  }
0xb3: {  	[sflag:s14] =	ssyncset.done $0x0  }
0xb4: {  	s4 =	simm.s32 $0x9C00;
	[sflag:s14] =	ssyncadd.s32 $0xFFFFF000  }
0xb5: {  	[spmem:s2] =	stream.indirect.scatter.add.f32 [tilespmem:s17], [sflag:$0x9], $0x20, s4, s16, $0xb8;
	[tilespmem:$0x17000] =	vst v63  }
0xb6: {  	_ =	swait.ge [sflag:s13], $0x1000  }
0xb7: {  	[sflag:s13] =	ssyncset.done $0x0  }
0xb8: {  	[sflag:s13] =	ssyncadd.s32 $0xFFFFF000  }
0xb9: {  	_ =	swait.ge [sflag:s15], $0x1000  }
0xba: {  	[sflag:s15] =	ssyncset.done $0x0  }
0xbb: {  	s28 =	simm.s32 $0x9C80;
	[sflag:s15] =	ssyncadd.s32 $0xFFFFF000  }
0xbc: {  	[spmem:s2] =	stream.indirect.scatter.add.f32 [tilespmem:s18], [sflag:$0x9], $0x20, s28, s16, $0xb8;
	[tilespmem:$0x17000] =	vst v63  }
0xbd: {  	_ =	swait.ge [sflag:s13], $0x1000  }
0xbe: {  	[sflag:s13] =	ssyncset.done $0x0  }
0xbf: {  	[sflag:s13] =	ssyncadd.s32 $0xFFFFF000  }
0xc0: {  	_ =	swait.ge [sflag:s1], $0x1000  }
0xc1: {  	[sflag:s1] =	ssyncset.done $0x0  }
0xc2: {  	s25 =	simm.s32 $0x9D00;
	[sflag:s1] =	ssyncadd.s32 $0xFFFFF000  }
0xc3: {  	[spmem:s2] =	stream.indirect.scatter.add.f32 [tilespmem:s20], [sflag:$0x9], $0x20, s25, s16, $0xb8;
	[tilespmem:$0x17000] =	vst v63  }
0xc4: {  	_ =	swait.ge [sflag:s13], $0x1000  }
0xc5: {  	[sflag:s13] =	ssyncset.done $0x0  }
0xc6: {  	[sflag:s13] =	ssyncadd.s32 $0xFFFFF000  }
0xc7: {  	_ =	swait.ge [sflag:s0], $0x1000  }
0xc8: {  	[sflag:s0] =	ssyncset.done $0x0  }
0xc9: {  	s28 =	simm.s32 $0x9D80;
	[sflag:s0] =	ssyncadd.s32 $0xFFFFF000  }
0xca: {  	[spmem:s2] =	stream.indirect.scatter.add.f32 [tilespmem:s22], [sflag:$0x9], $0x20, s28, s16, $0xb8;
	[tilespmem:$0x17000] =	vst v63  }
0xcb: {  	_ =	swait.ge [sflag:s13], $0x1000  }
0xcc: {  	[sflag:s13] =	ssyncset.done $0x0  }
0xcd: {  	[sflag:s13] =	ssyncadd.s32 $0xFFFFF000  }
0xce: {  	_ =	swait.ge [sflag:s11], $0x1000  }
0xcf: {  	[sflag:s11] =	ssyncset.done $0x0  }
0xd0: {  	s25 =	simm.s32 $0x9E00;
	[sflag:s11] =	ssyncadd.s32 $0xFFFFF000  }
0xd1: {  	[spmem:s2] =	stream.indirect.scatter.add.f32 [tilespmem:s24], [sflag:$0x9], $0x20, s25, s16, $0xb8;
	[tilespmem:$0x17000] =	vst v63  }
0xd2: {  	_ =	swait.ge [sflag:s13], $0x1000  }
0xd3: {  	[sflag:s13] =	ssyncset.done $0x0  }
0xd4: {  	[sflag:s13] =	ssyncadd.s32 $0xFFFFF000  }
0xd5: {  	_ =	swait.ge [sflag:s19], $0x1000  }
0xd6: {  	[sflag:s19] =	ssyncset.done $0x0  }
0xd7: {  	s28 =	simm.s32 $0x9E80;
	[sflag:s19] =	ssyncadd.s32 $0xFFFFF000  }
0xd8: {  	[spmem:s2] =	stream.indirect.scatter.add.f32 [tilespmem:s26], [sflag:$0x9], $0x20, s28, s16, $0xb8;
	[tilespmem:$0x17000] =	vst v63  }
0xd9: {  	_ =	swait.ge [sflag:s13], $0x1000  }
0xda: {  	[sflag:s13] =	ssyncset.done $0x0  }
0xdb: {  	[sflag:s13] =	ssyncadd.s32 $0xFFFFF000  }
0xdc: {  	_ =	swait.ge [sflag:s21], $0x1000  }
0xdd: {  	[sflag:s21] =	ssyncset.done $0x0  }
0xde: {  	s25 =	simm.s32 $0x9F00;
	[sflag:s21] =	ssyncadd.s32 $0xFFFFF000  }
0xdf: {  	[spmem:s2] =	stream.indirect.scatter.add.f32 [tilespmem:s29], [sflag:$0x9], $0x20, s25, s16, $0xb8;
	[tilespmem:$0x17000] =	vst v63  }
0xe0: {  	_ =	swait.ge [sflag:s13], $0x1000  }
0xe1: {  	[sflag:s13] =	ssyncset.done $0x0  }
0xe2: {  	[sflag:s13] =	ssyncadd.s32 $0xFFFFF000  }
0xe3: {  	_ =	swait.ge [sflag:s23], $0x1000  }
0xe4: {  	[sflag:s23] =	ssyncset.done $0x0  }
0xe5: {  	s28 =	simm.s32 $0x9F80;
	[sflag:s23] =	ssyncadd.s32 $0xFFFFF000  }
0xe6: {  	[spmem:s2] =	stream.indirect.scatter.add.f32 [tilespmem:s31], [sflag:$0x9], $0x20, s28, s16, $0xb8;
	[tilespmem:$0x17000] =	vst v63  }
0xe7: {  	_ =	swait.ge [sflag:s13], $0x1000  }
0xe8: {  	s30 =	sadd.s32 $0x1, s30;
	[sflag:s13] =	ssyncset.done $0x0  }
0xe9: {  	p0 =	sne.s32 s30, s9;
	[sflag:s13] =	ssyncadd.s32 $0xFFFFF000  }
.Ltmp1:
0xea: {  	[bflag:$0x0] =	sbarrier.arrive $0xFFFF;
	(pc) =	sbr.rel @p0 .LBB2_1-.Ltmp1, $4  }
0xeb: {  	[hbm:s8], [sflag:s7] =	dma.local [spmem:s12], $0xA00  }
0xec: {  	_ =	swait.ge [sflag:s13], $0xA00  }
0xed: {  	[sflag:s13] =	ssyncset.done $0x0  }
0xee: {  	[sflag:s13] =	ssyncadd.s32 $0xFFFFF600  }
0xef: {  	_ =	sfence.sel $0x180000  }
0xf0: {  	[bflag:$0x0] =	sbarrier.arrive $0xFFFF  }
0xf1: {  	_ =	strace $0x90000047  }
0xf2: {  	s0 =	stileid.u32;
	[bflag:$0x2] =	sbarrier.arrive $0xFFFF  }
0xf3: {  	p0 =	sne.s32 s0, $0x0;
	s0 =	rddreg [dreg:$0x2]  }
0xf4: {  	s0 =	sadd.s32 @!p0 $0x100000, s0  }
0xf5: {  	[sflag:s0] =	ssyncadd.tile.s32 @!p0 $0x1;
	_ =	shalt  }
.Lfunc_end2:
_tile_overlayer_lowered:
.L_overlay_start_2:
0xf6: {  	(tag) =	ssettag $0x2  }
0xf7: {  	s0 =	rddreg [dreg:$0x0];
	s2 =	stileid.u32  }
0xf8: {  	s1 =	rddreg [dreg:$0x1];
	p0 =	sne.s32 s2, $0x0  }
0xf9: {  	s3 =	rddreg [dreg:$0x2];
	[bflag:$0x3] =	sbarrier.arrive $0xFFFF;
	s2 =	simm.s32 @!p0 $0x1C09  }
0xfa: {  	[timem:s3], [sflag:s2] =	dma.local @!p0 [hbm:s0], s1  }
0xfb: {  	s0 =	simm.s32 @!p0 $0x9  }
0xfc: {  	_ =	swait.ge @!p0 [sflag:s0], s1  }
0xfd: {  	s1 =	ssub.s32 @!p0 $0x0, s1;
	[sflag:s0] =	ssyncset.done @!p0 $0x0  }
0xfe: {  	[sflag:s0] =	ssyncadd.s32 @!p0 s1  }
0xff: {  	[bflag:$0x3] =	sbarrier.arrive $0xFFFF  }
0x100: {  	_ =	shalt  }

</sc_bundles>
